<compile_context>
chip_gen: v7x
topology: tpu7x:2x2x1
jax: 0.10.2.dev20260603
libtpu: 0.0.44.dev20260713+nightly
codegen_flags: <defaults>
</compile_context>

<pallas_src>
import jax
import jax.numpy as jnp
from jax import lax
from jax.experimental import pallas as pl
from jax.experimental.pallas import tpu as pltpu
from jax.experimental.pallas import tpu_sc as plsc

_N = 10000
_D = 128
_CHUNK = 128
_HALF = 5000
_HP = 5120
_RPT = _HP // 16
_NCH_T = 8
_NCH_G = 160
_SUB = 40



def _make_sc_scatter():
    mesh = plsc.VectorSubcoreMesh(core_axis_name="c", subcore_axis_name="s")

    out_type = (
        jax.ShapeDtypeStruct((2, _HP, _D), jnp.float32),
        jax.ShapeDtypeStruct((2, _HP, _D), jnp.float32),
    )
    scratch = (
        pltpu.VMEM((_SUB, _CHUNK), jnp.int32),
        pltpu.VMEM((_SUB, _CHUNK), jnp.int32),
        pltpu.VMEM((_CHUNK, _D), jnp.float32),
        pltpu.VMEM((_CHUNK, _D), jnp.float32),
        pltpu.VMEM((_CHUNK, _D), jnp.float32),
        pltpu.VMEM((_CHUNK, _D), jnp.float32),
        pltpu.VMEM_SHARED((_HP, _D), jnp.float32),
        pltpu.SemaphoreType.DMA, pltpu.SemaphoreType.DMA,
        pltpu.SemaphoreType.DMA, pltpu.SemaphoreType.DMA,
    )

    def body(vh_hbm, vs_hbm, st_hbm, dt_hbm, sg_hbm, dg_hbm, zrow_hbm,
             tt_hbm, tg_hbm,
             srcv, dstv, b0, b1, b2, b3, acc, g0, g1, g2, g3):
        cid = lax.axis_index("c")
        sid = lax.axis_index("s")
        base = sid * _RPT
        bufs = (b0, b1, b2, b3)
        gsem = (g0, g1, g2, g3)

        def phase(v_hbm, s_hbm, d_hbm, o_hbm, nsub, nch):
            pltpu.sync_copy(zrow_hbm.at[pl.ds(base, _RPT)],
                            acc.at[pl.ds(base, _RPT)])
            for sp in range(nsub):
                pltpu.sync_copy(s_hbm.at[sid, pl.ds(sp * nch, nch)],
                                srcv.at[pl.ds(0, nch)])
                pltpu.sync_copy(d_hbm.at[cid, sid, pl.ds(sp * nch, nch)],
                                dstv.at[pl.ds(0, nch)])
                pltpu.async_copy(v_hbm.at[srcv.at[0]], bufs[0], gsem[0])
                pltpu.async_copy(v_hbm.at[srcv.at[1]], bufs[1], gsem[1])
                if sp == 0:
                    plsc.subcore_barrier()

                @pl.loop(0, nch // 4)
                def _(i):
                    for b in range(4):
                        c = 4 * i + b
                        nb = (b + 2) % 4
                        pltpu.make_async_copy(v_hbm.at[srcv.at[c]],
                                              bufs[b], gsem[b]).wait()

                        @pl.when(c + 2 < nch)
                        def _():
                            pltpu.async_copy(v_hbm.at[srcv.at[c + 2]],
                                             bufs[nb], gsem[nb])

                        pltpu.sync_copy(bufs[b], acc.at[dstv.at[c]],
                                        add=True)

            plsc.subcore_barrier()
            pltpu.sync_copy(acc.at[pl.ds(base, _RPT)],
                            o_hbm.at[cid, pl.ds(base, _RPT)])

        phase(vh_hbm, st_hbm, dt_hbm, tt_hbm, 1, _NCH_T)
        phase(vs_hbm, sg_hbm, dg_hbm, tg_hbm, 4, _SUB)

    return pl.kernel(body, out_type=out_type, mesh=mesh,
                     scratch_types=scratch)


_sc_scatter = _make_sc_scatter()



_BLK = 1000
_GRID = _N // _BLK


def _colmask(shape):
    return lax.broadcasted_iota(jnp.int32, shape, 1) == 0


def _rownorm(h):
    return jnp.sqrt(jnp.sum(h * h, axis=-1, keepdims=True))


def _sphere_exp(h):
    n = _rownorm(h)
    ns = jnp.maximum(n, 1e-8)
    return jnp.where(_colmask(h.shape), jnp.cos(n), jnp.sin(ns) / ns * h)


_TWO_PI = 6.283185307179586
_D_LO = 4.4721360497002096e-04
_D_HI = 3.1411454399448931e+00


def _sphere_log_of_exp(h):
    n = _rownorm(h)
    m = n - _TWO_PI * jnp.floor(n / _TWO_PI)
    d = jnp.clip(jnp.minimum(m, _TWO_PI - m), _D_LO, _D_HI)
    coef = d / jnp.maximum(jnp.sin(d), 1e-8)
    ns = jnp.maximum(n, 1e-8)
    return jnp.where(_colmask(h.shape), 0.0, coef * (jnp.sin(ns) / ns) * h)


def _lorentz_exp(h):
    n = _rownorm(h)
    ns = jnp.maximum(n, 1e-8)
    cosh_n = 0.5 * (jnp.exp(n) + jnp.exp(-n))
    sinh_ns = 0.5 * (jnp.exp(ns) - jnp.exp(-ns))
    return jnp.where(_colmask(h.shape), cosh_n, sinh_ns / ns * h)


def _mm(a, w):
    return jnp.dot(a, w, preferred_element_type=jnp.float32)


def _agg(q_ref, c_ref):
    cnt = jnp.maximum(c_ref[0, :, 0:1], 1.0)
    return q_ref[0] / cnt


def _tc1_body(x_ref, we_ref, be_ref, wh_ref, ws_ref, xe_ref, vh_ref, v1s_ref):
    x = x_ref[...]
    xe_ref[...] = jnp.maximum(_mm(x, we_ref[...]) + be_ref[...], 0.0)
    zero0 = _colmask((x.shape[0], _D))
    vh_ref[...] = jnp.where(zero0, 1.0, _mm(x, wh_ref[...]))
    vs = jnp.where(zero0, 0.0, _mm(x, ws_ref[...]))
    v1s_ref[...] = jnp.where(zero0, 1.0, _sphere_log_of_exp(vs))


def _tc2_body(vh_ref, v1s_ref, tt_ref, tg_ref, u1h_ref, u1s_ref):
    u1h_ref[...] = vh_ref[...] + _agg(tt_ref, tt_ref)
    u1s_ref[...] = v1s_ref[...] + _agg(tg_ref, tg_ref)


def _tc3_body(u1h_ref, u1s_ref, qt_ref, tt_ref, qg_ref, tg_ref,
              wh1_ref, wh2_ref, ws1_ref, ws2_ref, xh_ref, xs_ref):
    zero0 = _colmask((_BLK, _D))
    ah = jnp.where(zero0, 0.0, u1h_ref[...] + _agg(qt_ref, tt_ref))
    u2h = jnp.where(zero0, 0.0, _mm(ah, wh1_ref[...]))
    xh_ref[...] = _lorentz_exp(jnp.where(zero0, 0.0, _mm(u2h, wh2_ref[...])))
    as_ = jnp.where(zero0, 0.0, u1s_ref[...] + _agg(qg_ref, tg_ref))
    u2s = jnp.where(zero0, 0.0, _mm(as_, ws1_ref[...]))
    xs_ref[...] = _sphere_exp(jnp.where(zero0, 0.0, _mm(u2s, ws2_ref[...])))


_row_spec = pl.BlockSpec((_BLK, _D), lambda i: (i, 0))
_w_spec = pl.BlockSpec((_D, _D), lambda i: (0, 0))
_b_spec = pl.BlockSpec((1, _D), lambda i: (0, 0))
_t_spec = pl.BlockSpec((1, _BLK, _D), lambda i: (i // 5, i % 5, 0))
_c_spec = pl.BlockSpec((1, _BLK, 16), lambda i: (i // 5, i % 5, 0))
_row_out = jax.ShapeDtypeStruct((_N, _D), jnp.float32)

_tc1 = pl.pallas_call(
    _tc1_body, grid=(_GRID,),
    in_specs=[_row_spec, _w_spec, _b_spec, _w_spec, _w_spec],
    out_specs=[_row_spec] * 3,
    out_shape=[_row_out] * 3,
)

_tc2 = pl.pallas_call(
    _tc2_body, grid=(_GRID,),
    in_specs=[_row_spec, _row_spec, _t_spec, _t_spec],
    out_specs=[_row_spec] * 2,
    out_shape=[_row_out] * 2,
)

_tc3 = pl.pallas_call(
    _tc3_body, grid=(_GRID,),
    in_specs=[_row_spec, _row_spec, _t_spec, _t_spec, _t_spec, _t_spec,
              _w_spec, _w_spec, _w_spec, _w_spec],
    out_specs=[_row_spec] * 2,
    out_shape=[_row_out] * 2,
)



def _prep_edges(edge_index, nch):
    e = edge_index.shape[1]
    pad = 16 * nch * _CHUNK - e
    lane = jnp.arange(pad, dtype=jnp.int32)
    src = jnp.concatenate([edge_index[0], lane % 64])
    dst = jnp.concatenate([edge_index[1], jnp.full((pad,), _N, jnp.int32)])
    local = dst[None, :] - jnp.array([[0], [_HALF]], jnp.int32)
    oob = (local < 0) | (local >= _HALF)
    dst2 = jnp.where(oob, _HALF + (dst[None, :] % 120), local)
    return (src.reshape(16, nch, _CHUNK),
            dst2.reshape(2, 16, nch, _CHUNK))


def kernel(x, edge_index_tree, edge_index_graph, W_E, b_E,
           W_H, W_S, W_H1, W_S1, W_H2, W_S2):
    src_t, dst_t = _prep_edges(edge_index_tree, _NCH_T)
    src_g, dst_g = _prep_edges(edge_index_graph, _NCH_G)
    zrow = jnp.zeros((_HP, _D), jnp.float32)

    x_e, v1h, v1s = _tc1(x, W_E, b_E.reshape(1, _D), W_H, W_S)

    tt, tg = _sc_scatter(v1h, v1s, src_t, dst_t, src_g, dst_g, zrow)
    u1h, u1s = _tc2(v1h, v1s, tt, tg)

    qt, qg = _sc_scatter(u1h, u1s, src_t, dst_t, src_g, dst_g, zrow)
    x_h, x_s = _tc3(u1h, u1s, qt, tt, qg, tg, W_H1, W_H2, W_S1, W_S2)

    return (x_e, x_h, x_s)

# --- scband reference (transcript-rebuilt; emitter-appended) ---
"""Pipeline reference for scband-geo-gfm-11063835754542 (READ-ONLY COPY).

The authoritative reference and input builder live on the scoring server;
editing this copy changes nothing except your own understanding.
"""

import jax, jax.numpy as jnp
import numpy as np

N = 10000
D = 128
E_TREE = 9999
E_GRAPH = 320000


def _lorentz_expmap0(v):
    vs = v[:, 1:]
    n = jnp.linalg.norm(vs, axis=-1, keepdims=True)
    ns = jnp.maximum(n, 1e-8)
    x0 = jnp.cosh(n)
    xs = jnp.sinh(ns) / ns * vs
    return jnp.concatenate([x0, xs], axis=-1)


def _lorentz_logmap0(x):
    x0 = jnp.clip(x[:, :1], 1.0 + 1e-7, 1e8)
    d = jnp.arccosh(x0)
    coef = d / jnp.maximum(jnp.sinh(d), 1e-8)
    return jnp.concatenate([jnp.zeros_like(x0), coef * x[:, 1:]], axis=-1)


def _sphere_expmap0(v):
    vs = v[:, 1:]
    n = jnp.linalg.norm(vs, axis=-1, keepdims=True)
    ns = jnp.maximum(n, 1e-8)
    x0 = jnp.cos(n)
    xs = jnp.sin(ns) / ns * vs
    return jnp.concatenate([x0, xs], axis=-1)


def _sphere_logmap0(x):
    x0 = jnp.clip(x[:, :1], -1.0 + 1e-7, 1.0 - 1e-7)
    d = jnp.arccos(x0)
    coef = d / jnp.maximum(jnp.sin(d), 1e-8)
    return jnp.concatenate([jnp.zeros_like(x0), coef * x[:, 1:]], axis=-1)


def _struct_layer(x, src, dst, W, logmap, expmap):
    # structure learner: tangent-space message passing (gather by src, scatter-mean to dst)
    v = logmap(x)
    msg = v[src]
    agg = jnp.zeros_like(v).at[dst].add(msg)
    cnt = jnp.zeros((v.shape[0], 1), v.dtype).at[dst].add(1.0)
    agg = agg / jnp.maximum(cnt, 1.0)
    h = (v + agg) @ W
    h = h.at[:, 0].set(0.0)
    return expmap(h)


def setup_inputs(seed: int = 0):
    key = jax.random.key(seed)
    ks = jax.random.split(key, 12)
    x = jax.random.normal(ks[0], (N, D), dtype=jnp.float32)
    edge_index_tree = jax.random.randint(ks[1], (2, E_TREE), 0, N, dtype=jnp.int32)
    edge_index_graph = jax.random.randint(ks[2], (2, E_GRAPH), 0, N, dtype=jnp.int32)
    W_E = jax.random.normal(ks[3], (D, D), dtype=jnp.float32) * 0.05
    b_E = jnp.zeros((D,), dtype=jnp.float32)
    W_H = jax.random.normal(ks[4], (D, D), dtype=jnp.float32) * 0.02
    W_S = jax.random.normal(ks[5], (D, D), dtype=jnp.float32) * 0.02
    W_H1 = jax.random.normal(ks[6], (D, D), dtype=jnp.float32) * 0.02
    W_S1 = jax.random.normal(ks[7], (D, D), dtype=jnp.float32) * 0.02
    W_H2 = jax.random.normal(ks[8], (D, D), dtype=jnp.float32) * 0.02
    W_S2 = jax.random.normal(ks[9], (D, D), dtype=jnp.float32) * 0.02
    return {"x": x, "edge_index_tree": edge_index_tree, "edge_index_graph": edge_index_graph,
            "W_E": W_E, "b_E": b_E, "W_H": W_H, "W_S": W_S,
            "W_H1": W_H1, "W_S1": W_S1, "W_H2": W_H2, "W_S2": W_S2}


def reference(x, edge_index_tree, edge_index_graph, W_E, b_E, W_H, W_S, W_H1, W_S1, W_H2, W_S2):
    # InitBlock: Euclidean encoder + Lorentz/Sphere manifold encoders (linear -> expmap0)
    x_E = jax.nn.relu(x @ W_E + b_E)
    vH = (x @ W_H).at[:, 0].set(0.0)
    x_H = _lorentz_expmap0(vH)
    vS = (x @ W_S).at[:, 0].set(0.0)
    x_S = _sphere_expmap0(vS)
    src_t, dst_t = edge_index_tree[0], edge_index_tree[1]
    src_g, dst_g = edge_index_graph[0], edge_index_graph[1]
    # StructuralBlocks: hyperbolic learner over batch_tree, spherical learner over batch_data
    for W_h, W_s in ((W_H1, W_S1), (W_H2, W_S2)):
        x_H = _struct_layer(x_H, src_t, dst_t, W_h, _lorentz_logmap0, _lorentz_expmap0)
        x_S = _struct_layer(x_S, src_g, dst_g, W_s, _sphere_logmap0, _sphere_expmap0)
    return (x_E, x_H, x_S)

if __name__ == "__main__":
    import jax
    _d = setup_inputs()
    print(jax.jit(kernel)(*tuple(_d.values())))

</pallas_src>

<mosaic_0001>
#map = affine_map<(d0, d1) -> (0, 0)>
#map1 = affine_map<(d0, d1) -> (0, 0, 0)>
#map2 = affine_map<(d0, d1) -> (0, 0, 0, 0)>
module attributes {stable_mosaic.version = 14 : i64} {
  func.func @body(%arg0: i32, %arg1: i32, %arg2: memref<10000x128xf32, #tpu.memory_space<hbm>>, %arg3: memref<10000x128xf32, #tpu.memory_space<hbm>>, %arg4: memref<16x8x128xi32, #tpu.memory_space<hbm>>, %arg5: memref<2x16x8x128xi32, #tpu.memory_space<hbm>>, %arg6: memref<16x160x128xi32, #tpu.memory_space<hbm>>, %arg7: memref<2x16x160x128xi32, #tpu.memory_space<hbm>>, %arg8: memref<5120x128xf32, #tpu.memory_space<hbm>>, %arg9: memref<2x5120x128xf32, #tpu.memory_space<hbm>>, %arg10: memref<2x5120x128xf32, #tpu.memory_space<hbm>>, %arg11: memref<40x128xi32, #tpu.memory_space<vmem>>, %arg12: memref<40x128xi32, #tpu.memory_space<vmem>>, %arg13: memref<128x128xf32, #tpu.memory_space<vmem>>, %arg14: memref<128x128xf32, #tpu.memory_space<vmem>>, %arg15: memref<128x128xf32, #tpu.memory_space<vmem>>, %arg16: memref<128x128xf32, #tpu.memory_space<vmem>>, %arg17: memref<5120x128xf32, #tpu.memory_space<vmem_shared>>, %arg18: memref<!tpu.dma_semaphore, #tpu.memory_space<semaphore_mem>>, %arg19: memref<!tpu.dma_semaphore, #tpu.memory_space<semaphore_mem>>, %arg20: memref<!tpu.dma_semaphore, #tpu.memory_space<semaphore_mem>>, %arg21: memref<!tpu.dma_semaphore, #tpu.memory_space<semaphore_mem>>) attributes {dimension_semantics = [#tpu.dimension_semantics<core_parallel>, #tpu.dimension_semantics<subcore_parallel>], iteration_bounds = array<i64: 2, 16>, scalar_prefetch = 0 : i64, scratch_operands = 11 : i64, tpu.core_type = #tpu.core_type<sc_vector_subcore>, window_params = [{transform_indices = #map}, {transform_indices = #map}, {transform_indices = #map1}, {transform_indices = #map2}, {transform_indices = #map1}, {transform_indices = #map2}, {transform_indices = #map}, {transform_indices = #map1}, {transform_indices = #map1}]} {
    %mul3A = arith.constant 320 : i32
    %mul3A_0 = arith.muli %arg1, %mul3A : i32
    "tpu.region"() ({
      %run_scoped3A = tpu.sem_alloc : memref<!tpu.dma_semaphore, #tpu.memory_space<semaphore_mem>>
      %dma_start3A_97 = arith.constant 0 : i32
      %dma_start3A_98 = tpu.memref_slice %arg17[%mul3A_0, %dma_start3A_97] : memref<5120x128xf32, #tpu.memory_space<vmem_shared>> -> memref<320x128xf32, #tpu.memory_space<vmem_shared>>
      %dma_start3A_99 = arith.constant 0 : i32
      %dma_start3A_100 = tpu.memref_slice %arg8[%mul3A_0, %dma_start3A_99] : memref<5120x128xf32, #tpu.memory_space<hbm>> -> memref<320x128xf32, #tpu.memory_space<hbm>>
      tpu.enqueue_dma source(%dma_start3A_100 : memref<320x128xf32, #tpu.memory_space<hbm>>) target(%dma_start3A_98 : memref<320x128xf32, #tpu.memory_space<vmem_shared>>) target_semaphore(%run_scoped3A : memref<!tpu.dma_semaphore, #tpu.memory_space<semaphore_mem>>)
      %dma_wait3A = arith.constant 0 : i32
      %dma_wait3A_101 = tpu.memref_slice %arg17[%mul3A_0, %dma_wait3A] : memref<5120x128xf32, #tpu.memory_space<vmem_shared>> -> memref<320x128xf32, #tpu.memory_space<vmem_shared>>
      %dma_wait3A_102 = arith.constant 0 : i32
      %dma_wait3A_103 = tpu.memref_slice %arg8[%mul3A_0, %dma_wait3A_102] : memref<5120x128xf32, #tpu.memory_space<hbm>> -> memref<320x128xf32, #tpu.memory_space<hbm>>
      tpu.wait_dma2 semaphore(%run_scoped3A : memref<!tpu.dma_semaphore, #tpu.memory_space<semaphore_mem>>) src(%dma_wait3A_103 : memref<320x128xf32, #tpu.memory_space<hbm>>) dst(%dma_wait3A_101 : memref<320x128xf32, #tpu.memory_space<vmem_shared>>)
      tpu.yield
    }) : () -> ()
    "tpu.region"() ({
      %run_scoped3A = tpu.sem_alloc : memref<!tpu.dma_semaphore, #tpu.memory_space<semaphore_mem>>
      %dma_start3A_97 = arith.constant 0 : i32
      %dma_start3A_98 = arith.constant 0 : i32
      %dma_start3A_99 = tpu.memref_slice %arg11[%dma_start3A_97, %dma_start3A_98] : memref<40x128xi32, #tpu.memory_space<vmem>> -> memref<8x128xi32, #tpu.memory_space<vmem>>
      %dma_start3A_100 = arith.constant 0 : i32
      %dma_start3A_101 = arith.constant 0 : i32
      %dma_start3A_102 = tpu.memref_slice %arg4[%arg1, %dma_start3A_100, %dma_start3A_101] : memref<16x8x128xi32, #tpu.memory_space<hbm>> -> memref<1x8x128xi32, #tpu.memory_space<hbm>>
      %dma_start3A_103 = tpu.memref_squeeze %dma_start3A_102 : memref<1x8x128xi32, #tpu.memory_space<hbm>> -> memref<8x128xi32, #tpu.memory_space<hbm>>
      %dma_start3A_104 = arith.constant 0 : i32
      %dma_start3A_105 = arith.constant 0 : i32
      %dma_start3A_106 = tpu.memref_slice %arg11[%dma_start3A_104, %dma_start3A_105] : memref<40x128xi32, #tpu.memory_space<vmem>> -> memref<8x128xi32, #tpu.memory_space<vmem>>
      %dma_start3A_107 = arith.constant 0 : i32
      %dma_start3A_108 = arith.constant 0 : i32
      %dma_start3A_109 = tpu.memref_slice %arg4[%arg1, %dma_start3A_107, %dma_start3A_108] : memref<16x8x128xi32, #tpu.memory_space<hbm>> -> memref<1x8x128xi32, #tpu.memory_space<hbm>>
      %dma_start3A_110 = tpu.memref_squeeze %dma_start3A_109 : memref<1x8x128xi32, #tpu.memory_space<hbm>> -> memref<8x128xi32, #tpu.memory_space<hbm>>
      tpu.enqueue_dma source(%dma_start3A_110 : memref<8x128xi32, #tpu.memory_space<hbm>>) target(%dma_start3A_106 : memref<8x128xi32, #tpu.memory_space<vmem>>) target_semaphore(%run_scoped3A : memref<!tpu.dma_semaphore, #tpu.memory_space<semaphore_mem>>)
      %dma_wait3A = arith.constant 0 : i32
      %dma_wait3A_111 = arith.constant 0 : i32
      %dma_wait3A_112 = tpu.memref_slice %arg11[%dma_wait3A, %dma_wait3A_111] : memref<40x128xi32, #tpu.memory_space<vmem>> -> memref<8x128xi32, #tpu.memory_space<vmem>>
      %dma_wait3A_113 = arith.constant 0 : i32
      %dma_wait3A_114 = arith.constant 0 : i32
      %dma_wait3A_115 = tpu.memref_slice %arg4[%arg1, %dma_wait3A_113, %dma_wait3A_114] : memref<16x8x128xi32, #tpu.memory_space<hbm>> -> memref<1x8x128xi32, #tpu.memory_space<hbm>>
      %dma_wait3A_116 = tpu.memref_squeeze %dma_wait3A_115 : memref<1x8x128xi32, #tpu.memory_space<hbm>> -> memref<8x128xi32, #tpu.memory_space<hbm>>
      %dma_wait3A_117 = arith.constant 0 : i32
      %dma_wait3A_118 = arith.constant 0 : i32
      %dma_wait3A_119 = tpu.memref_slice %arg11[%dma_wait3A_117, %dma_wait3A_118] : memref<40x128xi32, #tpu.memory_space<vmem>> -> memref<8x128xi32, #tpu.memory_space<vmem>>
      %dma_wait3A_120 = arith.constant 0 : i32
      %dma_wait3A_121 = arith.constant 0 : i32
      %dma_wait3A_122 = tpu.memref_slice %arg4[%arg1, %dma_wait3A_120, %dma_wait3A_121] : memref<16x8x128xi32, #tpu.memory_space<hbm>> -> memref<1x8x128xi32, #tpu.memory_space<hbm>>
      %dma_wait3A_123 = tpu.memref_squeeze %dma_wait3A_122 : memref<1x8x128xi32, #tpu.memory_space<hbm>> -> memref<8x128xi32, #tpu.memory_space<hbm>>
      tpu.wait_dma2 semaphore(%run_scoped3A : memref<!tpu.dma_semaphore, #tpu.memory_space<semaphore_mem>>) src(%dma_wait3A_123 : memref<8x128xi32, #tpu.memory_space<hbm>>) dst(%dma_wait3A_119 : memref<8x128xi32, #tpu.memory_space<vmem>>)
      tpu.yield
    }) : () -> ()
    "tpu.region"() ({
      %run_scoped3A = tpu.sem_alloc : memref<!tpu.dma_semaphore, #tpu.memory_space<semaphore_mem>>
      %dma_start3A_97 = arith.constant 0 : i32
      %dma_start3A_98 = arith.constant 0 : i32
      %dma_start3A_99 = tpu.memref_slice %arg12[%dma_start3A_97, %dma_start3A_98] : memref<40x128xi32, #tpu.memory_space<vmem>> -> memref<8x128xi32, #tpu.memory_space<vmem>>
      %dma_start3A_100 = arith.constant 0 : i32
      %dma_start3A_101 = arith.constant 0 : i32
      %dma_start3A_102 = tpu.memref_slice %arg5[%arg0, %arg1, %dma_start3A_100, %dma_start3A_101] : memref<2x16x8x128xi32, #tpu.memory_space<hbm>> -> memref<1x1x8x128xi32, #tpu.memory_space<hbm>>
      %dma_start3A_103 = tpu.memref_squeeze %dma_start3A_102 : memref<1x1x8x128xi32, #tpu.memory_space<hbm>> -> memref<8x128xi32, #tpu.memory_space<hbm>>
      %dma_start3A_104 = arith.constant 0 : i32
      %dma_start3A_105 = arith.constant 0 : i32
      %dma_start3A_106 = tpu.memref_slice %arg12[%dma_start3A_104, %dma_start3A_105] : memref<40x128xi32, #tpu.memory_space<vmem>> -> memref<8x128xi32, #tpu.memory_space<vmem>>
      %dma_start3A_107 = arith.constant 0 : i32
      %dma_start3A_108 = arith.constant 0 : i32
      %dma_start3A_109 = tpu.memref_slice %arg5[%arg0, %arg1, %dma_start3A_107, %dma_start3A_108] : memref<2x16x8x128xi32, #tpu.memory_space<hbm>> -> memref<1x1x8x128xi32, #tpu.memory_space<hbm>>
      %dma_start3A_110 = tpu.memref_squeeze %dma_start3A_109 : memref<1x1x8x128xi32, #tpu.memory_space<hbm>> -> memref<8x128xi32, #tpu.memory_space<hbm>>
      tpu.enqueue_dma source(%dma_start3A_110 : memref<8x128xi32, #tpu.memory_space<hbm>>) target(%dma_start3A_106 : memref<8x128xi32, #tpu.memory_space<vmem>>) target_semaphore(%run_scoped3A : memref<!tpu.dma_semaphore, #tpu.memory_space<semaphore_mem>>)
      %dma_wait3A = arith.constant 0 : i32
      %dma_wait3A_111 = arith.constant 0 : i32
      %dma_wait3A_112 = tpu.memref_slice %arg12[%dma_wait3A, %dma_wait3A_111] : memref<40x128xi32, #tpu.memory_space<vmem>> -> memref<8x128xi32, #tpu.memory_space<vmem>>
      %dma_wait3A_113 = arith.constant 0 : i32
      %dma_wait3A_114 = arith.constant 0 : i32
      %dma_wait3A_115 = tpu.memref_slice %arg5[%arg0, %arg1, %dma_wait3A_113, %dma_wait3A_114] : memref<2x16x8x128xi32, #tpu.memory_space<hbm>> -> memref<1x1x8x128xi32, #tpu.memory_space<hbm>>
      %dma_wait3A_116 = tpu.memref_squeeze %dma_wait3A_115 : memref<1x1x8x128xi32, #tpu.memory_space<hbm>> -> memref<8x128xi32, #tpu.memory_space<hbm>>
      %dma_wait3A_117 = arith.constant 0 : i32
      %dma_wait3A_118 = arith.constant 0 : i32
      %dma_wait3A_119 = tpu.memref_slice %arg12[%dma_wait3A_117, %dma_wait3A_118] : memref<40x128xi32, #tpu.memory_space<vmem>> -> memref<8x128xi32, #tpu.memory_space<vmem>>
      %dma_wait3A_120 = arith.constant 0 : i32
      %dma_wait3A_121 = arith.constant 0 : i32
      %dma_wait3A_122 = tpu.memref_slice %arg5[%arg0, %arg1, %dma_wait3A_120, %dma_wait3A_121] : memref<2x16x8x128xi32, #tpu.memory_space<hbm>> -> memref<1x1x8x128xi32, #tpu.memory_space<hbm>>
      %dma_wait3A_123 = tpu.memref_squeeze %dma_wait3A_122 : memref<1x1x8x128xi32, #tpu.memory_space<hbm>> -> memref<8x128xi32, #tpu.memory_space<hbm>>
      tpu.wait_dma2 semaphore(%run_scoped3A : memref<!tpu.dma_semaphore, #tpu.memory_space<semaphore_mem>>) src(%dma_wait3A_123 : memref<8x128xi32, #tpu.memory_space<hbm>>) dst(%dma_wait3A_119 : memref<8x128xi32, #tpu.memory_space<vmem>>)
      tpu.yield
    }) : () -> ()
    %dma_start3A = arith.constant 0 : i32
    %dma_start3A_1 = arith.constant 0 : i32
    %dma_start3A_2 = tpu.memref_slice %arg11[%dma_start3A, %dma_start3A_1] : memref<40x128xi32, #tpu.memory_space<vmem>> -> memref<1x128xi32, #tpu.memory_space<vmem>>
    %dma_start3A_3 = tpu.memref_squeeze %dma_start3A_2 : memref<1x128xi32, #tpu.memory_space<vmem>> -> memref<128xi32, #tpu.memory_space<vmem>>
    %dma_start3A_4 = arith.constant 0 : i32
    %dma_start3A_5 = arith.constant 0 : i32
    %dma_start3A_6 = tpu.memref_slice %arg2[%dma_start3A_4, %dma_start3A_5] : memref<10000x128xf32, #tpu.memory_space<hbm>> -> memref<10000x128xf32, #tpu.memory_space<hbm>>
    tpu.enqueue_indirect_dma source(%dma_start3A_6 : memref<10000x128xf32, #tpu.memory_space<hbm>>) target(%arg13 : memref<128x128xf32, #tpu.memory_space<vmem>>) offsets(%dma_start3A_3 : memref<128xi32, #tpu.memory_space<vmem>>) semaphore(%arg18 : memref<!tpu.dma_semaphore, #tpu.memory_space<semaphore_mem>>)
    %dma_start3A_7 = arith.constant 1 : i32
    %dma_start3A_8 = arith.constant 0 : i32
    %dma_start3A_9 = tpu.memref_slice %arg11[%dma_start3A_7, %dma_start3A_8] : memref<40x128xi32, #tpu.memory_space<vmem>> -> memref<1x128xi32, #tpu.memory_space<vmem>>
    %dma_start3A_10 = tpu.memref_squeeze %dma_start3A_9 : memref<1x128xi32, #tpu.memory_space<vmem>> -> memref<128xi32, #tpu.memory_space<vmem>>
    %dma_start3A_11 = arith.constant 0 : i32
    %dma_start3A_12 = arith.constant 0 : i32
    %dma_start3A_13 = tpu.memref_slice %arg2[%dma_start3A_11, %dma_start3A_12] : memref<10000x128xf32, #tpu.memory_space<hbm>> -> memref<10000x128xf32, #tpu.memory_space<hbm>>
    tpu.enqueue_indirect_dma source(%dma_start3A_13 : memref<10000x128xf32, #tpu.memory_space<hbm>>) target(%arg14 : memref<128x128xf32, #tpu.memory_space<vmem>>) offsets(%dma_start3A_10 : memref<128xi32, #tpu.memory_space<vmem>>) semaphore(%arg19 : memref<!tpu.dma_semaphore, #tpu.memory_space<semaphore_mem>>)
    %barrier3A = arith.constant 0 : index
    tpu.barrier barrier_id(%barrier3A)
    %scan3A = arith.constant 0 : i32
    %scan3A_14 = arith.constant 2 : i32
    %scan3A_15 = arith.addi %scan3A, %scan3A_14 : i32
    %scan3A_16 = arith.constant 1 : i32
    scf.for %scan3A_97 = %scan3A to %scan3A_15 step %scan3A_16  : i32 {
      %mul3A_98 = arith.constant 1 : i32
      %mul3A_99 = arith.muli %scan3A_97, %mul3A_98 : i32
      %add3A = arith.constant 0 : i32
      %add3A_100 = arith.addi %add3A, %mul3A_99 : i32
      %mul3A_101 = arith.constant 4 : i32
      %mul3A_102 = arith.muli %mul3A_101, %add3A_100 : i32
      %add3A_103 = arith.constant 0 : i32
      %add3A_104 = arith.addi %mul3A_102, %add3A_103 : i32
      %dma_wait3A = arith.constant 0 : i32
      %dma_wait3A_105 = tpu.memref_slice %arg11[%add3A_104, %dma_wait3A] : memref<40x128xi32, #tpu.memory_space<vmem>> -> memref<1x128xi32, #tpu.memory_space<vmem>>
      %dma_wait3A_106 = tpu.memref_squeeze %dma_wait3A_105 : memref<1x128xi32, #tpu.memory_space<vmem>> -> memref<128xi32, #tpu.memory_space<vmem>>
      %dma_wait3A_107 = arith.constant 0 : i32
      %dma_wait3A_108 = arith.constant 0 : i32
      %dma_wait3A_109 = tpu.memref_slice %arg2[%dma_wait3A_107, %dma_wait3A_108] : memref<10000x128xf32, #tpu.memory_space<hbm>> -> memref<10000x128xf32, #tpu.memory_space<hbm>>
      tpu.wait_indirect_dma semaphore(%arg18 : memref<!tpu.dma_semaphore, #tpu.memory_space<semaphore_mem>>) src(%dma_wait3A_109 : memref<10000x128xf32, #tpu.memory_space<hbm>>) dst(%arg13 : memref<128x128xf32, #tpu.memory_space<vmem>>)
      %add3A_110 = arith.constant 2 : i32
      %add3A_111 = arith.addi %add3A_104, %add3A_110 : i32
      %lt3A = arith.constant 8 : i32
      %lt3A_112 = arith.cmpi slt, %add3A_111, %lt3A : i32
      %convert_element_type3A = arith.extui %lt3A_112 : i1 to i32
      %cond3A = arith.constant 0 : i32
      %cond3A_113 = arith.cmpi ne, %convert_element_type3A, %cond3A : i32
      scf.if %cond3A_113 {
        %add3A_165 = arith.constant 2 : i32
        %add3A_166 = arith.addi %add3A_104, %add3A_165 : i32
        %dma_start3A_167 = arith.constant 0 : i32
        %dma_start3A_168 = tpu.memref_slice %arg11[%add3A_166, %dma_start3A_167] : memref<40x128xi32, #tpu.memory_space<vmem>> -> memref<1x128xi32, #tpu.memory_space<vmem>>
        %dma_start3A_169 = tpu.memref_squeeze %dma_start3A_168 : memref<1x128xi32, #tpu.memory_space<vmem>> -> memref<128xi32, #tpu.memory_space<vmem>>
        %dma_start3A_170 = arith.constant 0 : i32
        %dma_start3A_171 = arith.constant 0 : i32
        %dma_start3A_172 = tpu.memref_slice %arg2[%dma_start3A_170, %dma_start3A_171] : memref<10000x128xf32, #tpu.memory_space<hbm>> -> memref<10000x128xf32, #tpu.memory_space<hbm>>
        tpu.enqueue_indirect_dma source(%dma_start3A_172 : memref<10000x128xf32, #tpu.memory_space<hbm>>) target(%arg15 : memref<128x128xf32, #tpu.memory_space<vmem>>) offsets(%dma_start3A_169 : memref<128xi32, #tpu.memory_space<vmem>>) semaphore(%arg20 : memref<!tpu.dma_semaphore, #tpu.memory_space<semaphore_mem>>)
      } else {
      }
      "tpu.region"() ({
        %run_scoped3A = tpu.sem_alloc : memref<!tpu.dma_semaphore, #tpu.memory_space<semaphore_mem>>
        %dma_start3A_165 = arith.constant 0 : i32
        %dma_start3A_166 = tpu.memref_slice %arg12[%add3A_104, %dma_start3A_165] : memref<40x128xi32, #tpu.memory_space<vmem>> -> memref<1x128xi32, #tpu.memory_space<vmem>>
        %dma_start3A_167 = tpu.memref_squeeze %dma_start3A_166 : memref<1x128xi32, #tpu.memory_space<vmem>> -> memref<128xi32, #tpu.memory_space<vmem>>
        %dma_start3A_168 = arith.constant 0 : i32
        %dma_start3A_169 = arith.constant 0 : i32
        %dma_start3A_170 = tpu.memref_slice %arg17[%dma_start3A_168, %dma_start3A_169] : memref<5120x128xf32, #tpu.memory_space<vmem_shared>> -> memref<5120x128xf32, #tpu.memory_space<vmem_shared>>
        tpu.enqueue_indirect_dma source(%arg13 : memref<128x128xf32, #tpu.memory_space<vmem>>) target(%dma_start3A_170 : memref<5120x128xf32, #tpu.memory_space<vmem_shared>>) offsets(%dma_start3A_167 : memref<128xi32, #tpu.memory_space<vmem>>) semaphore(%run_scoped3A : memref<!tpu.dma_semaphore, #tpu.memory_space<semaphore_mem>>) {add = true}
        %dma_wait3A_171 = arith.constant 0 : i32
        %dma_wait3A_172 = tpu.memref_slice %arg12[%add3A_104, %dma_wait3A_171] : memref<40x128xi32, #tpu.memory_space<vmem>> -> memref<1x128xi32, #tpu.memory_space<vmem>>
        %dma_wait3A_173 = tpu.memref_squeeze %dma_wait3A_172 : memref<1x128xi32, #tpu.memory_space<vmem>> -> memref<128xi32, #tpu.memory_space<vmem>>
        %dma_wait3A_174 = arith.constant 0 : i32
        %dma_wait3A_175 = arith.constant 0 : i32
        %dma_wait3A_176 = tpu.memref_slice %arg17[%dma_wait3A_174, %dma_wait3A_175] : memref<5120x128xf32, #tpu.memory_space<vmem_shared>> -> memref<5120x128xf32, #tpu.memory_space<vmem_shared>>
        tpu.wait_indirect_dma semaphore(%run_scoped3A : memref<!tpu.dma_semaphore, #tpu.memory_space<semaphore_mem>>) src(%arg13 : memref<128x128xf32, #tpu.memory_space<vmem>>) dst(%dma_wait3A_176 : memref<5120x128xf32, #tpu.memory_space<vmem_shared>>)
        tpu.yield
      }) : () -> ()
      %mul3A_114 = arith.constant 4 : i32
      %mul3A_115 = arith.muli %mul3A_114, %add3A_100 : i32
      %add3A_116 = arith.constant 1 : i32
      %add3A_117 = arith.addi %mul3A_115, %add3A_116 : i32
      %dma_wait3A_118 = arith.constant 0 : i32
      %dma_wait3A_119 = tpu.memref_slice %arg11[%add3A_117, %dma_wait3A_118] : memref<40x128xi32, #tpu.memory_space<vmem>> -> memref<1x128xi32, #tpu.memory_space<vmem>>
      %dma_wait3A_120 = tpu.memref_squeeze %dma_wait3A_119 : memref<1x128xi32, #tpu.memory_space<vmem>> -> memref<128xi32, #tpu.memory_space<vmem>>
      %dma_wait3A_121 = arith.constant 0 : i32
      %dma_wait3A_122 = arith.constant 0 : i32
      %dma_wait3A_123 = tpu.memref_slice %arg2[%dma_wait3A_121, %dma_wait3A_122] : memref<10000x128xf32, #tpu.memory_space<hbm>> -> memref<10000x128xf32, #tpu.memory_space<hbm>>
      tpu.wait_indirect_dma semaphore(%arg19 : memref<!tpu.dma_semaphore, #tpu.memory_space<semaphore_mem>>) src(%dma_wait3A_123 : memref<10000x128xf32, #tpu.memory_space<hbm>>) dst(%arg14 : memref<128x128xf32, #tpu.memory_space<vmem>>)
      %add3A_124 = arith.constant 2 : i32
      %add3A_125 = arith.addi %add3A_117, %add3A_124 : i32
      %lt3A_126 = arith.constant 8 : i32
      %lt3A_127 = arith.cmpi slt, %add3A_125, %lt3A_126 : i32
      %convert_element_type3A_128 = arith.extui %lt3A_127 : i1 to i32
      %cond3A_129 = arith.constant 0 : i32
      %cond3A_130 = arith.cmpi ne, %convert_element_type3A_128, %cond3A_129 : i32
      scf.if %cond3A_130 {
        %add3A_165 = arith.constant 2 : i32
        %add3A_166 = arith.addi %add3A_117, %add3A_165 : i32
        %dma_start3A_167 = arith.constant 0 : i32
        %dma_start3A_168 = tpu.memref_slice %arg11[%add3A_166, %dma_start3A_167] : memref<40x128xi32, #tpu.memory_space<vmem>> -> memref<1x128xi32, #tpu.memory_space<vmem>>
        %dma_start3A_169 = tpu.memref_squeeze %dma_start3A_168 : memref<1x128xi32, #tpu.memory_space<vmem>> -> memref<128xi32, #tpu.memory_space<vmem>>
        %dma_start3A_170 = arith.constant 0 : i32
        %dma_start3A_171 = arith.constant 0 : i32
        %dma_start3A_172 = tpu.memref_slice %arg2[%dma_start3A_170, %dma_start3A_171] : memref<10000x128xf32, #tpu.memory_space<hbm>> -> memref<10000x128xf32, #tpu.memory_space<hbm>>
        tpu.enqueue_indirect_dma source(%dma_start3A_172 : memref<10000x128xf32, #tpu.memory_space<hbm>>) target(%arg16 : memref<128x128xf32, #tpu.memory_space<vmem>>) offsets(%dma_start3A_169 : memref<128xi32, #tpu.memory_space<vmem>>) semaphore(%arg21 : memref<!tpu.dma_semaphore, #tpu.memory_space<semaphore_mem>>)
      } else {
      }
      "tpu.region"() ({
        %run_scoped3A = tpu.sem_alloc : memref<!tpu.dma_semaphore, #tpu.memory_space<semaphore_mem>>
        %dma_start3A_165 = arith.constant 0 : i32
        %dma_start3A_166 = tpu.memref_slice %arg12[%add3A_117, %dma_start3A_165] : memref<40x128xi32, #tpu.memory_space<vmem>> -> memref<1x128xi32, #tpu.memory_space<vmem>>
        %dma_start3A_167 = tpu.memref_squeeze %dma_start3A_166 : memref<1x128xi32, #tpu.memory_space<vmem>> -> memref<128xi32, #tpu.memory_space<vmem>>
        %dma_start3A_168 = arith.constant 0 : i32
        %dma_start3A_169 = arith.constant 0 : i32
        %dma_start3A_170 = tpu.memref_slice %arg17[%dma_start3A_168, %dma_start3A_169] : memref<5120x128xf32, #tpu.memory_space<vmem_shared>> -> memref<5120x128xf32, #tpu.memory_space<vmem_shared>>
        tpu.enqueue_indirect_dma source(%arg14 : memref<128x128xf32, #tpu.memory_space<vmem>>) target(%dma_start3A_170 : memref<5120x128xf32, #tpu.memory_space<vmem_shared>>) offsets(%dma_start3A_167 : memref<128xi32, #tpu.memory_space<vmem>>) semaphore(%run_scoped3A : memref<!tpu.dma_semaphore, #tpu.memory_space<semaphore_mem>>) {add = true}
        %dma_wait3A_171 = arith.constant 0 : i32
        %dma_wait3A_172 = tpu.memref_slice %arg12[%add3A_117, %dma_wait3A_171] : memref<40x128xi32, #tpu.memory_space<vmem>> -> memref<1x128xi32, #tpu.memory_space<vmem>>
        %dma_wait3A_173 = tpu.memref_squeeze %dma_wait3A_172 : memref<1x128xi32, #tpu.memory_space<vmem>> -> memref<128xi32, #tpu.memory_space<vmem>>
        %dma_wait3A_174 = arith.constant 0 : i32
        %dma_wait3A_175 = arith.constant 0 : i32
        %dma_wait3A_176 = tpu.memref_slice %arg17[%dma_wait3A_174, %dma_wait3A_175] : memref<5120x128xf32, #tpu.memory_space<vmem_shared>> -> memref<5120x128xf32, #tpu.memory_space<vmem_shared>>
        tpu.wait_indirect_dma semaphore(%run_scoped3A : memref<!tpu.dma_semaphore, #tpu.memory_space<semaphore_mem>>) src(%arg14 : memref<128x128xf32, #tpu.memory_space<vmem>>) dst(%dma_wait3A_176 : memref<5120x128xf32, #tpu.memory_space<vmem_shared>>)
        tpu.yield
      }) : () -> ()
      %mul3A_131 = arith.constant 4 : i32
      %mul3A_132 = arith.muli %mul3A_131, %add3A_100 : i32
      %add3A_133 = arith.constant 2 : i32
      %add3A_134 = arith.addi %mul3A_132, %add3A_133 : i32
      %dma_wait3A_135 = arith.constant 0 : i32
      %dma_wait3A_136 = tpu.memref_slice %arg11[%add3A_134, %dma_wait3A_135] : memref<40x128xi32, #tpu.memory_space<vmem>> -> memref<1x128xi32, #tpu.memory_space<vmem>>
      %dma_wait3A_137 = tpu.memref_squeeze %dma_wait3A_136 : memref<1x128xi32, #tpu.memory_space<vmem>> -> memref<128xi32, #tpu.memory_space<vmem>>
      %dma_wait3A_138 = arith.constant 0 : i32
      %dma_wait3A_139 = arith.constant 0 : i32
      %dma_wait3A_140 = tpu.memref_slice %arg2[%dma_wait3A_138, %dma_wait3A_139] : memref<10000x128xf32, #tpu.memory_space<hbm>> -> memref<10000x128xf32, #tpu.memory_space<hbm>>
      tpu.wait_indirect_dma semaphore(%arg20 : memref<!tpu.dma_semaphore, #tpu.memory_space<semaphore_mem>>) src(%dma_wait3A_140 : memref<10000x128xf32, #tpu.memory_space<hbm>>) dst(%arg15 : memref<128x128xf32, #tpu.memory_space<vmem>>)
      %add3A_141 = arith.constant 2 : i32
      %add3A_142 = arith.addi %add3A_134, %add3A_141 : i32
      %lt3A_143 = arith.constant 8 : i32
      %lt3A_144 = arith.cmpi slt, %add3A_142, %lt3A_143 : i32
      %convert_element_type3A_145 = arith.extui %lt3A_144 : i1 to i32
      %cond3A_146 = arith.constant 0 : i32
      %cond3A_147 = arith.cmpi ne, %convert_element_type3A_145, %cond3A_146 : i32
      scf.if %cond3A_147 {
        %add3A_165 = arith.constant 2 : i32
        %add3A_166 = arith.addi %add3A_134, %add3A_165 : i32
        %dma_start3A_167 = arith.constant 0 : i32
        %dma_start3A_168 = tpu.memref_slice %arg11[%add3A_166, %dma_start3A_167] : memref<40x128xi32, #tpu.memory_space<vmem>> -> memref<1x128xi32, #tpu.memory_space<vmem>>
        %dma_start3A_169 = tpu.memref_squeeze %dma_start3A_168 : memref<1x128xi32, #tpu.memory_space<vmem>> -> memref<128xi32, #tpu.memory_space<vmem>>
        %dma_start3A_170 = arith.constant 0 : i32
        %dma_start3A_171 = arith.constant 0 : i32
        %dma_start3A_172 = tpu.memref_slice %arg2[%dma_start3A_170, %dma_start3A_171] : memref<10000x128xf32, #tpu.memory_space<hbm>> -> memref<10000x128xf32, #tpu.memory_space<hbm>>
        tpu.enqueue_indirect_dma source(%dma_start3A_172 : memref<10000x128xf32, #tpu.memory_space<hbm>>) target(%arg13 : memref<128x128xf32, #tpu.memory_space<vmem>>) offsets(%dma_start3A_169 : memref<128xi32, #tpu.memory_space<vmem>>) semaphore(%arg18 : memref<!tpu.dma_semaphore, #tpu.memory_space<semaphore_mem>>)
      } else {
      }
      "tpu.region"() ({
        %run_scoped3A = tpu.sem_alloc : memref<!tpu.dma_semaphore, #tpu.memory_space<semaphore_mem>>
        %dma_start3A_165 = arith.constant 0 : i32
        %dma_start3A_166 = tpu.memref_slice %arg12[%add3A_134, %dma_start3A_165] : memref<40x128xi32, #tpu.memory_space<vmem>> -> memref<1x128xi32, #tpu.memory_space<vmem>>
        %dma_start3A_167 = tpu.memref_squeeze %dma_start3A_166 : memref<1x128xi32, #tpu.memory_space<vmem>> -> memref<128xi32, #tpu.memory_space<vmem>>
        %dma_start3A_168 = arith.constant 0 : i32
        %dma_start3A_169 = arith.constant 0 : i32
        %dma_start3A_170 = tpu.memref_slice %arg17[%dma_start3A_168, %dma_start3A_169] : memref<5120x128xf32, #tpu.memory_space<vmem_shared>> -> memref<5120x128xf32, #tpu.memory_space<vmem_shared>>
        tpu.enqueue_indirect_dma source(%arg15 : memref<128x128xf32, #tpu.memory_space<vmem>>) target(%dma_start3A_170 : memref<5120x128xf32, #tpu.memory_space<vmem_shared>>) offsets(%dma_start3A_167 : memref<128xi32, #tpu.memory_space<vmem>>) semaphore(%run_scoped3A : memref<!tpu.dma_semaphore, #tpu.memory_space<semaphore_mem>>) {add = true}
        %dma_wait3A_171 = arith.constant 0 : i32
        %dma_wait3A_172 = tpu.memref_slice %arg12[%add3A_134, %dma_wait3A_171] : memref<40x128xi32, #tpu.memory_space<vmem>> -> memref<1x128xi32, #tpu.memory_space<vmem>>
        %dma_wait3A_173 = tpu.memref_squeeze %dma_wait3A_172 : memref<1x128xi32, #tpu.memory_space<vmem>> -> memref<128xi32, #tpu.memory_space<vmem>>
        %dma_wait3A_174 = arith.constant 0 : i32
        %dma_wait3A_175 = arith.constant 0 : i32
        %dma_wait3A_176 = tpu.memref_slice %arg17[%dma_wait3A_174, %dma_wait3A_175] : memref<5120x128xf32, #tpu.memory_space<vmem_shared>> -> memref<5120x128xf32, #tpu.memory_space<vmem_shared>>
        tpu.wait_indirect_dma semaphore(%run_scoped3A : memref<!tpu.dma_semaphore, #tpu.memory_space<semaphore_mem>>) src(%arg15 : memref<128x128xf32, #tpu.memory_space<vmem>>) dst(%dma_wait3A_176 : memref<5120x128xf32, #tpu.memory_space<vmem_shared>>)
        tpu.yield
      }) : () -> ()
      %mul3A_148 = arith.constant 4 : i32
      %mul3A_149 = arith.muli %mul3A_148, %add3A_100 : i32
      %add3A_150 = arith.constant 3 : i32
      %add3A_151 = arith.addi %mul3A_149, %add3A_150 : i32
      %dma_wait3A_152 = arith.constant 0 : i32
      %dma_wait3A_153 = tpu.memref_slice %arg11[%add3A_151, %dma_wait3A_152] : memref<40x128xi32, #tpu.memory_space<vmem>> -> memref<1x128xi32, #tpu.memory_space<vmem>>
      %dma_wait3A_154 = tpu.memref_squeeze %dma_wait3A_153 : memref<1x128xi32, #tpu.memory_space<vmem>> -> memref<128xi32, #tpu.memory_space<vmem>>
      %dma_wait3A_155 = arith.constant 0 : i32
      %dma_wait3A_156 = arith.constant 0 : i32
      %dma_wait3A_157 = tpu.memref_slice %arg2[%dma_wait3A_155, %dma_wait3A_156] : memref<10000x128xf32, #tpu.memory_space<hbm>> -> memref<10000x128xf32, #tpu.memory_space<hbm>>
      tpu.wait_indirect_dma semaphore(%arg21 : memref<!tpu.dma_semaphore, #tpu.memory_space<semaphore_mem>>) src(%dma_wait3A_157 : memref<10000x128xf32, #tpu.memory_space<hbm>>) dst(%arg16 : memref<128x128xf32, #tpu.memory_space<vmem>>)
      %add3A_158 = arith.constant 2 : i32
      %add3A_159 = arith.addi %add3A_151, %add3A_158 : i32
      %lt3A_160 = arith.constant 8 : i32
      %lt3A_161 = arith.cmpi slt, %add3A_159, %lt3A_160 : i32
      %convert_element_type3A_162 = arith.extui %lt3A_161 : i1 to i32
      %cond3A_163 = arith.constant 0 : i32
      %cond3A_164 = arith.cmpi ne, %convert_element_type3A_162, %cond3A_163 : i32
      scf.if %cond3A_164 {
        %add3A_165 = arith.constant 2 : i32
        %add3A_166 = arith.addi %add3A_151, %add3A_165 : i32
        %dma_start3A_167 = arith.constant 0 : i32
        %dma_start3A_168 = tpu.memref_slice %arg11[%add3A_166, %dma_start3A_167] : memref<40x128xi32, #tpu.memory_space<vmem>> -> memref<1x128xi32, #tpu.memory_space<vmem>>
        %dma_start3A_169 = tpu.memref_squeeze %dma_start3A_168 : memref<1x128xi32, #tpu.memory_space<vmem>> -> memref<128xi32, #tpu.memory_space<vmem>>
        %dma_start3A_170 = arith.constant 0 : i32
        %dma_start3A_171 = arith.constant 0 : i32
        %dma_start3A_172 = tpu.memref_slice %arg2[%dma_start3A_170, %dma_start3A_171] : memref<10000x128xf32, #tpu.memory_space<hbm>> -> memref<10000x128xf32, #tpu.memory_space<hbm>>
        tpu.enqueue_indirect_dma source(%dma_start3A_172 : memref<10000x128xf32, #tpu.memory_space<hbm>>) target(%arg14 : memref<128x128xf32, #tpu.memory_space<vmem>>) offsets(%dma_start3A_169 : memref<128xi32, #tpu.memory_space<vmem>>) semaphore(%arg19 : memref<!tpu.dma_semaphore, #tpu.memory_space<semaphore_mem>>)
      } else {
      }
      "tpu.region"() ({
        %run_scoped3A = tpu.sem_alloc : memref<!tpu.dma_semaphore, #tpu.memory_space<semaphore_mem>>
        %dma_start3A_165 = arith.constant 0 : i32
        %dma_start3A_166 = tpu.memref_slice %arg12[%add3A_151, %dma_start3A_165] : memref<40x128xi32, #tpu.memory_space<vmem>> -> memref<1x128xi32, #tpu.memory_space<vmem>>
        %dma_start3A_167 = tpu.memref_squeeze %dma_start3A_166 : memref<1x128xi32, #tpu.memory_space<vmem>> -> memref<128xi32, #tpu.memory_space<vmem>>
        %dma_start3A_168 = arith.constant 0 : i32
        %dma_start3A_169 = arith.constant 0 : i32
        %dma_start3A_170 = tpu.memref_slice %arg17[%dma_start3A_168, %dma_start3A_169] : memref<5120x128xf32, #tpu.memory_space<vmem_shared>> -> memref<5120x128xf32, #tpu.memory_space<vmem_shared>>
        tpu.enqueue_indirect_dma source(%arg16 : memref<128x128xf32, #tpu.memory_space<vmem>>) target(%dma_start3A_170 : memref<5120x128xf32, #tpu.memory_space<vmem_shared>>) offsets(%dma_start3A_167 : memref<128xi32, #tpu.memory_space<vmem>>) semaphore(%run_scoped3A : memref<!tpu.dma_semaphore, #tpu.memory_space<semaphore_mem>>) {add = true}
        %dma_wait3A_171 = arith.constant 0 : i32
        %dma_wait3A_172 = tpu.memref_slice %arg12[%add3A_151, %dma_wait3A_171] : memref<40x128xi32, #tpu.memory_space<vmem>> -> memref<1x128xi32, #tpu.memory_space<vmem>>
        %dma_wait3A_173 = tpu.memref_squeeze %dma_wait3A_172 : memref<1x128xi32, #tpu.memory_space<vmem>> -> memref<128xi32, #tpu.memory_space<vmem>>
        %dma_wait3A_174 = arith.constant 0 : i32
        %dma_wait3A_175 = arith.constant 0 : i32
        %dma_wait3A_176 = tpu.memref_slice %arg17[%dma_wait3A_174, %dma_wait3A_175] : memref<5120x128xf32, #tpu.memory_space<vmem_shared>> -> memref<5120x128xf32, #tpu.memory_space<vmem_shared>>
        tpu.wait_indirect_dma semaphore(%run_scoped3A : memref<!tpu.dma_semaphore, #tpu.memory_space<semaphore_mem>>) src(%arg16 : memref<128x128xf32, #tpu.memory_space<vmem>>) dst(%dma_wait3A_176 : memref<5120x128xf32, #tpu.memory_space<vmem_shared>>)
        tpu.yield
      }) : () -> ()
    }
    %scan3A_17 = arith.constant 2 : i32
    %barrier3A_18 = arith.constant 0 : index
    tpu.barrier barrier_id(%barrier3A_18)
    "tpu.region"() ({
      %run_scoped3A = tpu.sem_alloc : memref<!tpu.dma_semaphore, #tpu.memory_space<semaphore_mem>>
      %dma_start3A_97 = arith.constant 0 : i32
      %dma_start3A_98 = tpu.memref_slice %arg9[%arg0, %mul3A_0, %dma_start3A_97] : memref<2x5120x128xf32, #tpu.memory_space<hbm>> -> memref<1x320x128xf32, #tpu.memory_space<hbm>>
      %dma_start3A_99 = tpu.memref_squeeze %dma_start3A_98 : memref<1x320x128xf32, #tpu.memory_space<hbm>> -> memref<320x128xf32, #tpu.memory_space<hbm>>
      %dma_start3A_100 = arith.constant 0 : i32
      %dma_start3A_101 = tpu.memref_slice %arg17[%mul3A_0, %dma_start3A_100] : memref<5120x128xf32, #tpu.memory_space<vmem_shared>> -> memref<320x128xf32, #tpu.memory_space<vmem_shared>>
      tpu.enqueue_dma source(%dma_start3A_101 : memref<320x128xf32, #tpu.memory_space<vmem_shared>>) target(%dma_start3A_99 : memref<320x128xf32, #tpu.memory_space<hbm>>) target_semaphore(%run_scoped3A : memref<!tpu.dma_semaphore, #tpu.memory_space<semaphore_mem>>)
      %dma_wait3A = arith.constant 0 : i32
      %dma_wait3A_102 = tpu.memref_slice %arg9[%arg0, %mul3A_0, %dma_wait3A] : memref<2x5120x128xf32, #tpu.memory_space<hbm>> -> memref<1x320x128xf32, #tpu.memory_space<hbm>>
      %dma_wait3A_103 = tpu.memref_squeeze %dma_wait3A_102 : memref<1x320x128xf32, #tpu.memory_space<hbm>> -> memref<320x128xf32, #tpu.memory_space<hbm>>
      %dma_wait3A_104 = arith.constant 0 : i32
      %dma_wait3A_105 = tpu.memref_slice %arg17[%mul3A_0, %dma_wait3A_104] : memref<5120x128xf32, #tpu.memory_space<vmem_shared>> -> memref<320x128xf32, #tpu.memory_space<vmem_shared>>
      tpu.wait_dma2 semaphore(%run_scoped3A : memref<!tpu.dma_semaphore, #tpu.memory_space<semaphore_mem>>) src(%dma_wait3A_105 : memref<320x128xf32, #tpu.memory_space<vmem_shared>>) dst(%dma_wait3A_103 : memref<320x128xf32, #tpu.memory_space<hbm>>)
      tpu.yield
    }) : () -> ()
    "tpu.region"() ({
      %run_scoped3A = tpu.sem_alloc : memref<!tpu.dma_semaphore, #tpu.memory_space<semaphore_mem>>
      %dma_start3A_97 = arith.constant 0 : i32
      %dma_start3A_98 = tpu.memref_slice %arg17[%mul3A_0, %dma_start3A_97] : memref<5120x128xf32, #tpu.memory_space<vmem_shared>> -> memref<320x128xf32, #tpu.memory_space<vmem_shared>>
      %dma_start3A_99 = arith.constant 0 : i32
      %dma_start3A_100 = tpu.memref_slice %arg8[%mul3A_0, %dma_start3A_99] : memref<5120x128xf32, #tpu.memory_space<hbm>> -> memref<320x128xf32, #tpu.memory_space<hbm>>
      tpu.enqueue_dma source(%dma_start3A_100 : memref<320x128xf32, #tpu.memory_space<hbm>>) target(%dma_start3A_98 : memref<320x128xf32, #tpu.memory_space<vmem_shared>>) target_semaphore(%run_scoped3A : memref<!tpu.dma_semaphore, #tpu.memory_space<semaphore_mem>>)
      %dma_wait3A = arith.constant 0 : i32
      %dma_wait3A_101 = tpu.memref_slice %arg17[%mul3A_0, %dma_wait3A] : memref<5120x128xf32, #tpu.memory_space<vmem_shared>> -> memref<320x128xf32, #tpu.memory_space<vmem_shared>>
      %dma_wait3A_102 = arith.constant 0 : i32
      %dma_wait3A_103 = tpu.memref_slice %arg8[%mul3A_0, %dma_wait3A_102] : memref<5120x128xf32, #tpu.memory_space<hbm>> -> memref<320x128xf32, #tpu.memory_space<hbm>>
      tpu.wait_dma2 semaphore(%run_scoped3A : memref<!tpu.dma_semaphore, #tpu.memory_space<semaphore_mem>>) src(%dma_wait3A_103 : memref<320x128xf32, #tpu.memory_space<hbm>>) dst(%dma_wait3A_101 : memref<320x128xf32, #tpu.memory_space<vmem_shared>>)
      tpu.yield
    }) : () -> ()
    "tpu.region"() ({
      %run_scoped3A = tpu.sem_alloc : memref<!tpu.dma_semaphore, #tpu.memory_space<semaphore_mem>>
      %dma_start3A_97 = arith.constant 0 : i32
      %dma_start3A_98 = arith.constant 0 : i32
      %dma_start3A_99 = tpu.memref_slice %arg11[%dma_start3A_97, %dma_start3A_98] : memref<40x128xi32, #tpu.memory_space<vmem>> -> memref<40x128xi32, #tpu.memory_space<vmem>>
      %dma_start3A_100 = arith.constant 0 : i32
      %dma_start3A_101 = arith.constant 0 : i32
      %dma_start3A_102 = tpu.memref_slice %arg6[%arg1, %dma_start3A_100, %dma_start3A_101] : memref<16x160x128xi32, #tpu.memory_space<hbm>> -> memref<1x40x128xi32, #tpu.memory_space<hbm>>
      %dma_start3A_103 = tpu.memref_squeeze %dma_start3A_102 : memref<1x40x128xi32, #tpu.memory_space<hbm>> -> memref<40x128xi32, #tpu.memory_space<hbm>>
      %dma_start3A_104 = arith.constant 0 : i32
      %dma_start3A_105 = arith.constant 0 : i32
      %dma_start3A_106 = tpu.memref_slice %arg11[%dma_start3A_104, %dma_start3A_105] : memref<40x128xi32, #tpu.memory_space<vmem>> -> memref<40x128xi32, #tpu.memory_space<vmem>>
      %dma_start3A_107 = arith.constant 0 : i32
      %dma_start3A_108 = arith.constant 0 : i32
      %dma_start3A_109 = tpu.memref_slice %arg6[%arg1, %dma_start3A_107, %dma_start3A_108] : memref<16x160x128xi32, #tpu.memory_space<hbm>> -> memref<1x40x128xi32, #tpu.memory_space<hbm>>
      %dma_start3A_110 = tpu.memref_squeeze %dma_start3A_109 : memref<1x40x128xi32, #tpu.memory_space<hbm>> -> memref<40x128xi32, #tpu.memory_space<hbm>>
      tpu.enqueue_dma source(%dma_start3A_110 : memref<40x128xi32, #tpu.memory_space<hbm>>) target(%dma_start3A_106 : memref<40x128xi32, #tpu.memory_space<vmem>>) target_semaphore(%run_scoped3A : memref<!tpu.dma_semaphore, #tpu.memory_space<semaphore_mem>>)
      %dma_wait3A = arith.constant 0 : i32
      %dma_wait3A_111 = arith.constant 0 : i32
      %dma_wait3A_112 = tpu.memref_slice %arg11[%dma_wait3A, %dma_wait3A_111] : memref<40x128xi32, #tpu.memory_space<vmem>> -> memref<40x128xi32, #tpu.memory_space<vmem>>
      %dma_wait3A_113 = arith.constant 0 : i32
      %dma_wait3A_114 = arith.constant 0 : i32
      %dma_wait3A_115 = tpu.memref_slice %arg6[%arg1, %dma_wait3A_113, %dma_wait3A_114] : memref<16x160x128xi32, #tpu.memory_space<hbm>> -> memref<1x40x128xi32, #tpu.memory_space<hbm>>
      %dma_wait3A_116 = tpu.memref_squeeze %dma_wait3A_115 : memref<1x40x128xi32, #tpu.memory_space<hbm>> -> memref<40x128xi32, #tpu.memory_space<hbm>>
      %dma_wait3A_117 = arith.constant 0 : i32
      %dma_wait3A_118 = arith.constant 0 : i32
      %dma_wait3A_119 = tpu.memref_slice %arg11[%dma_wait3A_117, %dma_wait3A_118] : memref<40x128xi32, #tpu.memory_space<vmem>> -> memref<40x128xi32, #tpu.memory_space<vmem>>
      %dma_wait3A_120 = arith.constant 0 : i32
      %dma_wait3A_121 = arith.constant 0 : i32
      %dma_wait3A_122 = tpu.memref_slice %arg6[%arg1, %dma_wait3A_120, %dma_wait3A_121] : memref<16x160x128xi32, #tpu.memory_space<hbm>> -> memref<1x40x128xi32, #tpu.memory_space<hbm>>
      %dma_wait3A_123 = tpu.memref_squeeze %dma_wait3A_122 : memref<1x40x128xi32, #tpu.memory_space<hbm>> -> memref<40x128xi32, #tpu.memory_space<hbm>>
      tpu.wait_dma2 semaphore(%run_scoped3A : memref<!tpu.dma_semaphore, #tpu.memory_space<semaphore_mem>>) src(%dma_wait3A_123 : memref<40x128xi32, #tpu.memory_space<hbm>>) dst(%dma_wait3A_119 : memref<40x128xi32, #tpu.memory_space<vmem>>)
      tpu.yield
    }) : () -> ()
    "tpu.region"() ({
      %run_scoped3A = tpu.sem_alloc : memref<!tpu.dma_semaphore, #tpu.memory_space<semaphore_mem>>
      %dma_start3A_97 = arith.constant 0 : i32
      %dma_start3A_98 = arith.constant 0 : i32
      %dma_start3A_99 = tpu.memref_slice %arg12[%dma_start3A_97, %dma_start3A_98] : memref<40x128xi32, #tpu.memory_space<vmem>> -> memref<40x128xi32, #tpu.memory_space<vmem>>
      %dma_start3A_100 = arith.constant 0 : i32
      %dma_start3A_101 = arith.constant 0 : i32
      %dma_start3A_102 = tpu.memref_slice %arg7[%arg0, %arg1, %dma_start3A_100, %dma_start3A_101] : memref<2x16x160x128xi32, #tpu.memory_space<hbm>> -> memref<1x1x40x128xi32, #tpu.memory_space<hbm>>
      %dma_start3A_103 = tpu.memref_squeeze %dma_start3A_102 : memref<1x1x40x128xi32, #tpu.memory_space<hbm>> -> memref<40x128xi32, #tpu.memory_space<hbm>>
      %dma_start3A_104 = arith.constant 0 : i32
      %dma_start3A_105 = arith.constant 0 : i32
      %dma_start3A_106 = tpu.memref_slice %arg12[%dma_start3A_104, %dma_start3A_105] : memref<40x128xi32, #tpu.memory_space<vmem>> -> memref<40x128xi32, #tpu.memory_space<vmem>>
      %dma_start3A_107 = arith.constant 0 : i32
      %dma_start3A_108 = arith.constant 0 : i32
      %dma_start3A_109 = tpu.memref_slice %arg7[%arg0, %arg1, %dma_start3A_107, %dma_start3A_108] : memref<2x16x160x128xi32, #tpu.memory_space<hbm>> -> memref<1x1x40x128xi32, #tpu.memory_space<hbm>>
      %dma_start3A_110 = tpu.memref_squeeze %dma_start3A_109 : memref<1x1x40x128xi32, #tpu.memory_space<hbm>> -> memref<40x128xi32, #tpu.memory_space<hbm>>
      tpu.enqueue_dma source(%dma_start3A_110 : memref<40x128xi32, #tpu.memory_space<hbm>>) target(%dma_start3A_106 : memref<40x128xi32, #tpu.memory_space<vmem>>) target_semaphore(%run_scoped3A : memref<!tpu.dma_semaphore, #tpu.memory_space<semaphore_mem>>)
      %dma_wait3A = arith.constant 0 : i32
      %dma_wait3A_111 = arith.constant 0 : i32
      %dma_wait3A_112 = tpu.memref_slice %arg12[%dma_wait3A, %dma_wait3A_111] : memref<40x128xi32, #tpu.memory_space<vmem>> -> memref<40x128xi32, #tpu.memory_space<vmem>>
      %dma_wait3A_113 = arith.constant 0 : i32
      %dma_wait3A_114 = arith.constant 0 : i32
      %dma_wait3A_115 = tpu.memref_slice %arg7[%arg0, %arg1, %dma_wait3A_113, %dma_wait3A_114] : memref<2x16x160x128xi32, #tpu.memory_space<hbm>> -> memref<1x1x40x128xi32, #tpu.memory_space<hbm>>
      %dma_wait3A_116 = tpu.memref_squeeze %dma_wait3A_115 : memref<1x1x40x128xi32, #tpu.memory_space<hbm>> -> memref<40x128xi32, #tpu.memory_space<hbm>>
      %dma_wait3A_117 = arith.constant 0 : i32
      %dma_wait3A_118 = arith.constant 0 : i32
      %dma_wait3A_119 = tpu.memref_slice %arg12[%dma_wait3A_117, %dma_wait3A_118] : memref<40x128xi32, #tpu.memory_space<vmem>> -> memref<40x128xi32, #tpu.memory_space<vmem>>
      %dma_wait3A_120 = arith.constant 0 : i32
      %dma_wait3A_121 = arith.constant 0 : i32
      %dma_wait3A_122 = tpu.memref_slice %arg7[%arg0, %arg1, %dma_wait3A_120, %dma_wait3A_121] : memref<2x16x160x128xi32, #tpu.memory_space<hbm>> -> memref<1x1x40x128xi32, #tpu.memory_space<hbm>>
      %dma_wait3A_123 = tpu.memref_squeeze %dma_wait3A_122 : memref<1x1x40x128xi32, #tpu.memory_space<hbm>> -> memref<40x128xi32, #tpu.memory_space<hbm>>
      tpu.wait_dma2 semaphore(%run_scoped3A : memref<!tpu.dma_semaphore, #tpu.memory_space<semaphore_mem>>) src(%dma_wait3A_123 : memref<40x128xi32, #tpu.memory_space<hbm>>) dst(%dma_wait3A_119 : memref<40x128xi32, #tpu.memory_space<vmem>>)
      tpu.yield
    }) : () -> ()
    %dma_start3A_19 = arith.constant 0 : i32
    %dma_start3A_20 = arith.constant 0 : i32
    %dma_start3A_21 = tpu.memref_slice %arg11[%dma_start3A_19, %dma_start3A_20] : memref<40x128xi32, #tpu.memory_space<vmem>> -> memref<1x128xi32, #tpu.memory_space<vmem>>
    %dma_start3A_22 = tpu.memref_squeeze %dma_start3A_21 : memref<1x128xi32, #tpu.memory_space<vmem>> -> memref<128xi32, #tpu.memory_space<vmem>>
    %dma_start3A_23 = arith.constant 0 : i32
    %dma_start3A_24 = arith.constant 0 : i32
    %dma_start3A_25 = tpu.memref_slice %arg3[%dma_start3A_23, %dma_start3A_24] : memref<10000x128xf32, #tpu.memory_space<hbm>> -> memref<10000x128xf32, #tpu.memory_space<hbm>>
    tpu.enqueue_indirect_dma source(%dma_start3A_25 : memref<10000x128xf32, #tpu.memory_space<hbm>>) target(%arg13 : memref<128x128xf32, #tpu.memory_space<vmem>>) offsets(%dma_start3A_22 : memref<128xi32, #tpu.memory_space<vmem>>) semaphore(%arg18 : memref<!tpu.dma_semaphore, #tpu.memory_space<semaphore_mem>>)
    %dma_start3A_26 = arith.constant 1 : i32
    %dma_start3A_27 = arith.constant 0 : i32
    %dma_start3A_28 = tpu.memref_slice %arg11[%dma_start3A_26, %dma_start3A_27] : memref<40x128xi32, #tpu.memory_space<vmem>> -> memref<1x128xi32, #tpu.memory_space<vmem>>
    %dma_start3A_29 = tpu.memref_squeeze %dma_start3A_28 : memref<1x128xi32, #tpu.memory_space<vmem>> -> memref<128xi32, #tpu.memory_space<vmem>>
    %dma_start3A_30 = arith.constant 0 : i32
    %dma_start3A_31 = arith.constant 0 : i32
    %dma_start3A_32 = tpu.memref_slice %arg3[%dma_start3A_30, %dma_start3A_31] : memref<10000x128xf32, #tpu.memory_space<hbm>> -> memref<10000x128xf32, #tpu.memory_space<hbm>>
    tpu.enqueue_indirect_dma source(%dma_start3A_32 : memref<10000x128xf32, #tpu.memory_space<hbm>>) target(%arg14 : memref<128x128xf32, #tpu.memory_space<vmem>>) offsets(%dma_start3A_29 : memref<128xi32, #tpu.memory_space<vmem>>) semaphore(%arg19 : memref<!tpu.dma_semaphore, #tpu.memory_space<semaphore_mem>>)
    %barrier3A_33 = arith.constant 0 : index
    tpu.barrier barrier_id(%barrier3A_33)
    %scan3A_34 = arith.constant 0 : i32
    %scan3A_35 = arith.constant 10 : i32
    %scan3A_36 = arith.addi %scan3A_34, %scan3A_35 : i32
    %scan3A_37 = arith.constant 1 : i32
    scf.for %scan3A_97 = %scan3A_34 to %scan3A_36 step %scan3A_37  : i32 {
      %mul3A_98 = arith.constant 1 : i32
      %mul3A_99 = arith.muli %scan3A_97, %mul3A_98 : i32
      %add3A = arith.constant 0 : i32
      %add3A_100 = arith.addi %add3A, %mul3A_99 : i32
      %mul3A_101 = arith.constant 4 : i32
      %mul3A_102 = arith.muli %mul3A_101, %add3A_100 : i32
      %add3A_103 = arith.constant 0 : i32
      %add3A_104 = arith.addi %mul3A_102, %add3A_103 : i32
      %dma_wait3A = arith.constant 0 : i32
      %dma_wait3A_105 = tpu.memref_slice %arg11[%add3A_104, %dma_wait3A] : memref<40x128xi32, #tpu.memory_space<vmem>> -> memref<1x128xi32, #tpu.memory_space<vmem>>
      %dma_wait3A_106 = tpu.memref_squeeze %dma_wait3A_105 : memref<1x128xi32, #tpu.memory_space<vmem>> -> memref<128xi32, #tpu.memory_space<vmem>>
      %dma_wait3A_107 = arith.constant 0 : i32
      %dma_wait3A_108 = arith.constant 0 : i32
      %dma_wait3A_109 = tpu.memref_slice %arg3[%dma_wait3A_107, %dma_wait3A_108] : memref<10000x128xf32, #tpu.memory_space<hbm>> -> memref<10000x128xf32, #tpu.memory_space<hbm>>
      tpu.wait_indirect_dma semaphore(%arg18 : memref<!tpu.dma_semaphore, #tpu.memory_space<semaphore_mem>>) src(%dma_wait3A_109 : memref<10000x128xf32, #tpu.memory_space<hbm>>) dst(%arg13 : memref<128x128xf32, #tpu.memory_space<vmem>>)
      %add3A_110 = arith.constant 2 : i32
      %add3A_111 = arith.addi %add3A_104, %add3A_110 : i32
      %lt3A = arith.constant 40 : i32
      %lt3A_112 = arith.cmpi slt, %add3A_111, %lt3A : i32
      %convert_element_type3A = arith.extui %lt3A_112 : i1 to i32
      %cond3A = arith.constant 0 : i32
      %cond3A_113 = arith.cmpi ne, %convert_element_type3A, %cond3A : i32
      scf.if %cond3A_113 {
        %add3A_165 = arith.constant 2 : i32
        %add3A_166 = arith.addi %add3A_104, %add3A_165 : i32
        %dma_start3A_167 = arith.constant 0 : i32
        %dma_start3A_168 = tpu.memref_slice %arg11[%add3A_166, %dma_start3A_167] : memref<40x128xi32, #tpu.memory_space<vmem>> -> memref<1x128xi32, #tpu.memory_space<vmem>>
        %dma_start3A_169 = tpu.memref_squeeze %dma_start3A_168 : memref<1x128xi32, #tpu.memory_space<vmem>> -> memref<128xi32, #tpu.memory_space<vmem>>
        %dma_start3A_170 = arith.constant 0 : i32
        %dma_start3A_171 = arith.constant 0 : i32
        %dma_start3A_172 = tpu.memref_slice %arg3[%dma_start3A_170, %dma_start3A_171] : memref<10000x128xf32, #tpu.memory_space<hbm>> -> memref<10000x128xf32, #tpu.memory_space<hbm>>
        tpu.enqueue_indirect_dma source(%dma_start3A_172 : memref<10000x128xf32, #tpu.memory_space<hbm>>) target(%arg15 : memref<128x128xf32, #tpu.memory_space<vmem>>) offsets(%dma_start3A_169 : memref<128xi32, #tpu.memory_space<vmem>>) semaphore(%arg20 : memref<!tpu.dma_semaphore, #tpu.memory_space<semaphore_mem>>)
      } else {
      }
      "tpu.region"() ({
        %run_scoped3A = tpu.sem_alloc : memref<!tpu.dma_semaphore, #tpu.memory_space<semaphore_mem>>
        %dma_start3A_165 = arith.constant 0 : i32
        %dma_start3A_166 = tpu.memref_slice %arg12[%add3A_104, %dma_start3A_165] : memref<40x128xi32, #tpu.memory_space<vmem>> -> memref<1x128xi32, #tpu.memory_space<vmem>>
        %dma_start3A_167 = tpu.memref_squeeze %dma_start3A_166 : memref<1x128xi32, #tpu.memory_space<vmem>> -> memref<128xi32, #tpu.memory_space<vmem>>
        %dma_start3A_168 = arith.constant 0 : i32
        %dma_start3A_169 = arith.constant 0 : i32
        %dma_start3A_170 = tpu.memref_slice %arg17[%dma_start3A_168, %dma_start3A_169] : memref<5120x128xf32, #tpu.memory_space<vmem_shared>> -> memref<5120x128xf32, #tpu.memory_space<vmem_shared>>
        tpu.enqueue_indirect_dma source(%arg13 : memref<128x128xf32, #tpu.memory_space<vmem>>) target(%dma_start3A_170 : memref<5120x128xf32, #tpu.memory_space<vmem_shared>>) offsets(%dma_start3A_167 : memref<128xi32, #tpu.memory_space<vmem>>) semaphore(%run_scoped3A : memref<!tpu.dma_semaphore, #tpu.memory_space<semaphore_mem>>) {add = true}
        %dma_wait3A_171 = arith.constant 0 : i32
        %dma_wait3A_172 = tpu.memref_slice %arg12[%add3A_104, %dma_wait3A_171] : memref<40x128xi32, #tpu.memory_space<vmem>> -> memref<1x128xi32, #tpu.memory_space<vmem>>
        %dma_wait3A_173 = tpu.memref_squeeze %dma_wait3A_172 : memref<1x128xi32, #tpu.memory_space<vmem>> -> memref<128xi32, #tpu.memory_space<vmem>>
        %dma_wait3A_174 = arith.constant 0 : i32
        %dma_wait3A_175 = arith.constant 0 : i32
        %dma_wait3A_176 = tpu.memref_slice %arg17[%dma_wait3A_174, %dma_wait3A_175] : memref<5120x128xf32, #tpu.memory_space<vmem_shared>> -> memref<5120x128xf32, #tpu.memory_space<vmem_shared>>
        tpu.wait_indirect_dma semaphore(%run_scoped3A : memref<!tpu.dma_semaphore, #tpu.memory_space<semaphore_mem>>) src(%arg13 : memref<128x128xf32, #tpu.memory_space<vmem>>) dst(%dma_wait3A_176 : memref<5120x128xf32, #tpu.memory_space<vmem_shared>>)
        tpu.yield
      }) : () -> ()
      %mul3A_114 = arith.constant 4 : i32
      %mul3A_115 = arith.muli %mul3A_114, %add3A_100 : i32
      %add3A_116 = arith.constant 1 : i32
      %add3A_117 = arith.addi %mul3A_115, %add3A_116 : i32
      %dma_wait3A_118 = arith.constant 0 : i32
      %dma_wait3A_119 = tpu.memref_slice %arg11[%add3A_117, %dma_wait3A_118] : memref<40x128xi32, #tpu.memory_space<vmem>> -> memref<1x128xi32, #tpu.memory_space<vmem>>
      %dma_wait3A_120 = tpu.memref_squeeze %dma_wait3A_119 : memref<1x128xi32, #tpu.memory_space<vmem>> -> memref<128xi32, #tpu.memory_space<vmem>>
      %dma_wait3A_121 = arith.constant 0 : i32
      %dma_wait3A_122 = arith.constant 0 : i32
      %dma_wait3A_123 = tpu.memref_slice %arg3[%dma_wait3A_121, %dma_wait3A_122] : memref<10000x128xf32, #tpu.memory_space<hbm>> -> memref<10000x128xf32, #tpu.memory_space<hbm>>
      tpu.wait_indirect_dma semaphore(%arg19 : memref<!tpu.dma_semaphore, #tpu.memory_space<semaphore_mem>>) src(%dma_wait3A_123 : memref<10000x128xf32, #tpu.memory_space<hbm>>) dst(%arg14 : memref<128x128xf32, #tpu.memory_space<vmem>>)
      %add3A_124 = arith.constant 2 : i32
      %add3A_125 = arith.addi %add3A_117, %add3A_124 : i32
      %lt3A_126 = arith.constant 40 : i32
      %lt3A_127 = arith.cmpi slt, %add3A_125, %lt3A_126 : i32
      %convert_element_type3A_128 = arith.extui %lt3A_127 : i1 to i32
      %cond3A_129 = arith.constant 0 : i32
      %cond3A_130 = arith.cmpi ne, %convert_element_type3A_128, %cond3A_129 : i32
      scf.if %cond3A_130 {
        %add3A_165 = arith.constant 2 : i32
        %add3A_166 = arith.addi %add3A_117, %add3A_165 : i32
        %dma_start3A_167 = arith.constant 0 : i32
        %dma_start3A_168 = tpu.memref_slice %arg11[%add3A_166, %dma_start3A_167] : memref<40x128xi32, #tpu.memory_space<vmem>> -> memref<1x128xi32, #tpu.memory_space<vmem>>
        %dma_start3A_169 = tpu.memref_squeeze %dma_start3A_168 : memref<1x128xi32, #tpu.memory_space<vmem>> -> memref<128xi32, #tpu.memory_space<vmem>>
        %dma_start3A_170 = arith.constant 0 : i32
        %dma_start3A_171 = arith.constant 0 : i32
        %dma_start3A_172 = tpu.memref_slice %arg3[%dma_start3A_170, %dma_start3A_171] : memref<10000x128xf32, #tpu.memory_space<hbm>> -> memref<10000x128xf32, #tpu.memory_space<hbm>>
        tpu.enqueue_indirect_dma source(%dma_start3A_172 : memref<10000x128xf32, #tpu.memory_space<hbm>>) target(%arg16 : memref<128x128xf32, #tpu.memory_space<vmem>>) offsets(%dma_start3A_169 : memref<128xi32, #tpu.memory_space<vmem>>) semaphore(%arg21 : memref<!tpu.dma_semaphore, #tpu.memory_space<semaphore_mem>>)
      } else {
      }
      "tpu.region"() ({
        %run_scoped3A = tpu.sem_alloc : memref<!tpu.dma_semaphore, #tpu.memory_space<semaphore_mem>>
        %dma_start3A_165 = arith.constant 0 : i32
        %dma_start3A_166 = tpu.memref_slice %arg12[%add3A_117, %dma_start3A_165] : memref<40x128xi32, #tpu.memory_space<vmem>> -> memref<1x128xi32, #tpu.memory_space<vmem>>
        %dma_start3A_167 = tpu.memref_squeeze %dma_start3A_166 : memref<1x128xi32, #tpu.memory_space<vmem>> -> memref<128xi32, #tpu.memory_space<vmem>>
        %dma_start3A_168 = arith.constant 0 : i32
        %dma_start3A_169 = arith.constant 0 : i32
        %dma_start3A_170 = tpu.memref_slice %arg17[%dma_start3A_168, %dma_start3A_169] : memref<5120x128xf32, #tpu.memory_space<vmem_shared>> -> memref<5120x128xf32, #tpu.memory_space<vmem_shared>>
        tpu.enqueue_indirect_dma source(%arg14 : memref<128x128xf32, #tpu.memory_space<vmem>>) target(%dma_start3A_170 : memref<5120x128xf32, #tpu.memory_space<vmem_shared>>) offsets(%dma_start3A_167 : memref<128xi32, #tpu.memory_space<vmem>>) semaphore(%run_scoped3A : memref<!tpu.dma_semaphore, #tpu.memory_space<semaphore_mem>>) {add = true}
        %dma_wait3A_171 = arith.constant 0 : i32
        %dma_wait3A_172 = tpu.memref_slice %arg12[%add3A_117, %dma_wait3A_171] : memref<40x128xi32, #tpu.memory_space<vmem>> -> memref<1x128xi32, #tpu.memory_space<vmem>>
        %dma_wait3A_173 = tpu.memref_squeeze %dma_wait3A_172 : memref<1x128xi32, #tpu.memory_space<vmem>> -> memref<128xi32, #tpu.memory_space<vmem>>
        %dma_wait3A_174 = arith.constant 0 : i32
        %dma_wait3A_175 = arith.constant 0 : i32
        %dma_wait3A_176 = tpu.memref_slice %arg17[%dma_wait3A_174, %dma_wait3A_175] : memref<5120x128xf32, #tpu.memory_space<vmem_shared>> -> memref<5120x128xf32, #tpu.memory_space<vmem_shared>>
        tpu.wait_indirect_dma semaphore(%run_scoped3A : memref<!tpu.dma_semaphore, #tpu.memory_space<semaphore_mem>>) src(%arg14 : memref<128x128xf32, #tpu.memory_space<vmem>>) dst(%dma_wait3A_176 : memref<5120x128xf32, #tpu.memory_space<vmem_shared>>)
        tpu.yield
      }) : () -> ()
      %mul3A_131 = arith.constant 4 : i32
      %mul3A_132 = arith.muli %mul3A_131, %add3A_100 : i32
      %add3A_133 = arith.constant 2 : i32
      %add3A_134 = arith.addi %mul3A_132, %add3A_133 : i32
      %dma_wait3A_135 = arith.constant 0 : i32
      %dma_wait3A_136 = tpu.memref_slice %arg11[%add3A_134, %dma_wait3A_135] : memref<40x128xi32, #tpu.memory_space<vmem>> -> memref<1x128xi32, #tpu.memory_space<vmem>>
      %dma_wait3A_137 = tpu.memref_squeeze %dma_wait3A_136 : memref<1x128xi32, #tpu.memory_space<vmem>> -> memref<128xi32, #tpu.memory_space<vmem>>
      %dma_wait3A_138 = arith.constant 0 : i32
      %dma_wait3A_139 = arith.constant 0 : i32
      %dma_wait3A_140 = tpu.memref_slice %arg3[%dma_wait3A_138, %dma_wait3A_139] : memref<10000x128xf32, #tpu.memory_space<hbm>> -> memref<10000x128xf32, #tpu.memory_space<hbm>>
      tpu.wait_indirect_dma semaphore(%arg20 : memref<!tpu.dma_semaphore, #tpu.memory_space<semaphore_mem>>) src(%dma_wait3A_140 : memref<10000x128xf32, #tpu.memory_space<hbm>>) dst(%arg15 : memref<128x128xf32, #tpu.memory_space<vmem>>)
      %add3A_141 = arith.constant 2 : i32
      %add3A_142 = arith.addi %add3A_134, %add3A_141 : i32
      %lt3A_143 = arith.constant 40 : i32
      %lt3A_144 = arith.cmpi slt, %add3A_142, %lt3A_143 : i32
      %convert_element_type3A_145 = arith.extui %lt3A_144 : i1 to i32
      %cond3A_146 = arith.constant 0 : i32
      %cond3A_147 = arith.cmpi ne, %convert_element_type3A_145, %cond3A_146 : i32
      scf.if %cond3A_147 {
        %add3A_165 = arith.constant 2 : i32
        %add3A_166 = arith.addi %add3A_134, %add3A_165 : i32
        %dma_start3A_167 = arith.constant 0 : i32
        %dma_start3A_168 = tpu.memref_slice %arg11[%add3A_166, %dma_start3A_167] : memref<40x128xi32, #tpu.memory_space<vmem>> -> memref<1x128xi32, #tpu.memory_space<vmem>>
        %dma_start3A_169 = tpu.memref_squeeze %dma_start3A_168 : memref<1x128xi32, #tpu.memory_space<vmem>> -> memref<128xi32, #tpu.memory_space<vmem>>
        %dma_start3A_170 = arith.constant 0 : i32
        %dma_start3A_171 = arith.constant 0 : i32
        %dma_start3A_172 = tpu.memref_slice %arg3[%dma_start3A_170, %dma_start3A_171] : memref<10000x128xf32, #tpu.memory_space<hbm>> -> memref<10000x128xf32, #tpu.memory_space<hbm>>
        tpu.enqueue_indirect_dma source(%dma_start3A_172 : memref<10000x128xf32, #tpu.memory_space<hbm>>) target(%arg13 : memref<128x128xf32, #tpu.memory_space<vmem>>) offsets(%dma_start3A_169 : memref<128xi32, #tpu.memory_space<vmem>>) semaphore(%arg18 : memref<!tpu.dma_semaphore, #tpu.memory_space<semaphore_mem>>)
      } else {
      }
      "tpu.region"() ({
        %run_scoped3A = tpu.sem_alloc : memref<!tpu.dma_semaphore, #tpu.memory_space<semaphore_mem>>
        %dma_start3A_165 = arith.constant 0 : i32
        %dma_start3A_166 = tpu.memref_slice %arg12[%add3A_134, %dma_start3A_165] : memref<40x128xi32, #tpu.memory_space<vmem>> -> memref<1x128xi32, #tpu.memory_space<vmem>>
        %dma_start3A_167 = tpu.memref_squeeze %dma_start3A_166 : memref<1x128xi32, #tpu.memory_space<vmem>> -> memref<128xi32, #tpu.memory_space<vmem>>
        %dma_start3A_168 = arith.constant 0 : i32
        %dma_start3A_169 = arith.constant 0 : i32
        %dma_start3A_170 = tpu.memref_slice %arg17[%dma_start3A_168, %dma_start3A_169] : memref<5120x128xf32, #tpu.memory_space<vmem_shared>> -> memref<5120x128xf32, #tpu.memory_space<vmem_shared>>
        tpu.enqueue_indirect_dma source(%arg15 : memref<128x128xf32, #tpu.memory_space<vmem>>) target(%dma_start3A_170 : memref<5120x128xf32, #tpu.memory_space<vmem_shared>>) offsets(%dma_start3A_167 : memref<128xi32, #tpu.memory_space<vmem>>) semaphore(%run_scoped3A : memref<!tpu.dma_semaphore, #tpu.memory_space<semaphore_mem>>) {add = true}
        %dma_wait3A_171 = arith.constant 0 : i32
        %dma_wait3A_172 = tpu.memref_slice %arg12[%add3A_134, %dma_wait3A_171] : memref<40x128xi32, #tpu.memory_space<vmem>> -> memref<1x128xi32, #tpu.memory_space<vmem>>
        %dma_wait3A_173 = tpu.memref_squeeze %dma_wait3A_172 : memref<1x128xi32, #tpu.memory_space<vmem>> -> memref<128xi32, #tpu.memory_space<vmem>>
        %dma_wait3A_174 = arith.constant 0 : i32
        %dma_wait3A_175 = arith.constant 0 : i32
        %dma_wait3A_176 = tpu.memref_slice %arg17[%dma_wait3A_174, %dma_wait3A_175] : memref<5120x128xf32, #tpu.memory_space<vmem_shared>> -> memref<5120x128xf32, #tpu.memory_space<vmem_shared>>
        tpu.wait_indirect_dma semaphore(%run_scoped3A : memref<!tpu.dma_semaphore, #tpu.memory_space<semaphore_mem>>) src(%arg15 : memref<128x128xf32, #tpu.memory_space<vmem>>) dst(%dma_wait3A_176 : memref<5120x128xf32, #tpu.memory_space<vmem_shared>>)
        tpu.yield
      }) : () -> ()
      %mul3A_148 = arith.constant 4 : i32
      %mul3A_149 = arith.muli %mul3A_148, %add3A_100 : i32
      %add3A_150 = arith.constant 3 : i32
      %add3A_151 = arith.addi %mul3A_149, %add3A_150 : i32
      %dma_wait3A_152 = arith.constant 0 : i32
      %dma_wait3A_153 = tpu.memref_slice %arg11[%add3A_151, %dma_wait3A_152] : memref<40x128xi32, #tpu.memory_space<vmem>> -> memref<1x128xi32, #tpu.memory_space<vmem>>
      %dma_wait3A_154 = tpu.memref_squeeze %dma_wait3A_153 : memref<1x128xi32, #tpu.memory_space<vmem>> -> memref<128xi32, #tpu.memory_space<vmem>>
      %dma_wait3A_155 = arith.constant 0 : i32
      %dma_wait3A_156 = arith.constant 0 : i32
      %dma_wait3A_157 = tpu.memref_slice %arg3[%dma_wait3A_155, %dma_wait3A_156] : memref<10000x128xf32, #tpu.memory_space<hbm>> -> memref<10000x128xf32, #tpu.memory_space<hbm>>
      tpu.wait_indirect_dma semaphore(%arg21 : memref<!tpu.dma_semaphore, #tpu.memory_space<semaphore_mem>>) src(%dma_wait3A_157 : memref<10000x128xf32, #tpu.memory_space<hbm>>) dst(%arg16 : memref<128x128xf32, #tpu.memory_space<vmem>>)
      %add3A_158 = arith.constant 2 : i32
      %add3A_159 = arith.addi %add3A_151, %add3A_158 : i32
      %lt3A_160 = arith.constant 40 : i32
      %lt3A_161 = arith.cmpi slt, %add3A_159, %lt3A_160 : i32
      %convert_element_type3A_162 = arith.extui %lt3A_161 : i1 to i32
      %cond3A_163 = arith.constant 0 : i32
      %cond3A_164 = arith.cmpi ne, %convert_element_type3A_162, %cond3A_163 : i32
      scf.if %cond3A_164 {
        %add3A_165 = arith.constant 2 : i32
        %add3A_166 = arith.addi %add3A_151, %add3A_165 : i32
        %dma_start3A_167 = arith.constant 0 : i32
        %dma_start3A_168 = tpu.memref_slice %arg11[%add3A_166, %dma_start3A_167] : memref<40x128xi32, #tpu.memory_space<vmem>> -> memref<1x128xi32, #tpu.memory_space<vmem>>
        %dma_start3A_169 = tpu.memref_squeeze %dma_start3A_168 : memref<1x128xi32, #tpu.memory_space<vmem>> -> memref<128xi32, #tpu.memory_space<vmem>>
        %dma_start3A_170 = arith.constant 0 : i32
        %dma_start3A_171 = arith.constant 0 : i32
        %dma_start3A_172 = tpu.memref_slice %arg3[%dma_start3A_170, %dma_start3A_171] : memref<10000x128xf32, #tpu.memory_space<hbm>> -> memref<10000x128xf32, #tpu.memory_space<hbm>>
        tpu.enqueue_indirect_dma source(%dma_start3A_172 : memref<10000x128xf32, #tpu.memory_space<hbm>>) target(%arg14 : memref<128x128xf32, #tpu.memory_space<vmem>>) offsets(%dma_start3A_169 : memref<128xi32, #tpu.memory_space<vmem>>) semaphore(%arg19 : memref<!tpu.dma_semaphore, #tpu.memory_space<semaphore_mem>>)
      } else {
      }
      "tpu.region"() ({
        %run_scoped3A = tpu.sem_alloc : memref<!tpu.dma_semaphore, #tpu.memory_space<semaphore_mem>>
        %dma_start3A_165 = arith.constant 0 : i32
        %dma_start3A_166 = tpu.memref_slice %arg12[%add3A_151, %dma_start3A_165] : memref<40x128xi32, #tpu.memory_space<vmem>> -> memref<1x128xi32, #tpu.memory_space<vmem>>
        %dma_start3A_167 = tpu.memref_squeeze %dma_start3A_166 : memref<1x128xi32, #tpu.memory_space<vmem>> -> memref<128xi32, #tpu.memory_space<vmem>>
        %dma_start3A_168 = arith.constant 0 : i32
        %dma_start3A_169 = arith.constant 0 : i32
        %dma_start3A_170 = tpu.memref_slice %arg17[%dma_start3A_168, %dma_start3A_169] : memref<5120x128xf32, #tpu.memory_space<vmem_shared>> -> memref<5120x128xf32, #tpu.memory_space<vmem_shared>>
        tpu.enqueue_indirect_dma source(%arg16 : memref<128x128xf32, #tpu.memory_space<vmem>>) target(%dma_start3A_170 : memref<5120x128xf32, #tpu.memory_space<vmem_shared>>) offsets(%dma_start3A_167 : memref<128xi32, #tpu.memory_space<vmem>>) semaphore(%run_scoped3A : memref<!tpu.dma_semaphore, #tpu.memory_space<semaphore_mem>>) {add = true}
        %dma_wait3A_171 = arith.constant 0 : i32
        %dma_wait3A_172 = tpu.memref_slice %arg12[%add3A_151, %dma_wait3A_171] : memref<40x128xi32, #tpu.memory_space<vmem>> -> memref<1x128xi32, #tpu.memory_space<vmem>>
        %dma_wait3A_173 = tpu.memref_squeeze %dma_wait3A_172 : memref<1x128xi32, #tpu.memory_space<vmem>> -> memref<128xi32, #tpu.memory_space<vmem>>
        %dma_wait3A_174 = arith.constant 0 : i32
        %dma_wait3A_175 = arith.constant 0 : i32
        %dma_wait3A_176 = tpu.memref_slice %arg17[%dma_wait3A_174, %dma_wait3A_175] : memref<5120x128xf32, #tpu.memory_space<vmem_shared>> -> memref<5120x128xf32, #tpu.memory_space<vmem_shared>>
        tpu.wait_indirect_dma semaphore(%run_scoped3A : memref<!tpu.dma_semaphore, #tpu.memory_space<semaphore_mem>>) src(%arg16 : memref<128x128xf32, #tpu.memory_space<vmem>>) dst(%dma_wait3A_176 : memref<5120x128xf32, #tpu.memory_space<vmem_shared>>)
        tpu.yield
      }) : () -> ()
    }
    %scan3A_38 = arith.constant 10 : i32
    "tpu.region"() ({
      %run_scoped3A = tpu.sem_alloc : memref<!tpu.dma_semaphore, #tpu.memory_space<semaphore_mem>>
      %dma_start3A_97 = arith.constant 0 : i32
      %dma_start3A_98 = arith.constant 0 : i32
      %dma_start3A_99 = tpu.memref_slice %arg11[%dma_start3A_97, %dma_start3A_98] : memref<40x128xi32, #tpu.memory_space<vmem>> -> memref<40x128xi32, #tpu.memory_space<vmem>>
      %dma_start3A_100 = arith.constant 40 : i32
      %dma_start3A_101 = arith.constant 0 : i32
      %dma_start3A_102 = tpu.memref_slice %arg6[%arg1, %dma_start3A_100, %dma_start3A_101] : memref<16x160x128xi32, #tpu.memory_space<hbm>> -> memref<1x40x128xi32, #tpu.memory_space<hbm>>
      %dma_start3A_103 = tpu.memref_squeeze %dma_start3A_102 : memref<1x40x128xi32, #tpu.memory_space<hbm>> -> memref<40x128xi32, #tpu.memory_space<hbm>>
      %dma_start3A_104 = arith.constant 0 : i32
      %dma_start3A_105 = arith.constant 0 : i32
      %dma_start3A_106 = tpu.memref_slice %arg11[%dma_start3A_104, %dma_start3A_105] : memref<40x128xi32, #tpu.memory_space<vmem>> -> memref<40x128xi32, #tpu.memory_space<vmem>>
      %dma_start3A_107 = arith.constant 40 : i32
      %dma_start3A_108 = arith.constant 0 : i32
      %dma_start3A_109 = tpu.memref_slice %arg6[%arg1, %dma_start3A_107, %dma_start3A_108] : memref<16x160x128xi32, #tpu.memory_space<hbm>> -> memref<1x40x128xi32, #tpu.memory_space<hbm>>
      %dma_start3A_110 = tpu.memref_squeeze %dma_start3A_109 : memref<1x40x128xi32, #tpu.memory_space<hbm>> -> memref<40x128xi32, #tpu.memory_space<hbm>>
      tpu.enqueue_dma source(%dma_start3A_110 : memref<40x128xi32, #tpu.memory_space<hbm>>) target(%dma_start3A_106 : memref<40x128xi32, #tpu.memory_space<vmem>>) target_semaphore(%run_scoped3A : memref<!tpu.dma_semaphore, #tpu.memory_space<semaphore_mem>>)
      %dma_wait3A = arith.constant 0 : i32
      %dma_wait3A_111 = arith.constant 0 : i32
      %dma_wait3A_112 = tpu.memref_slice %arg11[%dma_wait3A, %dma_wait3A_111] : memref<40x128xi32, #tpu.memory_space<vmem>> -> memref<40x128xi32, #tpu.memory_space<vmem>>
      %dma_wait3A_113 = arith.constant 40 : i32
      %dma_wait3A_114 = arith.constant 0 : i32
      %dma_wait3A_115 = tpu.memref_slice %arg6[%arg1, %dma_wait3A_113, %dma_wait3A_114] : memref<16x160x128xi32, #tpu.memory_space<hbm>> -> memref<1x40x128xi32, #tpu.memory_space<hbm>>
      %dma_wait3A_116 = tpu.memref_squeeze %dma_wait3A_115 : memref<1x40x128xi32, #tpu.memory_space<hbm>> -> memref<40x128xi32, #tpu.memory_space<hbm>>
      %dma_wait3A_117 = arith.constant 0 : i32
      %dma_wait3A_118 = arith.constant 0 : i32
      %dma_wait3A_119 = tpu.memref_slice %arg11[%dma_wait3A_117, %dma_wait3A_118] : memref<40x128xi32, #tpu.memory_space<vmem>> -> memref<40x128xi32, #tpu.memory_space<vmem>>
      %dma_wait3A_120 = arith.constant 40 : i32
      %dma_wait3A_121 = arith.constant 0 : i32
      %dma_wait3A_122 = tpu.memref_slice %arg6[%arg1, %dma_wait3A_120, %dma_wait3A_121] : memref<16x160x128xi32, #tpu.memory_space<hbm>> -> memref<1x40x128xi32, #tpu.memory_space<hbm>>
      %dma_wait3A_123 = tpu.memref_squeeze %dma_wait3A_122 : memref<1x40x128xi32, #tpu.memory_space<hbm>> -> memref<40x128xi32, #tpu.memory_space<hbm>>
      tpu.wait_dma2 semaphore(%run_scoped3A : memref<!tpu.dma_semaphore, #tpu.memory_space<semaphore_mem>>) src(%dma_wait3A_123 : memref<40x128xi32, #tpu.memory_space<hbm>>) dst(%dma_wait3A_119 : memref<40x128xi32, #tpu.memory_space<vmem>>)
      tpu.yield
    }) : () -> ()
    "tpu.region"() ({
      %run_scoped3A = tpu.sem_alloc : memref<!tpu.dma_semaphore, #tpu.memory_space<semaphore_mem>>
      %dma_start3A_97 = arith.constant 0 : i32
      %dma_start3A_98 = arith.constant 0 : i32
      %dma_start3A_99 = tpu.memref_slice %arg12[%dma_start3A_97, %dma_start3A_98] : memref<40x128xi32, #tpu.memory_space<vmem>> -> memref<40x128xi32, #tpu.memory_space<vmem>>
      %dma_start3A_100 = arith.constant 40 : i32
      %dma_start3A_101 = arith.constant 0 : i32
      %dma_start3A_102 = tpu.memref_slice %arg7[%arg0, %arg1, %dma_start3A_100, %dma_start3A_101] : memref<2x16x160x128xi32, #tpu.memory_space<hbm>> -> memref<1x1x40x128xi32, #tpu.memory_space<hbm>>
      %dma_start3A_103 = tpu.memref_squeeze %dma_start3A_102 : memref<1x1x40x128xi32, #tpu.memory_space<hbm>> -> memref<40x128xi32, #tpu.memory_space<hbm>>
      %dma_start3A_104 = arith.constant 0 : i32
      %dma_start3A_105 = arith.constant 0 : i32
      %dma_start3A_106 = tpu.memref_slice %arg12[%dma_start3A_104, %dma_start3A_105] : memref<40x128xi32, #tpu.memory_space<vmem>> -> memref<40x128xi32, #tpu.memory_space<vmem>>
      %dma_start3A_107 = arith.constant 40 : i32
      %dma_start3A_108 = arith.constant 0 : i32
      %dma_start3A_109 = tpu.memref_slice %arg7[%arg0, %arg1, %dma_start3A_107, %dma_start3A_108] : memref<2x16x160x128xi32, #tpu.memory_space<hbm>> -> memref<1x1x40x128xi32, #tpu.memory_space<hbm>>
      %dma_start3A_110 = tpu.memref_squeeze %dma_start3A_109 : memref<1x1x40x128xi32, #tpu.memory_space<hbm>> -> memref<40x128xi32, #tpu.memory_space<hbm>>
      tpu.enqueue_dma source(%dma_start3A_110 : memref<40x128xi32, #tpu.memory_space<hbm>>) target(%dma_start3A_106 : memref<40x128xi32, #tpu.memory_space<vmem>>) target_semaphore(%run_scoped3A : memref<!tpu.dma_semaphore, #tpu.memory_space<semaphore_mem>>)
      %dma_wait3A = arith.constant 0 : i32
      %dma_wait3A_111 = arith.constant 0 : i32
      %dma_wait3A_112 = tpu.memref_slice %arg12[%dma_wait3A, %dma_wait3A_111] : memref<40x128xi32, #tpu.memory_space<vmem>> -> memref<40x128xi32, #tpu.memory_space<vmem>>
      %dma_wait3A_113 = arith.constant 40 : i32
      %dma_wait3A_114 = arith.constant 0 : i32
      %dma_wait3A_115 = tpu.memref_slice %arg7[%arg0, %arg1, %dma_wait3A_113, %dma_wait3A_114] : memref<2x16x160x128xi32, #tpu.memory_space<hbm>> -> memref<1x1x40x128xi32, #tpu.memory_space<hbm>>
      %dma_wait3A_116 = tpu.memref_squeeze %dma_wait3A_115 : memref<1x1x40x128xi32, #tpu.memory_space<hbm>> -> memref<40x128xi32, #tpu.memory_space<hbm>>
      %dma_wait3A_117 = arith.constant 0 : i32
      %dma_wait3A_118 = arith.constant 0 : i32
      %dma_wait3A_119 = tpu.memref_slice %arg12[%dma_wait3A_117, %dma_wait3A_118] : memref<40x128xi32, #tpu.memory_space<vmem>> -> memref<40x128xi32, #tpu.memory_space<vmem>>
      %dma_wait3A_120 = arith.constant 40 : i32
      %dma_wait3A_121 = arith.constant 0 : i32
      %dma_wait3A_122 = tpu.memref_slice %arg7[%arg0, %arg1, %dma_wait3A_120, %dma_wait3A_121] : memref<2x16x160x128xi32, #tpu.memory_space<hbm>> -> memref<1x1x40x128xi32, #tpu.memory_space<hbm>>
      %dma_wait3A_123 = tpu.memref_squeeze %dma_wait3A_122 : memref<1x1x40x128xi32, #tpu.memory_space<hbm>> -> memref<40x128xi32, #tpu.memory_space<hbm>>
      tpu.wait_dma2 semaphore(%run_scoped3A : memref<!tpu.dma_semaphore, #tpu.memory_space<semaphore_mem>>) src(%dma_wait3A_123 : memref<40x128xi32, #tpu.memory_space<hbm>>) dst(%dma_wait3A_119 : memref<40x128xi32, #tpu.memory_space<vmem>>)
      tpu.yield
    }) : () -> ()
    %dma_start3A_39 = arith.constant 0 : i32
    %dma_start3A_40 = arith.constant 0 : i32
    %dma_start3A_41 = tpu.memref_slice %arg11[%dma_start3A_39, %dma_start3A_40] : memref<40x128xi32, #tpu.memory_space<vmem>> -> memref<1x128xi32, #tpu.memory_space<vmem>>
    %dma_start3A_42 = tpu.memref_squeeze %dma_start3A_41 : memref<1x128xi32, #tpu.memory_space<vmem>> -> memref<128xi32, #tpu.memory_space<vmem>>
    %dma_start3A_43 = arith.constant 0 : i32
    %dma_start3A_44 = arith.constant 0 : i32
    %dma_start3A_45 = tpu.memref_slice %arg3[%dma_start3A_43, %dma_start3A_44] : memref<10000x128xf32, #tpu.memory_space<hbm>> -> memref<10000x128xf32, #tpu.memory_space<hbm>>
    tpu.enqueue_indirect_dma source(%dma_start3A_45 : memref<10000x128xf32, #tpu.memory_space<hbm>>) target(%arg13 : memref<128x128xf32, #tpu.memory_space<vmem>>) offsets(%dma_start3A_42 : memref<128xi32, #tpu.memory_space<vmem>>) semaphore(%arg18 : memref<!tpu.dma_semaphore, #tpu.memory_space<semaphore_mem>>)
    %dma_start3A_46 = arith.constant 1 : i32
    %dma_start3A_47 = arith.constant 0 : i32
    %dma_start3A_48 = tpu.memref_slice %arg11[%dma_start3A_46, %dma_start3A_47] : memref<40x128xi32, #tpu.memory_space<vmem>> -> memref<1x128xi32, #tpu.memory_space<vmem>>
    %dma_start3A_49 = tpu.memref_squeeze %dma_start3A_48 : memref<1x128xi32, #tpu.memory_space<vmem>> -> memref<128xi32, #tpu.memory_space<vmem>>
    %dma_start3A_50 = arith.constant 0 : i32
    %dma_start3A_51 = arith.constant 0 : i32
    %dma_start3A_52 = tpu.memref_slice %arg3[%dma_start3A_50, %dma_start3A_51] : memref<10000x128xf32, #tpu.memory_space<hbm>> -> memref<10000x128xf32, #tpu.memory_space<hbm>>
    tpu.enqueue_indirect_dma source(%dma_start3A_52 : memref<10000x128xf32, #tpu.memory_space<hbm>>) target(%arg14 : memref<128x128xf32, #tpu.memory_space<vmem>>) offsets(%dma_start3A_49 : memref<128xi32, #tpu.memory_space<vmem>>) semaphore(%arg19 : memref<!tpu.dma_semaphore, #tpu.memory_space<semaphore_mem>>)
    %scan3A_53 = arith.constant 0 : i32
    %scan3A_54 = arith.constant 10 : i32
    %scan3A_55 = arith.addi %scan3A_53, %scan3A_54 : i32
    %scan3A_56 = arith.constant 1 : i32
    scf.for %scan3A_97 = %scan3A_53 to %scan3A_55 step %scan3A_56  : i32 {
      %mul3A_98 = arith.constant 1 : i32
      %mul3A_99 = arith.muli %scan3A_97, %mul3A_98 : i32
      %add3A = arith.constant 0 : i32
      %add3A_100 = arith.addi %add3A, %mul3A_99 : i32
      %mul3A_101 = arith.constant 4 : i32
      %mul3A_102 = arith.muli %mul3A_101, %add3A_100 : i32
      %add3A_103 = arith.constant 0 : i32
      %add3A_104 = arith.addi %mul3A_102, %add3A_103 : i32
      %dma_wait3A = arith.constant 0 : i32
      %dma_wait3A_105 = tpu.memref_slice %arg11[%add3A_104, %dma_wait3A] : memref<40x128xi32, #tpu.memory_space<vmem>> -> memref<1x128xi32, #tpu.memory_space<vmem>>
      %dma_wait3A_106 = tpu.memref_squeeze %dma_wait3A_105 : memref<1x128xi32, #tpu.memory_space<vmem>> -> memref<128xi32, #tpu.memory_space<vmem>>
      %dma_wait3A_107 = arith.constant 0 : i32
      %dma_wait3A_108 = arith.constant 0 : i32
      %dma_wait3A_109 = tpu.memref_slice %arg3[%dma_wait3A_107, %dma_wait3A_108] : memref<10000x128xf32, #tpu.memory_space<hbm>> -> memref<10000x128xf32, #tpu.memory_space<hbm>>
      tpu.wait_indirect_dma semaphore(%arg18 : memref<!tpu.dma_semaphore, #tpu.memory_space<semaphore_mem>>) src(%dma_wait3A_109 : memref<10000x128xf32, #tpu.memory_space<hbm>>) dst(%arg13 : memref<128x128xf32, #tpu.memory_space<vmem>>)
      %add3A_110 = arith.constant 2 : i32
      %add3A_111 = arith.addi %add3A_104, %add3A_110 : i32
      %lt3A = arith.constant 40 : i32
      %lt3A_112 = arith.cmpi slt, %add3A_111, %lt3A : i32
      %convert_element_type3A = arith.extui %lt3A_112 : i1 to i32
      %cond3A = arith.constant 0 : i32
      %cond3A_113 = arith.cmpi ne, %convert_element_type3A, %cond3A : i32
      scf.if %cond3A_113 {
        %add3A_165 = arith.constant 2 : i32
        %add3A_166 = arith.addi %add3A_104, %add3A_165 : i32
        %dma_start3A_167 = arith.constant 0 : i32
        %dma_start3A_168 = tpu.memref_slice %arg11[%add3A_166, %dma_start3A_167] : memref<40x128xi32, #tpu.memory_space<vmem>> -> memref<1x128xi32, #tpu.memory_space<vmem>>
        %dma_start3A_169 = tpu.memref_squeeze %dma_start3A_168 : memref<1x128xi32, #tpu.memory_space<vmem>> -> memref<128xi32, #tpu.memory_space<vmem>>
        %dma_start3A_170 = arith.constant 0 : i32
        %dma_start3A_171 = arith.constant 0 : i32
        %dma_start3A_172 = tpu.memref_slice %arg3[%dma_start3A_170, %dma_start3A_171] : memref<10000x128xf32, #tpu.memory_space<hbm>> -> memref<10000x128xf32, #tpu.memory_space<hbm>>
        tpu.enqueue_indirect_dma source(%dma_start3A_172 : memref<10000x128xf32, #tpu.memory_space<hbm>>) target(%arg15 : memref<128x128xf32, #tpu.memory_space<vmem>>) offsets(%dma_start3A_169 : memref<128xi32, #tpu.memory_space<vmem>>) semaphore(%arg20 : memref<!tpu.dma_semaphore, #tpu.memory_space<semaphore_mem>>)
      } else {
      }
      "tpu.region"() ({
        %run_scoped3A = tpu.sem_alloc : memref<!tpu.dma_semaphore, #tpu.memory_space<semaphore_mem>>
        %dma_start3A_165 = arith.constant 0 : i32
        %dma_start3A_166 = tpu.memref_slice %arg12[%add3A_104, %dma_start3A_165] : memref<40x128xi32, #tpu.memory_space<vmem>> -> memref<1x128xi32, #tpu.memory_space<vmem>>
        %dma_start3A_167 = tpu.memref_squeeze %dma_start3A_166 : memref<1x128xi32, #tpu.memory_space<vmem>> -> memref<128xi32, #tpu.memory_space<vmem>>
        %dma_start3A_168 = arith.constant 0 : i32
        %dma_start3A_169 = arith.constant 0 : i32
        %dma_start3A_170 = tpu.memref_slice %arg17[%dma_start3A_168, %dma_start3A_169] : memref<5120x128xf32, #tpu.memory_space<vmem_shared>> -> memref<5120x128xf32, #tpu.memory_space<vmem_shared>>
        tpu.enqueue_indirect_dma source(%arg13 : memref<128x128xf32, #tpu.memory_space<vmem>>) target(%dma_start3A_170 : memref<5120x128xf32, #tpu.memory_space<vmem_shared>>) offsets(%dma_start3A_167 : memref<128xi32, #tpu.memory_space<vmem>>) semaphore(%run_scoped3A : memref<!tpu.dma_semaphore, #tpu.memory_space<semaphore_mem>>) {add = true}
        %dma_wait3A_171 = arith.constant 0 : i32
        %dma_wait3A_172 = tpu.memref_slice %arg12[%add3A_104, %dma_wait3A_171] : memref<40x128xi32, #tpu.memory_space<vmem>> -> memref<1x128xi32, #tpu.memory_space<vmem>>
        %dma_wait3A_173 = tpu.memref_squeeze %dma_wait3A_172 : memref<1x128xi32, #tpu.memory_space<vmem>> -> memref<128xi32, #tpu.memory_space<vmem>>
        %dma_wait3A_174 = arith.constant 0 : i32
        %dma_wait3A_175 = arith.constant 0 : i32
        %dma_wait3A_176 = tpu.memref_slice %arg17[%dma_wait3A_174, %dma_wait3A_175] : memref<5120x128xf32, #tpu.memory_space<vmem_shared>> -> memref<5120x128xf32, #tpu.memory_space<vmem_shared>>
        tpu.wait_indirect_dma semaphore(%run_scoped3A : memref<!tpu.dma_semaphore, #tpu.memory_space<semaphore_mem>>) src(%arg13 : memref<128x128xf32, #tpu.memory_space<vmem>>) dst(%dma_wait3A_176 : memref<5120x128xf32, #tpu.memory_space<vmem_shared>>)
        tpu.yield
      }) : () -> ()
      %mul3A_114 = arith.constant 4 : i32
      %mul3A_115 = arith.muli %mul3A_114, %add3A_100 : i32
      %add3A_116 = arith.constant 1 : i32
      %add3A_117 = arith.addi %mul3A_115, %add3A_116 : i32
      %dma_wait3A_118 = arith.constant 0 : i32
      %dma_wait3A_119 = tpu.memref_slice %arg11[%add3A_117, %dma_wait3A_118] : memref<40x128xi32, #tpu.memory_space<vmem>> -> memref<1x128xi32, #tpu.memory_space<vmem>>
      %dma_wait3A_120 = tpu.memref_squeeze %dma_wait3A_119 : memref<1x128xi32, #tpu.memory_space<vmem>> -> memref<128xi32, #tpu.memory_space<vmem>>
      %dma_wait3A_121 = arith.constant 0 : i32
      %dma_wait3A_122 = arith.constant 0 : i32
      %dma_wait3A_123 = tpu.memref_slice %arg3[%dma_wait3A_121, %dma_wait3A_122] : memref<10000x128xf32, #tpu.memory_space<hbm>> -> memref<10000x128xf32, #tpu.memory_space<hbm>>
      tpu.wait_indirect_dma semaphore(%arg19 : memref<!tpu.dma_semaphore, #tpu.memory_space<semaphore_mem>>) src(%dma_wait3A_123 : memref<10000x128xf32, #tpu.memory_space<hbm>>) dst(%arg14 : memref<128x128xf32, #tpu.memory_space<vmem>>)
      %add3A_124 = arith.constant 2 : i32
      %add3A_125 = arith.addi %add3A_117, %add3A_124 : i32
      %lt3A_126 = arith.constant 40 : i32
      %lt3A_127 = arith.cmpi slt, %add3A_125, %lt3A_126 : i32
      %convert_element_type3A_128 = arith.extui %lt3A_127 : i1 to i32
      %cond3A_129 = arith.constant 0 : i32
      %cond3A_130 = arith.cmpi ne, %convert_element_type3A_128, %cond3A_129 : i32
      scf.if %cond3A_130 {
        %add3A_165 = arith.constant 2 : i32
        %add3A_166 = arith.addi %add3A_117, %add3A_165 : i32
        %dma_start3A_167 = arith.constant 0 : i32
        %dma_start3A_168 = tpu.memref_slice %arg11[%add3A_166, %dma_start3A_167] : memref<40x128xi32, #tpu.memory_space<vmem>> -> memref<1x128xi32, #tpu.memory_space<vmem>>
        %dma_start3A_169 = tpu.memref_squeeze %dma_start3A_168 : memref<1x128xi32, #tpu.memory_space<vmem>> -> memref<128xi32, #tpu.memory_space<vmem>>
        %dma_start3A_170 = arith.constant 0 : i32
        %dma_start3A_171 = arith.constant 0 : i32
        %dma_start3A_172 = tpu.memref_slice %arg3[%dma_start3A_170, %dma_start3A_171] : memref<10000x128xf32, #tpu.memory_space<hbm>> -> memref<10000x128xf32, #tpu.memory_space<hbm>>
        tpu.enqueue_indirect_dma source(%dma_start3A_172 : memref<10000x128xf32, #tpu.memory_space<hbm>>) target(%arg16 : memref<128x128xf32, #tpu.memory_space<vmem>>) offsets(%dma_start3A_169 : memref<128xi32, #tpu.memory_space<vmem>>) semaphore(%arg21 : memref<!tpu.dma_semaphore, #tpu.memory_space<semaphore_mem>>)
      } else {
      }
      "tpu.region"() ({
        %run_scoped3A = tpu.sem_alloc : memref<!tpu.dma_semaphore, #tpu.memory_space<semaphore_mem>>
        %dma_start3A_165 = arith.constant 0 : i32
        %dma_start3A_166 = tpu.memref_slice %arg12[%add3A_117, %dma_start3A_165] : memref<40x128xi32, #tpu.memory_space<vmem>> -> memref<1x128xi32, #tpu.memory_space<vmem>>
        %dma_start3A_167 = tpu.memref_squeeze %dma_start3A_166 : memref<1x128xi32, #tpu.memory_space<vmem>> -> memref<128xi32, #tpu.memory_space<vmem>>
        %dma_start3A_168 = arith.constant 0 : i32
        %dma_start3A_169 = arith.constant 0 : i32
        %dma_start3A_170 = tpu.memref_slice %arg17[%dma_start3A_168, %dma_start3A_169] : memref<5120x128xf32, #tpu.memory_space<vmem_shared>> -> memref<5120x128xf32, #tpu.memory_space<vmem_shared>>
        tpu.enqueue_indirect_dma source(%arg14 : memref<128x128xf32, #tpu.memory_space<vmem>>) target(%dma_start3A_170 : memref<5120x128xf32, #tpu.memory_space<vmem_shared>>) offsets(%dma_start3A_167 : memref<128xi32, #tpu.memory_space<vmem>>) semaphore(%run_scoped3A : memref<!tpu.dma_semaphore, #tpu.memory_space<semaphore_mem>>) {add = true}
        %dma_wait3A_171 = arith.constant 0 : i32
        %dma_wait3A_172 = tpu.memref_slice %arg12[%add3A_117, %dma_wait3A_171] : memref<40x128xi32, #tpu.memory_space<vmem>> -> memref<1x128xi32, #tpu.memory_space<vmem>>
        %dma_wait3A_173 = tpu.memref_squeeze %dma_wait3A_172 : memref<1x128xi32, #tpu.memory_space<vmem>> -> memref<128xi32, #tpu.memory_space<vmem>>
        %dma_wait3A_174 = arith.constant 0 : i32
        %dma_wait3A_175 = arith.constant 0 : i32
        %dma_wait3A_176 = tpu.memref_slice %arg17[%dma_wait3A_174, %dma_wait3A_175] : memref<5120x128xf32, #tpu.memory_space<vmem_shared>> -> memref<5120x128xf32, #tpu.memory_space<vmem_shared>>
        tpu.wait_indirect_dma semaphore(%run_scoped3A : memref<!tpu.dma_semaphore, #tpu.memory_space<semaphore_mem>>) src(%arg14 : memref<128x128xf32, #tpu.memory_space<vmem>>) dst(%dma_wait3A_176 : memref<5120x128xf32, #tpu.memory_space<vmem_shared>>)
        tpu.yield
      }) : () -> ()
      %mul3A_131 = arith.constant 4 : i32
      %mul3A_132 = arith.muli %mul3A_131, %add3A_100 : i32
      %add3A_133 = arith.constant 2 : i32
      %add3A_134 = arith.addi %mul3A_132, %add3A_133 : i32
      %dma_wait3A_135 = arith.constant 0 : i32
      %dma_wait3A_136 = tpu.memref_slice %arg11[%add3A_134, %dma_wait3A_135] : memref<40x128xi32, #tpu.memory_space<vmem>> -> memref<1x128xi32, #tpu.memory_space<vmem>>
      %dma_wait3A_137 = tpu.memref_squeeze %dma_wait3A_136 : memref<1x128xi32, #tpu.memory_space<vmem>> -> memref<128xi32, #tpu.memory_space<vmem>>
      %dma_wait3A_138 = arith.constant 0 : i32
      %dma_wait3A_139 = arith.constant 0 : i32
      %dma_wait3A_140 = tpu.memref_slice %arg3[%dma_wait3A_138, %dma_wait3A_139] : memref<10000x128xf32, #tpu.memory_space<hbm>> -> memref<10000x128xf32, #tpu.memory_space<hbm>>
      tpu.wait_indirect_dma semaphore(%arg20 : memref<!tpu.dma_semaphore, #tpu.memory_space<semaphore_mem>>) src(%dma_wait3A_140 : memref<10000x128xf32, #tpu.memory_space<hbm>>) dst(%arg15 : memref<128x128xf32, #tpu.memory_space<vmem>>)
      %add3A_141 = arith.constant 2 : i32
      %add3A_142 = arith.addi %add3A_134, %add3A_141 : i32
      %lt3A_143 = arith.constant 40 : i32
      %lt3A_144 = arith.cmpi slt, %add3A_142, %lt3A_143 : i32
      %convert_element_type3A_145 = arith.extui %lt3A_144 : i1 to i32
      %cond3A_146 = arith.constant 0 : i32
      %cond3A_147 = arith.cmpi ne, %convert_element_type3A_145, %cond3A_146 : i32
      scf.if %cond3A_147 {
        %add3A_165 = arith.constant 2 : i32
        %add3A_166 = arith.addi %add3A_134, %add3A_165 : i32
        %dma_start3A_167 = arith.constant 0 : i32
        %dma_start3A_168 = tpu.memref_slice %arg11[%add3A_166, %dma_start3A_167] : memref<40x128xi32, #tpu.memory_space<vmem>> -> memref<1x128xi32, #tpu.memory_space<vmem>>
        %dma_start3A_169 = tpu.memref_squeeze %dma_start3A_168 : memref<1x128xi32, #tpu.memory_space<vmem>> -> memref<128xi32, #tpu.memory_space<vmem>>
        %dma_start3A_170 = arith.constant 0 : i32
        %dma_start3A_171 = arith.constant 0 : i32
        %dma_start3A_172 = tpu.memref_slice %arg3[%dma_start3A_170, %dma_start3A_171] : memref<10000x128xf32, #tpu.memory_space<hbm>> -> memref<10000x128xf32, #tpu.memory_space<hbm>>
        tpu.enqueue_indirect_dma source(%dma_start3A_172 : memref<10000x128xf32, #tpu.memory_space<hbm>>) target(%arg13 : memref<128x128xf32, #tpu.memory_space<vmem>>) offsets(%dma_start3A_169 : memref<128xi32, #tpu.memory_space<vmem>>) semaphore(%arg18 : memref<!tpu.dma_semaphore, #tpu.memory_space<semaphore_mem>>)
      } else {
      }
      "tpu.region"() ({
        %run_scoped3A = tpu.sem_alloc : memref<!tpu.dma_semaphore, #tpu.memory_space<semaphore_mem>>
        %dma_start3A_165 = arith.constant 0 : i32
        %dma_start3A_166 = tpu.memref_slice %arg12[%add3A_134, %dma_start3A_165] : memref<40x128xi32, #tpu.memory_space<vmem>> -> memref<1x128xi32, #tpu.memory_space<vmem>>
        %dma_start3A_167 = tpu.memref_squeeze %dma_start3A_166 : memref<1x128xi32, #tpu.memory_space<vmem>> -> memref<128xi32, #tpu.memory_space<vmem>>
        %dma_start3A_168 = arith.constant 0 : i32
        %dma_start3A_169 = arith.constant 0 : i32
        %dma_start3A_170 = tpu.memref_slice %arg17[%dma_start3A_168, %dma_start3A_169] : memref<5120x128xf32, #tpu.memory_space<vmem_shared>> -> memref<5120x128xf32, #tpu.memory_space<vmem_shared>>
        tpu.enqueue_indirect_dma source(%arg15 : memref<128x128xf32, #tpu.memory_space<vmem>>) target(%dma_start3A_170 : memref<5120x128xf32, #tpu.memory_space<vmem_shared>>) offsets(%dma_start3A_167 : memref<128xi32, #tpu.memory_space<vmem>>) semaphore(%run_scoped3A : memref<!tpu.dma_semaphore, #tpu.memory_space<semaphore_mem>>) {add = true}
        %dma_wait3A_171 = arith.constant 0 : i32
        %dma_wait3A_172 = tpu.memref_slice %arg12[%add3A_134, %dma_wait3A_171] : memref<40x128xi32, #tpu.memory_space<vmem>> -> memref<1x128xi32, #tpu.memory_space<vmem>>
        %dma_wait3A_173 = tpu.memref_squeeze %dma_wait3A_172 : memref<1x128xi32, #tpu.memory_space<vmem>> -> memref<128xi32, #tpu.memory_space<vmem>>
        %dma_wait3A_174 = arith.constant 0 : i32
        %dma_wait3A_175 = arith.constant 0 : i32
        %dma_wait3A_176 = tpu.memref_slice %arg17[%dma_wait3A_174, %dma_wait3A_175] : memref<5120x128xf32, #tpu.memory_space<vmem_shared>> -> memref<5120x128xf32, #tpu.memory_space<vmem_shared>>
        tpu.wait_indirect_dma semaphore(%run_scoped3A : memref<!tpu.dma_semaphore, #tpu.memory_space<semaphore_mem>>) src(%arg15 : memref<128x128xf32, #tpu.memory_space<vmem>>) dst(%dma_wait3A_176 : memref<5120x128xf32, #tpu.memory_space<vmem_shared>>)
        tpu.yield
      }) : () -> ()
      %mul3A_148 = arith.constant 4 : i32
      %mul3A_149 = arith.muli %mul3A_148, %add3A_100 : i32
      %add3A_150 = arith.constant 3 : i32
      %add3A_151 = arith.addi %mul3A_149, %add3A_150 : i32
      %dma_wait3A_152 = arith.constant 0 : i32
      %dma_wait3A_153 = tpu.memref_slice %arg11[%add3A_151, %dma_wait3A_152] : memref<40x128xi32, #tpu.memory_space<vmem>> -> memref<1x128xi32, #tpu.memory_space<vmem>>
      %dma_wait3A_154 = tpu.memref_squeeze %dma_wait3A_153 : memref<1x128xi32, #tpu.memory_space<vmem>> -> memref<128xi32, #tpu.memory_space<vmem>>
      %dma_wait3A_155 = arith.constant 0 : i32
      %dma_wait3A_156 = arith.constant 0 : i32
      %dma_wait3A_157 = tpu.memref_slice %arg3[%dma_wait3A_155, %dma_wait3A_156] : memref<10000x128xf32, #tpu.memory_space<hbm>> -> memref<10000x128xf32, #tpu.memory_space<hbm>>
      tpu.wait_indirect_dma semaphore(%arg21 : memref<!tpu.dma_semaphore, #tpu.memory_space<semaphore_mem>>) src(%dma_wait3A_157 : memref<10000x128xf32, #tpu.memory_space<hbm>>) dst(%arg16 : memref<128x128xf32, #tpu.memory_space<vmem>>)
      %add3A_158 = arith.constant 2 : i32
      %add3A_159 = arith.addi %add3A_151, %add3A_158 : i32
      %lt3A_160 = arith.constant 40 : i32
      %lt3A_161 = arith.cmpi slt, %add3A_159, %lt3A_160 : i32
      %convert_element_type3A_162 = arith.extui %lt3A_161 : i1 to i32
      %cond3A_163 = arith.constant 0 : i32
      %cond3A_164 = arith.cmpi ne, %convert_element_type3A_162, %cond3A_163 : i32
      scf.if %cond3A_164 {
        %add3A_165 = arith.constant 2 : i32
        %add3A_166 = arith.addi %add3A_151, %add3A_165 : i32
        %dma_start3A_167 = arith.constant 0 : i32
        %dma_start3A_168 = tpu.memref_slice %arg11[%add3A_166, %dma_start3A_167] : memref<40x128xi32, #tpu.memory_space<vmem>> -> memref<1x128xi32, #tpu.memory_space<vmem>>
        %dma_start3A_169 = tpu.memref_squeeze %dma_start3A_168 : memref<1x128xi32, #tpu.memory_space<vmem>> -> memref<128xi32, #tpu.memory_space<vmem>>
        %dma_start3A_170 = arith.constant 0 : i32
        %dma_start3A_171 = arith.constant 0 : i32
        %dma_start3A_172 = tpu.memref_slice %arg3[%dma_start3A_170, %dma_start3A_171] : memref<10000x128xf32, #tpu.memory_space<hbm>> -> memref<10000x128xf32, #tpu.memory_space<hbm>>
        tpu.enqueue_indirect_dma source(%dma_start3A_172 : memref<10000x128xf32, #tpu.memory_space<hbm>>) target(%arg14 : memref<128x128xf32, #tpu.memory_space<vmem>>) offsets(%dma_start3A_169 : memref<128xi32, #tpu.memory_space<vmem>>) semaphore(%arg19 : memref<!tpu.dma_semaphore, #tpu.memory_space<semaphore_mem>>)
      } else {
      }
      "tpu.region"() ({
        %run_scoped3A = tpu.sem_alloc : memref<!tpu.dma_semaphore, #tpu.memory_space<semaphore_mem>>
        %dma_start3A_165 = arith.constant 0 : i32
        %dma_start3A_166 = tpu.memref_slice %arg12[%add3A_151, %dma_start3A_165] : memref<40x128xi32, #tpu.memory_space<vmem>> -> memref<1x128xi32, #tpu.memory_space<vmem>>
        %dma_start3A_167 = tpu.memref_squeeze %dma_start3A_166 : memref<1x128xi32, #tpu.memory_space<vmem>> -> memref<128xi32, #tpu.memory_space<vmem>>
        %dma_start3A_168 = arith.constant 0 : i32
        %dma_start3A_169 = arith.constant 0 : i32
        %dma_start3A_170 = tpu.memref_slice %arg17[%dma_start3A_168, %dma_start3A_169] : memref<5120x128xf32, #tpu.memory_space<vmem_shared>> -> memref<5120x128xf32, #tpu.memory_space<vmem_shared>>
        tpu.enqueue_indirect_dma source(%arg16 : memref<128x128xf32, #tpu.memory_space<vmem>>) target(%dma_start3A_170 : memref<5120x128xf32, #tpu.memory_space<vmem_shared>>) offsets(%dma_start3A_167 : memref<128xi32, #tpu.memory_space<vmem>>) semaphore(%run_scoped3A : memref<!tpu.dma_semaphore, #tpu.memory_space<semaphore_mem>>) {add = true}
        %dma_wait3A_171 = arith.constant 0 : i32
        %dma_wait3A_172 = tpu.memref_slice %arg12[%add3A_151, %dma_wait3A_171] : memref<40x128xi32, #tpu.memory_space<vmem>> -> memref<1x128xi32, #tpu.memory_space<vmem>>
        %dma_wait3A_173 = tpu.memref_squeeze %dma_wait3A_172 : memref<1x128xi32, #tpu.memory_space<vmem>> -> memref<128xi32, #tpu.memory_space<vmem>>
        %dma_wait3A_174 = arith.constant 0 : i32
        %dma_wait3A_175 = arith.constant 0 : i32
        %dma_wait3A_176 = tpu.memref_slice %arg17[%dma_wait3A_174, %dma_wait3A_175] : memref<5120x128xf32, #tpu.memory_space<vmem_shared>> -> memref<5120x128xf32, #tpu.memory_space<vmem_shared>>
        tpu.wait_indirect_dma semaphore(%run_scoped3A : memref<!tpu.dma_semaphore, #tpu.memory_space<semaphore_mem>>) src(%arg16 : memref<128x128xf32, #tpu.memory_space<vmem>>) dst(%dma_wait3A_176 : memref<5120x128xf32, #tpu.memory_space<vmem_shared>>)
        tpu.yield
      }) : () -> ()
    }
    %scan3A_57 = arith.constant 10 : i32
    "tpu.region"() ({
      %run_scoped3A = tpu.sem_alloc : memref<!tpu.dma_semaphore, #tpu.memory_space<semaphore_mem>>
      %dma_start3A_97 = arith.constant 0 : i32
      %dma_start3A_98 = arith.constant 0 : i32
      %dma_start3A_99 = tpu.memref_slice %arg11[%dma_start3A_97, %dma_start3A_98] : memref<40x128xi32, #tpu.memory_space<vmem>> -> memref<40x128xi32, #tpu.memory_space<vmem>>
      %dma_start3A_100 = arith.constant 80 : i32
      %dma_start3A_101 = arith.constant 0 : i32
      %dma_start3A_102 = tpu.memref_slice %arg6[%arg1, %dma_start3A_100, %dma_start3A_101] : memref<16x160x128xi32, #tpu.memory_space<hbm>> -> memref<1x40x128xi32, #tpu.memory_space<hbm>>
      %dma_start3A_103 = tpu.memref_squeeze %dma_start3A_102 : memref<1x40x128xi32, #tpu.memory_space<hbm>> -> memref<40x128xi32, #tpu.memory_space<hbm>>
      %dma_start3A_104 = arith.constant 0 : i32
      %dma_start3A_105 = arith.constant 0 : i32
      %dma_start3A_106 = tpu.memref_slice %arg11[%dma_start3A_104, %dma_start3A_105] : memref<40x128xi32, #tpu.memory_space<vmem>> -> memref<40x128xi32, #tpu.memory_space<vmem>>
      %dma_start3A_107 = arith.constant 80 : i32
      %dma_start3A_108 = arith.constant 0 : i32
      %dma_start3A_109 = tpu.memref_slice %arg6[%arg1, %dma_start3A_107, %dma_start3A_108] : memref<16x160x128xi32, #tpu.memory_space<hbm>> -> memref<1x40x128xi32, #tpu.memory_space<hbm>>
      %dma_start3A_110 = tpu.memref_squeeze %dma_start3A_109 : memref<1x40x128xi32, #tpu.memory_space<hbm>> -> memref<40x128xi32, #tpu.memory_space<hbm>>
      tpu.enqueue_dma source(%dma_start3A_110 : memref<40x128xi32, #tpu.memory_space<hbm>>) target(%dma_start3A_106 : memref<40x128xi32, #tpu.memory_space<vmem>>) target_semaphore(%run_scoped3A : memref<!tpu.dma_semaphore, #tpu.memory_space<semaphore_mem>>)
      %dma_wait3A = arith.constant 0 : i32
      %dma_wait3A_111 = arith.constant 0 : i32
      %dma_wait3A_112 = tpu.memref_slice %arg11[%dma_wait3A, %dma_wait3A_111] : memref<40x128xi32, #tpu.memory_space<vmem>> -> memref<40x128xi32, #tpu.memory_space<vmem>>
      %dma_wait3A_113 = arith.constant 80 : i32
      %dma_wait3A_114 = arith.constant 0 : i32
      %dma_wait3A_115 = tpu.memref_slice %arg6[%arg1, %dma_wait3A_113, %dma_wait3A_114] : memref<16x160x128xi32, #tpu.memory_space<hbm>> -> memref<1x40x128xi32, #tpu.memory_space<hbm>>
      %dma_wait3A_116 = tpu.memref_squeeze %dma_wait3A_115 : memref<1x40x128xi32, #tpu.memory_space<hbm>> -> memref<40x128xi32, #tpu.memory_space<hbm>>
      %dma_wait3A_117 = arith.constant 0 : i32
      %dma_wait3A_118 = arith.constant 0 : i32
      %dma_wait3A_119 = tpu.memref_slice %arg11[%dma_wait3A_117, %dma_wait3A_118] : memref<40x128xi32, #tpu.memory_space<vmem>> -> memref<40x128xi32, #tpu.memory_space<vmem>>
      %dma_wait3A_120 = arith.constant 80 : i32
      %dma_wait3A_121 = arith.constant 0 : i32
      %dma_wait3A_122 = tpu.memref_slice %arg6[%arg1, %dma_wait3A_120, %dma_wait3A_121] : memref<16x160x128xi32, #tpu.memory_space<hbm>> -> memref<1x40x128xi32, #tpu.memory_space<hbm>>
      %dma_wait3A_123 = tpu.memref_squeeze %dma_wait3A_122 : memref<1x40x128xi32, #tpu.memory_space<hbm>> -> memref<40x128xi32, #tpu.memory_space<hbm>>
      tpu.wait_dma2 semaphore(%run_scoped3A : memref<!tpu.dma_semaphore, #tpu.memory_space<semaphore_mem>>) src(%dma_wait3A_123 : memref<40x128xi32, #tpu.memory_space<hbm>>) dst(%dma_wait3A_119 : memref<40x128xi32, #tpu.memory_space<vmem>>)
      tpu.yield
    }) : () -> ()
    "tpu.region"() ({
      %run_scoped3A = tpu.sem_alloc : memref<!tpu.dma_semaphore, #tpu.memory_space<semaphore_mem>>
      %dma_start3A_97 = arith.constant 0 : i32
      %dma_start3A_98 = arith.constant 0 : i32
      %dma_start3A_99 = tpu.memref_slice %arg12[%dma_start3A_97, %dma_start3A_98] : memref<40x128xi32, #tpu.memory_space<vmem>> -> memref<40x128xi32, #tpu.memory_space<vmem>>
      %dma_start3A_100 = arith.constant 80 : i32
      %dma_start3A_101 = arith.constant 0 : i32
      %dma_start3A_102 = tpu.memref_slice %arg7[%arg0, %arg1, %dma_start3A_100, %dma_start3A_101] : memref<2x16x160x128xi32, #tpu.memory_space<hbm>> -> memref<1x1x40x128xi32, #tpu.memory_space<hbm>>
      %dma_start3A_103 = tpu.memref_squeeze %dma_start3A_102 : memref<1x1x40x128xi32, #tpu.memory_space<hbm>> -> memref<40x128xi32, #tpu.memory_space<hbm>>
      %dma_start3A_104 = arith.constant 0 : i32
      %dma_start3A_105 = arith.constant 0 : i32
      %dma_start3A_106 = tpu.memref_slice %arg12[%dma_start3A_104, %dma_start3A_105] : memref<40x128xi32, #tpu.memory_space<vmem>> -> memref<40x128xi32, #tpu.memory_space<vmem>>
      %dma_start3A_107 = arith.constant 80 : i32
      %dma_start3A_108 = arith.constant 0 : i32
      %dma_start3A_109 = tpu.memref_slice %arg7[%arg0, %arg1, %dma_start3A_107, %dma_start3A_108] : memref<2x16x160x128xi32, #tpu.memory_space<hbm>> -> memref<1x1x40x128xi32, #tpu.memory_space<hbm>>
      %dma_start3A_110 = tpu.memref_squeeze %dma_start3A_109 : memref<1x1x40x128xi32, #tpu.memory_space<hbm>> -> memref<40x128xi32, #tpu.memory_space<hbm>>
      tpu.enqueue_dma source(%dma_start3A_110 : memref<40x128xi32, #tpu.memory_space<hbm>>) target(%dma_start3A_106 : memref<40x128xi32, #tpu.memory_space<vmem>>) target_semaphore(%run_scoped3A : memref<!tpu.dma_semaphore, #tpu.memory_space<semaphore_mem>>)
      %dma_wait3A = arith.constant 0 : i32
      %dma_wait3A_111 = arith.constant 0 : i32
      %dma_wait3A_112 = tpu.memref_slice %arg12[%dma_wait3A, %dma_wait3A_111] : memref<40x128xi32, #tpu.memory_space<vmem>> -> memref<40x128xi32, #tpu.memory_space<vmem>>
      %dma_wait3A_113 = arith.constant 80 : i32
      %dma_wait3A_114 = arith.constant 0 : i32
      %dma_wait3A_115 = tpu.memref_slice %arg7[%arg0, %arg1, %dma_wait3A_113, %dma_wait3A_114] : memref<2x16x160x128xi32, #tpu.memory_space<hbm>> -> memref<1x1x40x128xi32, #tpu.memory_space<hbm>>
      %dma_wait3A_116 = tpu.memref_squeeze %dma_wait3A_115 : memref<1x1x40x128xi32, #tpu.memory_space<hbm>> -> memref<40x128xi32, #tpu.memory_space<hbm>>
      %dma_wait3A_117 = arith.constant 0 : i32
      %dma_wait3A_118 = arith.constant 0 : i32
      %dma_wait3A_119 = tpu.memref_slice %arg12[%dma_wait3A_117, %dma_wait3A_118] : memref<40x128xi32, #tpu.memory_space<vmem>> -> memref<40x128xi32, #tpu.memory_space<vmem>>
      %dma_wait3A_120 = arith.constant 80 : i32
      %dma_wait3A_121 = arith.constant 0 : i32
      %dma_wait3A_122 = tpu.memref_slice %arg7[%arg0, %arg1, %dma_wait3A_120, %dma_wait3A_121] : memref<2x16x160x128xi32, #tpu.memory_space<hbm>> -> memref<1x1x40x128xi32, #tpu.memory_space<hbm>>
      %dma_wait3A_123 = tpu.memref_squeeze %dma_wait3A_122 : memref<1x1x40x128xi32, #tpu.memory_space<hbm>> -> memref<40x128xi32, #tpu.memory_space<hbm>>
      tpu.wait_dma2 semaphore(%run_scoped3A : memref<!tpu.dma_semaphore, #tpu.memory_space<semaphore_mem>>) src(%dma_wait3A_123 : memref<40x128xi32, #tpu.memory_space<hbm>>) dst(%dma_wait3A_119 : memref<40x128xi32, #tpu.memory_space<vmem>>)
      tpu.yield
    }) : () -> ()
    %dma_start3A_58 = arith.constant 0 : i32
    %dma_start3A_59 = arith.constant 0 : i32
    %dma_start3A_60 = tpu.memref_slice %arg11[%dma_start3A_58, %dma_start3A_59] : memref<40x128xi32, #tpu.memory_space<vmem>> -> memref<1x128xi32, #tpu.memory_space<vmem>>
    %dma_start3A_61 = tpu.memref_squeeze %dma_start3A_60 : memref<1x128xi32, #tpu.memory_space<vmem>> -> memref<128xi32, #tpu.memory_space<vmem>>
    %dma_start3A_62 = arith.constant 0 : i32
    %dma_start3A_63 = arith.constant 0 : i32
    %dma_start3A_64 = tpu.memref_slice %arg3[%dma_start3A_62, %dma_start3A_63] : memref<10000x128xf32, #tpu.memory_space<hbm>> -> memref<10000x128xf32, #tpu.memory_space<hbm>>
    tpu.enqueue_indirect_dma source(%dma_start3A_64 : memref<10000x128xf32, #tpu.memory_space<hbm>>) target(%arg13 : memref<128x128xf32, #tpu.memory_space<vmem>>) offsets(%dma_start3A_61 : memref<128xi32, #tpu.memory_space<vmem>>) semaphore(%arg18 : memref<!tpu.dma_semaphore, #tpu.memory_space<semaphore_mem>>)
    %dma_start3A_65 = arith.constant 1 : i32
    %dma_start3A_66 = arith.constant 0 : i32
    %dma_start3A_67 = tpu.memref_slice %arg11[%dma_start3A_65, %dma_start3A_66] : memref<40x128xi32, #tpu.memory_space<vmem>> -> memref<1x128xi32, #tpu.memory_space<vmem>>
    %dma_start3A_68 = tpu.memref_squeeze %dma_start3A_67 : memref<1x128xi32, #tpu.memory_space<vmem>> -> memref<128xi32, #tpu.memory_space<vmem>>
    %dma_start3A_69 = arith.constant 0 : i32
    %dma_start3A_70 = arith.constant 0 : i32
    %dma_start3A_71 = tpu.memref_slice %arg3[%dma_start3A_69, %dma_start3A_70] : memref<10000x128xf32, #tpu.memory_space<hbm>> -> memref<10000x128xf32, #tpu.memory_space<hbm>>
    tpu.enqueue_indirect_dma source(%dma_start3A_71 : memref<10000x128xf32, #tpu.memory_space<hbm>>) target(%arg14 : memref<128x128xf32, #tpu.memory_space<vmem>>) offsets(%dma_start3A_68 : memref<128xi32, #tpu.memory_space<vmem>>) semaphore(%arg19 : memref<!tpu.dma_semaphore, #tpu.memory_space<semaphore_mem>>)
    %scan3A_72 = arith.constant 0 : i32
    %scan3A_73 = arith.constant 10 : i32
    %scan3A_74 = arith.addi %scan3A_72, %scan3A_73 : i32
    %scan3A_75 = arith.constant 1 : i32
    scf.for %scan3A_97 = %scan3A_72 to %scan3A_74 step %scan3A_75  : i32 {
      %mul3A_98 = arith.constant 1 : i32
      %mul3A_99 = arith.muli %scan3A_97, %mul3A_98 : i32
      %add3A = arith.constant 0 : i32
      %add3A_100 = arith.addi %add3A, %mul3A_99 : i32
      %mul3A_101 = arith.constant 4 : i32
      %mul3A_102 = arith.muli %mul3A_101, %add3A_100 : i32
      %add3A_103 = arith.constant 0 : i32
      %add3A_104 = arith.addi %mul3A_102, %add3A_103 : i32
      %dma_wait3A = arith.constant 0 : i32
      %dma_wait3A_105 = tpu.memref_slice %arg11[%add3A_104, %dma_wait3A] : memref<40x128xi32, #tpu.memory_space<vmem>> -> memref<1x128xi32, #tpu.memory_space<vmem>>
      %dma_wait3A_106 = tpu.memref_squeeze %dma_wait3A_105 : memref<1x128xi32, #tpu.memory_space<vmem>> -> memref<128xi32, #tpu.memory_space<vmem>>
      %dma_wait3A_107 = arith.constant 0 : i32
      %dma_wait3A_108 = arith.constant 0 : i32
      %dma_wait3A_109 = tpu.memref_slice %arg3[%dma_wait3A_107, %dma_wait3A_108] : memref<10000x128xf32, #tpu.memory_space<hbm>> -> memref<10000x128xf32, #tpu.memory_space<hbm>>
      tpu.wait_indirect_dma semaphore(%arg18 : memref<!tpu.dma_semaphore, #tpu.memory_space<semaphore_mem>>) src(%dma_wait3A_109 : memref<10000x128xf32, #tpu.memory_space<hbm>>) dst(%arg13 : memref<128x128xf32, #tpu.memory_space<vmem>>)
      %add3A_110 = arith.constant 2 : i32
      %add3A_111 = arith.addi %add3A_104, %add3A_110 : i32
      %lt3A = arith.constant 40 : i32
      %lt3A_112 = arith.cmpi slt, %add3A_111, %lt3A : i32
      %convert_element_type3A = arith.extui %lt3A_112 : i1 to i32
      %cond3A = arith.constant 0 : i32
      %cond3A_113 = arith.cmpi ne, %convert_element_type3A, %cond3A : i32
      scf.if %cond3A_113 {
        %add3A_165 = arith.constant 2 : i32
        %add3A_166 = arith.addi %add3A_104, %add3A_165 : i32
        %dma_start3A_167 = arith.constant 0 : i32
        %dma_start3A_168 = tpu.memref_slice %arg11[%add3A_166, %dma_start3A_167] : memref<40x128xi32, #tpu.memory_space<vmem>> -> memref<1x128xi32, #tpu.memory_space<vmem>>
        %dma_start3A_169 = tpu.memref_squeeze %dma_start3A_168 : memref<1x128xi32, #tpu.memory_space<vmem>> -> memref<128xi32, #tpu.memory_space<vmem>>
        %dma_start3A_170 = arith.constant 0 : i32
        %dma_start3A_171 = arith.constant 0 : i32
        %dma_start3A_172 = tpu.memref_slice %arg3[%dma_start3A_170, %dma_start3A_171] : memref<10000x128xf32, #tpu.memory_space<hbm>> -> memref<10000x128xf32, #tpu.memory_space<hbm>>
        tpu.enqueue_indirect_dma source(%dma_start3A_172 : memref<10000x128xf32, #tpu.memory_space<hbm>>) target(%arg15 : memref<128x128xf32, #tpu.memory_space<vmem>>) offsets(%dma_start3A_169 : memref<128xi32, #tpu.memory_space<vmem>>) semaphore(%arg20 : memref<!tpu.dma_semaphore, #tpu.memory_space<semaphore_mem>>)
      } else {
      }
      "tpu.region"() ({
        %run_scoped3A = tpu.sem_alloc : memref<!tpu.dma_semaphore, #tpu.memory_space<semaphore_mem>>
        %dma_start3A_165 = arith.constant 0 : i32
        %dma_start3A_166 = tpu.memref_slice %arg12[%add3A_104, %dma_start3A_165] : memref<40x128xi32, #tpu.memory_space<vmem>> -> memref<1x128xi32, #tpu.memory_space<vmem>>
        %dma_start3A_167 = tpu.memref_squeeze %dma_start3A_166 : memref<1x128xi32, #tpu.memory_space<vmem>> -> memref<128xi32, #tpu.memory_space<vmem>>
        %dma_start3A_168 = arith.constant 0 : i32
        %dma_start3A_169 = arith.constant 0 : i32
        %dma_start3A_170 = tpu.memref_slice %arg17[%dma_start3A_168, %dma_start3A_169] : memref<5120x128xf32, #tpu.memory_space<vmem_shared>> -> memref<5120x128xf32, #tpu.memory_space<vmem_shared>>
        tpu.enqueue_indirect_dma source(%arg13 : memref<128x128xf32, #tpu.memory_space<vmem>>) target(%dma_start3A_170 : memref<5120x128xf32, #tpu.memory_space<vmem_shared>>) offsets(%dma_start3A_167 : memref<128xi32, #tpu.memory_space<vmem>>) semaphore(%run_scoped3A : memref<!tpu.dma_semaphore, #tpu.memory_space<semaphore_mem>>) {add = true}
        %dma_wait3A_171 = arith.constant 0 : i32
        %dma_wait3A_172 = tpu.memref_slice %arg12[%add3A_104, %dma_wait3A_171] : memref<40x128xi32, #tpu.memory_space<vmem>> -> memref<1x128xi32, #tpu.memory_space<vmem>>
        %dma_wait3A_173 = tpu.memref_squeeze %dma_wait3A_172 : memref<1x128xi32, #tpu.memory_space<vmem>> -> memref<128xi32, #tpu.memory_space<vmem>>
        %dma_wait3A_174 = arith.constant 0 : i32
        %dma_wait3A_175 = arith.constant 0 : i32
        %dma_wait3A_176 = tpu.memref_slice %arg17[%dma_wait3A_174, %dma_wait3A_175] : memref<5120x128xf32, #tpu.memory_space<vmem_shared>> -> memref<5120x128xf32, #tpu.memory_space<vmem_shared>>
        tpu.wait_indirect_dma semaphore(%run_scoped3A : memref<!tpu.dma_semaphore, #tpu.memory_space<semaphore_mem>>) src(%arg13 : memref<128x128xf32, #tpu.memory_space<vmem>>) dst(%dma_wait3A_176 : memref<5120x128xf32, #tpu.memory_space<vmem_shared>>)
        tpu.yield
      }) : () -> ()
      %mul3A_114 = arith.constant 4 : i32
      %mul3A_115 = arith.muli %mul3A_114, %add3A_100 : i32
      %add3A_116 = arith.constant 1 : i32
      %add3A_117 = arith.addi %mul3A_115, %add3A_116 : i32
      %dma_wait3A_118 = arith.constant 0 : i32
      %dma_wait3A_119 = tpu.memref_slice %arg11[%add3A_117, %dma_wait3A_118] : memref<40x128xi32, #tpu.memory_space<vmem>> -> memref<1x128xi32, #tpu.memory_space<vmem>>
      %dma_wait3A_120 = tpu.memref_squeeze %dma_wait3A_119 : memref<1x128xi32, #tpu.memory_space<vmem>> -> memref<128xi32, #tpu.memory_space<vmem>>
      %dma_wait3A_121 = arith.constant 0 : i32
      %dma_wait3A_122 = arith.constant 0 : i32
      %dma_wait3A_123 = tpu.memref_slice %arg3[%dma_wait3A_121, %dma_wait3A_122] : memref<10000x128xf32, #tpu.memory_space<hbm>> -> memref<10000x128xf32, #tpu.memory_space<hbm>>
      tpu.wait_indirect_dma semaphore(%arg19 : memref<!tpu.dma_semaphore, #tpu.memory_space<semaphore_mem>>) src(%dma_wait3A_123 : memref<10000x128xf32, #tpu.memory_space<hbm>>) dst(%arg14 : memref<128x128xf32, #tpu.memory_space<vmem>>)
      %add3A_124 = arith.constant 2 : i32
      %add3A_125 = arith.addi %add3A_117, %add3A_124 : i32
      %lt3A_126 = arith.constant 40 : i32
      %lt3A_127 = arith.cmpi slt, %add3A_125, %lt3A_126 : i32
      %convert_element_type3A_128 = arith.extui %lt3A_127 : i1 to i32
      %cond3A_129 = arith.constant 0 : i32
      %cond3A_130 = arith.cmpi ne, %convert_element_type3A_128, %cond3A_129 : i32
      scf.if %cond3A_130 {
        %add3A_165 = arith.constant 2 : i32
        %add3A_166 = arith.addi %add3A_117, %add3A_165 : i32
        %dma_start3A_167 = arith.constant 0 : i32
        %dma_start3A_168 = tpu.memref_slice %arg11[%add3A_166, %dma_start3A_167] : memref<40x128xi32, #tpu.memory_space<vmem>> -> memref<1x128xi32, #tpu.memory_space<vmem>>
        %dma_start3A_169 = tpu.memref_squeeze %dma_start3A_168 : memref<1x128xi32, #tpu.memory_space<vmem>> -> memref<128xi32, #tpu.memory_space<vmem>>
        %dma_start3A_170 = arith.constant 0 : i32
        %dma_start3A_171 = arith.constant 0 : i32
        %dma_start3A_172 = tpu.memref_slice %arg3[%dma_start3A_170, %dma_start3A_171] : memref<10000x128xf32, #tpu.memory_space<hbm>> -> memref<10000x128xf32, #tpu.memory_space<hbm>>
        tpu.enqueue_indirect_dma source(%dma_start3A_172 : memref<10000x128xf32, #tpu.memory_space<hbm>>) target(%arg16 : memref<128x128xf32, #tpu.memory_space<vmem>>) offsets(%dma_start3A_169 : memref<128xi32, #tpu.memory_space<vmem>>) semaphore(%arg21 : memref<!tpu.dma_semaphore, #tpu.memory_space<semaphore_mem>>)
      } else {
      }
      "tpu.region"() ({
        %run_scoped3A = tpu.sem_alloc : memref<!tpu.dma_semaphore, #tpu.memory_space<semaphore_mem>>
        %dma_start3A_165 = arith.constant 0 : i32
        %dma_start3A_166 = tpu.memref_slice %arg12[%add3A_117, %dma_start3A_165] : memref<40x128xi32, #tpu.memory_space<vmem>> -> memref<1x128xi32, #tpu.memory_space<vmem>>
        %dma_start3A_167 = tpu.memref_squeeze %dma_start3A_166 : memref<1x128xi32, #tpu.memory_space<vmem>> -> memref<128xi32, #tpu.memory_space<vmem>>
        %dma_start3A_168 = arith.constant 0 : i32
        %dma_start3A_169 = arith.constant 0 : i32
        %dma_start3A_170 = tpu.memref_slice %arg17[%dma_start3A_168, %dma_start3A_169] : memref<5120x128xf32, #tpu.memory_space<vmem_shared>> -> memref<5120x128xf32, #tpu.memory_space<vmem_shared>>
        tpu.enqueue_indirect_dma source(%arg14 : memref<128x128xf32, #tpu.memory_space<vmem>>) target(%dma_start3A_170 : memref<5120x128xf32, #tpu.memory_space<vmem_shared>>) offsets(%dma_start3A_167 : memref<128xi32, #tpu.memory_space<vmem>>) semaphore(%run_scoped3A : memref<!tpu.dma_semaphore, #tpu.memory_space<semaphore_mem>>) {add = true}
        %dma_wait3A_171 = arith.constant 0 : i32
        %dma_wait3A_172 = tpu.memref_slice %arg12[%add3A_117, %dma_wait3A_171] : memref<40x128xi32, #tpu.memory_space<vmem>> -> memref<1x128xi32, #tpu.memory_space<vmem>>
        %dma_wait3A_173 = tpu.memref_squeeze %dma_wait3A_172 : memref<1x128xi32, #tpu.memory_space<vmem>> -> memref<128xi32, #tpu.memory_space<vmem>>
        %dma_wait3A_174 = arith.constant 0 : i32
        %dma_wait3A_175 = arith.constant 0 : i32
        %dma_wait3A_176 = tpu.memref_slice %arg17[%dma_wait3A_174, %dma_wait3A_175] : memref<5120x128xf32, #tpu.memory_space<vmem_shared>> -> memref<5120x128xf32, #tpu.memory_space<vmem_shared>>
        tpu.wait_indirect_dma semaphore(%run_scoped3A : memref<!tpu.dma_semaphore, #tpu.memory_space<semaphore_mem>>) src(%arg14 : memref<128x128xf32, #tpu.memory_space<vmem>>) dst(%dma_wait3A_176 : memref<5120x128xf32, #tpu.memory_space<vmem_shared>>)
        tpu.yield
      }) : () -> ()
      %mul3A_131 = arith.constant 4 : i32
      %mul3A_132 = arith.muli %mul3A_131, %add3A_100 : i32
      %add3A_133 = arith.constant 2 : i32
      %add3A_134 = arith.addi %mul3A_132, %add3A_133 : i32
      %dma_wait3A_135 = arith.constant 0 : i32
      %dma_wait3A_136 = tpu.memref_slice %arg11[%add3A_134, %dma_wait3A_135] : memref<40x128xi32, #tpu.memory_space<vmem>> -> memref<1x128xi32, #tpu.memory_space<vmem>>
      %dma_wait3A_137 = tpu.memref_squeeze %dma_wait3A_136 : memref<1x128xi32, #tpu.memory_space<vmem>> -> memref<128xi32, #tpu.memory_space<vmem>>
      %dma_wait3A_138 = arith.constant 0 : i32
      %dma_wait3A_139 = arith.constant 0 : i32
      %dma_wait3A_140 = tpu.memref_slice %arg3[%dma_wait3A_138, %dma_wait3A_139] : memref<10000x128xf32, #tpu.memory_space<hbm>> -> memref<10000x128xf32, #tpu.memory_space<hbm>>
      tpu.wait_indirect_dma semaphore(%arg20 : memref<!tpu.dma_semaphore, #tpu.memory_space<semaphore_mem>>) src(%dma_wait3A_140 : memref<10000x128xf32, #tpu.memory_space<hbm>>) dst(%arg15 : memref<128x128xf32, #tpu.memory_space<vmem>>)
      %add3A_141 = arith.constant 2 : i32
      %add3A_142 = arith.addi %add3A_134, %add3A_141 : i32
      %lt3A_143 = arith.constant 40 : i32
      %lt3A_144 = arith.cmpi slt, %add3A_142, %lt3A_143 : i32
      %convert_element_type3A_145 = arith.extui %lt3A_144 : i1 to i32
      %cond3A_146 = arith.constant 0 : i32
      %cond3A_147 = arith.cmpi ne, %convert_element_type3A_145, %cond3A_146 : i32
      scf.if %cond3A_147 {
        %add3A_165 = arith.constant 2 : i32
        %add3A_166 = arith.addi %add3A_134, %add3A_165 : i32
        %dma_start3A_167 = arith.constant 0 : i32
        %dma_start3A_168 = tpu.memref_slice %arg11[%add3A_166, %dma_start3A_167] : memref<40x128xi32, #tpu.memory_space<vmem>> -> memref<1x128xi32, #tpu.memory_space<vmem>>
        %dma_start3A_169 = tpu.memref_squeeze %dma_start3A_168 : memref<1x128xi32, #tpu.memory_space<vmem>> -> memref<128xi32, #tpu.memory_space<vmem>>
        %dma_start3A_170 = arith.constant 0 : i32
        %dma_start3A_171 = arith.constant 0 : i32
        %dma_start3A_172 = tpu.memref_slice %arg3[%dma_start3A_170, %dma_start3A_171] : memref<10000x128xf32, #tpu.memory_space<hbm>> -> memref<10000x128xf32, #tpu.memory_space<hbm>>
        tpu.enqueue_indirect_dma source(%dma_start3A_172 : memref<10000x128xf32, #tpu.memory_space<hbm>>) target(%arg13 : memref<128x128xf32, #tpu.memory_space<vmem>>) offsets(%dma_start3A_169 : memref<128xi32, #tpu.memory_space<vmem>>) semaphore(%arg18 : memref<!tpu.dma_semaphore, #tpu.memory_space<semaphore_mem>>)
      } else {
      }
      "tpu.region"() ({
        %run_scoped3A = tpu.sem_alloc : memref<!tpu.dma_semaphore, #tpu.memory_space<semaphore_mem>>
        %dma_start3A_165 = arith.constant 0 : i32
        %dma_start3A_166 = tpu.memref_slice %arg12[%add3A_134, %dma_start3A_165] : memref<40x128xi32, #tpu.memory_space<vmem>> -> memref<1x128xi32, #tpu.memory_space<vmem>>
        %dma_start3A_167 = tpu.memref_squeeze %dma_start3A_166 : memref<1x128xi32, #tpu.memory_space<vmem>> -> memref<128xi32, #tpu.memory_space<vmem>>
        %dma_start3A_168 = arith.constant 0 : i32
        %dma_start3A_169 = arith.constant 0 : i32
        %dma_start3A_170 = tpu.memref_slice %arg17[%dma_start3A_168, %dma_start3A_169] : memref<5120x128xf32, #tpu.memory_space<vmem_shared>> -> memref<5120x128xf32, #tpu.memory_space<vmem_shared>>
        tpu.enqueue_indirect_dma source(%arg15 : memref<128x128xf32, #tpu.memory_space<vmem>>) target(%dma_start3A_170 : memref<5120x128xf32, #tpu.memory_space<vmem_shared>>) offsets(%dma_start3A_167 : memref<128xi32, #tpu.memory_space<vmem>>) semaphore(%run_scoped3A : memref<!tpu.dma_semaphore, #tpu.memory_space<semaphore_mem>>) {add = true}
        %dma_wait3A_171 = arith.constant 0 : i32
        %dma_wait3A_172 = tpu.memref_slice %arg12[%add3A_134, %dma_wait3A_171] : memref<40x128xi32, #tpu.memory_space<vmem>> -> memref<1x128xi32, #tpu.memory_space<vmem>>
        %dma_wait3A_173 = tpu.memref_squeeze %dma_wait3A_172 : memref<1x128xi32, #tpu.memory_space<vmem>> -> memref<128xi32, #tpu.memory_space<vmem>>
        %dma_wait3A_174 = arith.constant 0 : i32
        %dma_wait3A_175 = arith.constant 0 : i32
        %dma_wait3A_176 = tpu.memref_slice %arg17[%dma_wait3A_174, %dma_wait3A_175] : memref<5120x128xf32, #tpu.memory_space<vmem_shared>> -> memref<5120x128xf32, #tpu.memory_space<vmem_shared>>
        tpu.wait_indirect_dma semaphore(%run_scoped3A : memref<!tpu.dma_semaphore, #tpu.memory_space<semaphore_mem>>) src(%arg15 : memref<128x128xf32, #tpu.memory_space<vmem>>) dst(%dma_wait3A_176 : memref<5120x128xf32, #tpu.memory_space<vmem_shared>>)
        tpu.yield
      }) : () -> ()
      %mul3A_148 = arith.constant 4 : i32
      %mul3A_149 = arith.muli %mul3A_148, %add3A_100 : i32
      %add3A_150 = arith.constant 3 : i32
      %add3A_151 = arith.addi %mul3A_149, %add3A_150 : i32
      %dma_wait3A_152 = arith.constant 0 : i32
      %dma_wait3A_153 = tpu.memref_slice %arg11[%add3A_151, %dma_wait3A_152] : memref<40x128xi32, #tpu.memory_space<vmem>> -> memref<1x128xi32, #tpu.memory_space<vmem>>
      %dma_wait3A_154 = tpu.memref_squeeze %dma_wait3A_153 : memref<1x128xi32, #tpu.memory_space<vmem>> -> memref<128xi32, #tpu.memory_space<vmem>>
      %dma_wait3A_155 = arith.constant 0 : i32
      %dma_wait3A_156 = arith.constant 0 : i32
      %dma_wait3A_157 = tpu.memref_slice %arg3[%dma_wait3A_155, %dma_wait3A_156] : memref<10000x128xf32, #tpu.memory_space<hbm>> -> memref<10000x128xf32, #tpu.memory_space<hbm>>
      tpu.wait_indirect_dma semaphore(%arg21 : memref<!tpu.dma_semaphore, #tpu.memory_space<semaphore_mem>>) src(%dma_wait3A_157 : memref<10000x128xf32, #tpu.memory_space<hbm>>) dst(%arg16 : memref<128x128xf32, #tpu.memory_space<vmem>>)
      %add3A_158 = arith.constant 2 : i32
      %add3A_159 = arith.addi %add3A_151, %add3A_158 : i32
      %lt3A_160 = arith.constant 40 : i32
      %lt3A_161 = arith.cmpi slt, %add3A_159, %lt3A_160 : i32
      %convert_element_type3A_162 = arith.extui %lt3A_161 : i1 to i32
      %cond3A_163 = arith.constant 0 : i32
      %cond3A_164 = arith.cmpi ne, %convert_element_type3A_162, %cond3A_163 : i32
      scf.if %cond3A_164 {
        %add3A_165 = arith.constant 2 : i32
        %add3A_166 = arith.addi %add3A_151, %add3A_165 : i32
        %dma_start3A_167 = arith.constant 0 : i32
        %dma_start3A_168 = tpu.memref_slice %arg11[%add3A_166, %dma_start3A_167] : memref<40x128xi32, #tpu.memory_space<vmem>> -> memref<1x128xi32, #tpu.memory_space<vmem>>
        %dma_start3A_169 = tpu.memref_squeeze %dma_start3A_168 : memref<1x128xi32, #tpu.memory_space<vmem>> -> memref<128xi32, #tpu.memory_space<vmem>>
        %dma_start3A_170 = arith.constant 0 : i32
        %dma_start3A_171 = arith.constant 0 : i32
        %dma_start3A_172 = tpu.memref_slice %arg3[%dma_start3A_170, %dma_start3A_171] : memref<10000x128xf32, #tpu.memory_space<hbm>> -> memref<10000x128xf32, #tpu.memory_space<hbm>>
        tpu.enqueue_indirect_dma source(%dma_start3A_172 : memref<10000x128xf32, #tpu.memory_space<hbm>>) target(%arg14 : memref<128x128xf32, #tpu.memory_space<vmem>>) offsets(%dma_start3A_169 : memref<128xi32, #tpu.memory_space<vmem>>) semaphore(%arg19 : memref<!tpu.dma_semaphore, #tpu.memory_space<semaphore_mem>>)
      } else {
      }
      "tpu.region"() ({
        %run_scoped3A = tpu.sem_alloc : memref<!tpu.dma_semaphore, #tpu.memory_space<semaphore_mem>>
        %dma_start3A_165 = arith.constant 0 : i32
        %dma_start3A_166 = tpu.memref_slice %arg12[%add3A_151, %dma_start3A_165] : memref<40x128xi32, #tpu.memory_space<vmem>> -> memref<1x128xi32, #tpu.memory_space<vmem>>
        %dma_start3A_167 = tpu.memref_squeeze %dma_start3A_166 : memref<1x128xi32, #tpu.memory_space<vmem>> -> memref<128xi32, #tpu.memory_space<vmem>>
        %dma_start3A_168 = arith.constant 0 : i32
        %dma_start3A_169 = arith.constant 0 : i32
        %dma_start3A_170 = tpu.memref_slice %arg17[%dma_start3A_168, %dma_start3A_169] : memref<5120x128xf32, #tpu.memory_space<vmem_shared>> -> memref<5120x128xf32, #tpu.memory_space<vmem_shared>>
        tpu.enqueue_indirect_dma source(%arg16 : memref<128x128xf32, #tpu.memory_space<vmem>>) target(%dma_start3A_170 : memref<5120x128xf32, #tpu.memory_space<vmem_shared>>) offsets(%dma_start3A_167 : memref<128xi32, #tpu.memory_space<vmem>>) semaphore(%run_scoped3A : memref<!tpu.dma_semaphore, #tpu.memory_space<semaphore_mem>>) {add = true}
        %dma_wait3A_171 = arith.constant 0 : i32
        %dma_wait3A_172 = tpu.memref_slice %arg12[%add3A_151, %dma_wait3A_171] : memref<40x128xi32, #tpu.memory_space<vmem>> -> memref<1x128xi32, #tpu.memory_space<vmem>>
        %dma_wait3A_173 = tpu.memref_squeeze %dma_wait3A_172 : memref<1x128xi32, #tpu.memory_space<vmem>> -> memref<128xi32, #tpu.memory_space<vmem>>
        %dma_wait3A_174 = arith.constant 0 : i32
        %dma_wait3A_175 = arith.constant 0 : i32
        %dma_wait3A_176 = tpu.memref_slice %arg17[%dma_wait3A_174, %dma_wait3A_175] : memref<5120x128xf32, #tpu.memory_space<vmem_shared>> -> memref<5120x128xf32, #tpu.memory_space<vmem_shared>>
        tpu.wait_indirect_dma semaphore(%run_scoped3A : memref<!tpu.dma_semaphore, #tpu.memory_space<semaphore_mem>>) src(%arg16 : memref<128x128xf32, #tpu.memory_space<vmem>>) dst(%dma_wait3A_176 : memref<5120x128xf32, #tpu.memory_space<vmem_shared>>)
        tpu.yield
      }) : () -> ()
    }
    %scan3A_76 = arith.constant 10 : i32
    "tpu.region"() ({
      %run_scoped3A = tpu.sem_alloc : memref<!tpu.dma_semaphore, #tpu.memory_space<semaphore_mem>>
      %dma_start3A_97 = arith.constant 0 : i32
      %dma_start3A_98 = arith.constant 0 : i32
      %dma_start3A_99 = tpu.memref_slice %arg11[%dma_start3A_97, %dma_start3A_98] : memref<40x128xi32, #tpu.memory_space<vmem>> -> memref<40x128xi32, #tpu.memory_space<vmem>>
      %dma_start3A_100 = arith.constant 120 : i32
      %dma_start3A_101 = arith.constant 0 : i32
      %dma_start3A_102 = tpu.memref_slice %arg6[%arg1, %dma_start3A_100, %dma_start3A_101] : memref<16x160x128xi32, #tpu.memory_space<hbm>> -> memref<1x40x128xi32, #tpu.memory_space<hbm>>
      %dma_start3A_103 = tpu.memref_squeeze %dma_start3A_102 : memref<1x40x128xi32, #tpu.memory_space<hbm>> -> memref<40x128xi32, #tpu.memory_space<hbm>>
      %dma_start3A_104 = arith.constant 0 : i32
      %dma_start3A_105 = arith.constant 0 : i32
      %dma_start3A_106 = tpu.memref_slice %arg11[%dma_start3A_104, %dma_start3A_105] : memref<40x128xi32, #tpu.memory_space<vmem>> -> memref<40x128xi32, #tpu.memory_space<vmem>>
      %dma_start3A_107 = arith.constant 120 : i32
      %dma_start3A_108 = arith.constant 0 : i32
      %dma_start3A_109 = tpu.memref_slice %arg6[%arg1, %dma_start3A_107, %dma_start3A_108] : memref<16x160x128xi32, #tpu.memory_space<hbm>> -> memref<1x40x128xi32, #tpu.memory_space<hbm>>
      %dma_start3A_110 = tpu.memref_squeeze %dma_start3A_109 : memref<1x40x128xi32, #tpu.memory_space<hbm>> -> memref<40x128xi32, #tpu.memory_space<hbm>>
      tpu.enqueue_dma source(%dma_start3A_110 : memref<40x128xi32, #tpu.memory_space<hbm>>) target(%dma_start3A_106 : memref<40x128xi32, #tpu.memory_space<vmem>>) target_semaphore(%run_scoped3A : memref<!tpu.dma_semaphore, #tpu.memory_space<semaphore_mem>>)
      %dma_wait3A = arith.constant 0 : i32
      %dma_wait3A_111 = arith.constant 0 : i32
      %dma_wait3A_112 = tpu.memref_slice %arg11[%dma_wait3A, %dma_wait3A_111] : memref<40x128xi32, #tpu.memory_space<vmem>> -> memref<40x128xi32, #tpu.memory_space<vmem>>
      %dma_wait3A_113 = arith.constant 120 : i32
      %dma_wait3A_114 = arith.constant 0 : i32
      %dma_wait3A_115 = tpu.memref_slice %arg6[%arg1, %dma_wait3A_113, %dma_wait3A_114] : memref<16x160x128xi32, #tpu.memory_space<hbm>> -> memref<1x40x128xi32, #tpu.memory_space<hbm>>
      %dma_wait3A_116 = tpu.memref_squeeze %dma_wait3A_115 : memref<1x40x128xi32, #tpu.memory_space<hbm>> -> memref<40x128xi32, #tpu.memory_space<hbm>>
      %dma_wait3A_117 = arith.constant 0 : i32
      %dma_wait3A_118 = arith.constant 0 : i32
      %dma_wait3A_119 = tpu.memref_slice %arg11[%dma_wait3A_117, %dma_wait3A_118] : memref<40x128xi32, #tpu.memory_space<vmem>> -> memref<40x128xi32, #tpu.memory_space<vmem>>
      %dma_wait3A_120 = arith.constant 120 : i32
      %dma_wait3A_121 = arith.constant 0 : i32
      %dma_wait3A_122 = tpu.memref_slice %arg6[%arg1, %dma_wait3A_120, %dma_wait3A_121] : memref<16x160x128xi32, #tpu.memory_space<hbm>> -> memref<1x40x128xi32, #tpu.memory_space<hbm>>
      %dma_wait3A_123 = tpu.memref_squeeze %dma_wait3A_122 : memref<1x40x128xi32, #tpu.memory_space<hbm>> -> memref<40x128xi32, #tpu.memory_space<hbm>>
      tpu.wait_dma2 semaphore(%run_scoped3A : memref<!tpu.dma_semaphore, #tpu.memory_space<semaphore_mem>>) src(%dma_wait3A_123 : memref<40x128xi32, #tpu.memory_space<hbm>>) dst(%dma_wait3A_119 : memref<40x128xi32, #tpu.memory_space<vmem>>)
      tpu.yield
    }) : () -> ()
    "tpu.region"() ({
      %run_scoped3A = tpu.sem_alloc : memref<!tpu.dma_semaphore, #tpu.memory_space<semaphore_mem>>
      %dma_start3A_97 = arith.constant 0 : i32
      %dma_start3A_98 = arith.constant 0 : i32
      %dma_start3A_99 = tpu.memref_slice %arg12[%dma_start3A_97, %dma_start3A_98] : memref<40x128xi32, #tpu.memory_space<vmem>> -> memref<40x128xi32, #tpu.memory_space<vmem>>
      %dma_start3A_100 = arith.constant 120 : i32
      %dma_start3A_101 = arith.constant 0 : i32
      %dma_start3A_102 = tpu.memref_slice %arg7[%arg0, %arg1, %dma_start3A_100, %dma_start3A_101] : memref<2x16x160x128xi32, #tpu.memory_space<hbm>> -> memref<1x1x40x128xi32, #tpu.memory_space<hbm>>
      %dma_start3A_103 = tpu.memref_squeeze %dma_start3A_102 : memref<1x1x40x128xi32, #tpu.memory_space<hbm>> -> memref<40x128xi32, #tpu.memory_space<hbm>>
      %dma_start3A_104 = arith.constant 0 : i32
      %dma_start3A_105 = arith.constant 0 : i32
      %dma_start3A_106 = tpu.memref_slice %arg12[%dma_start3A_104, %dma_start3A_105] : memref<40x128xi32, #tpu.memory_space<vmem>> -> memref<40x128xi32, #tpu.memory_space<vmem>>
      %dma_start3A_107 = arith.constant 120 : i32
      %dma_start3A_108 = arith.constant 0 : i32
      %dma_start3A_109 = tpu.memref_slice %arg7[%arg0, %arg1, %dma_start3A_107, %dma_start3A_108] : memref<2x16x160x128xi32, #tpu.memory_space<hbm>> -> memref<1x1x40x128xi32, #tpu.memory_space<hbm>>
      %dma_start3A_110 = tpu.memref_squeeze %dma_start3A_109 : memref<1x1x40x128xi32, #tpu.memory_space<hbm>> -> memref<40x128xi32, #tpu.memory_space<hbm>>
      tpu.enqueue_dma source(%dma_start3A_110 : memref<40x128xi32, #tpu.memory_space<hbm>>) target(%dma_start3A_106 : memref<40x128xi32, #tpu.memory_space<vmem>>) target_semaphore(%run_scoped3A : memref<!tpu.dma_semaphore, #tpu.memory_space<semaphore_mem>>)
      %dma_wait3A = arith.constant 0 : i32
      %dma_wait3A_111 = arith.constant 0 : i32
      %dma_wait3A_112 = tpu.memref_slice %arg12[%dma_wait3A, %dma_wait3A_111] : memref<40x128xi32, #tpu.memory_space<vmem>> -> memref<40x128xi32, #tpu.memory_space<vmem>>
      %dma_wait3A_113 = arith.constant 120 : i32
      %dma_wait3A_114 = arith.constant 0 : i32
      %dma_wait3A_115 = tpu.memref_slice %arg7[%arg0, %arg1, %dma_wait3A_113, %dma_wait3A_114] : memref<2x16x160x128xi32, #tpu.memory_space<hbm>> -> memref<1x1x40x128xi32, #tpu.memory_space<hbm>>
      %dma_wait3A_116 = tpu.memref_squeeze %dma_wait3A_115 : memref<1x1x40x128xi32, #tpu.memory_space<hbm>> -> memref<40x128xi32, #tpu.memory_space<hbm>>
      %dma_wait3A_117 = arith.constant 0 : i32
      %dma_wait3A_118 = arith.constant 0 : i32
      %dma_wait3A_119 = tpu.memref_slice %arg12[%dma_wait3A_117, %dma_wait3A_118] : memref<40x128xi32, #tpu.memory_space<vmem>> -> memref<40x128xi32, #tpu.memory_space<vmem>>
      %dma_wait3A_120 = arith.constant 120 : i32
      %dma_wait3A_121 = arith.constant 0 : i32
      %dma_wait3A_122 = tpu.memref_slice %arg7[%arg0, %arg1, %dma_wait3A_120, %dma_wait3A_121] : memref<2x16x160x128xi32, #tpu.memory_space<hbm>> -> memref<1x1x40x128xi32, #tpu.memory_space<hbm>>
      %dma_wait3A_123 = tpu.memref_squeeze %dma_wait3A_122 : memref<1x1x40x128xi32, #tpu.memory_space<hbm>> -> memref<40x128xi32, #tpu.memory_space<hbm>>
      tpu.wait_dma2 semaphore(%run_scoped3A : memref<!tpu.dma_semaphore, #tpu.memory_space<semaphore_mem>>) src(%dma_wait3A_123 : memref<40x128xi32, #tpu.memory_space<hbm>>) dst(%dma_wait3A_119 : memref<40x128xi32, #tpu.memory_space<vmem>>)
      tpu.yield
    }) : () -> ()
    %dma_start3A_77 = arith.constant 0 : i32
    %dma_start3A_78 = arith.constant 0 : i32
    %dma_start3A_79 = tpu.memref_slice %arg11[%dma_start3A_77, %dma_start3A_78] : memref<40x128xi32, #tpu.memory_space<vmem>> -> memref<1x128xi32, #tpu.memory_space<vmem>>
    %dma_start3A_80 = tpu.memref_squeeze %dma_start3A_79 : memref<1x128xi32, #tpu.memory_space<vmem>> -> memref<128xi32, #tpu.memory_space<vmem>>
    %dma_start3A_81 = arith.constant 0 : i32
    %dma_start3A_82 = arith.constant 0 : i32
    %dma_start3A_83 = tpu.memref_slice %arg3[%dma_start3A_81, %dma_start3A_82] : memref<10000x128xf32, #tpu.memory_space<hbm>> -> memref<10000x128xf32, #tpu.memory_space<hbm>>
    tpu.enqueue_indirect_dma source(%dma_start3A_83 : memref<10000x128xf32, #tpu.memory_space<hbm>>) target(%arg13 : memref<128x128xf32, #tpu.memory_space<vmem>>) offsets(%dma_start3A_80 : memref<128xi32, #tpu.memory_space<vmem>>) semaphore(%arg18 : memref<!tpu.dma_semaphore, #tpu.memory_space<semaphore_mem>>)
    %dma_start3A_84 = arith.constant 1 : i32
    %dma_start3A_85 = arith.constant 0 : i32
    %dma_start3A_86 = tpu.memref_slice %arg11[%dma_start3A_84, %dma_start3A_85] : memref<40x128xi32, #tpu.memory_space<vmem>> -> memref<1x128xi32, #tpu.memory_space<vmem>>
    %dma_start3A_87 = tpu.memref_squeeze %dma_start3A_86 : memref<1x128xi32, #tpu.memory_space<vmem>> -> memref<128xi32, #tpu.memory_space<vmem>>
    %dma_start3A_88 = arith.constant 0 : i32
    %dma_start3A_89 = arith.constant 0 : i32
    %dma_start3A_90 = tpu.memref_slice %arg3[%dma_start3A_88, %dma_start3A_89] : memref<10000x128xf32, #tpu.memory_space<hbm>> -> memref<10000x128xf32, #tpu.memory_space<hbm>>
    tpu.enqueue_indirect_dma source(%dma_start3A_90 : memref<10000x128xf32, #tpu.memory_space<hbm>>) target(%arg14 : memref<128x128xf32, #tpu.memory_space<vmem>>) offsets(%dma_start3A_87 : memref<128xi32, #tpu.memory_space<vmem>>) semaphore(%arg19 : memref<!tpu.dma_semaphore, #tpu.memory_space<semaphore_mem>>)
    %scan3A_91 = arith.constant 0 : i32
    %scan3A_92 = arith.constant 10 : i32
    %scan3A_93 = arith.addi %scan3A_91, %scan3A_92 : i32
    %scan3A_94 = arith.constant 1 : i32
    scf.for %scan3A_97 = %scan3A_91 to %scan3A_93 step %scan3A_94  : i32 {
      %mul3A_98 = arith.constant 1 : i32
      %mul3A_99 = arith.muli %scan3A_97, %mul3A_98 : i32
      %add3A = arith.constant 0 : i32
      %add3A_100 = arith.addi %add3A, %mul3A_99 : i32
      %mul3A_101 = arith.constant 4 : i32
      %mul3A_102 = arith.muli %mul3A_101, %add3A_100 : i32
      %add3A_103 = arith.constant 0 : i32
      %add3A_104 = arith.addi %mul3A_102, %add3A_103 : i32
      %dma_wait3A = arith.constant 0 : i32
      %dma_wait3A_105 = tpu.memref_slice %arg11[%add3A_104, %dma_wait3A] : memref<40x128xi32, #tpu.memory_space<vmem>> -> memref<1x128xi32, #tpu.memory_space<vmem>>
      %dma_wait3A_106 = tpu.memref_squeeze %dma_wait3A_105 : memref<1x128xi32, #tpu.memory_space<vmem>> -> memref<128xi32, #tpu.memory_space<vmem>>
      %dma_wait3A_107 = arith.constant 0 : i32
      %dma_wait3A_108 = arith.constant 0 : i32
      %dma_wait3A_109 = tpu.memref_slice %arg3[%dma_wait3A_107, %dma_wait3A_108] : memref<10000x128xf32, #tpu.memory_space<hbm>> -> memref<10000x128xf32, #tpu.memory_space<hbm>>
      tpu.wait_indirect_dma semaphore(%arg18 : memref<!tpu.dma_semaphore, #tpu.memory_space<semaphore_mem>>) src(%dma_wait3A_109 : memref<10000x128xf32, #tpu.memory_space<hbm>>) dst(%arg13 : memref<128x128xf32, #tpu.memory_space<vmem>>)
      %add3A_110 = arith.constant 2 : i32
      %add3A_111 = arith.addi %add3A_104, %add3A_110 : i32
      %lt3A = arith.constant 40 : i32
      %lt3A_112 = arith.cmpi slt, %add3A_111, %lt3A : i32
      %convert_element_type3A = arith.extui %lt3A_112 : i1 to i32
      %cond3A = arith.constant 0 : i32
      %cond3A_113 = arith.cmpi ne, %convert_element_type3A, %cond3A : i32
      scf.if %cond3A_113 {
        %add3A_165 = arith.constant 2 : i32
        %add3A_166 = arith.addi %add3A_104, %add3A_165 : i32
        %dma_start3A_167 = arith.constant 0 : i32
        %dma_start3A_168 = tpu.memref_slice %arg11[%add3A_166, %dma_start3A_167] : memref<40x128xi32, #tpu.memory_space<vmem>> -> memref<1x128xi32, #tpu.memory_space<vmem>>
        %dma_start3A_169 = tpu.memref_squeeze %dma_start3A_168 : memref<1x128xi32, #tpu.memory_space<vmem>> -> memref<128xi32, #tpu.memory_space<vmem>>
        %dma_start3A_170 = arith.constant 0 : i32
        %dma_start3A_171 = arith.constant 0 : i32
        %dma_start3A_172 = tpu.memref_slice %arg3[%dma_start3A_170, %dma_start3A_171] : memref<10000x128xf32, #tpu.memory_space<hbm>> -> memref<10000x128xf32, #tpu.memory_space<hbm>>
        tpu.enqueue_indirect_dma source(%dma_start3A_172 : memref<10000x128xf32, #tpu.memory_space<hbm>>) target(%arg15 : memref<128x128xf32, #tpu.memory_space<vmem>>) offsets(%dma_start3A_169 : memref<128xi32, #tpu.memory_space<vmem>>) semaphore(%arg20 : memref<!tpu.dma_semaphore, #tpu.memory_space<semaphore_mem>>)
      } else {
      }
      "tpu.region"() ({
        %run_scoped3A = tpu.sem_alloc : memref<!tpu.dma_semaphore, #tpu.memory_space<semaphore_mem>>
        %dma_start3A_165 = arith.constant 0 : i32
        %dma_start3A_166 = tpu.memref_slice %arg12[%add3A_104, %dma_start3A_165] : memref<40x128xi32, #tpu.memory_space<vmem>> -> memref<1x128xi32, #tpu.memory_space<vmem>>
        %dma_start3A_167 = tpu.memref_squeeze %dma_start3A_166 : memref<1x128xi32, #tpu.memory_space<vmem>> -> memref<128xi32, #tpu.memory_space<vmem>>
        %dma_start3A_168 = arith.constant 0 : i32
        %dma_start3A_169 = arith.constant 0 : i32
        %dma_start3A_170 = tpu.memref_slice %arg17[%dma_start3A_168, %dma_start3A_169] : memref<5120x128xf32, #tpu.memory_space<vmem_shared>> -> memref<5120x128xf32, #tpu.memory_space<vmem_shared>>
        tpu.enqueue_indirect_dma source(%arg13 : memref<128x128xf32, #tpu.memory_space<vmem>>) target(%dma_start3A_170 : memref<5120x128xf32, #tpu.memory_space<vmem_shared>>) offsets(%dma_start3A_167 : memref<128xi32, #tpu.memory_space<vmem>>) semaphore(%run_scoped3A : memref<!tpu.dma_semaphore, #tpu.memory_space<semaphore_mem>>) {add = true}
        %dma_wait3A_171 = arith.constant 0 : i32
        %dma_wait3A_172 = tpu.memref_slice %arg12[%add3A_104, %dma_wait3A_171] : memref<40x128xi32, #tpu.memory_space<vmem>> -> memref<1x128xi32, #tpu.memory_space<vmem>>
        %dma_wait3A_173 = tpu.memref_squeeze %dma_wait3A_172 : memref<1x128xi32, #tpu.memory_space<vmem>> -> memref<128xi32, #tpu.memory_space<vmem>>
        %dma_wait3A_174 = arith.constant 0 : i32
        %dma_wait3A_175 = arith.constant 0 : i32
        %dma_wait3A_176 = tpu.memref_slice %arg17[%dma_wait3A_174, %dma_wait3A_175] : memref<5120x128xf32, #tpu.memory_space<vmem_shared>> -> memref<5120x128xf32, #tpu.memory_space<vmem_shared>>
        tpu.wait_indirect_dma semaphore(%run_scoped3A : memref<!tpu.dma_semaphore, #tpu.memory_space<semaphore_mem>>) src(%arg13 : memref<128x128xf32, #tpu.memory_space<vmem>>) dst(%dma_wait3A_176 : memref<5120x128xf32, #tpu.memory_space<vmem_shared>>)
        tpu.yield
      }) : () -> ()
      %mul3A_114 = arith.constant 4 : i32
      %mul3A_115 = arith.muli %mul3A_114, %add3A_100 : i32
      %add3A_116 = arith.constant 1 : i32
      %add3A_117 = arith.addi %mul3A_115, %add3A_116 : i32
      %dma_wait3A_118 = arith.constant 0 : i32
      %dma_wait3A_119 = tpu.memref_slice %arg11[%add3A_117, %dma_wait3A_118] : memref<40x128xi32, #tpu.memory_space<vmem>> -> memref<1x128xi32, #tpu.memory_space<vmem>>
      %dma_wait3A_120 = tpu.memref_squeeze %dma_wait3A_119 : memref<1x128xi32, #tpu.memory_space<vmem>> -> memref<128xi32, #tpu.memory_space<vmem>>
      %dma_wait3A_121 = arith.constant 0 : i32
      %dma_wait3A_122 = arith.constant 0 : i32
      %dma_wait3A_123 = tpu.memref_slice %arg3[%dma_wait3A_121, %dma_wait3A_122] : memref<10000x128xf32, #tpu.memory_space<hbm>> -> memref<10000x128xf32, #tpu.memory_space<hbm>>
      tpu.wait_indirect_dma semaphore(%arg19 : memref<!tpu.dma_semaphore, #tpu.memory_space<semaphore_mem>>) src(%dma_wait3A_123 : memref<10000x128xf32, #tpu.memory_space<hbm>>) dst(%arg14 : memref<128x128xf32, #tpu.memory_space<vmem>>)
      %add3A_124 = arith.constant 2 : i32
      %add3A_125 = arith.addi %add3A_117, %add3A_124 : i32
      %lt3A_126 = arith.constant 40 : i32
      %lt3A_127 = arith.cmpi slt, %add3A_125, %lt3A_126 : i32
      %convert_element_type3A_128 = arith.extui %lt3A_127 : i1 to i32
      %cond3A_129 = arith.constant 0 : i32
      %cond3A_130 = arith.cmpi ne, %convert_element_type3A_128, %cond3A_129 : i32
      scf.if %cond3A_130 {
        %add3A_165 = arith.constant 2 : i32
        %add3A_166 = arith.addi %add3A_117, %add3A_165 : i32
        %dma_start3A_167 = arith.constant 0 : i32
        %dma_start3A_168 = tpu.memref_slice %arg11[%add3A_166, %dma_start3A_167] : memref<40x128xi32, #tpu.memory_space<vmem>> -> memref<1x128xi32, #tpu.memory_space<vmem>>
        %dma_start3A_169 = tpu.memref_squeeze %dma_start3A_168 : memref<1x128xi32, #tpu.memory_space<vmem>> -> memref<128xi32, #tpu.memory_space<vmem>>
        %dma_start3A_170 = arith.constant 0 : i32
        %dma_start3A_171 = arith.constant 0 : i32
        %dma_start3A_172 = tpu.memref_slice %arg3[%dma_start3A_170, %dma_start3A_171] : memref<10000x128xf32, #tpu.memory_space<hbm>> -> memref<10000x128xf32, #tpu.memory_space<hbm>>
        tpu.enqueue_indirect_dma source(%dma_start3A_172 : memref<10000x128xf32, #tpu.memory_space<hbm>>) target(%arg16 : memref<128x128xf32, #tpu.memory_space<vmem>>) offsets(%dma_start3A_169 : memref<128xi32, #tpu.memory_space<vmem>>) semaphore(%arg21 : memref<!tpu.dma_semaphore, #tpu.memory_space<semaphore_mem>>)
      } else {
      }
      "tpu.region"() ({
        %run_scoped3A = tpu.sem_alloc : memref<!tpu.dma_semaphore, #tpu.memory_space<semaphore_mem>>
        %dma_start3A_165 = arith.constant 0 : i32
        %dma_start3A_166 = tpu.memref_slice %arg12[%add3A_117, %dma_start3A_165] : memref<40x128xi32, #tpu.memory_space<vmem>> -> memref<1x128xi32, #tpu.memory_space<vmem>>
        %dma_start3A_167 = tpu.memref_squeeze %dma_start3A_166 : memref<1x128xi32, #tpu.memory_space<vmem>> -> memref<128xi32, #tpu.memory_space<vmem>>
        %dma_start3A_168 = arith.constant 0 : i32
        %dma_start3A_169 = arith.constant 0 : i32
        %dma_start3A_170 = tpu.memref_slice %arg17[%dma_start3A_168, %dma_start3A_169] : memref<5120x128xf32, #tpu.memory_space<vmem_shared>> -> memref<5120x128xf32, #tpu.memory_space<vmem_shared>>
        tpu.enqueue_indirect_dma source(%arg14 : memref<128x128xf32, #tpu.memory_space<vmem>>) target(%dma_start3A_170 : memref<5120x128xf32, #tpu.memory_space<vmem_shared>>) offsets(%dma_start3A_167 : memref<128xi32, #tpu.memory_space<vmem>>) semaphore(%run_scoped3A : memref<!tpu.dma_semaphore, #tpu.memory_space<semaphore_mem>>) {add = true}
        %dma_wait3A_171 = arith.constant 0 : i32
        %dma_wait3A_172 = tpu.memref_slice %arg12[%add3A_117, %dma_wait3A_171] : memref<40x128xi32, #tpu.memory_space<vmem>> -> memref<1x128xi32, #tpu.memory_space<vmem>>
        %dma_wait3A_173 = tpu.memref_squeeze %dma_wait3A_172 : memref<1x128xi32, #tpu.memory_space<vmem>> -> memref<128xi32, #tpu.memory_space<vmem>>
        %dma_wait3A_174 = arith.constant 0 : i32
        %dma_wait3A_175 = arith.constant 0 : i32
        %dma_wait3A_176 = tpu.memref_slice %arg17[%dma_wait3A_174, %dma_wait3A_175] : memref<5120x128xf32, #tpu.memory_space<vmem_shared>> -> memref<5120x128xf32, #tpu.memory_space<vmem_shared>>
        tpu.wait_indirect_dma semaphore(%run_scoped3A : memref<!tpu.dma_semaphore, #tpu.memory_space<semaphore_mem>>) src(%arg14 : memref<128x128xf32, #tpu.memory_space<vmem>>) dst(%dma_wait3A_176 : memref<5120x128xf32, #tpu.memory_space<vmem_shared>>)
        tpu.yield
      }) : () -> ()
      %mul3A_131 = arith.constant 4 : i32
      %mul3A_132 = arith.muli %mul3A_131, %add3A_100 : i32
      %add3A_133 = arith.constant 2 : i32
      %add3A_134 = arith.addi %mul3A_132, %add3A_133 : i32
      %dma_wait3A_135 = arith.constant 0 : i32
      %dma_wait3A_136 = tpu.memref_slice %arg11[%add3A_134, %dma_wait3A_135] : memref<40x128xi32, #tpu.memory_space<vmem>> -> memref<1x128xi32, #tpu.memory_space<vmem>>
      %dma_wait3A_137 = tpu.memref_squeeze %dma_wait3A_136 : memref<1x128xi32, #tpu.memory_space<vmem>> -> memref<128xi32, #tpu.memory_space<vmem>>
      %dma_wait3A_138 = arith.constant 0 : i32
      %dma_wait3A_139 = arith.constant 0 : i32
      %dma_wait3A_140 = tpu.memref_slice %arg3[%dma_wait3A_138, %dma_wait3A_139] : memref<10000x128xf32, #tpu.memory_space<hbm>> -> memref<10000x128xf32, #tpu.memory_space<hbm>>
      tpu.wait_indirect_dma semaphore(%arg20 : memref<!tpu.dma_semaphore, #tpu.memory_space<semaphore_mem>>) src(%dma_wait3A_140 : memref<10000x128xf32, #tpu.memory_space<hbm>>) dst(%arg15 : memref<128x128xf32, #tpu.memory_space<vmem>>)
      %add3A_141 = arith.constant 2 : i32
      %add3A_142 = arith.addi %add3A_134, %add3A_141 : i32
      %lt3A_143 = arith.constant 40 : i32
      %lt3A_144 = arith.cmpi slt, %add3A_142, %lt3A_143 : i32
      %convert_element_type3A_145 = arith.extui %lt3A_144 : i1 to i32
      %cond3A_146 = arith.constant 0 : i32
      %cond3A_147 = arith.cmpi ne, %convert_element_type3A_145, %cond3A_146 : i32
      scf.if %cond3A_147 {
        %add3A_165 = arith.constant 2 : i32
        %add3A_166 = arith.addi %add3A_134, %add3A_165 : i32
        %dma_start3A_167 = arith.constant 0 : i32
        %dma_start3A_168 = tpu.memref_slice %arg11[%add3A_166, %dma_start3A_167] : memref<40x128xi32, #tpu.memory_space<vmem>> -> memref<1x128xi32, #tpu.memory_space<vmem>>
        %dma_start3A_169 = tpu.memref_squeeze %dma_start3A_168 : memref<1x128xi32, #tpu.memory_space<vmem>> -> memref<128xi32, #tpu.memory_space<vmem>>
        %dma_start3A_170 = arith.constant 0 : i32
        %dma_start3A_171 = arith.constant 0 : i32
        %dma_start3A_172 = tpu.memref_slice %arg3[%dma_start3A_170, %dma_start3A_171] : memref<10000x128xf32, #tpu.memory_space<hbm>> -> memref<10000x128xf32, #tpu.memory_space<hbm>>
        tpu.enqueue_indirect_dma source(%dma_start3A_172 : memref<10000x128xf32, #tpu.memory_space<hbm>>) target(%arg13 : memref<128x128xf32, #tpu.memory_space<vmem>>) offsets(%dma_start3A_169 : memref<128xi32, #tpu.memory_space<vmem>>) semaphore(%arg18 : memref<!tpu.dma_semaphore, #tpu.memory_space<semaphore_mem>>)
      } else {
      }
      "tpu.region"() ({
        %run_scoped3A = tpu.sem_alloc : memref<!tpu.dma_semaphore, #tpu.memory_space<semaphore_mem>>
        %dma_start3A_165 = arith.constant 0 : i32
        %dma_start3A_166 = tpu.memref_slice %arg12[%add3A_134, %dma_start3A_165] : memref<40x128xi32, #tpu.memory_space<vmem>> -> memref<1x128xi32, #tpu.memory_space<vmem>>
        %dma_start3A_167 = tpu.memref_squeeze %dma_start3A_166 : memref<1x128xi32, #tpu.memory_space<vmem>> -> memref<128xi32, #tpu.memory_space<vmem>>
        %dma_start3A_168 = arith.constant 0 : i32
        %dma_start3A_169 = arith.constant 0 : i32
        %dma_start3A_170 = tpu.memref_slice %arg17[%dma_start3A_168, %dma_start3A_169] : memref<5120x128xf32, #tpu.memory_space<vmem_shared>> -> memref<5120x128xf32, #tpu.memory_space<vmem_shared>>
        tpu.enqueue_indirect_dma source(%arg15 : memref<128x128xf32, #tpu.memory_space<vmem>>) target(%dma_start3A_170 : memref<5120x128xf32, #tpu.memory_space<vmem_shared>>) offsets(%dma_start3A_167 : memref<128xi32, #tpu.memory_space<vmem>>) semaphore(%run_scoped3A : memref<!tpu.dma_semaphore, #tpu.memory_space<semaphore_mem>>) {add = true}
        %dma_wait3A_171 = arith.constant 0 : i32
        %dma_wait3A_172 = tpu.memref_slice %arg12[%add3A_134, %dma_wait3A_171] : memref<40x128xi32, #tpu.memory_space<vmem>> -> memref<1x128xi32, #tpu.memory_space<vmem>>
        %dma_wait3A_173 = tpu.memref_squeeze %dma_wait3A_172 : memref<1x128xi32, #tpu.memory_space<vmem>> -> memref<128xi32, #tpu.memory_space<vmem>>
        %dma_wait3A_174 = arith.constant 0 : i32
        %dma_wait3A_175 = arith.constant 0 : i32
        %dma_wait3A_176 = tpu.memref_slice %arg17[%dma_wait3A_174, %dma_wait3A_175] : memref<5120x128xf32, #tpu.memory_space<vmem_shared>> -> memref<5120x128xf32, #tpu.memory_space<vmem_shared>>
        tpu.wait_indirect_dma semaphore(%run_scoped3A : memref<!tpu.dma_semaphore, #tpu.memory_space<semaphore_mem>>) src(%arg15 : memref<128x128xf32, #tpu.memory_space<vmem>>) dst(%dma_wait3A_176 : memref<5120x128xf32, #tpu.memory_space<vmem_shared>>)
        tpu.yield
      }) : () -> ()
      %mul3A_148 = arith.constant 4 : i32
      %mul3A_149 = arith.muli %mul3A_148, %add3A_100 : i32
      %add3A_150 = arith.constant 3 : i32
      %add3A_151 = arith.addi %mul3A_149, %add3A_150 : i32
      %dma_wait3A_152 = arith.constant 0 : i32
      %dma_wait3A_153 = tpu.memref_slice %arg11[%add3A_151, %dma_wait3A_152] : memref<40x128xi32, #tpu.memory_space<vmem>> -> memref<1x128xi32, #tpu.memory_space<vmem>>
      %dma_wait3A_154 = tpu.memref_squeeze %dma_wait3A_153 : memref<1x128xi32, #tpu.memory_space<vmem>> -> memref<128xi32, #tpu.memory_space<vmem>>
      %dma_wait3A_155 = arith.constant 0 : i32
      %dma_wait3A_156 = arith.constant 0 : i32
      %dma_wait3A_157 = tpu.memref_slice %arg3[%dma_wait3A_155, %dma_wait3A_156] : memref<10000x128xf32, #tpu.memory_space<hbm>> -> memref<10000x128xf32, #tpu.memory_space<hbm>>
      tpu.wait_indirect_dma semaphore(%arg21 : memref<!tpu.dma_semaphore, #tpu.memory_space<semaphore_mem>>) src(%dma_wait3A_157 : memref<10000x128xf32, #tpu.memory_space<hbm>>) dst(%arg16 : memref<128x128xf32, #tpu.memory_space<vmem>>)
      %add3A_158 = arith.constant 2 : i32
      %add3A_159 = arith.addi %add3A_151, %add3A_158 : i32
      %lt3A_160 = arith.constant 40 : i32
      %lt3A_161 = arith.cmpi slt, %add3A_159, %lt3A_160 : i32
      %convert_element_type3A_162 = arith.extui %lt3A_161 : i1 to i32
      %cond3A_163 = arith.constant 0 : i32
      %cond3A_164 = arith.cmpi ne, %convert_element_type3A_162, %cond3A_163 : i32
      scf.if %cond3A_164 {
        %add3A_165 = arith.constant 2 : i32
        %add3A_166 = arith.addi %add3A_151, %add3A_165 : i32
        %dma_start3A_167 = arith.constant 0 : i32
        %dma_start3A_168 = tpu.memref_slice %arg11[%add3A_166, %dma_start3A_167] : memref<40x128xi32, #tpu.memory_space<vmem>> -> memref<1x128xi32, #tpu.memory_space<vmem>>
        %dma_start3A_169 = tpu.memref_squeeze %dma_start3A_168 : memref<1x128xi32, #tpu.memory_space<vmem>> -> memref<128xi32, #tpu.memory_space<vmem>>
        %dma_start3A_170 = arith.constant 0 : i32
        %dma_start3A_171 = arith.constant 0 : i32
        %dma_start3A_172 = tpu.memref_slice %arg3[%dma_start3A_170, %dma_start3A_171] : memref<10000x128xf32, #tpu.memory_space<hbm>> -> memref<10000x128xf32, #tpu.memory_space<hbm>>
        tpu.enqueue_indirect_dma source(%dma_start3A_172 : memref<10000x128xf32, #tpu.memory_space<hbm>>) target(%arg14 : memref<128x128xf32, #tpu.memory_space<vmem>>) offsets(%dma_start3A_169 : memref<128xi32, #tpu.memory_space<vmem>>) semaphore(%arg19 : memref<!tpu.dma_semaphore, #tpu.memory_space<semaphore_mem>>)
      } else {
      }
      "tpu.region"() ({
        %run_scoped3A = tpu.sem_alloc : memref<!tpu.dma_semaphore, #tpu.memory_space<semaphore_mem>>
        %dma_start3A_165 = arith.constant 0 : i32
        %dma_start3A_166 = tpu.memref_slice %arg12[%add3A_151, %dma_start3A_165] : memref<40x128xi32, #tpu.memory_space<vmem>> -> memref<1x128xi32, #tpu.memory_space<vmem>>
        %dma_start3A_167 = tpu.memref_squeeze %dma_start3A_166 : memref<1x128xi32, #tpu.memory_space<vmem>> -> memref<128xi32, #tpu.memory_space<vmem>>
        %dma_start3A_168 = arith.constant 0 : i32
        %dma_start3A_169 = arith.constant 0 : i32
        %dma_start3A_170 = tpu.memref_slice %arg17[%dma_start3A_168, %dma_start3A_169] : memref<5120x128xf32, #tpu.memory_space<vmem_shared>> -> memref<5120x128xf32, #tpu.memory_space<vmem_shared>>
        tpu.enqueue_indirect_dma source(%arg16 : memref<128x128xf32, #tpu.memory_space<vmem>>) target(%dma_start3A_170 : memref<5120x128xf32, #tpu.memory_space<vmem_shared>>) offsets(%dma_start3A_167 : memref<128xi32, #tpu.memory_space<vmem>>) semaphore(%run_scoped3A : memref<!tpu.dma_semaphore, #tpu.memory_space<semaphore_mem>>) {add = true}
        %dma_wait3A_171 = arith.constant 0 : i32
        %dma_wait3A_172 = tpu.memref_slice %arg12[%add3A_151, %dma_wait3A_171] : memref<40x128xi32, #tpu.memory_space<vmem>> -> memref<1x128xi32, #tpu.memory_space<vmem>>
        %dma_wait3A_173 = tpu.memref_squeeze %dma_wait3A_172 : memref<1x128xi32, #tpu.memory_space<vmem>> -> memref<128xi32, #tpu.memory_space<vmem>>
        %dma_wait3A_174 = arith.constant 0 : i32
        %dma_wait3A_175 = arith.constant 0 : i32
        %dma_wait3A_176 = tpu.memref_slice %arg17[%dma_wait3A_174, %dma_wait3A_175] : memref<5120x128xf32, #tpu.memory_space<vmem_shared>> -> memref<5120x128xf32, #tpu.memory_space<vmem_shared>>
        tpu.wait_indirect_dma semaphore(%run_scoped3A : memref<!tpu.dma_semaphore, #tpu.memory_space<semaphore_mem>>) src(%arg16 : memref<128x128xf32, #tpu.memory_space<vmem>>) dst(%dma_wait3A_176 : memref<5120x128xf32, #tpu.memory_space<vmem_shared>>)
        tpu.yield
      }) : () -> ()
    }
    %scan3A_95 = arith.constant 10 : i32
    %barrier3A_96 = arith.constant 0 : index
    tpu.barrier barrier_id(%barrier3A_96)
    "tpu.region"() ({
      %run_scoped3A = tpu.sem_alloc : memref<!tpu.dma_semaphore, #tpu.memory_space<semaphore_mem>>
      %dma_start3A_97 = arith.constant 0 : i32
      %dma_start3A_98 = tpu.memref_slice %arg10[%arg0, %mul3A_0, %dma_start3A_97] : memref<2x5120x128xf32, #tpu.memory_space<hbm>> -> memref<1x320x128xf32, #tpu.memory_space<hbm>>
      %dma_start3A_99 = tpu.memref_squeeze %dma_start3A_98 : memref<1x320x128xf32, #tpu.memory_space<hbm>> -> memref<320x128xf32, #tpu.memory_space<hbm>>
      %dma_start3A_100 = arith.constant 0 : i32
      %dma_start3A_101 = tpu.memref_slice %arg17[%mul3A_0, %dma_start3A_100] : memref<5120x128xf32, #tpu.memory_space<vmem_shared>> -> memref<320x128xf32, #tpu.memory_space<vmem_shared>>
      tpu.enqueue_dma source(%dma_start3A_101 : memref<320x128xf32, #tpu.memory_space<vmem_shared>>) target(%dma_start3A_99 : memref<320x128xf32, #tpu.memory_space<hbm>>) target_semaphore(%run_scoped3A : memref<!tpu.dma_semaphore, #tpu.memory_space<semaphore_mem>>)
      %dma_wait3A = arith.constant 0 : i32
      %dma_wait3A_102 = tpu.memref_slice %arg10[%arg0, %mul3A_0, %dma_wait3A] : memref<2x5120x128xf32, #tpu.memory_space<hbm>> -> memref<1x320x128xf32, #tpu.memory_space<hbm>>
      %dma_wait3A_103 = tpu.memref_squeeze %dma_wait3A_102 : memref<1x320x128xf32, #tpu.memory_space<hbm>> -> memref<320x128xf32, #tpu.memory_space<hbm>>
      %dma_wait3A_104 = arith.constant 0 : i32
      %dma_wait3A_105 = tpu.memref_slice %arg17[%mul3A_0, %dma_wait3A_104] : memref<5120x128xf32, #tpu.memory_space<vmem_shared>> -> memref<320x128xf32, #tpu.memory_space<vmem_shared>>
      tpu.wait_dma2 semaphore(%run_scoped3A : memref<!tpu.dma_semaphore, #tpu.memory_space<semaphore_mem>>) src(%dma_wait3A_105 : memref<320x128xf32, #tpu.memory_space<vmem_shared>>) dst(%dma_wait3A_103 : memref<320x128xf32, #tpu.memory_space<hbm>>)
      tpu.yield
    }) : () -> ()
    return
  }
}

#map = affine_map<(d0, d1) -> (0, 0)>
#map1 = affine_map<(d0, d1) -> (0, 0, 0)>
#map2 = affine_map<(d0, d1) -> (0, 0, 0, 0)>
module attributes {stable_mosaic.version = 14 : i64} {
  func.func @body(%arg0: i32, %arg1: i32, %arg2: memref<10000x128xf32, #tpu.memory_space<hbm>>, %arg3: memref<10000x128xf32, #tpu.memory_space<hbm>>, %arg4: memref<16x8x128xi32, #tpu.memory_space<hbm>>, %arg5: memref<2x16x8x128xi32, #tpu.memory_space<hbm>>, %arg6: memref<16x160x128xi32, #tpu.memory_space<hbm>>, %arg7: memref<2x16x160x128xi32, #tpu.memory_space<hbm>>, %arg8: memref<5120x128xf32, #tpu.memory_space<hbm>>, %arg9: memref<2x5120x128xf32, #tpu.memory_space<hbm>>, %arg10: memref<2x5120x128xf32, #tpu.memory_space<hbm>>, %arg11: memref<40x128xi32, #tpu.memory_space<vmem>>, %arg12: memref<40x128xi32, #tpu.memory_space<vmem>>, %arg13: memref<128x128xf32, #tpu.memory_space<vmem>>, %arg14: memref<128x128xf32, #tpu.memory_space<vmem>>, %arg15: memref<128x128xf32, #tpu.memory_space<vmem>>, %arg16: memref<128x128xf32, #tpu.memory_space<vmem>>, %arg17: memref<5120x128xf32, #tpu.memory_space<vmem_shared>>, %arg18: memref<!tpu.dma_semaphore, #tpu.memory_space<semaphore_mem>>, %arg19: memref<!tpu.dma_semaphore, #tpu.memory_space<semaphore_mem>>, %arg20: memref<!tpu.dma_semaphore, #tpu.memory_space<semaphore_mem>>, %arg21: memref<!tpu.dma_semaphore, #tpu.memory_space<semaphore_mem>>) attributes {dimension_semantics = [#tpu.dimension_semantics<core_parallel>, #tpu.dimension_semantics<subcore_parallel>], iteration_bounds = array<i64: 2, 16>, scalar_prefetch = 0 : i64, scratch_operands = 11 : i64, tpu.core_type = #tpu.core_type<sc_vector_subcore>, window_params = [{transform_indices = #map}, {transform_indices = #map}, {transform_indices = #map1}, {transform_indices = #map2}, {transform_indices = #map1}, {transform_indices = #map2}, {transform_indices = #map}, {transform_indices = #map1}, {transform_indices = #map1}]} {
    %mul3A = arith.constant 320 : i32
    %mul3A_0 = arith.muli %arg1, %mul3A : i32
    "tpu.region"() ({
      %run_scoped3A = tpu.sem_alloc : memref<!tpu.dma_semaphore, #tpu.memory_space<semaphore_mem>>
      %dma_start3A_97 = arith.constant 0 : i32
      %dma_start3A_98 = tpu.memref_slice %arg17[%mul3A_0, %dma_start3A_97] : memref<5120x128xf32, #tpu.memory_space<vmem_shared>> -> memref<320x128xf32, #tpu.memory_space<vmem_shared>>
      %dma_start3A_99 = arith.constant 0 : i32
      %dma_start3A_100 = tpu.memref_slice %arg8[%mul3A_0, %dma_start3A_99] : memref<5120x128xf32, #tpu.memory_space<hbm>> -> memref<320x128xf32, #tpu.memory_space<hbm>>
      tpu.enqueue_dma source(%dma_start3A_100 : memref<320x128xf32, #tpu.memory_space<hbm>>) target(%dma_start3A_98 : memref<320x128xf32, #tpu.memory_space<vmem_shared>>) target_semaphore(%run_scoped3A : memref<!tpu.dma_semaphore, #tpu.memory_space<semaphore_mem>>)
      %dma_wait3A = arith.constant 0 : i32
      %dma_wait3A_101 = tpu.memref_slice %arg17[%mul3A_0, %dma_wait3A] : memref<5120x128xf32, #tpu.memory_space<vmem_shared>> -> memref<320x128xf32, #tpu.memory_space<vmem_shared>>
      %dma_wait3A_102 = arith.constant 0 : i32
      %dma_wait3A_103 = tpu.memref_slice %arg8[%mul3A_0, %dma_wait3A_102] : memref<5120x128xf32, #tpu.memory_space<hbm>> -> memref<320x128xf32, #tpu.memory_space<hbm>>
      tpu.wait_dma2 semaphore(%run_scoped3A : memref<!tpu.dma_semaphore, #tpu.memory_space<semaphore_mem>>) src(%dma_wait3A_103 : memref<320x128xf32, #tpu.memory_space<hbm>>) dst(%dma_wait3A_101 : memref<320x128xf32, #tpu.memory_space<vmem_shared>>)
      tpu.yield
    }) : () -> ()
    "tpu.region"() ({
      %run_scoped3A = tpu.sem_alloc : memref<!tpu.dma_semaphore, #tpu.memory_space<semaphore_mem>>
      %dma_start3A_97 = arith.constant 0 : i32
      %dma_start3A_98 = arith.constant 0 : i32
      %dma_start3A_99 = tpu.memref_slice %arg11[%dma_start3A_97, %dma_start3A_98] : memref<40x128xi32, #tpu.memory_space<vmem>> -> memref<8x128xi32, #tpu.memory_space<vmem>>
      %dma_start3A_100 = arith.constant 0 : i32
      %dma_start3A_101 = arith.constant 0 : i32
      %dma_start3A_102 = tpu.memref_slice %arg4[%arg1, %dma_start3A_100, %dma_start3A_101] : memref<16x8x128xi32, #tpu.memory_space<hbm>> -> memref<1x8x128xi32, #tpu.memory_space<hbm>>
      %dma_start3A_103 = tpu.memref_squeeze %dma_start3A_102 : memref<1x8x128xi32, #tpu.memory_space<hbm>> -> memref<8x128xi32, #tpu.memory_space<hbm>>
      %dma_start3A_104 = arith.constant 0 : i32
      %dma_start3A_105 = arith.constant 0 : i32
      %dma_start3A_106 = tpu.memref_slice %arg11[%dma_start3A_104, %dma_start3A_105] : memref<40x128xi32, #tpu.memory_space<vmem>> -> memref<8x128xi32, #tpu.memory_space<vmem>>
      %dma_start3A_107 = arith.constant 0 : i32
      %dma_start3A_108 = arith.constant 0 : i32
      %dma_start3A_109 = tpu.memref_slice %arg4[%arg1, %dma_start3A_107, %dma_start3A_108] : memref<16x8x128xi32, #tpu.memory_space<hbm>> -> memref<1x8x128xi32, #tpu.memory_space<hbm>>
      %dma_start3A_110 = tpu.memref_squeeze %dma_start3A_109 : memref<1x8x128xi32, #tpu.memory_space<hbm>> -> memref<8x128xi32, #tpu.memory_space<hbm>>
      tpu.enqueue_dma source(%dma_start3A_110 : memref<8x128xi32, #tpu.memory_space<hbm>>) target(%dma_start3A_106 : memref<8x128xi32, #tpu.memory_space<vmem>>) target_semaphore(%run_scoped3A : memref<!tpu.dma_semaphore, #tpu.memory_space<semaphore_mem>>)
      %dma_wait3A = arith.constant 0 : i32
      %dma_wait3A_111 = arith.constant 0 : i32
      %dma_wait3A_112 = tpu.memref_slice %arg11[%dma_wait3A, %dma_wait3A_111] : memref<40x128xi32, #tpu.memory_space<vmem>> -> memref<8x128xi32, #tpu.memory_space<vmem>>
      %dma_wait3A_113 = arith.constant 0 : i32
      %dma_wait3A_114 = arith.constant 0 : i32
      %dma_wait3A_115 = tpu.memref_slice %arg4[%arg1, %dma_wait3A_113, %dma_wait3A_114] : memref<16x8x128xi32, #tpu.memory_space<hbm>> -> memref<1x8x128xi32, #tpu.memory_space<hbm>>
      %dma_wait3A_116 = tpu.memref_squeeze %dma_wait3A_115 : memref<1x8x128xi32, #tpu.memory_space<hbm>> -> memref<8x128xi32, #tpu.memory_space<hbm>>
      %dma_wait3A_117 = arith.constant 0 : i32
      %dma_wait3A_118 = arith.constant 0 : i32
      %dma_wait3A_119 = tpu.memref_slice %arg11[%dma_wait3A_117, %dma_wait3A_118] : memref<40x128xi32, #tpu.memory_space<vmem>> -> memref<8x128xi32, #tpu.memory_space<vmem>>
      %dma_wait3A_120 = arith.constant 0 : i32
      %dma_wait3A_121 = arith.constant 0 : i32
      %dma_wait3A_122 = tpu.memref_slice %arg4[%arg1, %dma_wait3A_120, %dma_wait3A_121] : memref<16x8x128xi32, #tpu.memory_space<hbm>> -> memref<1x8x128xi32, #tpu.memory_space<hbm>>
      %dma_wait3A_123 = tpu.memref_squeeze %dma_wait3A_122 : memref<1x8x128xi32, #tpu.memory_space<hbm>> -> memref<8x128xi32, #tpu.memory_space<hbm>>
      tpu.wait_dma2 semaphore(%run_scoped3A : memref<!tpu.dma_semaphore, #tpu.memory_space<semaphore_mem>>) src(%dma_wait3A_123 : memref<8x128xi32, #tpu.memory_space<hbm>>) dst(%dma_wait3A_119 : memref<8x128xi32, #tpu.memory_space<vmem>>)
      tpu.yield
    }) : () -> ()
    "tpu.region"() ({
      %run_scoped3A = tpu.sem_alloc : memref<!tpu.dma_semaphore, #tpu.memory_space<semaphore_mem>>
      %dma_start3A_97 = arith.constant 0 : i32
      %dma_start3A_98 = arith.constant 0 : i32
      %dma_start3A_99 = tpu.memref_slice %arg12[%dma_start3A_97, %dma_start3A_98] : memref<40x128xi32, #tpu.memory_space<vmem>> -> memref<8x128xi32, #tpu.memory_space<vmem>>
      %dma_start3A_100 = arith.constant 0 : i32
      %dma_start3A_101 = arith.constant 0 : i32
      %dma_start3A_102 = tpu.memref_slice %arg5[%arg0, %arg1, %dma_start3A_100, %dma_start3A_101] : memref<2x16x8x128xi32, #tpu.memory_space<hbm>> -> memref<1x1x8x128xi32, #tpu.memory_space<hbm>>
      %dma_start3A_103 = tpu.memref_squeeze %dma_start3A_102 : memref<1x1x8x128xi32, #tpu.memory_space<hbm>> -> memref<8x128xi32, #tpu.memory_space<hbm>>
      %dma_start3A_104 = arith.constant 0 : i32
      %dma_start3A_105 = arith.constant 0 : i32
      %dma_start3A_106 = tpu.memref_slice %arg12[%dma_start3A_104, %dma_start3A_105] : memref<40x128xi32, #tpu.memory_space<vmem>> -> memref<8x128xi32, #tpu.memory_space<vmem>>
      %dma_start3A_107 = arith.constant 0 : i32
      %dma_start3A_108 = arith.constant 0 : i32
      %dma_start3A_109 = tpu.memref_slice %arg5[%arg0, %arg1, %dma_start3A_107, %dma_start3A_108] : memref<2x16x8x128xi32, #tpu.memory_space<hbm>> -> memref<1x1x8x128xi32, #tpu.memory_space<hbm>>
      %dma_start3A_110 = tpu.memref_squeeze %dma_start3A_109 : memref<1x1x8x128xi32, #tpu.memory_space<hbm>> -> memref<8x128xi32, #tpu.memory_space<hbm>>
      tpu.enqueue_dma source(%dma_start3A_110 : memref<8x128xi32, #tpu.memory_space<hbm>>) target(%dma_start3A_106 : memref<8x128xi32, #tpu.memory_space<vmem>>) target_semaphore(%run_scoped3A : memref<!tpu.dma_semaphore, #tpu.memory_space<semaphore_mem>>)
      %dma_wait3A = arith.constant 0 : i32
      %dma_wait3A_111 = arith.constant 0 : i32
      %dma_wait3A_112 = tpu.memref_slice %arg12[%dma_wait3A, %dma_wait3A_111] : memref<40x128xi32, #tpu.memory_space<vmem>> -> memref<8x128xi32, #tpu.memory_space<vmem>>
      %dma_wait3A_113 = arith.constant 0 : i32
      %dma_wait3A_114 = arith.constant 0 : i32
      %dma_wait3A_115 = tpu.memref_slice %arg5[%arg0, %arg1, %dma_wait3A_113, %dma_wait3A_114] : memref<2x16x8x128xi32, #tpu.memory_space<hbm>> -> memref<1x1x8x128xi32, #tpu.memory_space<hbm>>
      %dma_wait3A_116 = tpu.memref_squeeze %dma_wait3A_115 : memref<1x1x8x128xi32, #tpu.memory_space<hbm>> -> memref<8x128xi32, #tpu.memory_space<hbm>>
      %dma_wait3A_117 = arith.constant 0 : i32
      %dma_wait3A_118 = arith.constant 0 : i32
      %dma_wait3A_119 = tpu.memref_slice %arg12[%dma_wait3A_117, %dma_wait3A_118] : memref<40x128xi32, #tpu.memory_space<vmem>> -> memref<8x128xi32, #tpu.memory_space<vmem>>
      %dma_wait3A_120 = arith.constant 0 : i32
      %dma_wait3A_121 = arith.constant 0 : i32
      %dma_wait3A_122 = tpu.memref_slice %arg5[%arg0, %arg1, %dma_wait3A_120, %dma_wait3A_121] : memref<2x16x8x128xi32, #tpu.memory_space<hbm>> -> memref<1x1x8x128xi32, #tpu.memory_space<hbm>>
      %dma_wait3A_123 = tpu.memref_squeeze %dma_wait3A_122 : memref<1x1x8x128xi32, #tpu.memory_space<hbm>> -> memref<8x128xi32, #tpu.memory_space<hbm>>
      tpu.wait_dma2 semaphore(%run_scoped3A : memref<!tpu.dma_semaphore, #tpu.memory_space<semaphore_mem>>) src(%dma_wait3A_123 : memref<8x128xi32, #tpu.memory_space<hbm>>) dst(%dma_wait3A_119 : memref<8x128xi32, #tpu.memory_space<vmem>>)
      tpu.yield
    }) : () -> ()
    %dma_start3A = arith.constant 0 : i32
    %dma_start3A_1 = arith.constant 0 : i32
    %dma_start3A_2 = tpu.memref_slice %arg11[%dma_start3A, %dma_start3A_1] : memref<40x128xi32, #tpu.memory_space<vmem>> -> memref<1x128xi32, #tpu.memory_space<vmem>>
    %dma_start3A_3 = tpu.memref_squeeze %dma_start3A_2 : memref<1x128xi32, #tpu.memory_space<vmem>> -> memref<128xi32, #tpu.memory_space<vmem>>
    %dma_start3A_4 = arith.constant 0 : i32
    %dma_start3A_5 = arith.constant 0 : i32
    %dma_start3A_6 = tpu.memref_slice %arg2[%dma_start3A_4, %dma_start3A_5] : memref<10000x128xf32, #tpu.memory_space<hbm>> -> memref<10000x128xf32, #tpu.memory_space<hbm>>
    tpu.enqueue_indirect_dma source(%dma_start3A_6 : memref<10000x128xf32, #tpu.memory_space<hbm>>) target(%arg13 : memref<128x128xf32, #tpu.memory_space<vmem>>) offsets(%dma_start3A_3 : memref<128xi32, #tpu.memory_space<vmem>>) semaphore(%arg18 : memref<!tpu.dma_semaphore, #tpu.memory_space<semaphore_mem>>)
    %dma_start3A_7 = arith.constant 1 : i32
    %dma_start3A_8 = arith.constant 0 : i32
    %dma_start3A_9 = tpu.memref_slice %arg11[%dma_start3A_7, %dma_start3A_8] : memref<40x128xi32, #tpu.memory_space<vmem>> -> memref<1x128xi32, #tpu.memory_space<vmem>>
    %dma_start3A_10 = tpu.memref_squeeze %dma_start3A_9 : memref<1x128xi32, #tpu.memory_space<vmem>> -> memref<128xi32, #tpu.memory_space<vmem>>
    %dma_start3A_11 = arith.constant 0 : i32
    %dma_start3A_12 = arith.constant 0 : i32
    %dma_start3A_13 = tpu.memref_slice %arg2[%dma_start3A_11, %dma_start3A_12] : memref<10000x128xf32, #tpu.memory_space<hbm>> -> memref<10000x128xf32, #tpu.memory_space<hbm>>
    tpu.enqueue_indirect_dma source(%dma_start3A_13 : memref<10000x128xf32, #tpu.memory_space<hbm>>) target(%arg14 : memref<128x128xf32, #tpu.memory_space<vmem>>) offsets(%dma_start3A_10 : memref<128xi32, #tpu.memory_space<vmem>>) semaphore(%arg19 : memref<!tpu.dma_semaphore, #tpu.memory_space<semaphore_mem>>)
    %barrier3A = arith.constant 0 : index
    tpu.barrier barrier_id(%barrier3A)
    %scan3A = arith.constant 0 : i32
    %scan3A_14 = arith.constant 2 : i32
    %scan3A_15 = arith.addi %scan3A, %scan3A_14 : i32
    %scan3A_16 = arith.constant 1 : i32
    scf.for %scan3A_97 = %scan3A to %scan3A_15 step %scan3A_16  : i32 {
      %mul3A_98 = arith.constant 1 : i32
      %mul3A_99 = arith.muli %scan3A_97, %mul3A_98 : i32
      %add3A = arith.constant 0 : i32
      %add3A_100 = arith.addi %add3A, %mul3A_99 : i32
      %mul3A_101 = arith.constant 4 : i32
      %mul3A_102 = arith.muli %mul3A_101, %add3A_100 : i32
      %add3A_103 = arith.constant 0 : i32
      %add3A_104 = arith.addi %mul3A_102, %add3A_103 : i32
      %dma_wait3A = arith.constant 0 : i32
      %dma_wait3A_105 = tpu.memref_slice %arg11[%add3A_104, %dma_wait3A] : memref<40x128xi32, #tpu.memory_space<vmem>> -> memref<1x128xi32, #tpu.memory_space<vmem>>
      %dma_wait3A_106 = tpu.memref_squeeze %dma_wait3A_105 : memref<1x128xi32, #tpu.memory_space<vmem>> -> memref<128xi32, #tpu.memory_space<vmem>>
      %dma_wait3A_107 = arith.constant 0 : i32
      %dma_wait3A_108 = arith.constant 0 : i32
      %dma_wait3A_109 = tpu.memref_slice %arg2[%dma_wait3A_107, %dma_wait3A_108] : memref<10000x128xf32, #tpu.memory_space<hbm>> -> memref<10000x128xf32, #tpu.memory_space<hbm>>
      tpu.wait_indirect_dma semaphore(%arg18 : memref<!tpu.dma_semaphore, #tpu.memory_space<semaphore_mem>>) src(%dma_wait3A_109 : memref<10000x128xf32, #tpu.memory_space<hbm>>) dst(%arg13 : memref<128x128xf32, #tpu.memory_space<vmem>>)
      %add3A_110 = arith.constant 2 : i32
      %add3A_111 = arith.addi %add3A_104, %add3A_110 : i32
      %lt3A = arith.constant 8 : i32
      %lt3A_112 = arith.cmpi slt, %add3A_111, %lt3A : i32
      %convert_element_type3A = arith.extui %lt3A_112 : i1 to i32
      %cond3A = arith.constant 0 : i32
      %cond3A_113 = arith.cmpi ne, %convert_element_type3A, %cond3A : i32
      scf.if %cond3A_113 {
        %add3A_165 = arith.constant 2 : i32
        %add3A_166 = arith.addi %add3A_104, %add3A_165 : i32
        %dma_start3A_167 = arith.constant 0 : i32
        %dma_start3A_168 = tpu.memref_slice %arg11[%add3A_166, %dma_start3A_167] : memref<40x128xi32, #tpu.memory_space<vmem>> -> memref<1x128xi32, #tpu.memory_space<vmem>>
        %dma_start3A_169 = tpu.memref_squeeze %dma_start3A_168 : memref<1x128xi32, #tpu.memory_space<vmem>> -> memref<128xi32, #tpu.memory_space<vmem>>
        %dma_start3A_170 = arith.constant 0 : i32
        %dma_start3A_171 = arith.constant 0 : i32
        %dma_start3A_172 = tpu.memref_slice %arg2[%dma_start3A_170, %dma_start3A_171] : memref<10000x128xf32, #tpu.memory_space<hbm>> -> memref<10000x128xf32, #tpu.memory_space<hbm>>
        tpu.enqueue_indirect_dma source(%dma_start3A_172 : memref<10000x128xf32, #tpu.memory_space<hbm>>) target(%arg15 : memref<128x128xf32, #tpu.memory_space<vmem>>) offsets(%dma_start3A_169 : memref<128xi32, #tpu.memory_space<vmem>>) semaphore(%arg20 : memref<!tpu.dma_semaphore, #tpu.memory_space<semaphore_mem>>)
      } else {
      }
      "tpu.region"() ({
        %run_scoped3A = tpu.sem_alloc : memref<!tpu.dma_semaphore, #tpu.memory_space<semaphore_mem>>
        %dma_start3A_165 = arith.constant 0 : i32
        %dma_start3A_166 = tpu.memref_slice %arg12[%add3A_104, %dma_start3A_165] : memref<40x128xi32, #tpu.memory_space<vmem>> -> memref<1x128xi32, #tpu.memory_space<vmem>>
        %dma_start3A_167 = tpu.memref_squeeze %dma_start3A_166 : memref<1x128xi32, #tpu.memory_space<vmem>> -> memref<128xi32, #tpu.memory_space<vmem>>
        %dma_start3A_168 = arith.constant 0 : i32
        %dma_start3A_169 = arith.constant 0 : i32
        %dma_start3A_170 = tpu.memref_slice %arg17[%dma_start3A_168, %dma_start3A_169] : memref<5120x128xf32, #tpu.memory_space<vmem_shared>> -> memref<5120x128xf32, #tpu.memory_space<vmem_shared>>
        tpu.enqueue_indirect_dma source(%arg13 : memref<128x128xf32, #tpu.memory_space<vmem>>) target(%dma_start3A_170 : memref<5120x128xf32, #tpu.memory_space<vmem_shared>>) offsets(%dma_start3A_167 : memref<128xi32, #tpu.memory_space<vmem>>) semaphore(%run_scoped3A : memref<!tpu.dma_semaphore, #tpu.memory_space<semaphore_mem>>) {add = true}
        %dma_wait3A_171 = arith.constant 0 : i32
        %dma_wait3A_172 = tpu.memref_slice %arg12[%add3A_104, %dma_wait3A_171] : memref<40x128xi32, #tpu.memory_space<vmem>> -> memref<1x128xi32, #tpu.memory_space<vmem>>
        %dma_wait3A_173 = tpu.memref_squeeze %dma_wait3A_172 : memref<1x128xi32, #tpu.memory_space<vmem>> -> memref<128xi32, #tpu.memory_space<vmem>>
        %dma_wait3A_174 = arith.constant 0 : i32
        %dma_wait3A_175 = arith.constant 0 : i32
        %dma_wait3A_176 = tpu.memref_slice %arg17[%dma_wait3A_174, %dma_wait3A_175] : memref<5120x128xf32, #tpu.memory_space<vmem_shared>> -> memref<5120x128xf32, #tpu.memory_space<vmem_shared>>
        tpu.wait_indirect_dma semaphore(%run_scoped3A : memref<!tpu.dma_semaphore, #tpu.memory_space<semaphore_mem>>) src(%arg13 : memref<128x128xf32, #tpu.memory_space<vmem>>) dst(%dma_wait3A_176 : memref<5120x128xf32, #tpu.memory_space<vmem_shared>>)
        tpu.yield
      }) : () -> ()
      %mul3A_114 = arith.constant 4 : i32
      %mul3A_115 = arith.muli %mul3A_114, %add3A_100 : i32
      %add3A_116 = arith.constant 1 : i32
      %add3A_117 = arith.addi %mul3A_115, %add3A_116 : i32
      %dma_wait3A_118 = arith.constant 0 : i32
      %dma_wait3A_119 = tpu.memref_slice %arg11[%add3A_117, %dma_wait3A_118] : memref<40x128xi32, #tpu.memory_space<vmem>> -> memref<1x128xi32, #tpu.memory_space<vmem>>
      %dma_wait3A_120 = tpu.memref_squeeze %dma_wait3A_119 : memref<1x128xi32, #tpu.memory_space<vmem>> -> memref<128xi32, #tpu.memory_space<vmem>>
      %dma_wait3A_121 = arith.constant 0 : i32
      %dma_wait3A_122 = arith.constant 0 : i32
      %dma_wait3A_123 = tpu.memref_slice %arg2[%dma_wait3A_121, %dma_wait3A_122] : memref<10000x128xf32, #tpu.memory_space<hbm>> -> memref<10000x128xf32, #tpu.memory_space<hbm>>
      tpu.wait_indirect_dma semaphore(%arg19 : memref<!tpu.dma_semaphore, #tpu.memory_space<semaphore_mem>>) src(%dma_wait3A_123 : memref<10000x128xf32, #tpu.memory_space<hbm>>) dst(%arg14 : memref<128x128xf32, #tpu.memory_space<vmem>>)
      %add3A_124 = arith.constant 2 : i32
      %add3A_125 = arith.addi %add3A_117, %add3A_124 : i32
      %lt3A_126 = arith.constant 8 : i32
      %lt3A_127 = arith.cmpi slt, %add3A_125, %lt3A_126 : i32
      %convert_element_type3A_128 = arith.extui %lt3A_127 : i1 to i32
      %cond3A_129 = arith.constant 0 : i32
      %cond3A_130 = arith.cmpi ne, %convert_element_type3A_128, %cond3A_129 : i32
      scf.if %cond3A_130 {
        %add3A_165 = arith.constant 2 : i32
        %add3A_166 = arith.addi %add3A_117, %add3A_165 : i32
        %dma_start3A_167 = arith.constant 0 : i32
        %dma_start3A_168 = tpu.memref_slice %arg11[%add3A_166, %dma_start3A_167] : memref<40x128xi32, #tpu.memory_space<vmem>> -> memref<1x128xi32, #tpu.memory_space<vmem>>
        %dma_start3A_169 = tpu.memref_squeeze %dma_start3A_168 : memref<1x128xi32, #tpu.memory_space<vmem>> -> memref<128xi32, #tpu.memory_space<vmem>>
        %dma_start3A_170 = arith.constant 0 : i32
        %dma_start3A_171 = arith.constant 0 : i32
        %dma_start3A_172 = tpu.memref_slice %arg2[%dma_start3A_170, %dma_start3A_171] : memref<10000x128xf32, #tpu.memory_space<hbm>> -> memref<10000x128xf32, #tpu.memory_space<hbm>>
        tpu.enqueue_indirect_dma source(%dma_start3A_172 : memref<10000x128xf32, #tpu.memory_space<hbm>>) target(%arg16 : memref<128x128xf32, #tpu.memory_space<vmem>>) offsets(%dma_start3A_169 : memref<128xi32, #tpu.memory_space<vmem>>) semaphore(%arg21 : memref<!tpu.dma_semaphore, #tpu.memory_space<semaphore_mem>>)
      } else {
      }
      "tpu.region"() ({
        %run_scoped3A = tpu.sem_alloc : memref<!tpu.dma_semaphore, #tpu.memory_space<semaphore_mem>>
        %dma_start3A_165 = arith.constant 0 : i32
        %dma_start3A_166 = tpu.memref_slice %arg12[%add3A_117, %dma_start3A_165] : memref<40x128xi32, #tpu.memory_space<vmem>> -> memref<1x128xi32, #tpu.memory_space<vmem>>
        %dma_start3A_167 = tpu.memref_squeeze %dma_start3A_166 : memref<1x128xi32, #tpu.memory_space<vmem>> -> memref<128xi32, #tpu.memory_space<vmem>>
        %dma_start3A_168 = arith.constant 0 : i32
        %dma_start3A_169 = arith.constant 0 : i32
        %dma_start3A_170 = tpu.memref_slice %arg17[%dma_start3A_168, %dma_start3A_169] : memref<5120x128xf32, #tpu.memory_space<vmem_shared>> -> memref<5120x128xf32, #tpu.memory_space<vmem_shared>>
        tpu.enqueue_indirect_dma source(%arg14 : memref<128x128xf32, #tpu.memory_space<vmem>>) target(%dma_start3A_170 : memref<5120x128xf32, #tpu.memory_space<vmem_shared>>) offsets(%dma_start3A_167 : memref<128xi32, #tpu.memory_space<vmem>>) semaphore(%run_scoped3A : memref<!tpu.dma_semaphore, #tpu.memory_space<semaphore_mem>>) {add = true}
        %dma_wait3A_171 = arith.constant 0 : i32
        %dma_wait3A_172 = tpu.memref_slice %arg12[%add3A_117, %dma_wait3A_171] : memref<40x128xi32, #tpu.memory_space<vmem>> -> memref<1x128xi32, #tpu.memory_space<vmem>>
        %dma_wait3A_173 = tpu.memref_squeeze %dma_wait3A_172 : memref<1x128xi32, #tpu.memory_space<vmem>> -> memref<128xi32, #tpu.memory_space<vmem>>
        %dma_wait3A_174 = arith.constant 0 : i32
        %dma_wait3A_175 = arith.constant 0 : i32
        %dma_wait3A_176 = tpu.memref_slice %arg17[%dma_wait3A_174, %dma_wait3A_175] : memref<5120x128xf32, #tpu.memory_space<vmem_shared>> -> memref<5120x128xf32, #tpu.memory_space<vmem_shared>>
        tpu.wait_indirect_dma semaphore(%run_scoped3A : memref<!tpu.dma_semaphore, #tpu.memory_space<semaphore_mem>>) src(%arg14 : memref<128x128xf32, #tpu.memory_space<vmem>>) dst(%dma_wait3A_176 : memref<5120x128xf32, #tpu.memory_space<vmem_shared>>)
        tpu.yield
      }) : () -> ()
      %mul3A_131 = arith.constant 4 : i32
      %mul3A_132 = arith.muli %mul3A_131, %add3A_100 : i32
      %add3A_133 = arith.constant 2 : i32
      %add3A_134 = arith.addi %mul3A_132, %add3A_133 : i32
      %dma_wait3A_135 = arith.constant 0 : i32
      %dma_wait3A_136 = tpu.memref_slice %arg11[%add3A_134, %dma_wait3A_135] : memref<40x128xi32, #tpu.memory_space<vmem>> -> memref<1x128xi32, #tpu.memory_space<vmem>>
      %dma_wait3A_137 = tpu.memref_squeeze %dma_wait3A_136 : memref<1x128xi32, #tpu.memory_space<vmem>> -> memref<128xi32, #tpu.memory_space<vmem>>
      %dma_wait3A_138 = arith.constant 0 : i32
      %dma_wait3A_139 = arith.constant 0 : i32
      %dma_wait3A_140 = tpu.memref_slice %arg2[%dma_wait3A_138, %dma_wait3A_139] : memref<10000x128xf32, #tpu.memory_space<hbm>> -> memref<10000x128xf32, #tpu.memory_space<hbm>>
      tpu.wait_indirect_dma semaphore(%arg20 : memref<!tpu.dma_semaphore, #tpu.memory_space<semaphore_mem>>) src(%dma_wait3A_140 : memref<10000x128xf32, #tpu.memory_space<hbm>>) dst(%arg15 : memref<128x128xf32, #tpu.memory_space<vmem>>)
      %add3A_141 = arith.constant 2 : i32
      %add3A_142 = arith.addi %add3A_134, %add3A_141 : i32
      %lt3A_143 = arith.constant 8 : i32
      %lt3A_144 = arith.cmpi slt, %add3A_142, %lt3A_143 : i32
      %convert_element_type3A_145 = arith.extui %lt3A_144 : i1 to i32
      %cond3A_146 = arith.constant 0 : i32
      %cond3A_147 = arith.cmpi ne, %convert_element_type3A_145, %cond3A_146 : i32
      scf.if %cond3A_147 {
        %add3A_165 = arith.constant 2 : i32
        %add3A_166 = arith.addi %add3A_134, %add3A_165 : i32
        %dma_start3A_167 = arith.constant 0 : i32
        %dma_start3A_168 = tpu.memref_slice %arg11[%add3A_166, %dma_start3A_167] : memref<40x128xi32, #tpu.memory_space<vmem>> -> memref<1x128xi32, #tpu.memory_space<vmem>>
        %dma_start3A_169 = tpu.memref_squeeze %dma_start3A_168 : memref<1x128xi32, #tpu.memory_space<vmem>> -> memref<128xi32, #tpu.memory_space<vmem>>
        %dma_start3A_170 = arith.constant 0 : i32
        %dma_start3A_171 = arith.constant 0 : i32
        %dma_start3A_172 = tpu.memref_slice %arg2[%dma_start3A_170, %dma_start3A_171] : memref<10000x128xf32, #tpu.memory_space<hbm>> -> memref<10000x128xf32, #tpu.memory_space<hbm>>
        tpu.enqueue_indirect_dma source(%dma_start3A_172 : memref<10000x128xf32, #tpu.memory_space<hbm>>) target(%arg13 : memref<128x128xf32, #tpu.memory_space<vmem>>) offsets(%dma_start3A_169 : memref<128xi32, #tpu.memory_space<vmem>>) semaphore(%arg18 : memref<!tpu.dma_semaphore, #tpu.memory_space<semaphore_mem>>)
      } else {
      }
      "tpu.region"() ({
        %run_scoped3A = tpu.sem_alloc : memref<!tpu.dma_semaphore, #tpu.memory_space<semaphore_mem>>
        %dma_start3A_165 = arith.constant 0 : i32
        %dma_start3A_166 = tpu.memref_slice %arg12[%add3A_134, %dma_start3A_165] : memref<40x128xi32, #tpu.memory_space<vmem>> -> memref<1x128xi32, #tpu.memory_space<vmem>>
        %dma_start3A_167 = tpu.memref_squeeze %dma_start3A_166 : memref<1x128xi32, #tpu.memory_space<vmem>> -> memref<128xi32, #tpu.memory_space<vmem>>
        %dma_start3A_168 = arith.constant 0 : i32
        %dma_start3A_169 = arith.constant 0 : i32
        %dma_start3A_170 = tpu.memref_slice %arg17[%dma_start3A_168, %dma_start3A_169] : memref<5120x128xf32, #tpu.memory_space<vmem_shared>> -> memref<5120x128xf32, #tpu.memory_space<vmem_shared>>
        tpu.enqueue_indirect_dma source(%arg15 : memref<128x128xf32, #tpu.memory_space<vmem>>) target(%dma_start3A_170 : memref<5120x128xf32, #tpu.memory_space<vmem_shared>>) offsets(%dma_start3A_167 : memref<128xi32, #tpu.memory_space<vmem>>) semaphore(%run_scoped3A : memref<!tpu.dma_semaphore, #tpu.memory_space<semaphore_mem>>) {add = true}
        %dma_wait3A_171 = arith.constant 0 : i32
        %dma_wait3A_172 = tpu.memref_slice %arg12[%add3A_134, %dma_wait3A_171] : memref<40x128xi32, #tpu.memory_space<vmem>> -> memref<1x128xi32, #tpu.memory_space<vmem>>
        %dma_wait3A_173 = tpu.memref_squeeze %dma_wait3A_172 : memref<1x128xi32, #tpu.memory_space<vmem>> -> memref<128xi32, #tpu.memory_space<vmem>>
        %dma_wait3A_174 = arith.constant 0 : i32
        %dma_wait3A_175 = arith.constant 0 : i32
        %dma_wait3A_176 = tpu.memref_slice %arg17[%dma_wait3A_174, %dma_wait3A_175] : memref<5120x128xf32, #tpu.memory_space<vmem_shared>> -> memref<5120x128xf32, #tpu.memory_space<vmem_shared>>
        tpu.wait_indirect_dma semaphore(%run_scoped3A : memref<!tpu.dma_semaphore, #tpu.memory_space<semaphore_mem>>) src(%arg15 : memref<128x128xf32, #tpu.memory_space<vmem>>) dst(%dma_wait3A_176 : memref<5120x128xf32, #tpu.memory_space<vmem_shared>>)
        tpu.yield
      }) : () -> ()
      %mul3A_148 = arith.constant 4 : i32
      %mul3A_149 = arith.muli %mul3A_148, %add3A_100 : i32
      %add3A_150 = arith.constant 3 : i32
      %add3A_151 = arith.addi %mul3A_149, %add3A_150 : i32
      %dma_wait3A_152 = arith.constant 0 : i32
      %dma_wait3A_153 = tpu.memref_slice %arg11[%add3A_151, %dma_wait3A_152] : memref<40x128xi32, #tpu.memory_space<vmem>> -> memref<1x128xi32, #tpu.memory_space<vmem>>
      %dma_wait3A_154 = tpu.memref_squeeze %dma_wait3A_153 : memref<1x128xi32, #tpu.memory_space<vmem>> -> memref<128xi32, #tpu.memory_space<vmem>>
      %dma_wait3A_155 = arith.constant 0 : i32
      %dma_wait3A_156 = arith.constant 0 : i32
      %dma_wait3A_157 = tpu.memref_slice %arg2[%dma_wait3A_155, %dma_wait3A_156] : memref<10000x128xf32, #tpu.memory_space<hbm>> -> memref<10000x128xf32, #tpu.memory_space<hbm>>
      tpu.wait_indirect_dma semaphore(%arg21 : memref<!tpu.dma_semaphore, #tpu.memory_space<semaphore_mem>>) src(%dma_wait3A_157 : memref<10000x128xf32, #tpu.memory_space<hbm>>) dst(%arg16 : memref<128x128xf32, #tpu.memory_space<vmem>>)
      %add3A_158 = arith.constant 2 : i32
      %add3A_159 = arith.addi %add3A_151, %add3A_158 : i32
      %lt3A_160 = arith.constant 8 : i32
      %lt3A_161 = arith.cmpi slt, %add3A_159, %lt3A_160 : i32
      %convert_element_type3A_162 = arith.extui %lt3A_161 : i1 to i32
      %cond3A_163 = arith.constant 0 : i32
      %cond3A_164 = arith.cmpi ne, %convert_element_type3A_162, %cond3A_163 : i32
      scf.if %cond3A_164 {
        %add3A_165 = arith.constant 2 : i32
        %add3A_166 = arith.addi %add3A_151, %add3A_165 : i32
        %dma_start3A_167 = arith.constant 0 : i32
        %dma_start3A_168 = tpu.memref_slice %arg11[%add3A_166, %dma_start3A_167] : memref<40x128xi32, #tpu.memory_space<vmem>> -> memref<1x128xi32, #tpu.memory_space<vmem>>
        %dma_start3A_169 = tpu.memref_squeeze %dma_start3A_168 : memref<1x128xi32, #tpu.memory_space<vmem>> -> memref<128xi32, #tpu.memory_space<vmem>>
        %dma_start3A_170 = arith.constant 0 : i32
        %dma_start3A_171 = arith.constant 0 : i32
        %dma_start3A_172 = tpu.memref_slice %arg2[%dma_start3A_170, %dma_start3A_171] : memref<10000x128xf32, #tpu.memory_space<hbm>> -> memref<10000x128xf32, #tpu.memory_space<hbm>>
        tpu.enqueue_indirect_dma source(%dma_start3A_172 : memref<10000x128xf32, #tpu.memory_space<hbm>>) target(%arg14 : memref<128x128xf32, #tpu.memory_space<vmem>>) offsets(%dma_start3A_169 : memref<128xi32, #tpu.memory_space<vmem>>) semaphore(%arg19 : memref<!tpu.dma_semaphore, #tpu.memory_space<semaphore_mem>>)
      } else {
      }
      "tpu.region"() ({
        %run_scoped3A = tpu.sem_alloc : memref<!tpu.dma_semaphore, #tpu.memory_space<semaphore_mem>>
        %dma_start3A_165 = arith.constant 0 : i32
        %dma_start3A_166 = tpu.memref_slice %arg12[%add3A_151, %dma_start3A_165] : memref<40x128xi32, #tpu.memory_space<vmem>> -> memref<1x128xi32, #tpu.memory_space<vmem>>
        %dma_start3A_167 = tpu.memref_squeeze %dma_start3A_166 : memref<1x128xi32, #tpu.memory_space<vmem>> -> memref<128xi32, #tpu.memory_space<vmem>>
        %dma_start3A_168 = arith.constant 0 : i32
        %dma_start3A_169 = arith.constant 0 : i32
        %dma_start3A_170 = tpu.memref_slice %arg17[%dma_start3A_168, %dma_start3A_169] : memref<5120x128xf32, #tpu.memory_space<vmem_shared>> -> memref<5120x128xf32, #tpu.memory_space<vmem_shared>>
        tpu.enqueue_indirect_dma source(%arg16 : memref<128x128xf32, #tpu.memory_space<vmem>>) target(%dma_start3A_170 : memref<5120x128xf32, #tpu.memory_space<vmem_shared>>) offsets(%dma_start3A_167 : memref<128xi32, #tpu.memory_space<vmem>>) semaphore(%run_scoped3A : memref<!tpu.dma_semaphore, #tpu.memory_space<semaphore_mem>>) {add = true}
        %dma_wait3A_171 = arith.constant 0 : i32
        %dma_wait3A_172 = tpu.memref_slice %arg12[%add3A_151, %dma_wait3A_171] : memref<40x128xi32, #tpu.memory_space<vmem>> -> memref<1x128xi32, #tpu.memory_space<vmem>>
        %dma_wait3A_173 = tpu.memref_squeeze %dma_wait3A_172 : memref<1x128xi32, #tpu.memory_space<vmem>> -> memref<128xi32, #tpu.memory_space<vmem>>
        %dma_wait3A_174 = arith.constant 0 : i32
        %dma_wait3A_175 = arith.constant 0 : i32
        %dma_wait3A_176 = tpu.memref_slice %arg17[%dma_wait3A_174, %dma_wait3A_175] : memref<5120x128xf32, #tpu.memory_space<vmem_shared>> -> memref<5120x128xf32, #tpu.memory_space<vmem_shared>>
        tpu.wait_indirect_dma semaphore(%run_scoped3A : memref<!tpu.dma_semaphore, #tpu.memory_space<semaphore_mem>>) src(%arg16 : memref<128x128xf32, #tpu.memory_space<vmem>>) dst(%dma_wait3A_176 : memref<5120x128xf32, #tpu.memory_space<vmem_shared>>)
        tpu.yield
      }) : () -> ()
    }
    %scan3A_17 = arith.constant 2 : i32
    %barrier3A_18 = arith.constant 0 : index
    tpu.barrier barrier_id(%barrier3A_18)
    "tpu.region"() ({
      %run_scoped3A = tpu.sem_alloc : memref<!tpu.dma_semaphore, #tpu.memory_space<semaphore_mem>>
      %dma_start3A_97 = arith.constant 0 : i32
      %dma_start3A_98 = tpu.memref_slice %arg9[%arg0, %mul3A_0, %dma_start3A_97] : memref<2x5120x128xf32, #tpu.memory_space<hbm>> -> memref<1x320x128xf32, #tpu.memory_space<hbm>>
      %dma_start3A_99 = tpu.memref_squeeze %dma_start3A_98 : memref<1x320x128xf32, #tpu.memory_space<hbm>> -> memref<320x128xf32, #tpu.memory_space<hbm>>
      %dma_start3A_100 = arith.constant 0 : i32
      %dma_start3A_101 = tpu.memref_slice %arg17[%mul3A_0, %dma_start3A_100] : memref<5120x128xf32, #tpu.memory_space<vmem_shared>> -> memref<320x128xf32, #tpu.memory_space<vmem_shared>>
      tpu.enqueue_dma source(%dma_start3A_101 : memref<320x128xf32, #tpu.memory_space<vmem_shared>>) target(%dma_start3A_99 : memref<320x128xf32, #tpu.memory_space<hbm>>) target_semaphore(%run_scoped3A : memref<!tpu.dma_semaphore, #tpu.memory_space<semaphore_mem>>)
      %dma_wait3A = arith.constant 0 : i32
      %dma_wait3A_102 = tpu.memref_slice %arg9[%arg0, %mul3A_0, %dma_wait3A] : memref<2x5120x128xf32, #tpu.memory_space<hbm>> -> memref<1x320x128xf32, #tpu.memory_space<hbm>>
      %dma_wait3A_103 = tpu.memref_squeeze %dma_wait3A_102 : memref<1x320x128xf32, #tpu.memory_space<hbm>> -> memref<320x128xf32, #tpu.memory_space<hbm>>
      %dma_wait3A_104 = arith.constant 0 : i32
      %dma_wait3A_105 = tpu.memref_slice %arg17[%mul3A_0, %dma_wait3A_104] : memref<5120x128xf32, #tpu.memory_space<vmem_shared>> -> memref<320x128xf32, #tpu.memory_space<vmem_shared>>
      tpu.wait_dma2 semaphore(%run_scoped3A : memref<!tpu.dma_semaphore, #tpu.memory_space<semaphore_mem>>) src(%dma_wait3A_105 : memref<320x128xf32, #tpu.memory_space<vmem_shared>>) dst(%dma_wait3A_103 : memref<320x128xf32, #tpu.memory_space<hbm>>)
      tpu.yield
    }) : () -> ()
    "tpu.region"() ({
      %run_scoped3A = tpu.sem_alloc : memref<!tpu.dma_semaphore, #tpu.memory_space<semaphore_mem>>
      %dma_start3A_97 = arith.constant 0 : i32
      %dma_start3A_98 = tpu.memref_slice %arg17[%mul3A_0, %dma_start3A_97] : memref<5120x128xf32, #tpu.memory_space<vmem_shared>> -> memref<320x128xf32, #tpu.memory_space<vmem_shared>>
      %dma_start3A_99 = arith.constant 0 : i32
      %dma_start3A_100 = tpu.memref_slice %arg8[%mul3A_0, %dma_start3A_99] : memref<5120x128xf32, #tpu.memory_space<hbm>> -> memref<320x128xf32, #tpu.memory_space<hbm>>
      tpu.enqueue_dma source(%dma_start3A_100 : memref<320x128xf32, #tpu.memory_space<hbm>>) target(%dma_start3A_98 : memref<320x128xf32, #tpu.memory_space<vmem_shared>>) target_semaphore(%run_scoped3A : memref<!tpu.dma_semaphore, #tpu.memory_space<semaphore_mem>>)
      %dma_wait3A = arith.constant 0 : i32
      %dma_wait3A_101 = tpu.memref_slice %arg17[%mul3A_0, %dma_wait3A] : memref<5120x128xf32, #tpu.memory_space<vmem_shared>> -> memref<320x128xf32, #tpu.memory_space<vmem_shared>>
      %dma_wait3A_102 = arith.constant 0 : i32
      %dma_wait3A_103 = tpu.memref_slice %arg8[%mul3A_0, %dma_wait3A_102] : memref<5120x128xf32, #tpu.memory_space<hbm>> -> memref<320x128xf32, #tpu.memory_space<hbm>>
      tpu.wait_dma2 semaphore(%run_scoped3A : memref<!tpu.dma_semaphore, #tpu.memory_space<semaphore_mem>>) src(%dma_wait3A_103 : memref<320x128xf32, #tpu.memory_space<hbm>>) dst(%dma_wait3A_101 : memref<320x128xf32, #tpu.memory_space<vmem_shared>>)
      tpu.yield
    }) : () -> ()
    "tpu.region"() ({
      %run_scoped3A = tpu.sem_alloc : memref<!tpu.dma_semaphore, #tpu.memory_space<semaphore_mem>>
      %dma_start3A_97 = arith.constant 0 : i32
      %dma_start3A_98 = arith.constant 0 : i32
      %dma_start3A_99 = tpu.memref_slice %arg11[%dma_start3A_97, %dma_start3A_98] : memref<40x128xi32, #tpu.memory_space<vmem>> -> memref<40x128xi32, #tpu.memory_space<vmem>>
      %dma_start3A_100 = arith.constant 0 : i32
      %dma_start3A_101 = arith.constant 0 : i32
      %dma_start3A_102 = tpu.memref_slice %arg6[%arg1, %dma_start3A_100, %dma_start3A_101] : memref<16x160x128xi32, #tpu.memory_space<hbm>> -> memref<1x40x128xi32, #tpu.memory_space<hbm>>
      %dma_start3A_103 = tpu.memref_squeeze %dma_start3A_102 : memref<1x40x128xi32, #tpu.memory_space<hbm>> -> memref<40x128xi32, #tpu.memory_space<hbm>>
      %dma_start3A_104 = arith.constant 0 : i32
      %dma_start3A_105 = arith.constant 0 : i32
      %dma_start3A_106 = tpu.memref_slice %arg11[%dma_start3A_104, %dma_start3A_105] : memref<40x128xi32, #tpu.memory_space<vmem>> -> memref<40x128xi32, #tpu.memory_space<vmem>>
      %dma_start3A_107 = arith.constant 0 : i32
      %dma_start3A_108 = arith.constant 0 : i32
      %dma_start3A_109 = tpu.memref_slice %arg6[%arg1, %dma_start3A_107, %dma_start3A_108] : memref<16x160x128xi32, #tpu.memory_space<hbm>> -> memref<1x40x128xi32, #tpu.memory_space<hbm>>
      %dma_start3A_110 = tpu.memref_squeeze %dma_start3A_109 : memref<1x40x128xi32, #tpu.memory_space<hbm>> -> memref<40x128xi32, #tpu.memory_space<hbm>>
      tpu.enqueue_dma source(%dma_start3A_110 : memref<40x128xi32, #tpu.memory_space<hbm>>) target(%dma_start3A_106 : memref<40x128xi32, #tpu.memory_space<vmem>>) target_semaphore(%run_scoped3A : memref<!tpu.dma_semaphore, #tpu.memory_space<semaphore_mem>>)
      %dma_wait3A = arith.constant 0 : i32
      %dma_wait3A_111 = arith.constant 0 : i32
      %dma_wait3A_112 = tpu.memref_slice %arg11[%dma_wait3A, %dma_wait3A_111] : memref<40x128xi32, #tpu.memory_space<vmem>> -> memref<40x128xi32, #tpu.memory_space<vmem>>
      %dma_wait3A_113 = arith.constant 0 : i32
      %dma_wait3A_114 = arith.constant 0 : i32
      %dma_wait3A_115 = tpu.memref_slice %arg6[%arg1, %dma_wait3A_113, %dma_wait3A_114] : memref<16x160x128xi32, #tpu.memory_space<hbm>> -> memref<1x40x128xi32, #tpu.memory_space<hbm>>
      %dma_wait3A_116 = tpu.memref_squeeze %dma_wait3A_115 : memref<1x40x128xi32, #tpu.memory_space<hbm>> -> memref<40x128xi32, #tpu.memory_space<hbm>>
      %dma_wait3A_117 = arith.constant 0 : i32
      %dma_wait3A_118 = arith.constant 0 : i32
      %dma_wait3A_119 = tpu.memref_slice %arg11[%dma_wait3A_117, %dma_wait3A_118] : memref<40x128xi32, #tpu.memory_space<vmem>> -> memref<40x128xi32, #tpu.memory_space<vmem>>
      %dma_wait3A_120 = arith.constant 0 : i32
      %dma_wait3A_121 = arith.constant 0 : i32
      %dma_wait3A_122 = tpu.memref_slice %arg6[%arg1, %dma_wait3A_120, %dma_wait3A_121] : memref<16x160x128xi32, #tpu.memory_space<hbm>> -> memref<1x40x128xi32, #tpu.memory_space<hbm>>
      %dma_wait3A_123 = tpu.memref_squeeze %dma_wait3A_122 : memref<1x40x128xi32, #tpu.memory_space<hbm>> -> memref<40x128xi32, #tpu.memory_space<hbm>>
      tpu.wait_dma2 semaphore(%run_scoped3A : memref<!tpu.dma_semaphore, #tpu.memory_space<semaphore_mem>>) src(%dma_wait3A_123 : memref<40x128xi32, #tpu.memory_space<hbm>>) dst(%dma_wait3A_119 : memref<40x128xi32, #tpu.memory_space<vmem>>)
      tpu.yield
    }) : () -> ()
    "tpu.region"() ({
      %run_scoped3A = tpu.sem_alloc : memref<!tpu.dma_semaphore, #tpu.memory_space<semaphore_mem>>
      %dma_start3A_97 = arith.constant 0 : i32
      %dma_start3A_98 = arith.constant 0 : i32
      %dma_start3A_99 = tpu.memref_slice %arg12[%dma_start3A_97, %dma_start3A_98] : memref<40x128xi32, #tpu.memory_space<vmem>> -> memref<40x128xi32, #tpu.memory_space<vmem>>
      %dma_start3A_100 = arith.constant 0 : i32
      %dma_start3A_101 = arith.constant 0 : i32
      %dma_start3A_102 = tpu.memref_slice %arg7[%arg0, %arg1, %dma_start3A_100, %dma_start3A_101] : memref<2x16x160x128xi32, #tpu.memory_space<hbm>> -> memref<1x1x40x128xi32, #tpu.memory_space<hbm>>
      %dma_start3A_103 = tpu.memref_squeeze %dma_start3A_102 : memref<1x1x40x128xi32, #tpu.memory_space<hbm>> -> memref<40x128xi32, #tpu.memory_space<hbm>>
      %dma_start3A_104 = arith.constant 0 : i32
      %dma_start3A_105 = arith.constant 0 : i32
      %dma_start3A_106 = tpu.memref_slice %arg12[%dma_start3A_104, %dma_start3A_105] : memref<40x128xi32, #tpu.memory_space<vmem>> -> memref<40x128xi32, #tpu.memory_space<vmem>>
      %dma_start3A_107 = arith.constant 0 : i32
      %dma_start3A_108 = arith.constant 0 : i32
      %dma_start3A_109 = tpu.memref_slice %arg7[%arg0, %arg1, %dma_start3A_107, %dma_start3A_108] : memref<2x16x160x128xi32, #tpu.memory_space<hbm>> -> memref<1x1x40x128xi32, #tpu.memory_space<hbm>>
      %dma_start3A_110 = tpu.memref_squeeze %dma_start3A_109 : memref<1x1x40x128xi32, #tpu.memory_space<hbm>> -> memref<40x128xi32, #tpu.memory_space<hbm>>
      tpu.enqueue_dma source(%dma_start3A_110 : memref<40x128xi32, #tpu.memory_space<hbm>>) target(%dma_start3A_106 : memref<40x128xi32, #tpu.memory_space<vmem>>) target_semaphore(%run_scoped3A : memref<!tpu.dma_semaphore, #tpu.memory_space<semaphore_mem>>)
      %dma_wait3A = arith.constant 0 : i32
      %dma_wait3A_111 = arith.constant 0 : i32
      %dma_wait3A_112 = tpu.memref_slice %arg12[%dma_wait3A, %dma_wait3A_111] : memref<40x128xi32, #tpu.memory_space<vmem>> -> memref<40x128xi32, #tpu.memory_space<vmem>>
      %dma_wait3A_113 = arith.constant 0 : i32
      %dma_wait3A_114 = arith.constant 0 : i32
      %dma_wait3A_115 = tpu.memref_slice %arg7[%arg0, %arg1, %dma_wait3A_113, %dma_wait3A_114] : memref<2x16x160x128xi32, #tpu.memory_space<hbm>> -> memref<1x1x40x128xi32, #tpu.memory_space<hbm>>
      %dma_wait3A_116 = tpu.memref_squeeze %dma_wait3A_115 : memref<1x1x40x128xi32, #tpu.memory_space<hbm>> -> memref<40x128xi32, #tpu.memory_space<hbm>>
      %dma_wait3A_117 = arith.constant 0 : i32
      %dma_wait3A_118 = arith.constant 0 : i32
      %dma_wait3A_119 = tpu.memref_slice %arg12[%dma_wait3A_117, %dma_wait3A_118] : memref<40x128xi32, #tpu.memory_space<vmem>> -> memref<40x128xi32, #tpu.memory_space<vmem>>
      %dma_wait3A_120 = arith.constant 0 : i32
      %dma_wait3A_121 = arith.constant 0 : i32
      %dma_wait3A_122 = tpu.memref_slice %arg7[%arg0, %arg1, %dma_wait3A_120, %dma_wait3A_121] : memref<2x16x160x128xi32, #tpu.memory_space<hbm>> -> memref<1x1x40x128xi32, #tpu.memory_space<hbm>>
      %dma_wait3A_123 = tpu.memref_squeeze %dma_wait3A_122 : memref<1x1x40x128xi32, #tpu.memory_space<hbm>> -> memref<40x128xi32, #tpu.memory_space<hbm>>
      tpu.wait_dma2 semaphore(%run_scoped3A : memref<!tpu.dma_semaphore, #tpu.memory_space<semaphore_mem>>) src(%dma_wait3A_123 : memref<40x128xi32, #tpu.memory_space<hbm>>) dst(%dma_wait3A_119 : memref<40x128xi32, #tpu.memory_space<vmem>>)
      tpu.yield
    }) : () -> ()
    %dma_start3A_19 = arith.constant 0 : i32
    %dma_start3A_20 = arith.constant 0 : i32
    %dma_start3A_21 = tpu.memref_slice %arg11[%dma_start3A_19, %dma_start3A_20] : memref<40x128xi32, #tpu.memory_space<vmem>> -> memref<1x128xi32, #tpu.memory_space<vmem>>
    %dma_start3A_22 = tpu.memref_squeeze %dma_start3A_21 : memref<1x128xi32, #tpu.memory_space<vmem>> -> memref<128xi32, #tpu.memory_space<vmem>>
    %dma_start3A_23 = arith.constant 0 : i32
    %dma_start3A_24 = arith.constant 0 : i32
    %dma_start3A_25 = tpu.memref_slice %arg3[%dma_start3A_23, %dma_start3A_24] : memref<10000x128xf32, #tpu.memory_space<hbm>> -> memref<10000x128xf32, #tpu.memory_space<hbm>>
    tpu.enqueue_indirect_dma source(%dma_start3A_25 : memref<10000x128xf32, #tpu.memory_space<hbm>>) target(%arg13 : memref<128x128xf32, #tpu.memory_space<vmem>>) offsets(%dma_start3A_22 : memref<128xi32, #tpu.memory_space<vmem>>) semaphore(%arg18 : memref<!tpu.dma_semaphore, #tpu.memory_space<semaphore_mem>>)
    %dma_start3A_26 = arith.constant 1 : i32
    %dma_start3A_27 = arith.constant 0 : i32
    %dma_start3A_28 = tpu.memref_slice %arg11[%dma_start3A_26, %dma_start3A_27] : memref<40x128xi32, #tpu.memory_space<vmem>> -> memref<1x128xi32, #tpu.memory_space<vmem>>
    %dma_start3A_29 = tpu.memref_squeeze %dma_start3A_28 : memref<1x128xi32, #tpu.memory_space<vmem>> -> memref<128xi32, #tpu.memory_space<vmem>>
    %dma_start3A_30 = arith.constant 0 : i32
    %dma_start3A_31 = arith.constant 0 : i32
    %dma_start3A_32 = tpu.memref_slice %arg3[%dma_start3A_30, %dma_start3A_31] : memref<10000x128xf32, #tpu.memory_space<hbm>> -> memref<10000x128xf32, #tpu.memory_space<hbm>>
    tpu.enqueue_indirect_dma source(%dma_start3A_32 : memref<10000x128xf32, #tpu.memory_space<hbm>>) target(%arg14 : memref<128x128xf32, #tpu.memory_space<vmem>>) offsets(%dma_start3A_29 : memref<128xi32, #tpu.memory_space<vmem>>) semaphore(%arg19 : memref<!tpu.dma_semaphore, #tpu.memory_space<semaphore_mem>>)
    %barrier3A_33 = arith.constant 0 : index
    tpu.barrier barrier_id(%barrier3A_33)
    %scan3A_34 = arith.constant 0 : i32
    %scan3A_35 = arith.constant 10 : i32
    %scan3A_36 = arith.addi %scan3A_34, %scan3A_35 : i32
    %scan3A_37 = arith.constant 1 : i32
    scf.for %scan3A_97 = %scan3A_34 to %scan3A_36 step %scan3A_37  : i32 {
      %mul3A_98 = arith.constant 1 : i32
      %mul3A_99 = arith.muli %scan3A_97, %mul3A_98 : i32
      %add3A = arith.constant 0 : i32
      %add3A_100 = arith.addi %add3A, %mul3A_99 : i32
      %mul3A_101 = arith.constant 4 : i32
      %mul3A_102 = arith.muli %mul3A_101, %add3A_100 : i32
      %add3A_103 = arith.constant 0 : i32
      %add3A_104 = arith.addi %mul3A_102, %add3A_103 : i32
      %dma_wait3A = arith.constant 0 : i32
      %dma_wait3A_105 = tpu.memref_slice %arg11[%add3A_104, %dma_wait3A] : memref<40x128xi32, #tpu.memory_space<vmem>> -> memref<1x128xi32, #tpu.memory_space<vmem>>
      %dma_wait3A_106 = tpu.memref_squeeze %dma_wait3A_105 : memref<1x128xi32, #tpu.memory_space<vmem>> -> memref<128xi32, #tpu.memory_space<vmem>>
      %dma_wait3A_107 = arith.constant 0 : i32
      %dma_wait3A_108 = arith.constant 0 : i32
      %dma_wait3A_109 = tpu.memref_slice %arg3[%dma_wait3A_107, %dma_wait3A_108] : memref<10000x128xf32, #tpu.memory_space<hbm>> -> memref<10000x128xf32, #tpu.memory_space<hbm>>
      tpu.wait_indirect_dma semaphore(%arg18 : memref<!tpu.dma_semaphore, #tpu.memory_space<semaphore_mem>>) src(%dma_wait3A_109 : memref<10000x128xf32, #tpu.memory_space<hbm>>) dst(%arg13 : memref<128x128xf32, #tpu.memory_space<vmem>>)
      %add3A_110 = arith.constant 2 : i32
      %add3A_111 = arith.addi %add3A_104, %add3A_110 : i32
      %lt3A = arith.constant 40 : i32
      %lt3A_112 = arith.cmpi slt, %add3A_111, %lt3A : i32
      %convert_element_type3A = arith.extui %lt3A_112 : i1 to i32
      %cond3A = arith.constant 0 : i32
      %cond3A_113 = arith.cmpi ne, %convert_element_type3A, %cond3A : i32
      scf.if %cond3A_113 {
        %add3A_165 = arith.constant 2 : i32
        %add3A_166 = arith.addi %add3A_104, %add3A_165 : i32
        %dma_start3A_167 = arith.constant 0 : i32
        %dma_start3A_168 = tpu.memref_slice %arg11[%add3A_166, %dma_start3A_167] : memref<40x128xi32, #tpu.memory_space<vmem>> -> memref<1x128xi32, #tpu.memory_space<vmem>>
        %dma_start3A_169 = tpu.memref_squeeze %dma_start3A_168 : memref<1x128xi32, #tpu.memory_space<vmem>> -> memref<128xi32, #tpu.memory_space<vmem>>
        %dma_start3A_170 = arith.constant 0 : i32
        %dma_start3A_171 = arith.constant 0 : i32
        %dma_start3A_172 = tpu.memref_slice %arg3[%dma_start3A_170, %dma_start3A_171] : memref<10000x128xf32, #tpu.memory_space<hbm>> -> memref<10000x128xf32, #tpu.memory_space<hbm>>
        tpu.enqueue_indirect_dma source(%dma_start3A_172 : memref<10000x128xf32, #tpu.memory_space<hbm>>) target(%arg15 : memref<128x128xf32, #tpu.memory_space<vmem>>) offsets(%dma_start3A_169 : memref<128xi32, #tpu.memory_space<vmem>>) semaphore(%arg20 : memref<!tpu.dma_semaphore, #tpu.memory_space<semaphore_mem>>)
      } else {
      }
      "tpu.region"() ({
        %run_scoped3A = tpu.sem_alloc : memref<!tpu.dma_semaphore, #tpu.memory_space<semaphore_mem>>
        %dma_start3A_165 = arith.constant 0 : i32
        %dma_start3A_166 = tpu.memref_slice %arg12[%add3A_104, %dma_start3A_165] : memref<40x128xi32, #tpu.memory_space<vmem>> -> memref<1x128xi32, #tpu.memory_space<vmem>>
        %dma_start3A_167 = tpu.memref_squeeze %dma_start3A_166 : memref<1x128xi32, #tpu.memory_space<vmem>> -> memref<128xi32, #tpu.memory_space<vmem>>
        %dma_start3A_168 = arith.constant 0 : i32
        %dma_start3A_169 = arith.constant 0 : i32
        %dma_start3A_170 = tpu.memref_slice %arg17[%dma_start3A_168, %dma_start3A_169] : memref<5120x128xf32, #tpu.memory_space<vmem_shared>> -> memref<5120x128xf32, #tpu.memory_space<vmem_shared>>
        tpu.enqueue_indirect_dma source(%arg13 : memref<128x128xf32, #tpu.memory_space<vmem>>) target(%dma_start3A_170 : memref<5120x128xf32, #tpu.memory_space<vmem_shared>>) offsets(%dma_start3A_167 : memref<128xi32, #tpu.memory_space<vmem>>) semaphore(%run_scoped3A : memref<!tpu.dma_semaphore, #tpu.memory_space<semaphore_mem>>) {add = true}
        %dma_wait3A_171 = arith.constant 0 : i32
        %dma_wait3A_172 = tpu.memref_slice %arg12[%add3A_104, %dma_wait3A_171] : memref<40x128xi32, #tpu.memory_space<vmem>> -> memref<1x128xi32, #tpu.memory_space<vmem>>
        %dma_wait3A_173 = tpu.memref_squeeze %dma_wait3A_172 : memref<1x128xi32, #tpu.memory_space<vmem>> -> memref<128xi32, #tpu.memory_space<vmem>>
        %dma_wait3A_174 = arith.constant 0 : i32
        %dma_wait3A_175 = arith.constant 0 : i32
        %dma_wait3A_176 = tpu.memref_slice %arg17[%dma_wait3A_174, %dma_wait3A_175] : memref<5120x128xf32, #tpu.memory_space<vmem_shared>> -> memref<5120x128xf32, #tpu.memory_space<vmem_shared>>
        tpu.wait_indirect_dma semaphore(%run_scoped3A : memref<!tpu.dma_semaphore, #tpu.memory_space<semaphore_mem>>) src(%arg13 : memref<128x128xf32, #tpu.memory_space<vmem>>) dst(%dma_wait3A_176 : memref<5120x128xf32, #tpu.memory_space<vmem_shared>>)
        tpu.yield
      }) : () -> ()
      %mul3A_114 = arith.constant 4 : i32
      %mul3A_115 = arith.muli %mul3A_114, %add3A_100 : i32
      %add3A_116 = arith.constant 1 : i32
      %add3A_117 = arith.addi %mul3A_115, %add3A_116 : i32
      %dma_wait3A_118 = arith.constant 0 : i32
      %dma_wait3A_119 = tpu.memref_slice %arg11[%add3A_117, %dma_wait3A_118] : memref<40x128xi32, #tpu.memory_space<vmem>> -> memref<1x128xi32, #tpu.memory_space<vmem>>
      %dma_wait3A_120 = tpu.memref_squeeze %dma_wait3A_119 : memref<1x128xi32, #tpu.memory_space<vmem>> -> memref<128xi32, #tpu.memory_space<vmem>>
      %dma_wait3A_121 = arith.constant 0 : i32
      %dma_wait3A_122 = arith.constant 0 : i32
      %dma_wait3A_123 = tpu.memref_slice %arg3[%dma_wait3A_121, %dma_wait3A_122] : memref<10000x128xf32, #tpu.memory_space<hbm>> -> memref<10000x128xf32, #tpu.memory_space<hbm>>
      tpu.wait_indirect_dma semaphore(%arg19 : memref<!tpu.dma_semaphore, #tpu.memory_space<semaphore_mem>>) src(%dma_wait3A_123 : memref<10000x128xf32, #tpu.memory_space<hbm>>) dst(%arg14 : memref<128x128xf32, #tpu.memory_space<vmem>>)
      %add3A_124 = arith.constant 2 : i32
      %add3A_125 = arith.addi %add3A_117, %add3A_124 : i32
      %lt3A_126 = arith.constant 40 : i32
      %lt3A_127 = arith.cmpi slt, %add3A_125, %lt3A_126 : i32
      %convert_element_type3A_128 = arith.extui %lt3A_127 : i1 to i32
      %cond3A_129 = arith.constant 0 : i32
      %cond3A_130 = arith.cmpi ne, %convert_element_type3A_128, %cond3A_129 : i32
      scf.if %cond3A_130 {
        %add3A_165 = arith.constant 2 : i32
        %add3A_166 = arith.addi %add3A_117, %add3A_165 : i32
        %dma_start3A_167 = arith.constant 0 : i32
        %dma_start3A_168 = tpu.memref_slice %arg11[%add3A_166, %dma_start3A_167] : memref<40x128xi32, #tpu.memory_space<vmem>> -> memref<1x128xi32, #tpu.memory_space<vmem>>
        %dma_start3A_169 = tpu.memref_squeeze %dma_start3A_168 : memref<1x128xi32, #tpu.memory_space<vmem>> -> memref<128xi32, #tpu.memory_space<vmem>>
        %dma_start3A_170 = arith.constant 0 : i32
        %dma_start3A_171 = arith.constant 0 : i32
        %dma_start3A_172 = tpu.memref_slice %arg3[%dma_start3A_170, %dma_start3A_171] : memref<10000x128xf32, #tpu.memory_space<hbm>> -> memref<10000x128xf32, #tpu.memory_space<hbm>>
        tpu.enqueue_indirect_dma source(%dma_start3A_172 : memref<10000x128xf32, #tpu.memory_space<hbm>>) target(%arg16 : memref<128x128xf32, #tpu.memory_space<vmem>>) offsets(%dma_start3A_169 : memref<128xi32, #tpu.memory_space<vmem>>) semaphore(%arg21 : memref<!tpu.dma_semaphore, #tpu.memory_space<semaphore_mem>>)
      } else {
      }
      "tpu.region"() ({
        %run_scoped3A = tpu.sem_alloc : memref<!tpu.dma_semaphore, #tpu.memory_space<semaphore_mem>>
        %dma_start3A_165 = arith.constant 0 : i32
        %dma_start3A_166 = tpu.memref_slice %arg12[%add3A_117, %dma_start3A_165] : memref<40x128xi32, #tpu.memory_space<vmem>> -> memref<1x128xi32, #tpu.memory_space<vmem>>
        %dma_start3A_167 = tpu.memref_squeeze %dma_start3A_166 : memref<1x128xi32, #tpu.memory_space<vmem>> -> memref<128xi32, #tpu.memory_space<vmem>>
        %dma_start3A_168 = arith.constant 0 : i32
        %dma_start3A_169 = arith.constant 0 : i32
        %dma_start3A_170 = tpu.memref_slice %arg17[%dma_start3A_168, %dma_start3A_169] : memref<5120x128xf32, #tpu.memory_space<vmem_shared>> -> memref<5120x128xf32, #tpu.memory_space<vmem_shared>>
        tpu.enqueue_indirect_dma source(%arg14 : memref<128x128xf32, #tpu.memory_space<vmem>>) target(%dma_start3A_170 : memref<5120x128xf32, #tpu.memory_space<vmem_shared>>) offsets(%dma_start3A_167 : memref<128xi32, #tpu.memory_space<vmem>>) semaphore(%run_scoped3A : memref<!tpu.dma_semaphore, #tpu.memory_space<semaphore_mem>>) {add = true}
        %dma_wait3A_171 = arith.constant 0 : i32
        %dma_wait3A_172 = tpu.memref_slice %arg12[%add3A_117, %dma_wait3A_171] : memref<40x128xi32, #tpu.memory_space<vmem>> -> memref<1x128xi32, #tpu.memory_space<vmem>>
        %dma_wait3A_173 = tpu.memref_squeeze %dma_wait3A_172 : memref<1x128xi32, #tpu.memory_space<vmem>> -> memref<128xi32, #tpu.memory_space<vmem>>
        %dma_wait3A_174 = arith.constant 0 : i32
        %dma_wait3A_175 = arith.constant 0 : i32
        %dma_wait3A_176 = tpu.memref_slice %arg17[%dma_wait3A_174, %dma_wait3A_175] : memref<5120x128xf32, #tpu.memory_space<vmem_shared>> -> memref<5120x128xf32, #tpu.memory_space<vmem_shared>>
        tpu.wait_indirect_dma semaphore(%run_scoped3A : memref<!tpu.dma_semaphore, #tpu.memory_space<semaphore_mem>>) src(%arg14 : memref<128x128xf32, #tpu.memory_space<vmem>>) dst(%dma_wait3A_176 : memref<5120x128xf32, #tpu.memory_space<vmem_shared>>)
        tpu.yield
      }) : () -> ()
      %mul3A_131 = arith.constant 4 : i32
      %mul3A_132 = arith.muli %mul3A_131, %add3A_100 : i32
      %add3A_133 = arith.constant 2 : i32
      %add3A_134 = arith.addi %mul3A_132, %add3A_133 : i32
      %dma_wait3A_135 = arith.constant 0 : i32
      %dma_wait3A_136 = tpu.memref_slice %arg11[%add3A_134, %dma_wait3A_135] : memref<40x128xi32, #tpu.memory_space<vmem>> -> memref<1x128xi32, #tpu.memory_space<vmem>>
      %dma_wait3A_137 = tpu.memref_squeeze %dma_wait3A_136 : memref<1x128xi32, #tpu.memory_space<vmem>> -> memref<128xi32, #tpu.memory_space<vmem>>
      %dma_wait3A_138 = arith.constant 0 : i32
      %dma_wait3A_139 = arith.constant 0 : i32
      %dma_wait3A_140 = tpu.memref_slice %arg3[%dma_wait3A_138, %dma_wait3A_139] : memref<10000x128xf32, #tpu.memory_space<hbm>> -> memref<10000x128xf32, #tpu.memory_space<hbm>>
      tpu.wait_indirect_dma semaphore(%arg20 : memref<!tpu.dma_semaphore, #tpu.memory_space<semaphore_mem>>) src(%dma_wait3A_140 : memref<10000x128xf32, #tpu.memory_space<hbm>>) dst(%arg15 : memref<128x128xf32, #tpu.memory_space<vmem>>)
      %add3A_141 = arith.constant 2 : i32
      %add3A_142 = arith.addi %add3A_134, %add3A_141 : i32
      %lt3A_143 = arith.constant 40 : i32
      %lt3A_144 = arith.cmpi slt, %add3A_142, %lt3A_143 : i32
      %convert_element_type3A_145 = arith.extui %lt3A_144 : i1 to i32
      %cond3A_146 = arith.constant 0 : i32
      %cond3A_147 = arith.cmpi ne, %convert_element_type3A_145, %cond3A_146 : i32
      scf.if %cond3A_147 {
        %add3A_165 = arith.constant 2 : i32
        %add3A_166 = arith.addi %add3A_134, %add3A_165 : i32
        %dma_start3A_167 = arith.constant 0 : i32
        %dma_start3A_168 = tpu.memref_slice %arg11[%add3A_166, %dma_start3A_167] : memref<40x128xi32, #tpu.memory_space<vmem>> -> memref<1x128xi32, #tpu.memory_space<vmem>>
        %dma_start3A_169 = tpu.memref_squeeze %dma_start3A_168 : memref<1x128xi32, #tpu.memory_space<vmem>> -> memref<128xi32, #tpu.memory_space<vmem>>
        %dma_start3A_170 = arith.constant 0 : i32
        %dma_start3A_171 = arith.constant 0 : i32
        %dma_start3A_172 = tpu.memref_slice %arg3[%dma_start3A_170, %dma_start3A_171] : memref<10000x128xf32, #tpu.memory_space<hbm>> -> memref<10000x128xf32, #tpu.memory_space<hbm>>
        tpu.enqueue_indirect_dma source(%dma_start3A_172 : memref<10000x128xf32, #tpu.memory_space<hbm>>) target(%arg13 : memref<128x128xf32, #tpu.memory_space<vmem>>) offsets(%dma_start3A_169 : memref<128xi32, #tpu.memory_space<vmem>>) semaphore(%arg18 : memref<!tpu.dma_semaphore, #tpu.memory_space<semaphore_mem>>)
      } else {
      }
      "tpu.region"() ({
        %run_scoped3A = tpu.sem_alloc : memref<!tpu.dma_semaphore, #tpu.memory_space<semaphore_mem>>
        %dma_start3A_165 = arith.constant 0 : i32
        %dma_start3A_166 = tpu.memref_slice %arg12[%add3A_134, %dma_start3A_165] : memref<40x128xi32, #tpu.memory_space<vmem>> -> memref<1x128xi32, #tpu.memory_space<vmem>>
        %dma_start3A_167 = tpu.memref_squeeze %dma_start3A_166 : memref<1x128xi32, #tpu.memory_space<vmem>> -> memref<128xi32, #tpu.memory_space<vmem>>
        %dma_start3A_168 = arith.constant 0 : i32
        %dma_start3A_169 = arith.constant 0 : i32
        %dma_start3A_170 = tpu.memref_slice %arg17[%dma_start3A_168, %dma_start3A_169] : memref<5120x128xf32, #tpu.memory_space<vmem_shared>> -> memref<5120x128xf32, #tpu.memory_space<vmem_shared>>
        tpu.enqueue_indirect_dma source(%arg15 : memref<128x128xf32, #tpu.memory_space<vmem>>) target(%dma_start3A_170 : memref<5120x128xf32, #tpu.memory_space<vmem_shared>>) offsets(%dma_start3A_167 : memref<128xi32, #tpu.memory_space<vmem>>) semaphore(%run_scoped3A : memref<!tpu.dma_semaphore, #tpu.memory_space<semaphore_mem>>) {add = true}
        %dma_wait3A_171 = arith.constant 0 : i32
        %dma_wait3A_172 = tpu.memref_slice %arg12[%add3A_134, %dma_wait3A_171] : memref<40x128xi32, #tpu.memory_space<vmem>> -> memref<1x128xi32, #tpu.memory_space<vmem>>
        %dma_wait3A_173 = tpu.memref_squeeze %dma_wait3A_172 : memref<1x128xi32, #tpu.memory_space<vmem>> -> memref<128xi32, #tpu.memory_space<vmem>>
        %dma_wait3A_174 = arith.constant 0 : i32
        %dma_wait3A_175 = arith.constant 0 : i32
        %dma_wait3A_176 = tpu.memref_slice %arg17[%dma_wait3A_174, %dma_wait3A_175] : memref<5120x128xf32, #tpu.memory_space<vmem_shared>> -> memref<5120x128xf32, #tpu.memory_space<vmem_shared>>
        tpu.wait_indirect_dma semaphore(%run_scoped3A : memref<!tpu.dma_semaphore, #tpu.memory_space<semaphore_mem>>) src(%arg15 : memref<128x128xf32, #tpu.memory_space<vmem>>) dst(%dma_wait3A_176 : memref<5120x128xf32, #tpu.memory_space<vmem_shared>>)
        tpu.yield
      }) : () -> ()
      %mul3A_148 = arith.constant 4 : i32
      %mul3A_149 = arith.muli %mul3A_148, %add3A_100 : i32
      %add3A_150 = arith.constant 3 : i32
      %add3A_151 = arith.addi %mul3A_149, %add3A_150 : i32
      %dma_wait3A_152 = arith.constant 0 : i32
      %dma_wait3A_153 = tpu.memref_slice %arg11[%add3A_151, %dma_wait3A_152] : memref<40x128xi32, #tpu.memory_space<vmem>> -> memref<1x128xi32, #tpu.memory_space<vmem>>
      %dma_wait3A_154 = tpu.memref_squeeze %dma_wait3A_153 : memref<1x128xi32, #tpu.memory_space<vmem>> -> memref<128xi32, #tpu.memory_space<vmem>>
      %dma_wait3A_155 = arith.constant 0 : i32
      %dma_wait3A_156 = arith.constant 0 : i32
      %dma_wait3A_157 = tpu.memref_slice %arg3[%dma_wait3A_155, %dma_wait3A_156] : memref<10000x128xf32, #tpu.memory_space<hbm>> -> memref<10000x128xf32, #tpu.memory_space<hbm>>
      tpu.wait_indirect_dma semaphore(%arg21 : memref<!tpu.dma_semaphore, #tpu.memory_space<semaphore_mem>>) src(%dma_wait3A_157 : memref<10000x128xf32, #tpu.memory_space<hbm>>) dst(%arg16 : memref<128x128xf32, #tpu.memory_space<vmem>>)
      %add3A_158 = arith.constant 2 : i32
      %add3A_159 = arith.addi %add3A_151, %add3A_158 : i32
      %lt3A_160 = arith.constant 40 : i32
      %lt3A_161 = arith.cmpi slt, %add3A_159, %lt3A_160 : i32
      %convert_element_type3A_162 = arith.extui %lt3A_161 : i1 to i32
      %cond3A_163 = arith.constant 0 : i32
      %cond3A_164 = arith.cmpi ne, %convert_element_type3A_162, %cond3A_163 : i32
      scf.if %cond3A_164 {
        %add3A_165 = arith.constant 2 : i32
        %add3A_166 = arith.addi %add3A_151, %add3A_165 : i32
        %dma_start3A_167 = arith.constant 0 : i32
        %dma_start3A_168 = tpu.memref_slice %arg11[%add3A_166, %dma_start3A_167] : memref<40x128xi32, #tpu.memory_space<vmem>> -> memref<1x128xi32, #tpu.memory_space<vmem>>
        %dma_start3A_169 = tpu.memref_squeeze %dma_start3A_168 : memref<1x128xi32, #tpu.memory_space<vmem>> -> memref<128xi32, #tpu.memory_space<vmem>>
        %dma_start3A_170 = arith.constant 0 : i32
        %dma_start3A_171 = arith.constant 0 : i32
        %dma_start3A_172 = tpu.memref_slice %arg3[%dma_start3A_170, %dma_start3A_171] : memref<10000x128xf32, #tpu.memory_space<hbm>> -> memref<10000x128xf32, #tpu.memory_space<hbm>>
        tpu.enqueue_indirect_dma source(%dma_start3A_172 : memref<10000x128xf32, #tpu.memory_space<hbm>>) target(%arg14 : memref<128x128xf32, #tpu.memory_space<vmem>>) offsets(%dma_start3A_169 : memref<128xi32, #tpu.memory_space<vmem>>) semaphore(%arg19 : memref<!tpu.dma_semaphore, #tpu.memory_space<semaphore_mem>>)
      } else {
      }
      "tpu.region"() ({
        %run_scoped3A = tpu.sem_alloc : memref<!tpu.dma_semaphore, #tpu.memory_space<semaphore_mem>>
        %dma_start3A_165 = arith.constant 0 : i32
        %dma_start3A_166 = tpu.memref_slice %arg12[%add3A_151, %dma_start3A_165] : memref<40x128xi32, #tpu.memory_space<vmem>> -> memref<1x128xi32, #tpu.memory_space<vmem>>
        %dma_start3A_167 = tpu.memref_squeeze %dma_start3A_166 : memref<1x128xi32, #tpu.memory_space<vmem>> -> memref<128xi32, #tpu.memory_space<vmem>>
        %dma_start3A_168 = arith.constant 0 : i32
        %dma_start3A_169 = arith.constant 0 : i32
        %dma_start3A_170 = tpu.memref_slice %arg17[%dma_start3A_168, %dma_start3A_169] : memref<5120x128xf32, #tpu.memory_space<vmem_shared>> -> memref<5120x128xf32, #tpu.memory_space<vmem_shared>>
        tpu.enqueue_indirect_dma source(%arg16 : memref<128x128xf32, #tpu.memory_space<vmem>>) target(%dma_start3A_170 : memref<5120x128xf32, #tpu.memory_space<vmem_shared>>) offsets(%dma_start3A_167 : memref<128xi32, #tpu.memory_space<vmem>>) semaphore(%run_scoped3A : memref<!tpu.dma_semaphore, #tpu.memory_space<semaphore_mem>>) {add = true}
        %dma_wait3A_171 = arith.constant 0 : i32
        %dma_wait3A_172 = tpu.memref_slice %arg12[%add3A_151, %dma_wait3A_171] : memref<40x128xi32, #tpu.memory_space<vmem>> -> memref<1x128xi32, #tpu.memory_space<vmem>>
        %dma_wait3A_173 = tpu.memref_squeeze %dma_wait3A_172 : memref<1x128xi32, #tpu.memory_space<vmem>> -> memref<128xi32, #tpu.memory_space<vmem>>
        %dma_wait3A_174 = arith.constant 0 : i32
        %dma_wait3A_175 = arith.constant 0 : i32
        %dma_wait3A_176 = tpu.memref_slice %arg17[%dma_wait3A_174, %dma_wait3A_175] : memref<5120x128xf32, #tpu.memory_space<vmem_shared>> -> memref<5120x128xf32, #tpu.memory_space<vmem_shared>>
        tpu.wait_indirect_dma semaphore(%run_scoped3A : memref<!tpu.dma_semaphore, #tpu.memory_space<semaphore_mem>>) src(%arg16 : memref<128x128xf32, #tpu.memory_space<vmem>>) dst(%dma_wait3A_176 : memref<5120x128xf32, #tpu.memory_space<vmem_shared>>)
        tpu.yield
      }) : () -> ()
    }
    %scan3A_38 = arith.constant 10 : i32
    "tpu.region"() ({
      %run_scoped3A = tpu.sem_alloc : memref<!tpu.dma_semaphore, #tpu.memory_space<semaphore_mem>>
      %dma_start3A_97 = arith.constant 0 : i32
      %dma_start3A_98 = arith.constant 0 : i32
      %dma_start3A_99 = tpu.memref_slice %arg11[%dma_start3A_97, %dma_start3A_98] : memref<40x128xi32, #tpu.memory_space<vmem>> -> memref<40x128xi32, #tpu.memory_space<vmem>>
      %dma_start3A_100 = arith.constant 40 : i32
      %dma_start3A_101 = arith.constant 0 : i32
      %dma_start3A_102 = tpu.memref_slice %arg6[%arg1, %dma_start3A_100, %dma_start3A_101] : memref<16x160x128xi32, #tpu.memory_space<hbm>> -> memref<1x40x128xi32, #tpu.memory_space<hbm>>
      %dma_start3A_103 = tpu.memref_squeeze %dma_start3A_102 : memref<1x40x128xi32, #tpu.memory_space<hbm>> -> memref<40x128xi32, #tpu.memory_space<hbm>>
      %dma_start3A_104 = arith.constant 0 : i32
      %dma_start3A_105 = arith.constant 0 : i32
      %dma_start3A_106 = tpu.memref_slice %arg11[%dma_start3A_104, %dma_start3A_105] : memref<40x128xi32, #tpu.memory_space<vmem>> -> memref<40x128xi32, #tpu.memory_space<vmem>>
      %dma_start3A_107 = arith.constant 40 : i32
      %dma_start3A_108 = arith.constant 0 : i32
      %dma_start3A_109 = tpu.memref_slice %arg6[%arg1, %dma_start3A_107, %dma_start3A_108] : memref<16x160x128xi32, #tpu.memory_space<hbm>> -> memref<1x40x128xi32, #tpu.memory_space<hbm>>
      %dma_start3A_110 = tpu.memref_squeeze %dma_start3A_109 : memref<1x40x128xi32, #tpu.memory_space<hbm>> -> memref<40x128xi32, #tpu.memory_space<hbm>>
      tpu.enqueue_dma source(%dma_start3A_110 : memref<40x128xi32, #tpu.memory_space<hbm>>) target(%dma_start3A_106 : memref<40x128xi32, #tpu.memory_space<vmem>>) target_semaphore(%run_scoped3A : memref<!tpu.dma_semaphore, #tpu.memory_space<semaphore_mem>>)
      %dma_wait3A = arith.constant 0 : i32
      %dma_wait3A_111 = arith.constant 0 : i32
      %dma_wait3A_112 = tpu.memref_slice %arg11[%dma_wait3A, %dma_wait3A_111] : memref<40x128xi32, #tpu.memory_space<vmem>> -> memref<40x128xi32, #tpu.memory_space<vmem>>
      %dma_wait3A_113 = arith.constant 40 : i32
      %dma_wait3A_114 = arith.constant 0 : i32
      %dma_wait3A_115 = tpu.memref_slice %arg6[%arg1, %dma_wait3A_113, %dma_wait3A_114] : memref<16x160x128xi32, #tpu.memory_space<hbm>> -> memref<1x40x128xi32, #tpu.memory_space<hbm>>
      %dma_wait3A_116 = tpu.memref_squeeze %dma_wait3A_115 : memref<1x40x128xi32, #tpu.memory_space<hbm>> -> memref<40x128xi32, #tpu.memory_space<hbm>>
      %dma_wait3A_117 = arith.constant 0 : i32
      %dma_wait3A_118 = arith.constant 0 : i32
      %dma_wait3A_119 = tpu.memref_slice %arg11[%dma_wait3A_117, %dma_wait3A_118] : memref<40x128xi32, #tpu.memory_space<vmem>> -> memref<40x128xi32, #tpu.memory_space<vmem>>
      %dma_wait3A_120 = arith.constant 40 : i32
      %dma_wait3A_121 = arith.constant 0 : i32
      %dma_wait3A_122 = tpu.memref_slice %arg6[%arg1, %dma_wait3A_120, %dma_wait3A_121] : memref<16x160x128xi32, #tpu.memory_space<hbm>> -> memref<1x40x128xi32, #tpu.memory_space<hbm>>
      %dma_wait3A_123 = tpu.memref_squeeze %dma_wait3A_122 : memref<1x40x128xi32, #tpu.memory_space<hbm>> -> memref<40x128xi32, #tpu.memory_space<hbm>>
      tpu.wait_dma2 semaphore(%run_scoped3A : memref<!tpu.dma_semaphore, #tpu.memory_space<semaphore_mem>>) src(%dma_wait3A_123 : memref<40x128xi32, #tpu.memory_space<hbm>>) dst(%dma_wait3A_119 : memref<40x128xi32, #tpu.memory_space<vmem>>)
      tpu.yield
    }) : () -> ()
    "tpu.region"() ({
      %run_scoped3A = tpu.sem_alloc : memref<!tpu.dma_semaphore, #tpu.memory_space<semaphore_mem>>
      %dma_start3A_97 = arith.constant 0 : i32
      %dma_start3A_98 = arith.constant 0 : i32
      %dma_start3A_99 = tpu.memref_slice %arg12[%dma_start3A_97, %dma_start3A_98] : memref<40x128xi32, #tpu.memory_space<vmem>> -> memref<40x128xi32, #tpu.memory_space<vmem>>
      %dma_start3A_100 = arith.constant 40 : i32
      %dma_start3A_101 = arith.constant 0 : i32
      %dma_start3A_102 = tpu.memref_slice %arg7[%arg0, %arg1, %dma_start3A_100, %dma_start3A_101] : memref<2x16x160x128xi32, #tpu.memory_space<hbm>> -> memref<1x1x40x128xi32, #tpu.memory_space<hbm>>
      %dma_start3A_103 = tpu.memref_squeeze %dma_start3A_102 : memref<1x1x40x128xi32, #tpu.memory_space<hbm>> -> memref<40x128xi32, #tpu.memory_space<hbm>>
      %dma_start3A_104 = arith.constant 0 : i32
      %dma_start3A_105 = arith.constant 0 : i32
      %dma_start3A_106 = tpu.memref_slice %arg12[%dma_start3A_104, %dma_start3A_105] : memref<40x128xi32, #tpu.memory_space<vmem>> -> memref<40x128xi32, #tpu.memory_space<vmem>>
      %dma_start3A_107 = arith.constant 40 : i32
      %dma_start3A_108 = arith.constant 0 : i32
      %dma_start3A_109 = tpu.memref_slice %arg7[%arg0, %arg1, %dma_start3A_107, %dma_start3A_108] : memref<2x16x160x128xi32, #tpu.memory_space<hbm>> -> memref<1x1x40x128xi32, #tpu.memory_space<hbm>>
      %dma_start3A_110 = tpu.memref_squeeze %dma_start3A_109 : memref<1x1x40x128xi32, #tpu.memory_space<hbm>> -> memref<40x128xi32, #tpu.memory_space<hbm>>
      tpu.enqueue_dma source(%dma_start3A_110 : memref<40x128xi32, #tpu.memory_space<hbm>>) target(%dma_start3A_106 : memref<40x128xi32, #tpu.memory_space<vmem>>) target_semaphore(%run_scoped3A : memref<!tpu.dma_semaphore, #tpu.memory_space<semaphore_mem>>)
      %dma_wait3A = arith.constant 0 : i32
      %dma_wait3A_111 = arith.constant 0 : i32
      %dma_wait3A_112 = tpu.memref_slice %arg12[%dma_wait3A, %dma_wait3A_111] : memref<40x128xi32, #tpu.memory_space<vmem>> -> memref<40x128xi32, #tpu.memory_space<vmem>>
      %dma_wait3A_113 = arith.constant 40 : i32
      %dma_wait3A_114 = arith.constant 0 : i32
      %dma_wait3A_115 = tpu.memref_slice %arg7[%arg0, %arg1, %dma_wait3A_113, %dma_wait3A_114] : memref<2x16x160x128xi32, #tpu.memory_space<hbm>> -> memref<1x1x40x128xi32, #tpu.memory_space<hbm>>
      %dma_wait3A_116 = tpu.memref_squeeze %dma_wait3A_115 : memref<1x1x40x128xi32, #tpu.memory_space<hbm>> -> memref<40x128xi32, #tpu.memory_space<hbm>>
      %dma_wait3A_117 = arith.constant 0 : i32
      %dma_wait3A_118 = arith.constant 0 : i32
      %dma_wait3A_119 = tpu.memref_slice %arg12[%dma_wait3A_117, %dma_wait3A_118] : memref<40x128xi32, #tpu.memory_space<vmem>> -> memref<40x128xi32, #tpu.memory_space<vmem>>
      %dma_wait3A_120 = arith.constant 40 : i32
      %dma_wait3A_121 = arith.constant 0 : i32
      %dma_wait3A_122 = tpu.memref_slice %arg7[%arg0, %arg1, %dma_wait3A_120, %dma_wait3A_121] : memref<2x16x160x128xi32, #tpu.memory_space<hbm>> -> memref<1x1x40x128xi32, #tpu.memory_space<hbm>>
      %dma_wait3A_123 = tpu.memref_squeeze %dma_wait3A_122 : memref<1x1x40x128xi32, #tpu.memory_space<hbm>> -> memref<40x128xi32, #tpu.memory_space<hbm>>
      tpu.wait_dma2 semaphore(%run_scoped3A : memref<!tpu.dma_semaphore, #tpu.memory_space<semaphore_mem>>) src(%dma_wait3A_123 : memref<40x128xi32, #tpu.memory_space<hbm>>) dst(%dma_wait3A_119 : memref<40x128xi32, #tpu.memory_space<vmem>>)
      tpu.yield
    }) : () -> ()
    %dma_start3A_39 = arith.constant 0 : i32
    %dma_start3A_40 = arith.constant 0 : i32
    %dma_start3A_41 = tpu.memref_slice %arg11[%dma_start3A_39, %dma_start3A_40] : memref<40x128xi32, #tpu.memory_space<vmem>> -> memref<1x128xi32, #tpu.memory_space<vmem>>
    %dma_start3A_42 = tpu.memref_squeeze %dma_start3A_41 : memref<1x128xi32, #tpu.memory_space<vmem>> -> memref<128xi32, #tpu.memory_space<vmem>>
    %dma_start3A_43 = arith.constant 0 : i32
    %dma_start3A_44 = arith.constant 0 : i32
    %dma_start3A_45 = tpu.memref_slice %arg3[%dma_start3A_43, %dma_start3A_44] : memref<10000x128xf32, #tpu.memory_space<hbm>> -> memref<10000x128xf32, #tpu.memory_space<hbm>>
    tpu.enqueue_indirect_dma source(%dma_start3A_45 : memref<10000x128xf32, #tpu.memory_space<hbm>>) target(%arg13 : memref<128x128xf32, #tpu.memory_space<vmem>>) offsets(%dma_start3A_42 : memref<128xi32, #tpu.memory_space<vmem>>) semaphore(%arg18 : memref<!tpu.dma_semaphore, #tpu.memory_space<semaphore_mem>>)
    %dma_start3A_46 = arith.constant 1 : i32
    %dma_start3A_47 = arith.constant 0 : i32
    %dma_start3A_48 = tpu.memref_slice %arg11[%dma_start3A_46, %dma_start3A_47] : memref<40x128xi32, #tpu.memory_space<vmem>> -> memref<1x128xi32, #tpu.memory_space<vmem>>
    %dma_start3A_49 = tpu.memref_squeeze %dma_start3A_48 : memref<1x128xi32, #tpu.memory_space<vmem>> -> memref<128xi32, #tpu.memory_space<vmem>>
    %dma_start3A_50 = arith.constant 0 : i32
    %dma_start3A_51 = arith.constant 0 : i32
    %dma_start3A_52 = tpu.memref_slice %arg3[%dma_start3A_50, %dma_start3A_51] : memref<10000x128xf32, #tpu.memory_space<hbm>> -> memref<10000x128xf32, #tpu.memory_space<hbm>>
    tpu.enqueue_indirect_dma source(%dma_start3A_52 : memref<10000x128xf32, #tpu.memory_space<hbm>>) target(%arg14 : memref<128x128xf32, #tpu.memory_space<vmem>>) offsets(%dma_start3A_49 : memref<128xi32, #tpu.memory_space<vmem>>) semaphore(%arg19 : memref<!tpu.dma_semaphore, #tpu.memory_space<semaphore_mem>>)
    %scan3A_53 = arith.constant 0 : i32
    %scan3A_54 = arith.constant 10 : i32
    %scan3A_55 = arith.addi %scan3A_53, %scan3A_54 : i32
    %scan3A_56 = arith.constant 1 : i32
    scf.for %scan3A_97 = %scan3A_53 to %scan3A_55 step %scan3A_56  : i32 {
      %mul3A_98 = arith.constant 1 : i32
      %mul3A_99 = arith.muli %scan3A_97, %mul3A_98 : i32
      %add3A = arith.constant 0 : i32
      %add3A_100 = arith.addi %add3A, %mul3A_99 : i32
      %mul3A_101 = arith.constant 4 : i32
      %mul3A_102 = arith.muli %mul3A_101, %add3A_100 : i32
      %add3A_103 = arith.constant 0 : i32
      %add3A_104 = arith.addi %mul3A_102, %add3A_103 : i32
      %dma_wait3A = arith.constant 0 : i32
      %dma_wait3A_105 = tpu.memref_slice %arg11[%add3A_104, %dma_wait3A] : memref<40x128xi32, #tpu.memory_space<vmem>> -> memref<1x128xi32, #tpu.memory_space<vmem>>
      %dma_wait3A_106 = tpu.memref_squeeze %dma_wait3A_105 : memref<1x128xi32, #tpu.memory_space<vmem>> -> memref<128xi32, #tpu.memory_space<vmem>>
      %dma_wait3A_107 = arith.constant 0 : i32
      %dma_wait3A_108 = arith.constant 0 : i32
      %dma_wait3A_109 = tpu.memref_slice %arg3[%dma_wait3A_107, %dma_wait3A_108] : memref<10000x128xf32, #tpu.memory_space<hbm>> -> memref<10000x128xf32, #tpu.memory_space<hbm>>
      tpu.wait_indirect_dma semaphore(%arg18 : memref<!tpu.dma_semaphore, #tpu.memory_space<semaphore_mem>>) src(%dma_wait3A_109 : memref<10000x128xf32, #tpu.memory_space<hbm>>) dst(%arg13 : memref<128x128xf32, #tpu.memory_space<vmem>>)
      %add3A_110 = arith.constant 2 : i32
      %add3A_111 = arith.addi %add3A_104, %add3A_110 : i32
      %lt3A = arith.constant 40 : i32
      %lt3A_112 = arith.cmpi slt, %add3A_111, %lt3A : i32
      %convert_element_type3A = arith.extui %lt3A_112 : i1 to i32
      %cond3A = arith.constant 0 : i32
      %cond3A_113 = arith.cmpi ne, %convert_element_type3A, %cond3A : i32
      scf.if %cond3A_113 {
        %add3A_165 = arith.constant 2 : i32
        %add3A_166 = arith.addi %add3A_104, %add3A_165 : i32
        %dma_start3A_167 = arith.constant 0 : i32
        %dma_start3A_168 = tpu.memref_slice %arg11[%add3A_166, %dma_start3A_167] : memref<40x128xi32, #tpu.memory_space<vmem>> -> memref<1x128xi32, #tpu.memory_space<vmem>>
        %dma_start3A_169 = tpu.memref_squeeze %dma_start3A_168 : memref<1x128xi32, #tpu.memory_space<vmem>> -> memref<128xi32, #tpu.memory_space<vmem>>
        %dma_start3A_170 = arith.constant 0 : i32
        %dma_start3A_171 = arith.constant 0 : i32
        %dma_start3A_172 = tpu.memref_slice %arg3[%dma_start3A_170, %dma_start3A_171] : memref<10000x128xf32, #tpu.memory_space<hbm>> -> memref<10000x128xf32, #tpu.memory_space<hbm>>
        tpu.enqueue_indirect_dma source(%dma_start3A_172 : memref<10000x128xf32, #tpu.memory_space<hbm>>) target(%arg15 : memref<128x128xf32, #tpu.memory_space<vmem>>) offsets(%dma_start3A_169 : memref<128xi32, #tpu.memory_space<vmem>>) semaphore(%arg20 : memref<!tpu.dma_semaphore, #tpu.memory_space<semaphore_mem>>)
      } else {
      }
      "tpu.region"() ({
        %run_scoped3A = tpu.sem_alloc : memref<!tpu.dma_semaphore, #tpu.memory_space<semaphore_mem>>
        %dma_start3A_165 = arith.constant 0 : i32
        %dma_start3A_166 = tpu.memref_slice %arg12[%add3A_104, %dma_start3A_165] : memref<40x128xi32, #tpu.memory_space<vmem>> -> memref<1x128xi32, #tpu.memory_space<vmem>>
        %dma_start3A_167 = tpu.memref_squeeze %dma_start3A_166 : memref<1x128xi32, #tpu.memory_space<vmem>> -> memref<128xi32, #tpu.memory_space<vmem>>
        %dma_start3A_168 = arith.constant 0 : i32
        %dma_start3A_169 = arith.constant 0 : i32
        %dma_start3A_170 = tpu.memref_slice %arg17[%dma_start3A_168, %dma_start3A_169] : memref<5120x128xf32, #tpu.memory_space<vmem_shared>> -> memref<5120x128xf32, #tpu.memory_space<vmem_shared>>
        tpu.enqueue_indirect_dma source(%arg13 : memref<128x128xf32, #tpu.memory_space<vmem>>) target(%dma_start3A_170 : memref<5120x128xf32, #tpu.memory_space<vmem_shared>>) offsets(%dma_start3A_167 : memref<128xi32, #tpu.memory_space<vmem>>) semaphore(%run_scoped3A : memref<!tpu.dma_semaphore, #tpu.memory_space<semaphore_mem>>) {add = true}
        %dma_wait3A_171 = arith.constant 0 : i32
        %dma_wait3A_172 = tpu.memref_slice %arg12[%add3A_104, %dma_wait3A_171] : memref<40x128xi32, #tpu.memory_space<vmem>> -> memref<1x128xi32, #tpu.memory_space<vmem>>
        %dma_wait3A_173 = tpu.memref_squeeze %dma_wait3A_172 : memref<1x128xi32, #tpu.memory_space<vmem>> -> memref<128xi32, #tpu.memory_space<vmem>>
        %dma_wait3A_174 = arith.constant 0 : i32
        %dma_wait3A_175 = arith.constant 0 : i32
        %dma_wait3A_176 = tpu.memref_slice %arg17[%dma_wait3A_174, %dma_wait3A_175] : memref<5120x128xf32, #tpu.memory_space<vmem_shared>> -> memref<5120x128xf32, #tpu.memory_space<vmem_shared>>
        tpu.wait_indirect_dma semaphore(%run_scoped3A : memref<!tpu.dma_semaphore, #tpu.memory_space<semaphore_mem>>) src(%arg13 : memref<128x128xf32, #tpu.memory_space<vmem>>) dst(%dma_wait3A_176 : memref<5120x128xf32, #tpu.memory_space<vmem_shared>>)
        tpu.yield
      }) : () -> ()
      %mul3A_114 = arith.constant 4 : i32
      %mul3A_115 = arith.muli %mul3A_114, %add3A_100 : i32
      %add3A_116 = arith.constant 1 : i32
      %add3A_117 = arith.addi %mul3A_115, %add3A_116 : i32
      %dma_wait3A_118 = arith.constant 0 : i32
      %dma_wait3A_119 = tpu.memref_slice %arg11[%add3A_117, %dma_wait3A_118] : memref<40x128xi32, #tpu.memory_space<vmem>> -> memref<1x128xi32, #tpu.memory_space<vmem>>
      %dma_wait3A_120 = tpu.memref_squeeze %dma_wait3A_119 : memref<1x128xi32, #tpu.memory_space<vmem>> -> memref<128xi32, #tpu.memory_space<vmem>>
      %dma_wait3A_121 = arith.constant 0 : i32
      %dma_wait3A_122 = arith.constant 0 : i32
      %dma_wait3A_123 = tpu.memref_slice %arg3[%dma_wait3A_121, %dma_wait3A_122] : memref<10000x128xf32, #tpu.memory_space<hbm>> -> memref<10000x128xf32, #tpu.memory_space<hbm>>
      tpu.wait_indirect_dma semaphore(%arg19 : memref<!tpu.dma_semaphore, #tpu.memory_space<semaphore_mem>>) src(%dma_wait3A_123 : memref<10000x128xf32, #tpu.memory_space<hbm>>) dst(%arg14 : memref<128x128xf32, #tpu.memory_space<vmem>>)
      %add3A_124 = arith.constant 2 : i32
      %add3A_125 = arith.addi %add3A_117, %add3A_124 : i32
      %lt3A_126 = arith.constant 40 : i32
      %lt3A_127 = arith.cmpi slt, %add3A_125, %lt3A_126 : i32
      %convert_element_type3A_128 = arith.extui %lt3A_127 : i1 to i32
      %cond3A_129 = arith.constant 0 : i32
      %cond3A_130 = arith.cmpi ne, %convert_element_type3A_128, %cond3A_129 : i32
      scf.if %cond3A_130 {
        %add3A_165 = arith.constant 2 : i32
        %add3A_166 = arith.addi %add3A_117, %add3A_165 : i32
        %dma_start3A_167 = arith.constant 0 : i32
        %dma_start3A_168 = tpu.memref_slice %arg11[%add3A_166, %dma_start3A_167] : memref<40x128xi32, #tpu.memory_space<vmem>> -> memref<1x128xi32, #tpu.memory_space<vmem>>
        %dma_start3A_169 = tpu.memref_squeeze %dma_start3A_168 : memref<1x128xi32, #tpu.memory_space<vmem>> -> memref<128xi32, #tpu.memory_space<vmem>>
        %dma_start3A_170 = arith.constant 0 : i32
        %dma_start3A_171 = arith.constant 0 : i32
        %dma_start3A_172 = tpu.memref_slice %arg3[%dma_start3A_170, %dma_start3A_171] : memref<10000x128xf32, #tpu.memory_space<hbm>> -> memref<10000x128xf32, #tpu.memory_space<hbm>>
        tpu.enqueue_indirect_dma source(%dma_start3A_172 : memref<10000x128xf32, #tpu.memory_space<hbm>>) target(%arg16 : memref<128x128xf32, #tpu.memory_space<vmem>>) offsets(%dma_start3A_169 : memref<128xi32, #tpu.memory_space<vmem>>) semaphore(%arg21 : memref<!tpu.dma_semaphore, #tpu.memory_space<semaphore_mem>>)
      } else {
      }
      "tpu.region"() ({
        %run_scoped3A = tpu.sem_alloc : memref<!tpu.dma_semaphore, #tpu.memory_space<semaphore_mem>>
        %dma_start3A_165 = arith.constant 0 : i32
        %dma_start3A_166 = tpu.memref_slice %arg12[%add3A_117, %dma_start3A_165] : memref<40x128xi32, #tpu.memory_space<vmem>> -> memref<1x128xi32, #tpu.memory_space<vmem>>
        %dma_start3A_167 = tpu.memref_squeeze %dma_start3A_166 : memref<1x128xi32, #tpu.memory_space<vmem>> -> memref<128xi32, #tpu.memory_space<vmem>>
        %dma_start3A_168 = arith.constant 0 : i32
        %dma_start3A_169 = arith.constant 0 : i32
        %dma_start3A_170 = tpu.memref_slice %arg17[%dma_start3A_168, %dma_start3A_169] : memref<5120x128xf32, #tpu.memory_space<vmem_shared>> -> memref<5120x128xf32, #tpu.memory_space<vmem_shared>>
        tpu.enqueue_indirect_dma source(%arg14 : memref<128x128xf32, #tpu.memory_space<vmem>>) target(%dma_start3A_170 : memref<5120x128xf32, #tpu.memory_space<vmem_shared>>) offsets(%dma_start3A_167 : memref<128xi32, #tpu.memory_space<vmem>>) semaphore(%run_scoped3A : memref<!tpu.dma_semaphore, #tpu.memory_space<semaphore_mem>>) {add = true}
        %dma_wait3A_171 = arith.constant 0 : i32
        %dma_wait3A_172 = tpu.memref_slice %arg12[%add3A_117, %dma_wait3A_171] : memref<40x128xi32, #tpu.memory_space<vmem>> -> memref<1x128xi32, #tpu.memory_space<vmem>>
        %dma_wait3A_173 = tpu.memref_squeeze %dma_wait3A_172 : memref<1x128xi32, #tpu.memory_space<vmem>> -> memref<128xi32, #tpu.memory_space<vmem>>
        %dma_wait3A_174 = arith.constant 0 : i32
        %dma_wait3A_175 = arith.constant 0 : i32
        %dma_wait3A_176 = tpu.memref_slice %arg17[%dma_wait3A_174, %dma_wait3A_175] : memref<5120x128xf32, #tpu.memory_space<vmem_shared>> -> memref<5120x128xf32, #tpu.memory_space<vmem_shared>>
        tpu.wait_indirect_dma semaphore(%run_scoped3A : memref<!tpu.dma_semaphore, #tpu.memory_space<semaphore_mem>>) src(%arg14 : memref<128x128xf32, #tpu.memory_space<vmem>>) dst(%dma_wait3A_176 : memref<5120x128xf32, #tpu.memory_space<vmem_shared>>)
        tpu.yield
      }) : () -> ()
      %mul3A_131 = arith.constant 4 : i32
      %mul3A_132 = arith.muli %mul3A_131, %add3A_100 : i32
      %add3A_133 = arith.constant 2 : i32
      %add3A_134 = arith.addi %mul3A_132, %add3A_133 : i32
      %dma_wait3A_135 = arith.constant 0 : i32
      %dma_wait3A_136 = tpu.memref_slice %arg11[%add3A_134, %dma_wait3A_135] : memref<40x128xi32, #tpu.memory_space<vmem>> -> memref<1x128xi32, #tpu.memory_space<vmem>>
      %dma_wait3A_137 = tpu.memref_squeeze %dma_wait3A_136 : memref<1x128xi32, #tpu.memory_space<vmem>> -> memref<128xi32, #tpu.memory_space<vmem>>
      %dma_wait3A_138 = arith.constant 0 : i32
      %dma_wait3A_139 = arith.constant 0 : i32
      %dma_wait3A_140 = tpu.memref_slice %arg3[%dma_wait3A_138, %dma_wait3A_139] : memref<10000x128xf32, #tpu.memory_space<hbm>> -> memref<10000x128xf32, #tpu.memory_space<hbm>>
      tpu.wait_indirect_dma semaphore(%arg20 : memref<!tpu.dma_semaphore, #tpu.memory_space<semaphore_mem>>) src(%dma_wait3A_140 : memref<10000x128xf32, #tpu.memory_space<hbm>>) dst(%arg15 : memref<128x128xf32, #tpu.memory_space<vmem>>)
      %add3A_141 = arith.constant 2 : i32
      %add3A_142 = arith.addi %add3A_134, %add3A_141 : i32
      %lt3A_143 = arith.constant 40 : i32
      %lt3A_144 = arith.cmpi slt, %add3A_142, %lt3A_143 : i32
      %convert_element_type3A_145 = arith.extui %lt3A_144 : i1 to i32
      %cond3A_146 = arith.constant 0 : i32
      %cond3A_147 = arith.cmpi ne, %convert_element_type3A_145, %cond3A_146 : i32
      scf.if %cond3A_147 {
        %add3A_165 = arith.constant 2 : i32
        %add3A_166 = arith.addi %add3A_134, %add3A_165 : i32
        %dma_start3A_167 = arith.constant 0 : i32
        %dma_start3A_168 = tpu.memref_slice %arg11[%add3A_166, %dma_start3A_167] : memref<40x128xi32, #tpu.memory_space<vmem>> -> memref<1x128xi32, #tpu.memory_space<vmem>>
        %dma_start3A_169 = tpu.memref_squeeze %dma_start3A_168 : memref<1x128xi32, #tpu.memory_space<vmem>> -> memref<128xi32, #tpu.memory_space<vmem>>
        %dma_start3A_170 = arith.constant 0 : i32
        %dma_start3A_171 = arith.constant 0 : i32
        %dma_start3A_172 = tpu.memref_slice %arg3[%dma_start3A_170, %dma_start3A_171] : memref<10000x128xf32, #tpu.memory_space<hbm>> -> memref<10000x128xf32, #tpu.memory_space<hbm>>
        tpu.enqueue_indirect_dma source(%dma_start3A_172 : memref<10000x128xf32, #tpu.memory_space<hbm>>) target(%arg13 : memref<128x128xf32, #tpu.memory_space<vmem>>) offsets(%dma_start3A_169 : memref<128xi32, #tpu.memory_space<vmem>>) semaphore(%arg18 : memref<!tpu.dma_semaphore, #tpu.memory_space<semaphore_mem>>)
      } else {
      }
      "tpu.region"() ({
        %run_scoped3A = tpu.sem_alloc : memref<!tpu.dma_semaphore, #tpu.memory_space<semaphore_mem>>
        %dma_start3A_165 = arith.constant 0 : i32
        %dma_start3A_166 = tpu.memref_slice %arg12[%add3A_134, %dma_start3A_165] : memref<40x128xi32, #tpu.memory_space<vmem>> -> memref<1x128xi32, #tpu.memory_space<vmem>>
        %dma_start3A_167 = tpu.memref_squeeze %dma_start3A_166 : memref<1x128xi32, #tpu.memory_space<vmem>> -> memref<128xi32, #tpu.memory_space<vmem>>
        %dma_start3A_168 = arith.constant 0 : i32
        %dma_start3A_169 = arith.constant 0 : i32
        %dma_start3A_170 = tpu.memref_slice %arg17[%dma_start3A_168, %dma_start3A_169] : memref<5120x128xf32, #tpu.memory_space<vmem_shared>> -> memref<5120x128xf32, #tpu.memory_space<vmem_shared>>
        tpu.enqueue_indirect_dma source(%arg15 : memref<128x128xf32, #tpu.memory_space<vmem>>) target(%dma_start3A_170 : memref<5120x128xf32, #tpu.memory_space<vmem_shared>>) offsets(%dma_start3A_167 : memref<128xi32, #tpu.memory_space<vmem>>) semaphore(%run_scoped3A : memref<!tpu.dma_semaphore, #tpu.memory_space<semaphore_mem>>) {add = true}
        %dma_wait3A_171 = arith.constant 0 : i32
        %dma_wait3A_172 = tpu.memref_slice %arg12[%add3A_134, %dma_wait3A_171] : memref<40x128xi32, #tpu.memory_space<vmem>> -> memref<1x128xi32, #tpu.memory_space<vmem>>
        %dma_wait3A_173 = tpu.memref_squeeze %dma_wait3A_172 : memref<1x128xi32, #tpu.memory_space<vmem>> -> memref<128xi32, #tpu.memory_space<vmem>>
        %dma_wait3A_174 = arith.constant 0 : i32
        %dma_wait3A_175 = arith.constant 0 : i32
        %dma_wait3A_176 = tpu.memref_slice %arg17[%dma_wait3A_174, %dma_wait3A_175] : memref<5120x128xf32, #tpu.memory_space<vmem_shared>> -> memref<5120x128xf32, #tpu.memory_space<vmem_shared>>
        tpu.wait_indirect_dma semaphore(%run_scoped3A : memref<!tpu.dma_semaphore, #tpu.memory_space<semaphore_mem>>) src(%arg15 : memref<128x128xf32, #tpu.memory_space<vmem>>) dst(%dma_wait3A_176 : memref<5120x128xf32, #tpu.memory_space<vmem_shared>>)
        tpu.yield
      }) : () -> ()
      %mul3A_148 = arith.constant 4 : i32
      %mul3A_149 = arith.muli %mul3A_148, %add3A_100 : i32
      %add3A_150 = arith.constant 3 : i32
      %add3A_151 = arith.addi %mul3A_149, %add3A_150 : i32
      %dma_wait3A_152 = arith.constant 0 : i32
      %dma_wait3A_153 = tpu.memref_slice %arg11[%add3A_151, %dma_wait3A_152] : memref<40x128xi32, #tpu.memory_space<vmem>> -> memref<1x128xi32, #tpu.memory_space<vmem>>
      %dma_wait3A_154 = tpu.memref_squeeze %dma_wait3A_153 : memref<1x128xi32, #tpu.memory_space<vmem>> -> memref<128xi32, #tpu.memory_space<vmem>>
      %dma_wait3A_155 = arith.constant 0 : i32
      %dma_wait3A_156 = arith.constant 0 : i32
      %dma_wait3A_157 = tpu.memref_slice %arg3[%dma_wait3A_155, %dma_wait3A_156] : memref<10000x128xf32, #tpu.memory_space<hbm>> -> memref<10000x128xf32, #tpu.memory_space<hbm>>
      tpu.wait_indirect_dma semaphore(%arg21 : memref<!tpu.dma_semaphore, #tpu.memory_space<semaphore_mem>>) src(%dma_wait3A_157 : memref<10000x128xf32, #tpu.memory_space<hbm>>) dst(%arg16 : memref<128x128xf32, #tpu.memory_space<vmem>>)
      %add3A_158 = arith.constant 2 : i32
      %add3A_159 = arith.addi %add3A_151, %add3A_158 : i32
      %lt3A_160 = arith.constant 40 : i32
      %lt3A_161 = arith.cmpi slt, %add3A_159, %lt3A_160 : i32
      %convert_element_type3A_162 = arith.extui %lt3A_161 : i1 to i32
      %cond3A_163 = arith.constant 0 : i32
      %cond3A_164 = arith.cmpi ne, %convert_element_type3A_162, %cond3A_163 : i32
      scf.if %cond3A_164 {
        %add3A_165 = arith.constant 2 : i32
        %add3A_166 = arith.addi %add3A_151, %add3A_165 : i32
        %dma_start3A_167 = arith.constant 0 : i32
        %dma_start3A_168 = tpu.memref_slice %arg11[%add3A_166, %dma_start3A_167] : memref<40x128xi32, #tpu.memory_space<vmem>> -> memref<1x128xi32, #tpu.memory_space<vmem>>
        %dma_start3A_169 = tpu.memref_squeeze %dma_start3A_168 : memref<1x128xi32, #tpu.memory_space<vmem>> -> memref<128xi32, #tpu.memory_space<vmem>>
        %dma_start3A_170 = arith.constant 0 : i32
        %dma_start3A_171 = arith.constant 0 : i32
        %dma_start3A_172 = tpu.memref_slice %arg3[%dma_start3A_170, %dma_start3A_171] : memref<10000x128xf32, #tpu.memory_space<hbm>> -> memref<10000x128xf32, #tpu.memory_space<hbm>>
        tpu.enqueue_indirect_dma source(%dma_start3A_172 : memref<10000x128xf32, #tpu.memory_space<hbm>>) target(%arg14 : memref<128x128xf32, #tpu.memory_space<vmem>>) offsets(%dma_start3A_169 : memref<128xi32, #tpu.memory_space<vmem>>) semaphore(%arg19 : memref<!tpu.dma_semaphore, #tpu.memory_space<semaphore_mem>>)
      } else {
      }
      "tpu.region"() ({
        %run_scoped3A = tpu.sem_alloc : memref<!tpu.dma_semaphore, #tpu.memory_space<semaphore_mem>>
        %dma_start3A_165 = arith.constant 0 : i32
        %dma_start3A_166 = tpu.memref_slice %arg12[%add3A_151, %dma_start3A_165] : memref<40x128xi32, #tpu.memory_space<vmem>> -> memref<1x128xi32, #tpu.memory_space<vmem>>
        %dma_start3A_167 = tpu.memref_squeeze %dma_start3A_166 : memref<1x128xi32, #tpu.memory_space<vmem>> -> memref<128xi32, #tpu.memory_space<vmem>>
        %dma_start3A_168 = arith.constant 0 : i32
        %dma_start3A_169 = arith.constant 0 : i32
        %dma_start3A_170 = tpu.memref_slice %arg17[%dma_start3A_168, %dma_start3A_169] : memref<5120x128xf32, #tpu.memory_space<vmem_shared>> -> memref<5120x128xf32, #tpu.memory_space<vmem_shared>>
        tpu.enqueue_indirect_dma source(%arg16 : memref<128x128xf32, #tpu.memory_space<vmem>>) target(%dma_start3A_170 : memref<5120x128xf32, #tpu.memory_space<vmem_shared>>) offsets(%dma_start3A_167 : memref<128xi32, #tpu.memory_space<vmem>>) semaphore(%run_scoped3A : memref<!tpu.dma_semaphore, #tpu.memory_space<semaphore_mem>>) {add = true}
        %dma_wait3A_171 = arith.constant 0 : i32
        %dma_wait3A_172 = tpu.memref_slice %arg12[%add3A_151, %dma_wait3A_171] : memref<40x128xi32, #tpu.memory_space<vmem>> -> memref<1x128xi32, #tpu.memory_space<vmem>>
        %dma_wait3A_173 = tpu.memref_squeeze %dma_wait3A_172 : memref<1x128xi32, #tpu.memory_space<vmem>> -> memref<128xi32, #tpu.memory_space<vmem>>
        %dma_wait3A_174 = arith.constant 0 : i32
        %dma_wait3A_175 = arith.constant 0 : i32
        %dma_wait3A_176 = tpu.memref_slice %arg17[%dma_wait3A_174, %dma_wait3A_175] : memref<5120x128xf32, #tpu.memory_space<vmem_shared>> -> memref<5120x128xf32, #tpu.memory_space<vmem_shared>>
        tpu.wait_indirect_dma semaphore(%run_scoped3A : memref<!tpu.dma_semaphore, #tpu.memory_space<semaphore_mem>>) src(%arg16 : memref<128x128xf32, #tpu.memory_space<vmem>>) dst(%dma_wait3A_176 : memref<5120x128xf32, #tpu.memory_space<vmem_shared>>)
        tpu.yield
      }) : () -> ()
    }
    %scan3A_57 = arith.constant 10 : i32
    "tpu.region"() ({
      %run_scoped3A = tpu.sem_alloc : memref<!tpu.dma_semaphore, #tpu.memory_space<semaphore_mem>>
      %dma_start3A_97 = arith.constant 0 : i32
      %dma_start3A_98 = arith.constant 0 : i32
      %dma_start3A_99 = tpu.memref_slice %arg11[%dma_start3A_97, %dma_start3A_98] : memref<40x128xi32, #tpu.memory_space<vmem>> -> memref<40x128xi32, #tpu.memory_space<vmem>>
      %dma_start3A_100 = arith.constant 80 : i32
      %dma_start3A_101 = arith.constant 0 : i32
      %dma_start3A_102 = tpu.memref_slice %arg6[%arg1, %dma_start3A_100, %dma_start3A_101] : memref<16x160x128xi32, #tpu.memory_space<hbm>> -> memref<1x40x128xi32, #tpu.memory_space<hbm>>
      %dma_start3A_103 = tpu.memref_squeeze %dma_start3A_102 : memref<1x40x128xi32, #tpu.memory_space<hbm>> -> memref<40x128xi32, #tpu.memory_space<hbm>>
      %dma_start3A_104 = arith.constant 0 : i32
      %dma_start3A_105 = arith.constant 0 : i32
      %dma_start3A_106 = tpu.memref_slice %arg11[%dma_start3A_104, %dma_start3A_105] : memref<40x128xi32, #tpu.memory_space<vmem>> -> memref<40x128xi32, #tpu.memory_space<vmem>>
      %dma_start3A_107 = arith.constant 80 : i32
      %dma_start3A_108 = arith.constant 0 : i32
      %dma_start3A_109 = tpu.memref_slice %arg6[%arg1, %dma_start3A_107, %dma_start3A_108] : memref<16x160x128xi32, #tpu.memory_space<hbm>> -> memref<1x40x128xi32, #tpu.memory_space<hbm>>
      %dma_start3A_110 = tpu.memref_squeeze %dma_start3A_109 : memref<1x40x128xi32, #tpu.memory_space<hbm>> -> memref<40x128xi32, #tpu.memory_space<hbm>>
      tpu.enqueue_dma source(%dma_start3A_110 : memref<40x128xi32, #tpu.memory_space<hbm>>) target(%dma_start3A_106 : memref<40x128xi32, #tpu.memory_space<vmem>>) target_semaphore(%run_scoped3A : memref<!tpu.dma_semaphore, #tpu.memory_space<semaphore_mem>>)
      %dma_wait3A = arith.constant 0 : i32
      %dma_wait3A_111 = arith.constant 0 : i32
      %dma_wait3A_112 = tpu.memref_slice %arg11[%dma_wait3A, %dma_wait3A_111] : memref<40x128xi32, #tpu.memory_space<vmem>> -> memref<40x128xi32, #tpu.memory_space<vmem>>
      %dma_wait3A_113 = arith.constant 80 : i32
      %dma_wait3A_114 = arith.constant 0 : i32
      %dma_wait3A_115 = tpu.memref_slice %arg6[%arg1, %dma_wait3A_113, %dma_wait3A_114] : memref<16x160x128xi32, #tpu.memory_space<hbm>> -> memref<1x40x128xi32, #tpu.memory_space<hbm>>
      %dma_wait3A_116 = tpu.memref_squeeze %dma_wait3A_115 : memref<1x40x128xi32, #tpu.memory_space<hbm>> -> memref<40x128xi32, #tpu.memory_space<hbm>>
      %dma_wait3A_117 = arith.constant 0 : i32
      %dma_wait3A_118 = arith.constant 0 : i32
      %dma_wait3A_119 = tpu.memref_slice %arg11[%dma_wait3A_117, %dma_wait3A_118] : memref<40x128xi32, #tpu.memory_space<vmem>> -> memref<40x128xi32, #tpu.memory_space<vmem>>
      %dma_wait3A_120 = arith.constant 80 : i32
      %dma_wait3A_121 = arith.constant 0 : i32
      %dma_wait3A_122 = tpu.memref_slice %arg6[%arg1, %dma_wait3A_120, %dma_wait3A_121] : memref<16x160x128xi32, #tpu.memory_space<hbm>> -> memref<1x40x128xi32, #tpu.memory_space<hbm>>
      %dma_wait3A_123 = tpu.memref_squeeze %dma_wait3A_122 : memref<1x40x128xi32, #tpu.memory_space<hbm>> -> memref<40x128xi32, #tpu.memory_space<hbm>>
      tpu.wait_dma2 semaphore(%run_scoped3A : memref<!tpu.dma_semaphore, #tpu.memory_space<semaphore_mem>>) src(%dma_wait3A_123 : memref<40x128xi32, #tpu.memory_space<hbm>>) dst(%dma_wait3A_119 : memref<40x128xi32, #tpu.memory_space<vmem>>)
      tpu.yield
    }) : () -> ()
    "tpu.region"() ({
      %run_scoped3A = tpu.sem_alloc : memref<!tpu.dma_semaphore, #tpu.memory_space<semaphore_mem>>
      %dma_start3A_97 = arith.constant 0 : i32
      %dma_start3A_98 = arith.constant 0 : i32
      %dma_start3A_99 = tpu.memref_slice %arg12[%dma_start3A_97, %dma_start3A_98] : memref<40x128xi32, #tpu.memory_space<vmem>> -> memref<40x128xi32, #tpu.memory_space<vmem>>
      %dma_start3A_100 = arith.constant 80 : i32
      %dma_start3A_101 = arith.constant 0 : i32
      %dma_start3A_102 = tpu.memref_slice %arg7[%arg0, %arg1, %dma_start3A_100, %dma_start3A_101] : memref<2x16x160x128xi32, #tpu.memory_space<hbm>> -> memref<1x1x40x128xi32, #tpu.memory_space<hbm>>
      %dma_start3A_103 = tpu.memref_squeeze %dma_start3A_102 : memref<1x1x40x128xi32, #tpu.memory_space<hbm>> -> memref<40x128xi32, #tpu.memory_space<hbm>>
      %dma_start3A_104 = arith.constant 0 : i32
      %dma_start3A_105 = arith.constant 0 : i32
      %dma_start3A_106 = tpu.memref_slice %arg12[%dma_start3A_104, %dma_start3A_105] : memref<40x128xi32, #tpu.memory_space<vmem>> -> memref<40x128xi32, #tpu.memory_space<vmem>>
      %dma_start3A_107 = arith.constant 80 : i32
      %dma_start3A_108 = arith.constant 0 : i32
      %dma_start3A_109 = tpu.memref_slice %arg7[%arg0, %arg1, %dma_start3A_107, %dma_start3A_108] : memref<2x16x160x128xi32, #tpu.memory_space<hbm>> -> memref<1x1x40x128xi32, #tpu.memory_space<hbm>>
      %dma_start3A_110 = tpu.memref_squeeze %dma_start3A_109 : memref<1x1x40x128xi32, #tpu.memory_space<hbm>> -> memref<40x128xi32, #tpu.memory_space<hbm>>
      tpu.enqueue_dma source(%dma_start3A_110 : memref<40x128xi32, #tpu.memory_space<hbm>>) target(%dma_start3A_106 : memref<40x128xi32, #tpu.memory_space<vmem>>) target_semaphore(%run_scoped3A : memref<!tpu.dma_semaphore, #tpu.memory_space<semaphore_mem>>)
      %dma_wait3A = arith.constant 0 : i32
      %dma_wait3A_111 = arith.constant 0 : i32
      %dma_wait3A_112 = tpu.memref_slice %arg12[%dma_wait3A, %dma_wait3A_111] : memref<40x128xi32, #tpu.memory_space<vmem>> -> memref<40x128xi32, #tpu.memory_space<vmem>>
      %dma_wait3A_113 = arith.constant 80 : i32
      %dma_wait3A_114 = arith.constant 0 : i32
      %dma_wait3A_115 = tpu.memref_slice %arg7[%arg0, %arg1, %dma_wait3A_113, %dma_wait3A_114] : memref<2x16x160x128xi32, #tpu.memory_space<hbm>> -> memref<1x1x40x128xi32, #tpu.memory_space<hbm>>
      %dma_wait3A_116 = tpu.memref_squeeze %dma_wait3A_115 : memref<1x1x40x128xi32, #tpu.memory_space<hbm>> -> memref<40x128xi32, #tpu.memory_space<hbm>>
      %dma_wait3A_117 = arith.constant 0 : i32
      %dma_wait3A_118 = arith.constant 0 : i32
      %dma_wait3A_119 = tpu.memref_slice %arg12[%dma_wait3A_117, %dma_wait3A_118] : memref<40x128xi32, #tpu.memory_space<vmem>> -> memref<40x128xi32, #tpu.memory_space<vmem>>
      %dma_wait3A_120 = arith.constant 80 : i32
      %dma_wait3A_121 = arith.constant 0 : i32
      %dma_wait3A_122 = tpu.memref_slice %arg7[%arg0, %arg1, %dma_wait3A_120, %dma_wait3A_121] : memref<2x16x160x128xi32, #tpu.memory_space<hbm>> -> memref<1x1x40x128xi32, #tpu.memory_space<hbm>>
      %dma_wait3A_123 = tpu.memref_squeeze %dma_wait3A_122 : memref<1x1x40x128xi32, #tpu.memory_space<hbm>> -> memref<40x128xi32, #tpu.memory_space<hbm>>
      tpu.wait_dma2 semaphore(%run_scoped3A : memref<!tpu.dma_semaphore, #tpu.memory_space<semaphore_mem>>) src(%dma_wait3A_123 : memref<40x128xi32, #tpu.memory_space<hbm>>) dst(%dma_wait3A_119 : memref<40x128xi32, #tpu.memory_space<vmem>>)
      tpu.yield
    }) : () -> ()
    %dma_start3A_58 = arith.constant 0 : i32
    %dma_start3A_59 = arith.constant 0 : i32
    %dma_start3A_60 = tpu.memref_slice %arg11[%dma_start3A_58, %dma_start3A_59] : memref<40x128xi32, #tpu.memory_space<vmem>> -> memref<1x128xi32, #tpu.memory_space<vmem>>
    %dma_start3A_61 = tpu.memref_squeeze %dma_start3A_60 : memref<1x128xi32, #tpu.memory_space<vmem>> -> memref<128xi32, #tpu.memory_space<vmem>>
    %dma_start3A_62 = arith.constant 0 : i32
    %dma_start3A_63 = arith.constant 0 : i32
    %dma_start3A_64 = tpu.memref_slice %arg3[%dma_start3A_62, %dma_start3A_63] : memref<10000x128xf32, #tpu.memory_space<hbm>> -> memref<10000x128xf32, #tpu.memory_space<hbm>>
    tpu.enqueue_indirect_dma source(%dma_start3A_64 : memref<10000x128xf32, #tpu.memory_space<hbm>>) target(%arg13 : memref<128x128xf32, #tpu.memory_space<vmem>>) offsets(%dma_start3A_61 : memref<128xi32, #tpu.memory_space<vmem>>) semaphore(%arg18 : memref<!tpu.dma_semaphore, #tpu.memory_space<semaphore_mem>>)
    %dma_start3A_65 = arith.constant 1 : i32
    %dma_start3A_66 = arith.constant 0 : i32
    %dma_start3A_67 = tpu.memref_slice %arg11[%dma_start3A_65, %dma_start3A_66] : memref<40x128xi32, #tpu.memory_space<vmem>> -> memref<1x128xi32, #tpu.memory_space<vmem>>
    %dma_start3A_68 = tpu.memref_squeeze %dma_start3A_67 : memref<1x128xi32, #tpu.memory_space<vmem>> -> memref<128xi32, #tpu.memory_space<vmem>>
    %dma_start3A_69 = arith.constant 0 : i32
    %dma_start3A_70 = arith.constant 0 : i32
    %dma_start3A_71 = tpu.memref_slice %arg3[%dma_start3A_69, %dma_start3A_70] : memref<10000x128xf32, #tpu.memory_space<hbm>> -> memref<10000x128xf32, #tpu.memory_space<hbm>>
    tpu.enqueue_indirect_dma source(%dma_start3A_71 : memref<10000x128xf32, #tpu.memory_space<hbm>>) target(%arg14 : memref<128x128xf32, #tpu.memory_space<vmem>>) offsets(%dma_start3A_68 : memref<128xi32, #tpu.memory_space<vmem>>) semaphore(%arg19 : memref<!tpu.dma_semaphore, #tpu.memory_space<semaphore_mem>>)
    %scan3A_72 = arith.constant 0 : i32
    %scan3A_73 = arith.constant 10 : i32
    %scan3A_74 = arith.addi %scan3A_72, %scan3A_73 : i32
    %scan3A_75 = arith.constant 1 : i32
    scf.for %scan3A_97 = %scan3A_72 to %scan3A_74 step %scan3A_75  : i32 {
      %mul3A_98 = arith.constant 1 : i32
      %mul3A_99 = arith.muli %scan3A_97, %mul3A_98 : i32
      %add3A = arith.constant 0 : i32
      %add3A_100 = arith.addi %add3A, %mul3A_99 : i32
      %mul3A_101 = arith.constant 4 : i32
      %mul3A_102 = arith.muli %mul3A_101, %add3A_100 : i32
      %add3A_103 = arith.constant 0 : i32
      %add3A_104 = arith.addi %mul3A_102, %add3A_103 : i32
      %dma_wait3A = arith.constant 0 : i32
      %dma_wait3A_105 = tpu.memref_slice %arg11[%add3A_104, %dma_wait3A] : memref<40x128xi32, #tpu.memory_space<vmem>> -> memref<1x128xi32, #tpu.memory_space<vmem>>
      %dma_wait3A_106 = tpu.memref_squeeze %dma_wait3A_105 : memref<1x128xi32, #tpu.memory_space<vmem>> -> memref<128xi32, #tpu.memory_space<vmem>>
      %dma_wait3A_107 = arith.constant 0 : i32
      %dma_wait3A_108 = arith.constant 0 : i32
      %dma_wait3A_109 = tpu.memref_slice %arg3[%dma_wait3A_107, %dma_wait3A_108] : memref<10000x128xf32, #tpu.memory_space<hbm>> -> memref<10000x128xf32, #tpu.memory_space<hbm>>
      tpu.wait_indirect_dma semaphore(%arg18 : memref<!tpu.dma_semaphore, #tpu.memory_space<semaphore_mem>>) src(%dma_wait3A_109 : memref<10000x128xf32, #tpu.memory_space<hbm>>) dst(%arg13 : memref<128x128xf32, #tpu.memory_space<vmem>>)
      %add3A_110 = arith.constant 2 : i32
      %add3A_111 = arith.addi %add3A_104, %add3A_110 : i32
      %lt3A = arith.constant 40 : i32
      %lt3A_112 = arith.cmpi slt, %add3A_111, %lt3A : i32
      %convert_element_type3A = arith.extui %lt3A_112 : i1 to i32
      %cond3A = arith.constant 0 : i32
      %cond3A_113 = arith.cmpi ne, %convert_element_type3A, %cond3A : i32
      scf.if %cond3A_113 {
        %add3A_165 = arith.constant 2 : i32
        %add3A_166 = arith.addi %add3A_104, %add3A_165 : i32
        %dma_start3A_167 = arith.constant 0 : i32
        %dma_start3A_168 = tpu.memref_slice %arg11[%add3A_166, %dma_start3A_167] : memref<40x128xi32, #tpu.memory_space<vmem>> -> memref<1x128xi32, #tpu.memory_space<vmem>>
        %dma_start3A_169 = tpu.memref_squeeze %dma_start3A_168 : memref<1x128xi32, #tpu.memory_space<vmem>> -> memref<128xi32, #tpu.memory_space<vmem>>
        %dma_start3A_170 = arith.constant 0 : i32
        %dma_start3A_171 = arith.constant 0 : i32
        %dma_start3A_172 = tpu.memref_slice %arg3[%dma_start3A_170, %dma_start3A_171] : memref<10000x128xf32, #tpu.memory_space<hbm>> -> memref<10000x128xf32, #tpu.memory_space<hbm>>
        tpu.enqueue_indirect_dma source(%dma_start3A_172 : memref<10000x128xf32, #tpu.memory_space<hbm>>) target(%arg15 : memref<128x128xf32, #tpu.memory_space<vmem>>) offsets(%dma_start3A_169 : memref<128xi32, #tpu.memory_space<vmem>>) semaphore(%arg20 : memref<!tpu.dma_semaphore, #tpu.memory_space<semaphore_mem>>)
      } else {
      }
      "tpu.region"() ({
        %run_scoped3A = tpu.sem_alloc : memref<!tpu.dma_semaphore, #tpu.memory_space<semaphore_mem>>
        %dma_start3A_165 = arith.constant 0 : i32
        %dma_start3A_166 = tpu.memref_slice %arg12[%add3A_104, %dma_start3A_165] : memref<40x128xi32, #tpu.memory_space<vmem>> -> memref<1x128xi32, #tpu.memory_space<vmem>>
        %dma_start3A_167 = tpu.memref_squeeze %dma_start3A_166 : memref<1x128xi32, #tpu.memory_space<vmem>> -> memref<128xi32, #tpu.memory_space<vmem>>
        %dma_start3A_168 = arith.constant 0 : i32
        %dma_start3A_169 = arith.constant 0 : i32
        %dma_start3A_170 = tpu.memref_slice %arg17[%dma_start3A_168, %dma_start3A_169] : memref<5120x128xf32, #tpu.memory_space<vmem_shared>> -> memref<5120x128xf32, #tpu.memory_space<vmem_shared>>
        tpu.enqueue_indirect_dma source(%arg13 : memref<128x128xf32, #tpu.memory_space<vmem>>) target(%dma_start3A_170 : memref<5120x128xf32, #tpu.memory_space<vmem_shared>>) offsets(%dma_start3A_167 : memref<128xi32, #tpu.memory_space<vmem>>) semaphore(%run_scoped3A : memref<!tpu.dma_semaphore, #tpu.memory_space<semaphore_mem>>) {add = true}
        %dma_wait3A_171 = arith.constant 0 : i32
        %dma_wait3A_172 = tpu.memref_slice %arg12[%add3A_104, %dma_wait3A_171] : memref<40x128xi32, #tpu.memory_space<vmem>> -> memref<1x128xi32, #tpu.memory_space<vmem>>
        %dma_wait3A_173 = tpu.memref_squeeze %dma_wait3A_172 : memref<1x128xi32, #tpu.memory_space<vmem>> -> memref<128xi32, #tpu.memory_space<vmem>>
        %dma_wait3A_174 = arith.constant 0 : i32
        %dma_wait3A_175 = arith.constant 0 : i32
        %dma_wait3A_176 = tpu.memref_slice %arg17[%dma_wait3A_174, %dma_wait3A_175] : memref<5120x128xf32, #tpu.memory_space<vmem_shared>> -> memref<5120x128xf32, #tpu.memory_space<vmem_shared>>
        tpu.wait_indirect_dma semaphore(%run_scoped3A : memref<!tpu.dma_semaphore, #tpu.memory_space<semaphore_mem>>) src(%arg13 : memref<128x128xf32, #tpu.memory_space<vmem>>) dst(%dma_wait3A_176 : memref<5120x128xf32, #tpu.memory_space<vmem_shared>>)
        tpu.yield
      }) : () -> ()
      %mul3A_114 = arith.constant 4 : i32
      %mul3A_115 = arith.muli %mul3A_114, %add3A_100 : i32
      %add3A_116 = arith.constant 1 : i32
      %add3A_117 = arith.addi %mul3A_115, %add3A_116 : i32
      %dma_wait3A_118 = arith.constant 0 : i32
      %dma_wait3A_119 = tpu.memref_slice %arg11[%add3A_117, %dma_wait3A_118] : memref<40x128xi32, #tpu.memory_space<vmem>> -> memref<1x128xi32, #tpu.memory_space<vmem>>
      %dma_wait3A_120 = tpu.memref_squeeze %dma_wait3A_119 : memref<1x128xi32, #tpu.memory_space<vmem>> -> memref<128xi32, #tpu.memory_space<vmem>>
      %dma_wait3A_121 = arith.constant 0 : i32
      %dma_wait3A_122 = arith.constant 0 : i32
      %dma_wait3A_123 = tpu.memref_slice %arg3[%dma_wait3A_121, %dma_wait3A_122] : memref<10000x128xf32, #tpu.memory_space<hbm>> -> memref<10000x128xf32, #tpu.memory_space<hbm>>
      tpu.wait_indirect_dma semaphore(%arg19 : memref<!tpu.dma_semaphore, #tpu.memory_space<semaphore_mem>>) src(%dma_wait3A_123 : memref<10000x128xf32, #tpu.memory_space<hbm>>) dst(%arg14 : memref<128x128xf32, #tpu.memory_space<vmem>>)
      %add3A_124 = arith.constant 2 : i32
      %add3A_125 = arith.addi %add3A_117, %add3A_124 : i32
      %lt3A_126 = arith.constant 40 : i32
      %lt3A_127 = arith.cmpi slt, %add3A_125, %lt3A_126 : i32
      %convert_element_type3A_128 = arith.extui %lt3A_127 : i1 to i32
      %cond3A_129 = arith.constant 0 : i32
      %cond3A_130 = arith.cmpi ne, %convert_element_type3A_128, %cond3A_129 : i32
      scf.if %cond3A_130 {
        %add3A_165 = arith.constant 2 : i32
        %add3A_166 = arith.addi %add3A_117, %add3A_165 : i32
        %dma_start3A_167 = arith.constant 0 : i32
        %dma_start3A_168 = tpu.memref_slice %arg11[%add3A_166, %dma_start3A_167] : memref<40x128xi32, #tpu.memory_space<vmem>> -> memref<1x128xi32, #tpu.memory_space<vmem>>
        %dma_start3A_169 = tpu.memref_squeeze %dma_start3A_168 : memref<1x128xi32, #tpu.memory_space<vmem>> -> memref<128xi32, #tpu.memory_space<vmem>>
        %dma_start3A_170 = arith.constant 0 : i32
        %dma_start3A_171 = arith.constant 0 : i32
        %dma_start3A_172 = tpu.memref_slice %arg3[%dma_start3A_170, %dma_start3A_171] : memref<10000x128xf32, #tpu.memory_space<hbm>> -> memref<10000x128xf32, #tpu.memory_space<hbm>>
        tpu.enqueue_indirect_dma source(%dma_start3A_172 : memref<10000x128xf32, #tpu.memory_space<hbm>>) target(%arg16 : memref<128x128xf32, #tpu.memory_space<vmem>>) offsets(%dma_start3A_169 : memref<128xi32, #tpu.memory_space<vmem>>) semaphore(%arg21 : memref<!tpu.dma_semaphore, #tpu.memory_space<semaphore_mem>>)
      } else {
      }
      "tpu.region"() ({
        %run_scoped3A = tpu.sem_alloc : memref<!tpu.dma_semaphore, #tpu.memory_space<semaphore_mem>>
        %dma_start3A_165 = arith.constant 0 : i32
        %dma_start3A_166 = tpu.memref_slice %arg12[%add3A_117, %dma_start3A_165] : memref<40x128xi32, #tpu.memory_space<vmem>> -> memref<1x128xi32, #tpu.memory_space<vmem>>
        %dma_start3A_167 = tpu.memref_squeeze %dma_start3A_166 : memref<1x128xi32, #tpu.memory_space<vmem>> -> memref<128xi32, #tpu.memory_space<vmem>>
        %dma_start3A_168 = arith.constant 0 : i32
        %dma_start3A_169 = arith.constant 0 : i32
        %dma_start3A_170 = tpu.memref_slice %arg17[%dma_start3A_168, %dma_start3A_169] : memref<5120x128xf32, #tpu.memory_space<vmem_shared>> -> memref<5120x128xf32, #tpu.memory_space<vmem_shared>>
        tpu.enqueue_indirect_dma source(%arg14 : memref<128x128xf32, #tpu.memory_space<vmem>>) target(%dma_start3A_170 : memref<5120x128xf32, #tpu.memory_space<vmem_shared>>) offsets(%dma_start3A_167 : memref<128xi32, #tpu.memory_space<vmem>>) semaphore(%run_scoped3A : memref<!tpu.dma_semaphore, #tpu.memory_space<semaphore_mem>>) {add = true}
        %dma_wait3A_171 = arith.constant 0 : i32
        %dma_wait3A_172 = tpu.memref_slice %arg12[%add3A_117, %dma_wait3A_171] : memref<40x128xi32, #tpu.memory_space<vmem>> -> memref<1x128xi32, #tpu.memory_space<vmem>>
        %dma_wait3A_173 = tpu.memref_squeeze %dma_wait3A_172 : memref<1x128xi32, #tpu.memory_space<vmem>> -> memref<128xi32, #tpu.memory_space<vmem>>
        %dma_wait3A_174 = arith.constant 0 : i32
        %dma_wait3A_175 = arith.constant 0 : i32
        %dma_wait3A_176 = tpu.memref_slice %arg17[%dma_wait3A_174, %dma_wait3A_175] : memref<5120x128xf32, #tpu.memory_space<vmem_shared>> -> memref<5120x128xf32, #tpu.memory_space<vmem_shared>>
        tpu.wait_indirect_dma semaphore(%run_scoped3A : memref<!tpu.dma_semaphore, #tpu.memory_space<semaphore_mem>>) src(%arg14 : memref<128x128xf32, #tpu.memory_space<vmem>>) dst(%dma_wait3A_176 : memref<5120x128xf32, #tpu.memory_space<vmem_shared>>)
        tpu.yield
      }) : () -> ()
      %mul3A_131 = arith.constant 4 : i32
      %mul3A_132 = arith.muli %mul3A_131, %add3A_100 : i32
      %add3A_133 = arith.constant 2 : i32
      %add3A_134 = arith.addi %mul3A_132, %add3A_133 : i32
      %dma_wait3A_135 = arith.constant 0 : i32
      %dma_wait3A_136 = tpu.memref_slice %arg11[%add3A_134, %dma_wait3A_135] : memref<40x128xi32, #tpu.memory_space<vmem>> -> memref<1x128xi32, #tpu.memory_space<vmem>>
      %dma_wait3A_137 = tpu.memref_squeeze %dma_wait3A_136 : memref<1x128xi32, #tpu.memory_space<vmem>> -> memref<128xi32, #tpu.memory_space<vmem>>
      %dma_wait3A_138 = arith.constant 0 : i32
      %dma_wait3A_139 = arith.constant 0 : i32
      %dma_wait3A_140 = tpu.memref_slice %arg3[%dma_wait3A_138, %dma_wait3A_139] : memref<10000x128xf32, #tpu.memory_space<hbm>> -> memref<10000x128xf32, #tpu.memory_space<hbm>>
      tpu.wait_indirect_dma semaphore(%arg20 : memref<!tpu.dma_semaphore, #tpu.memory_space<semaphore_mem>>) src(%dma_wait3A_140 : memref<10000x128xf32, #tpu.memory_space<hbm>>) dst(%arg15 : memref<128x128xf32, #tpu.memory_space<vmem>>)
      %add3A_141 = arith.constant 2 : i32
      %add3A_142 = arith.addi %add3A_134, %add3A_141 : i32
      %lt3A_143 = arith.constant 40 : i32
      %lt3A_144 = arith.cmpi slt, %add3A_142, %lt3A_143 : i32
      %convert_element_type3A_145 = arith.extui %lt3A_144 : i1 to i32
      %cond3A_146 = arith.constant 0 : i32
      %cond3A_147 = arith.cmpi ne, %convert_element_type3A_145, %cond3A_146 : i32
      scf.if %cond3A_147 {
        %add3A_165 = arith.constant 2 : i32
        %add3A_166 = arith.addi %add3A_134, %add3A_165 : i32
        %dma_start3A_167 = arith.constant 0 : i32
        %dma_start3A_168 = tpu.memref_slice %arg11[%add3A_166, %dma_start3A_167] : memref<40x128xi32, #tpu.memory_space<vmem>> -> memref<1x128xi32, #tpu.memory_space<vmem>>
        %dma_start3A_169 = tpu.memref_squeeze %dma_start3A_168 : memref<1x128xi32, #tpu.memory_space<vmem>> -> memref<128xi32, #tpu.memory_space<vmem>>
        %dma_start3A_170 = arith.constant 0 : i32
        %dma_start3A_171 = arith.constant 0 : i32
        %dma_start3A_172 = tpu.memref_slice %arg3[%dma_start3A_170, %dma_start3A_171] : memref<10000x128xf32, #tpu.memory_space<hbm>> -> memref<10000x128xf32, #tpu.memory_space<hbm>>
        tpu.enqueue_indirect_dma source(%dma_start3A_172 : memref<10000x128xf32, #tpu.memory_space<hbm>>) target(%arg13 : memref<128x128xf32, #tpu.memory_space<vmem>>) offsets(%dma_start3A_169 : memref<128xi32, #tpu.memory_space<vmem>>) semaphore(%arg18 : memref<!tpu.dma_semaphore, #tpu.memory_space<semaphore_mem>>)
      } else {
      }
      "tpu.region"() ({
        %run_scoped3A = tpu.sem_alloc : memref<!tpu.dma_semaphore, #tpu.memory_space<semaphore_mem>>
        %dma_start3A_165 = arith.constant 0 : i32
        %dma_start3A_166 = tpu.memref_slice %arg12[%add3A_134, %dma_start3A_165] : memref<40x128xi32, #tpu.memory_space<vmem>> -> memref<1x128xi32, #tpu.memory_space<vmem>>
        %dma_start3A_167 = tpu.memref_squeeze %dma_start3A_166 : memref<1x128xi32, #tpu.memory_space<vmem>> -> memref<128xi32, #tpu.memory_space<vmem>>
        %dma_start3A_168 = arith.constant 0 : i32
        %dma_start3A_169 = arith.constant 0 : i32
        %dma_start3A_170 = tpu.memref_slice %arg17[%dma_start3A_168, %dma_start3A_169] : memref<5120x128xf32, #tpu.memory_space<vmem_shared>> -> memref<5120x128xf32, #tpu.memory_space<vmem_shared>>
        tpu.enqueue_indirect_dma source(%arg15 : memref<128x128xf32, #tpu.memory_space<vmem>>) target(%dma_start3A_170 : memref<5120x128xf32, #tpu.memory_space<vmem_shared>>) offsets(%dma_start3A_167 : memref<128xi32, #tpu.memory_space<vmem>>) semaphore(%run_scoped3A : memref<!tpu.dma_semaphore, #tpu.memory_space<semaphore_mem>>) {add = true}
        %dma_wait3A_171 = arith.constant 0 : i32
        %dma_wait3A_172 = tpu.memref_slice %arg12[%add3A_134, %dma_wait3A_171] : memref<40x128xi32, #tpu.memory_space<vmem>> -> memref<1x128xi32, #tpu.memory_space<vmem>>
        %dma_wait3A_173 = tpu.memref_squeeze %dma_wait3A_172 : memref<1x128xi32, #tpu.memory_space<vmem>> -> memref<128xi32, #tpu.memory_space<vmem>>
        %dma_wait3A_174 = arith.constant 0 : i32
        %dma_wait3A_175 = arith.constant 0 : i32
        %dma_wait3A_176 = tpu.memref_slice %arg17[%dma_wait3A_174, %dma_wait3A_175] : memref<5120x128xf32, #tpu.memory_space<vmem_shared>> -> memref<5120x128xf32, #tpu.memory_space<vmem_shared>>
        tpu.wait_indirect_dma semaphore(%run_scoped3A : memref<!tpu.dma_semaphore, #tpu.memory_space<semaphore_mem>>) src(%arg15 : memref<128x128xf32, #tpu.memory_space<vmem>>) dst(%dma_wait3A_176 : memref<5120x128xf32, #tpu.memory_space<vmem_shared>>)
        tpu.yield
      }) : () -> ()
      %mul3A_148 = arith.constant 4 : i32
      %mul3A_149 = arith.muli %mul3A_148, %add3A_100 : i32
      %add3A_150 = arith.constant 3 : i32
      %add3A_151 = arith.addi %mul3A_149, %add3A_150 : i32
      %dma_wait3A_152 = arith.constant 0 : i32
      %dma_wait3A_153 = tpu.memref_slice %arg11[%add3A_151, %dma_wait3A_152] : memref<40x128xi32, #tpu.memory_space<vmem>> -> memref<1x128xi32, #tpu.memory_space<vmem>>
      %dma_wait3A_154 = tpu.memref_squeeze %dma_wait3A_153 : memref<1x128xi32, #tpu.memory_space<vmem>> -> memref<128xi32, #tpu.memory_space<vmem>>
      %dma_wait3A_155 = arith.constant 0 : i32
      %dma_wait3A_156 = arith.constant 0 : i32
      %dma_wait3A_157 = tpu.memref_slice %arg3[%dma_wait3A_155, %dma_wait3A_156] : memref<10000x128xf32, #tpu.memory_space<hbm>> -> memref<10000x128xf32, #tpu.memory_space<hbm>>
      tpu.wait_indirect_dma semaphore(%arg21 : memref<!tpu.dma_semaphore, #tpu.memory_space<semaphore_mem>>) src(%dma_wait3A_157 : memref<10000x128xf32, #tpu.memory_space<hbm>>) dst(%arg16 : memref<128x128xf32, #tpu.memory_space<vmem>>)
      %add3A_158 = arith.constant 2 : i32
      %add3A_159 = arith.addi %add3A_151, %add3A_158 : i32
      %lt3A_160 = arith.constant 40 : i32
      %lt3A_161 = arith.cmpi slt, %add3A_159, %lt3A_160 : i32
      %convert_element_type3A_162 = arith.extui %lt3A_161 : i1 to i32
      %cond3A_163 = arith.constant 0 : i32
      %cond3A_164 = arith.cmpi ne, %convert_element_type3A_162, %cond3A_163 : i32
      scf.if %cond3A_164 {
        %add3A_165 = arith.constant 2 : i32
        %add3A_166 = arith.addi %add3A_151, %add3A_165 : i32
        %dma_start3A_167 = arith.constant 0 : i32
        %dma_start3A_168 = tpu.memref_slice %arg11[%add3A_166, %dma_start3A_167] : memref<40x128xi32, #tpu.memory_space<vmem>> -> memref<1x128xi32, #tpu.memory_space<vmem>>
        %dma_start3A_169 = tpu.memref_squeeze %dma_start3A_168 : memref<1x128xi32, #tpu.memory_space<vmem>> -> memref<128xi32, #tpu.memory_space<vmem>>
        %dma_start3A_170 = arith.constant 0 : i32
        %dma_start3A_171 = arith.constant 0 : i32
        %dma_start3A_172 = tpu.memref_slice %arg3[%dma_start3A_170, %dma_start3A_171] : memref<10000x128xf32, #tpu.memory_space<hbm>> -> memref<10000x128xf32, #tpu.memory_space<hbm>>
        tpu.enqueue_indirect_dma source(%dma_start3A_172 : memref<10000x128xf32, #tpu.memory_space<hbm>>) target(%arg14 : memref<128x128xf32, #tpu.memory_space<vmem>>) offsets(%dma_start3A_169 : memref<128xi32, #tpu.memory_space<vmem>>) semaphore(%arg19 : memref<!tpu.dma_semaphore, #tpu.memory_space<semaphore_mem>>)
      } else {
      }
      "tpu.region"() ({
        %run_scoped3A = tpu.sem_alloc : memref<!tpu.dma_semaphore, #tpu.memory_space<semaphore_mem>>
        %dma_start3A_165 = arith.constant 0 : i32
        %dma_start3A_166 = tpu.memref_slice %arg12[%add3A_151, %dma_start3A_165] : memref<40x128xi32, #tpu.memory_space<vmem>> -> memref<1x128xi32, #tpu.memory_space<vmem>>
        %dma_start3A_167 = tpu.memref_squeeze %dma_start3A_166 : memref<1x128xi32, #tpu.memory_space<vmem>> -> memref<128xi32, #tpu.memory_space<vmem>>
        %dma_start3A_168 = arith.constant 0 : i32
        %dma_start3A_169 = arith.constant 0 : i32
        %dma_start3A_170 = tpu.memref_slice %arg17[%dma_start3A_168, %dma_start3A_169] : memref<5120x128xf32, #tpu.memory_space<vmem_shared>> -> memref<5120x128xf32, #tpu.memory_space<vmem_shared>>
        tpu.enqueue_indirect_dma source(%arg16 : memref<128x128xf32, #tpu.memory_space<vmem>>) target(%dma_start3A_170 : memref<5120x128xf32, #tpu.memory_space<vmem_shared>>) offsets(%dma_start3A_167 : memref<128xi32, #tpu.memory_space<vmem>>) semaphore(%run_scoped3A : memref<!tpu.dma_semaphore, #tpu.memory_space<semaphore_mem>>) {add = true}
        %dma_wait3A_171 = arith.constant 0 : i32
        %dma_wait3A_172 = tpu.memref_slice %arg12[%add3A_151, %dma_wait3A_171] : memref<40x128xi32, #tpu.memory_space<vmem>> -> memref<1x128xi32, #tpu.memory_space<vmem>>
        %dma_wait3A_173 = tpu.memref_squeeze %dma_wait3A_172 : memref<1x128xi32, #tpu.memory_space<vmem>> -> memref<128xi32, #tpu.memory_space<vmem>>
        %dma_wait3A_174 = arith.constant 0 : i32
        %dma_wait3A_175 = arith.constant 0 : i32
        %dma_wait3A_176 = tpu.memref_slice %arg17[%dma_wait3A_174, %dma_wait3A_175] : memref<5120x128xf32, #tpu.memory_space<vmem_shared>> -> memref<5120x128xf32, #tpu.memory_space<vmem_shared>>
        tpu.wait_indirect_dma semaphore(%run_scoped3A : memref<!tpu.dma_semaphore, #tpu.memory_space<semaphore_mem>>) src(%arg16 : memref<128x128xf32, #tpu.memory_space<vmem>>) dst(%dma_wait3A_176 : memref<5120x128xf32, #tpu.memory_space<vmem_shared>>)
        tpu.yield
      }) : () -> ()
    }
    %scan3A_76 = arith.constant 10 : i32
    "tpu.region"() ({
      %run_scoped3A = tpu.sem_alloc : memref<!tpu.dma_semaphore, #tpu.memory_space<semaphore_mem>>
      %dma_start3A_97 = arith.constant 0 : i32
      %dma_start3A_98 = arith.constant 0 : i32
      %dma_start3A_99 = tpu.memref_slice %arg11[%dma_start3A_97, %dma_start3A_98] : memref<40x128xi32, #tpu.memory_space<vmem>> -> memref<40x128xi32, #tpu.memory_space<vmem>>
      %dma_start3A_100 = arith.constant 120 : i32
      %dma_start3A_101 = arith.constant 0 : i32
      %dma_start3A_102 = tpu.memref_slice %arg6[%arg1, %dma_start3A_100, %dma_start3A_101] : memref<16x160x128xi32, #tpu.memory_space<hbm>> -> memref<1x40x128xi32, #tpu.memory_space<hbm>>
      %dma_start3A_103 = tpu.memref_squeeze %dma_start3A_102 : memref<1x40x128xi32, #tpu.memory_space<hbm>> -> memref<40x128xi32, #tpu.memory_space<hbm>>
      %dma_start3A_104 = arith.constant 0 : i32
      %dma_start3A_105 = arith.constant 0 : i32
      %dma_start3A_106 = tpu.memref_slice %arg11[%dma_start3A_104, %dma_start3A_105] : memref<40x128xi32, #tpu.memory_space<vmem>> -> memref<40x128xi32, #tpu.memory_space<vmem>>
      %dma_start3A_107 = arith.constant 120 : i32
      %dma_start3A_108 = arith.constant 0 : i32
      %dma_start3A_109 = tpu.memref_slice %arg6[%arg1, %dma_start3A_107, %dma_start3A_108] : memref<16x160x128xi32, #tpu.memory_space<hbm>> -> memref<1x40x128xi32, #tpu.memory_space<hbm>>
      %dma_start3A_110 = tpu.memref_squeeze %dma_start3A_109 : memref<1x40x128xi32, #tpu.memory_space<hbm>> -> memref<40x128xi32, #tpu.memory_space<hbm>>
      tpu.enqueue_dma source(%dma_start3A_110 : memref<40x128xi32, #tpu.memory_space<hbm>>) target(%dma_start3A_106 : memref<40x128xi32, #tpu.memory_space<vmem>>) target_semaphore(%run_scoped3A : memref<!tpu.dma_semaphore, #tpu.memory_space<semaphore_mem>>)
      %dma_wait3A = arith.constant 0 : i32
      %dma_wait3A_111 = arith.constant 0 : i32
      %dma_wait3A_112 = tpu.memref_slice %arg11[%dma_wait3A, %dma_wait3A_111] : memref<40x128xi32, #tpu.memory_space<vmem>> -> memref<40x128xi32, #tpu.memory_space<vmem>>
      %dma_wait3A_113 = arith.constant 120 : i32
      %dma_wait3A_114 = arith.constant 0 : i32
      %dma_wait3A_115 = tpu.memref_slice %arg6[%arg1, %dma_wait3A_113, %dma_wait3A_114] : memref<16x160x128xi32, #tpu.memory_space<hbm>> -> memref<1x40x128xi32, #tpu.memory_space<hbm>>
      %dma_wait3A_116 = tpu.memref_squeeze %dma_wait3A_115 : memref<1x40x128xi32, #tpu.memory_space<hbm>> -> memref<40x128xi32, #tpu.memory_space<hbm>>
      %dma_wait3A_117 = arith.constant 0 : i32
      %dma_wait3A_118 = arith.constant 0 : i32
      %dma_wait3A_119 = tpu.memref_slice %arg11[%dma_wait3A_117, %dma_wait3A_118] : memref<40x128xi32, #tpu.memory_space<vmem>> -> memref<40x128xi32, #tpu.memory_space<vmem>>
      %dma_wait3A_120 = arith.constant 120 : i32
      %dma_wait3A_121 = arith.constant 0 : i32
      %dma_wait3A_122 = tpu.memref_slice %arg6[%arg1, %dma_wait3A_120, %dma_wait3A_121] : memref<16x160x128xi32, #tpu.memory_space<hbm>> -> memref<1x40x128xi32, #tpu.memory_space<hbm>>
      %dma_wait3A_123 = tpu.memref_squeeze %dma_wait3A_122 : memref<1x40x128xi32, #tpu.memory_space<hbm>> -> memref<40x128xi32, #tpu.memory_space<hbm>>
      tpu.wait_dma2 semaphore(%run_scoped3A : memref<!tpu.dma_semaphore, #tpu.memory_space<semaphore_mem>>) src(%dma_wait3A_123 : memref<40x128xi32, #tpu.memory_space<hbm>>) dst(%dma_wait3A_119 : memref<40x128xi32, #tpu.memory_space<vmem>>)
      tpu.yield
    }) : () -> ()
    "tpu.region"() ({
      %run_scoped3A = tpu.sem_alloc : memref<!tpu.dma_semaphore, #tpu.memory_space<semaphore_mem>>
      %dma_start3A_97 = arith.constant 0 : i32
      %dma_start3A_98 = arith.constant 0 : i32
      %dma_start3A_99 = tpu.memref_slice %arg12[%dma_start3A_97, %dma_start3A_98] : memref<40x128xi32, #tpu.memory_space<vmem>> -> memref<40x128xi32, #tpu.memory_space<vmem>>
      %dma_start3A_100 = arith.constant 120 : i32
      %dma_start3A_101 = arith.constant 0 : i32
      %dma_start3A_102 = tpu.memref_slice %arg7[%arg0, %arg1, %dma_start3A_100, %dma_start3A_101] : memref<2x16x160x128xi32, #tpu.memory_space<hbm>> -> memref<1x1x40x128xi32, #tpu.memory_space<hbm>>
      %dma_start3A_103 = tpu.memref_squeeze %dma_start3A_102 : memref<1x1x40x128xi32, #tpu.memory_space<hbm>> -> memref<40x128xi32, #tpu.memory_space<hbm>>
      %dma_start3A_104 = arith.constant 0 : i32
      %dma_start3A_105 = arith.constant 0 : i32
      %dma_start3A_106 = tpu.memref_slice %arg12[%dma_start3A_104, %dma_start3A_105] : memref<40x128xi32, #tpu.memory_space<vmem>> -> memref<40x128xi32, #tpu.memory_space<vmem>>
      %dma_start3A_107 = arith.constant 120 : i32
      %dma_start3A_108 = arith.constant 0 : i32
      %dma_start3A_109 = tpu.memref_slice %arg7[%arg0, %arg1, %dma_start3A_107, %dma_start3A_108] : memref<2x16x160x128xi32, #tpu.memory_space<hbm>> -> memref<1x1x40x128xi32, #tpu.memory_space<hbm>>
      %dma_start3A_110 = tpu.memref_squeeze %dma_start3A_109 : memref<1x1x40x128xi32, #tpu.memory_space<hbm>> -> memref<40x128xi32, #tpu.memory_space<hbm>>
      tpu.enqueue_dma source(%dma_start3A_110 : memref<40x128xi32, #tpu.memory_space<hbm>>) target(%dma_start3A_106 : memref<40x128xi32, #tpu.memory_space<vmem>>) target_semaphore(%run_scoped3A : memref<!tpu.dma_semaphore, #tpu.memory_space<semaphore_mem>>)
      %dma_wait3A = arith.constant 0 : i32
      %dma_wait3A_111 = arith.constant 0 : i32
      %dma_wait3A_112 = tpu.memref_slice %arg12[%dma_wait3A, %dma_wait3A_111] : memref<40x128xi32, #tpu.memory_space<vmem>> -> memref<40x128xi32, #tpu.memory_space<vmem>>
      %dma_wait3A_113 = arith.constant 120 : i32
      %dma_wait3A_114 = arith.constant 0 : i32
      %dma_wait3A_115 = tpu.memref_slice %arg7[%arg0, %arg1, %dma_wait3A_113, %dma_wait3A_114] : memref<2x16x160x128xi32, #tpu.memory_space<hbm>> -> memref<1x1x40x128xi32, #tpu.memory_space<hbm>>
      %dma_wait3A_116 = tpu.memref_squeeze %dma_wait3A_115 : memref<1x1x40x128xi32, #tpu.memory_space<hbm>> -> memref<40x128xi32, #tpu.memory_space<hbm>>
      %dma_wait3A_117 = arith.constant 0 : i32
      %dma_wait3A_118 = arith.constant 0 : i32
      %dma_wait3A_119 = tpu.memref_slice %arg12[%dma_wait3A_117, %dma_wait3A_118] : memref<40x128xi32, #tpu.memory_space<vmem>> -> memref<40x128xi32, #tpu.memory_space<vmem>>
      %dma_wait3A_120 = arith.constant 120 : i32
      %dma_wait3A_121 = arith.constant 0 : i32
      %dma_wait3A_122 = tpu.memref_slice %arg7[%arg0, %arg1, %dma_wait3A_120, %dma_wait3A_121] : memref<2x16x160x128xi32, #tpu.memory_space<hbm>> -> memref<1x1x40x128xi32, #tpu.memory_space<hbm>>
      %dma_wait3A_123 = tpu.memref_squeeze %dma_wait3A_122 : memref<1x1x40x128xi32, #tpu.memory_space<hbm>> -> memref<40x128xi32, #tpu.memory_space<hbm>>
      tpu.wait_dma2 semaphore(%run_scoped3A : memref<!tpu.dma_semaphore, #tpu.memory_space<semaphore_mem>>) src(%dma_wait3A_123 : memref<40x128xi32, #tpu.memory_space<hbm>>) dst(%dma_wait3A_119 : memref<40x128xi32, #tpu.memory_space<vmem>>)
      tpu.yield
    }) : () -> ()
    %dma_start3A_77 = arith.constant 0 : i32
    %dma_start3A_78 = arith.constant 0 : i32
    %dma_start3A_79 = tpu.memref_slice %arg11[%dma_start3A_77, %dma_start3A_78] : memref<40x128xi32, #tpu.memory_space<vmem>> -> memref<1x128xi32, #tpu.memory_space<vmem>>
    %dma_start3A_80 = tpu.memref_squeeze %dma_start3A_79 : memref<1x128xi32, #tpu.memory_space<vmem>> -> memref<128xi32, #tpu.memory_space<vmem>>
    %dma_start3A_81 = arith.constant 0 : i32
    %dma_start3A_82 = arith.constant 0 : i32
    %dma_start3A_83 = tpu.memref_slice %arg3[%dma_start3A_81, %dma_start3A_82] : memref<10000x128xf32, #tpu.memory_space<hbm>> -> memref<10000x128xf32, #tpu.memory_space<hbm>>
    tpu.enqueue_indirect_dma source(%dma_start3A_83 : memref<10000x128xf32, #tpu.memory_space<hbm>>) target(%arg13 : memref<128x128xf32, #tpu.memory_space<vmem>>) offsets(%dma_start3A_80 : memref<128xi32, #tpu.memory_space<vmem>>) semaphore(%arg18 : memref<!tpu.dma_semaphore, #tpu.memory_space<semaphore_mem>>)
    %dma_start3A_84 = arith.constant 1 : i32
    %dma_start3A_85 = arith.constant 0 : i32
    %dma_start3A_86 = tpu.memref_slice %arg11[%dma_start3A_84, %dma_start3A_85] : memref<40x128xi32, #tpu.memory_space<vmem>> -> memref<1x128xi32, #tpu.memory_space<vmem>>
    %dma_start3A_87 = tpu.memref_squeeze %dma_start3A_86 : memref<1x128xi32, #tpu.memory_space<vmem>> -> memref<128xi32, #tpu.memory_space<vmem>>
    %dma_start3A_88 = arith.constant 0 : i32
    %dma_start3A_89 = arith.constant 0 : i32
    %dma_start3A_90 = tpu.memref_slice %arg3[%dma_start3A_88, %dma_start3A_89] : memref<10000x128xf32, #tpu.memory_space<hbm>> -> memref<10000x128xf32, #tpu.memory_space<hbm>>
    tpu.enqueue_indirect_dma source(%dma_start3A_90 : memref<10000x128xf32, #tpu.memory_space<hbm>>) target(%arg14 : memref<128x128xf32, #tpu.memory_space<vmem>>) offsets(%dma_start3A_87 : memref<128xi32, #tpu.memory_space<vmem>>) semaphore(%arg19 : memref<!tpu.dma_semaphore, #tpu.memory_space<semaphore_mem>>)
    %scan3A_91 = arith.constant 0 : i32
    %scan3A_92 = arith.constant 10 : i32
    %scan3A_93 = arith.addi %scan3A_91, %scan3A_92 : i32
    %scan3A_94 = arith.constant 1 : i32
    scf.for %scan3A_97 = %scan3A_91 to %scan3A_93 step %scan3A_94  : i32 {
      %mul3A_98 = arith.constant 1 : i32
      %mul3A_99 = arith.muli %scan3A_97, %mul3A_98 : i32
      %add3A = arith.constant 0 : i32
      %add3A_100 = arith.addi %add3A, %mul3A_99 : i32
      %mul3A_101 = arith.constant 4 : i32
      %mul3A_102 = arith.muli %mul3A_101, %add3A_100 : i32
      %add3A_103 = arith.constant 0 : i32
      %add3A_104 = arith.addi %mul3A_102, %add3A_103 : i32
      %dma_wait3A = arith.constant 0 : i32
      %dma_wait3A_105 = tpu.memref_slice %arg11[%add3A_104, %dma_wait3A] : memref<40x128xi32, #tpu.memory_space<vmem>> -> memref<1x128xi32, #tpu.memory_space<vmem>>
      %dma_wait3A_106 = tpu.memref_squeeze %dma_wait3A_105 : memref<1x128xi32, #tpu.memory_space<vmem>> -> memref<128xi32, #tpu.memory_space<vmem>>
      %dma_wait3A_107 = arith.constant 0 : i32
      %dma_wait3A_108 = arith.constant 0 : i32
      %dma_wait3A_109 = tpu.memref_slice %arg3[%dma_wait3A_107, %dma_wait3A_108] : memref<10000x128xf32, #tpu.memory_space<hbm>> -> memref<10000x128xf32, #tpu.memory_space<hbm>>
      tpu.wait_indirect_dma semaphore(%arg18 : memref<!tpu.dma_semaphore, #tpu.memory_space<semaphore_mem>>) src(%dma_wait3A_109 : memref<10000x128xf32, #tpu.memory_space<hbm>>) dst(%arg13 : memref<128x128xf32, #tpu.memory_space<vmem>>)
      %add3A_110 = arith.constant 2 : i32
      %add3A_111 = arith.addi %add3A_104, %add3A_110 : i32
      %lt3A = arith.constant 40 : i32
      %lt3A_112 = arith.cmpi slt, %add3A_111, %lt3A : i32
      %convert_element_type3A = arith.extui %lt3A_112 : i1 to i32
      %cond3A = arith.constant 0 : i32
      %cond3A_113 = arith.cmpi ne, %convert_element_type3A, %cond3A : i32
      scf.if %cond3A_113 {
        %add3A_165 = arith.constant 2 : i32
        %add3A_166 = arith.addi %add3A_104, %add3A_165 : i32
        %dma_start3A_167 = arith.constant 0 : i32
        %dma_start3A_168 = tpu.memref_slice %arg11[%add3A_166, %dma_start3A_167] : memref<40x128xi32, #tpu.memory_space<vmem>> -> memref<1x128xi32, #tpu.memory_space<vmem>>
        %dma_start3A_169 = tpu.memref_squeeze %dma_start3A_168 : memref<1x128xi32, #tpu.memory_space<vmem>> -> memref<128xi32, #tpu.memory_space<vmem>>
        %dma_start3A_170 = arith.constant 0 : i32
        %dma_start3A_171 = arith.constant 0 : i32
        %dma_start3A_172 = tpu.memref_slice %arg3[%dma_start3A_170, %dma_start3A_171] : memref<10000x128xf32, #tpu.memory_space<hbm>> -> memref<10000x128xf32, #tpu.memory_space<hbm>>
        tpu.enqueue_indirect_dma source(%dma_start3A_172 : memref<10000x128xf32, #tpu.memory_space<hbm>>) target(%arg15 : memref<128x128xf32, #tpu.memory_space<vmem>>) offsets(%dma_start3A_169 : memref<128xi32, #tpu.memory_space<vmem>>) semaphore(%arg20 : memref<!tpu.dma_semaphore, #tpu.memory_space<semaphore_mem>>)
      } else {
      }
      "tpu.region"() ({
        %run_scoped3A = tpu.sem_alloc : memref<!tpu.dma_semaphore, #tpu.memory_space<semaphore_mem>>
        %dma_start3A_165 = arith.constant 0 : i32
        %dma_start3A_166 = tpu.memref_slice %arg12[%add3A_104, %dma_start3A_165] : memref<40x128xi32, #tpu.memory_space<vmem>> -> memref<1x128xi32, #tpu.memory_space<vmem>>
        %dma_start3A_167 = tpu.memref_squeeze %dma_start3A_166 : memref<1x128xi32, #tpu.memory_space<vmem>> -> memref<128xi32, #tpu.memory_space<vmem>>
        %dma_start3A_168 = arith.constant 0 : i32
        %dma_start3A_169 = arith.constant 0 : i32
        %dma_start3A_170 = tpu.memref_slice %arg17[%dma_start3A_168, %dma_start3A_169] : memref<5120x128xf32, #tpu.memory_space<vmem_shared>> -> memref<5120x128xf32, #tpu.memory_space<vmem_shared>>
        tpu.enqueue_indirect_dma source(%arg13 : memref<128x128xf32, #tpu.memory_space<vmem>>) target(%dma_start3A_170 : memref<5120x128xf32, #tpu.memory_space<vmem_shared>>) offsets(%dma_start3A_167 : memref<128xi32, #tpu.memory_space<vmem>>) semaphore(%run_scoped3A : memref<!tpu.dma_semaphore, #tpu.memory_space<semaphore_mem>>) {add = true}
        %dma_wait3A_171 = arith.constant 0 : i32
        %dma_wait3A_172 = tpu.memref_slice %arg12[%add3A_104, %dma_wait3A_171] : memref<40x128xi32, #tpu.memory_space<vmem>> -> memref<1x128xi32, #tpu.memory_space<vmem>>
        %dma_wait3A_173 = tpu.memref_squeeze %dma_wait3A_172 : memref<1x128xi32, #tpu.memory_space<vmem>> -> memref<128xi32, #tpu.memory_space<vmem>>
        %dma_wait3A_174 = arith.constant 0 : i32
        %dma_wait3A_175 = arith.constant 0 : i32
        %dma_wait3A_176 = tpu.memref_slice %arg17[%dma_wait3A_174, %dma_wait3A_175] : memref<5120x128xf32, #tpu.memory_space<vmem_shared>> -> memref<5120x128xf32, #tpu.memory_space<vmem_shared>>
        tpu.wait_indirect_dma semaphore(%run_scoped3A : memref<!tpu.dma_semaphore, #tpu.memory_space<semaphore_mem>>) src(%arg13 : memref<128x128xf32, #tpu.memory_space<vmem>>) dst(%dma_wait3A_176 : memref<5120x128xf32, #tpu.memory_space<vmem_shared>>)
        tpu.yield
      }) : () -> ()
      %mul3A_114 = arith.constant 4 : i32
      %mul3A_115 = arith.muli %mul3A_114, %add3A_100 : i32
      %add3A_116 = arith.constant 1 : i32
      %add3A_117 = arith.addi %mul3A_115, %add3A_116 : i32
      %dma_wait3A_118 = arith.constant 0 : i32
      %dma_wait3A_119 = tpu.memref_slice %arg11[%add3A_117, %dma_wait3A_118] : memref<40x128xi32, #tpu.memory_space<vmem>> -> memref<1x128xi32, #tpu.memory_space<vmem>>
      %dma_wait3A_120 = tpu.memref_squeeze %dma_wait3A_119 : memref<1x128xi32, #tpu.memory_space<vmem>> -> memref<128xi32, #tpu.memory_space<vmem>>
      %dma_wait3A_121 = arith.constant 0 : i32
      %dma_wait3A_122 = arith.constant 0 : i32
      %dma_wait3A_123 = tpu.memref_slice %arg3[%dma_wait3A_121, %dma_wait3A_122] : memref<10000x128xf32, #tpu.memory_space<hbm>> -> memref<10000x128xf32, #tpu.memory_space<hbm>>
      tpu.wait_indirect_dma semaphore(%arg19 : memref<!tpu.dma_semaphore, #tpu.memory_space<semaphore_mem>>) src(%dma_wait3A_123 : memref<10000x128xf32, #tpu.memory_space<hbm>>) dst(%arg14 : memref<128x128xf32, #tpu.memory_space<vmem>>)
      %add3A_124 = arith.constant 2 : i32
      %add3A_125 = arith.addi %add3A_117, %add3A_124 : i32
      %lt3A_126 = arith.constant 40 : i32
      %lt3A_127 = arith.cmpi slt, %add3A_125, %lt3A_126 : i32
      %convert_element_type3A_128 = arith.extui %lt3A_127 : i1 to i32
      %cond3A_129 = arith.constant 0 : i32
      %cond3A_130 = arith.cmpi ne, %convert_element_type3A_128, %cond3A_129 : i32
      scf.if %cond3A_130 {
        %add3A_165 = arith.constant 2 : i32
        %add3A_166 = arith.addi %add3A_117, %add3A_165 : i32
        %dma_start3A_167 = arith.constant 0 : i32
        %dma_start3A_168 = tpu.memref_slice %arg11[%add3A_166, %dma_start3A_167] : memref<40x128xi32, #tpu.memory_space<vmem>> -> memref<1x128xi32, #tpu.memory_space<vmem>>
        %dma_start3A_169 = tpu.memref_squeeze %dma_start3A_168 : memref<1x128xi32, #tpu.memory_space<vmem>> -> memref<128xi32, #tpu.memory_space<vmem>>
        %dma_start3A_170 = arith.constant 0 : i32
        %dma_start3A_171 = arith.constant 0 : i32
        %dma_start3A_172 = tpu.memref_slice %arg3[%dma_start3A_170, %dma_start3A_171] : memref<10000x128xf32, #tpu.memory_space<hbm>> -> memref<10000x128xf32, #tpu.memory_space<hbm>>
        tpu.enqueue_indirect_dma source(%dma_start3A_172 : memref<10000x128xf32, #tpu.memory_space<hbm>>) target(%arg16 : memref<128x128xf32, #tpu.memory_space<vmem>>) offsets(%dma_start3A_169 : memref<128xi32, #tpu.memory_space<vmem>>) semaphore(%arg21 : memref<!tpu.dma_semaphore, #tpu.memory_space<semaphore_mem>>)
      } else {
      }
      "tpu.region"() ({
        %run_scoped3A = tpu.sem_alloc : memref<!tpu.dma_semaphore, #tpu.memory_space<semaphore_mem>>
        %dma_start3A_165 = arith.constant 0 : i32
        %dma_start3A_166 = tpu.memref_slice %arg12[%add3A_117, %dma_start3A_165] : memref<40x128xi32, #tpu.memory_space<vmem>> -> memref<1x128xi32, #tpu.memory_space<vmem>>
        %dma_start3A_167 = tpu.memref_squeeze %dma_start3A_166 : memref<1x128xi32, #tpu.memory_space<vmem>> -> memref<128xi32, #tpu.memory_space<vmem>>
        %dma_start3A_168 = arith.constant 0 : i32
        %dma_start3A_169 = arith.constant 0 : i32
        %dma_start3A_170 = tpu.memref_slice %arg17[%dma_start3A_168, %dma_start3A_169] : memref<5120x128xf32, #tpu.memory_space<vmem_shared>> -> memref<5120x128xf32, #tpu.memory_space<vmem_shared>>
        tpu.enqueue_indirect_dma source(%arg14 : memref<128x128xf32, #tpu.memory_space<vmem>>) target(%dma_start3A_170 : memref<5120x128xf32, #tpu.memory_space<vmem_shared>>) offsets(%dma_start3A_167 : memref<128xi32, #tpu.memory_space<vmem>>) semaphore(%run_scoped3A : memref<!tpu.dma_semaphore, #tpu.memory_space<semaphore_mem>>) {add = true}
        %dma_wait3A_171 = arith.constant 0 : i32
        %dma_wait3A_172 = tpu.memref_slice %arg12[%add3A_117, %dma_wait3A_171] : memref<40x128xi32, #tpu.memory_space<vmem>> -> memref<1x128xi32, #tpu.memory_space<vmem>>
        %dma_wait3A_173 = tpu.memref_squeeze %dma_wait3A_172 : memref<1x128xi32, #tpu.memory_space<vmem>> -> memref<128xi32, #tpu.memory_space<vmem>>
        %dma_wait3A_174 = arith.constant 0 : i32
        %dma_wait3A_175 = arith.constant 0 : i32
        %dma_wait3A_176 = tpu.memref_slice %arg17[%dma_wait3A_174, %dma_wait3A_175] : memref<5120x128xf32, #tpu.memory_space<vmem_shared>> -> memref<5120x128xf32, #tpu.memory_space<vmem_shared>>
        tpu.wait_indirect_dma semaphore(%run_scoped3A : memref<!tpu.dma_semaphore, #tpu.memory_space<semaphore_mem>>) src(%arg14 : memref<128x128xf32, #tpu.memory_space<vmem>>) dst(%dma_wait3A_176 : memref<5120x128xf32, #tpu.memory_space<vmem_shared>>)
        tpu.yield
      }) : () -> ()
      %mul3A_131 = arith.constant 4 : i32
      %mul3A_132 = arith.muli %mul3A_131, %add3A_100 : i32
      %add3A_133 = arith.constant 2 : i32
      %add3A_134 = arith.addi %mul3A_132, %add3A_133 : i32
      %dma_wait3A_135 = arith.constant 0 : i32
      %dma_wait3A_136 = tpu.memref_slice %arg11[%add3A_134, %dma_wait3A_135] : memref<40x128xi32, #tpu.memory_space<vmem>> -> memref<1x128xi32, #tpu.memory_space<vmem>>
      %dma_wait3A_137 = tpu.memref_squeeze %dma_wait3A_136 : memref<1x128xi32, #tpu.memory_space<vmem>> -> memref<128xi32, #tpu.memory_space<vmem>>
      %dma_wait3A_138 = arith.constant 0 : i32
      %dma_wait3A_139 = arith.constant 0 : i32
      %dma_wait3A_140 = tpu.memref_slice %arg3[%dma_wait3A_138, %dma_wait3A_139] : memref<10000x128xf32, #tpu.memory_space<hbm>> -> memref<10000x128xf32, #tpu.memory_space<hbm>>
      tpu.wait_indirect_dma semaphore(%arg20 : memref<!tpu.dma_semaphore, #tpu.memory_space<semaphore_mem>>) src(%dma_wait3A_140 : memref<10000x128xf32, #tpu.memory_space<hbm>>) dst(%arg15 : memref<128x128xf32, #tpu.memory_space<vmem>>)
      %add3A_141 = arith.constant 2 : i32
      %add3A_142 = arith.addi %add3A_134, %add3A_141 : i32
      %lt3A_143 = arith.constant 40 : i32
      %lt3A_144 = arith.cmpi slt, %add3A_142, %lt3A_143 : i32
      %convert_element_type3A_145 = arith.extui %lt3A_144 : i1 to i32
      %cond3A_146 = arith.constant 0 : i32
      %cond3A_147 = arith.cmpi ne, %convert_element_type3A_145, %cond3A_146 : i32
      scf.if %cond3A_147 {
        %add3A_165 = arith.constant 2 : i32
        %add3A_166 = arith.addi %add3A_134, %add3A_165 : i32
        %dma_start3A_167 = arith.constant 0 : i32
        %dma_start3A_168 = tpu.memref_slice %arg11[%add3A_166, %dma_start3A_167] : memref<40x128xi32, #tpu.memory_space<vmem>> -> memref<1x128xi32, #tpu.memory_space<vmem>>
        %dma_start3A_169 = tpu.memref_squeeze %dma_start3A_168 : memref<1x128xi32, #tpu.memory_space<vmem>> -> memref<128xi32, #tpu.memory_space<vmem>>
        %dma_start3A_170 = arith.constant 0 : i32
        %dma_start3A_171 = arith.constant 0 : i32
        %dma_start3A_172 = tpu.memref_slice %arg3[%dma_start3A_170, %dma_start3A_171] : memref<10000x128xf32, #tpu.memory_space<hbm>> -> memref<10000x128xf32, #tpu.memory_space<hbm>>
        tpu.enqueue_indirect_dma source(%dma_start3A_172 : memref<10000x128xf32, #tpu.memory_space<hbm>>) target(%arg13 : memref<128x128xf32, #tpu.memory_space<vmem>>) offsets(%dma_start3A_169 : memref<128xi32, #tpu.memory_space<vmem>>) semaphore(%arg18 : memref<!tpu.dma_semaphore, #tpu.memory_space<semaphore_mem>>)
      } else {
      }
      "tpu.region"() ({
        %run_scoped3A = tpu.sem_alloc : memref<!tpu.dma_semaphore, #tpu.memory_space<semaphore_mem>>
        %dma_start3A_165 = arith.constant 0 : i32
        %dma_start3A_166 = tpu.memref_slice %arg12[%add3A_134, %dma_start3A_165] : memref<40x128xi32, #tpu.memory_space<vmem>> -> memref<1x128xi32, #tpu.memory_space<vmem>>
        %dma_start3A_167 = tpu.memref_squeeze %dma_start3A_166 : memref<1x128xi32, #tpu.memory_space<vmem>> -> memref<128xi32, #tpu.memory_space<vmem>>
        %dma_start3A_168 = arith.constant 0 : i32
        %dma_start3A_169 = arith.constant 0 : i32
        %dma_start3A_170 = tpu.memref_slice %arg17[%dma_start3A_168, %dma_start3A_169] : memref<5120x128xf32, #tpu.memory_space<vmem_shared>> -> memref<5120x128xf32, #tpu.memory_space<vmem_shared>>
        tpu.enqueue_indirect_dma source(%arg15 : memref<128x128xf32, #tpu.memory_space<vmem>>) target(%dma_start3A_170 : memref<5120x128xf32, #tpu.memory_space<vmem_shared>>) offsets(%dma_start3A_167 : memref<128xi32, #tpu.memory_space<vmem>>) semaphore(%run_scoped3A : memref<!tpu.dma_semaphore, #tpu.memory_space<semaphore_mem>>) {add = true}
        %dma_wait3A_171 = arith.constant 0 : i32
        %dma_wait3A_172 = tpu.memref_slice %arg12[%add3A_134, %dma_wait3A_171] : memref<40x128xi32, #tpu.memory_space<vmem>> -> memref<1x128xi32, #tpu.memory_space<vmem>>
        %dma_wait3A_173 = tpu.memref_squeeze %dma_wait3A_172 : memref<1x128xi32, #tpu.memory_space<vmem>> -> memref<128xi32, #tpu.memory_space<vmem>>
        %dma_wait3A_174 = arith.constant 0 : i32
        %dma_wait3A_175 = arith.constant 0 : i32
        %dma_wait3A_176 = tpu.memref_slice %arg17[%dma_wait3A_174, %dma_wait3A_175] : memref<5120x128xf32, #tpu.memory_space<vmem_shared>> -> memref<5120x128xf32, #tpu.memory_space<vmem_shared>>
        tpu.wait_indirect_dma semaphore(%run_scoped3A : memref<!tpu.dma_semaphore, #tpu.memory_space<semaphore_mem>>) src(%arg15 : memref<128x128xf32, #tpu.memory_space<vmem>>) dst(%dma_wait3A_176 : memref<5120x128xf32, #tpu.memory_space<vmem_shared>>)
        tpu.yield
      }) : () -> ()
      %mul3A_148 = arith.constant 4 : i32
      %mul3A_149 = arith.muli %mul3A_148, %add3A_100 : i32
      %add3A_150 = arith.constant 3 : i32
      %add3A_151 = arith.addi %mul3A_149, %add3A_150 : i32
      %dma_wait3A_152 = arith.constant 0 : i32
      %dma_wait3A_153 = tpu.memref_slice %arg11[%add3A_151, %dma_wait3A_152] : memref<40x128xi32, #tpu.memory_space<vmem>> -> memref<1x128xi32, #tpu.memory_space<vmem>>
      %dma_wait3A_154 = tpu.memref_squeeze %dma_wait3A_153 : memref<1x128xi32, #tpu.memory_space<vmem>> -> memref<128xi32, #tpu.memory_space<vmem>>
      %dma_wait3A_155 = arith.constant 0 : i32
      %dma_wait3A_156 = arith.constant 0 : i32
      %dma_wait3A_157 = tpu.memref_slice %arg3[%dma_wait3A_155, %dma_wait3A_156] : memref<10000x128xf32, #tpu.memory_space<hbm>> -> memref<10000x128xf32, #tpu.memory_space<hbm>>
      tpu.wait_indirect_dma semaphore(%arg21 : memref<!tpu.dma_semaphore, #tpu.memory_space<semaphore_mem>>) src(%dma_wait3A_157 : memref<10000x128xf32, #tpu.memory_space<hbm>>) dst(%arg16 : memref<128x128xf32, #tpu.memory_space<vmem>>)
      %add3A_158 = arith.constant 2 : i32
      %add3A_159 = arith.addi %add3A_151, %add3A_158 : i32
      %lt3A_160 = arith.constant 40 : i32
      %lt3A_161 = arith.cmpi slt, %add3A_159, %lt3A_160 : i32
      %convert_element_type3A_162 = arith.extui %lt3A_161 : i1 to i32
      %cond3A_163 = arith.constant 0 : i32
      %cond3A_164 = arith.cmpi ne, %convert_element_type3A_162, %cond3A_163 : i32
      scf.if %cond3A_164 {
        %add3A_165 = arith.constant 2 : i32
        %add3A_166 = arith.addi %add3A_151, %add3A_165 : i32
        %dma_start3A_167 = arith.constant 0 : i32
        %dma_start3A_168 = tpu.memref_slice %arg11[%add3A_166, %dma_start3A_167] : memref<40x128xi32, #tpu.memory_space<vmem>> -> memref<1x128xi32, #tpu.memory_space<vmem>>
        %dma_start3A_169 = tpu.memref_squeeze %dma_start3A_168 : memref<1x128xi32, #tpu.memory_space<vmem>> -> memref<128xi32, #tpu.memory_space<vmem>>
        %dma_start3A_170 = arith.constant 0 : i32
        %dma_start3A_171 = arith.constant 0 : i32
        %dma_start3A_172 = tpu.memref_slice %arg3[%dma_start3A_170, %dma_start3A_171] : memref<10000x128xf32, #tpu.memory_space<hbm>> -> memref<10000x128xf32, #tpu.memory_space<hbm>>
        tpu.enqueue_indirect_dma source(%dma_start3A_172 : memref<10000x128xf32, #tpu.memory_space<hbm>>) target(%arg14 : memref<128x128xf32, #tpu.memory_space<vmem>>) offsets(%dma_start3A_169 : memref<128xi32, #tpu.memory_space<vmem>>) semaphore(%arg19 : memref<!tpu.dma_semaphore, #tpu.memory_space<semaphore_mem>>)
      } else {
      }
      "tpu.region"() ({
        %run_scoped3A = tpu.sem_alloc : memref<!tpu.dma_semaphore, #tpu.memory_space<semaphore_mem>>
        %dma_start3A_165 = arith.constant 0 : i32
        %dma_start3A_166 = tpu.memref_slice %arg12[%add3A_151, %dma_start3A_165] : memref<40x128xi32, #tpu.memory_space<vmem>> -> memref<1x128xi32, #tpu.memory_space<vmem>>
        %dma_start3A_167 = tpu.memref_squeeze %dma_start3A_166 : memref<1x128xi32, #tpu.memory_space<vmem>> -> memref<128xi32, #tpu.memory_space<vmem>>
        %dma_start3A_168 = arith.constant 0 : i32
        %dma_start3A_169 = arith.constant 0 : i32
        %dma_start3A_170 = tpu.memref_slice %arg17[%dma_start3A_168, %dma_start3A_169] : memref<5120x128xf32, #tpu.memory_space<vmem_shared>> -> memref<5120x128xf32, #tpu.memory_space<vmem_shared>>
        tpu.enqueue_indirect_dma source(%arg16 : memref<128x128xf32, #tpu.memory_space<vmem>>) target(%dma_start3A_170 : memref<5120x128xf32, #tpu.memory_space<vmem_shared>>) offsets(%dma_start3A_167 : memref<128xi32, #tpu.memory_space<vmem>>) semaphore(%run_scoped3A : memref<!tpu.dma_semaphore, #tpu.memory_space<semaphore_mem>>) {add = true}
        %dma_wait3A_171 = arith.constant 0 : i32
        %dma_wait3A_172 = tpu.memref_slice %arg12[%add3A_151, %dma_wait3A_171] : memref<40x128xi32, #tpu.memory_space<vmem>> -> memref<1x128xi32, #tpu.memory_space<vmem>>
        %dma_wait3A_173 = tpu.memref_squeeze %dma_wait3A_172 : memref<1x128xi32, #tpu.memory_space<vmem>> -> memref<128xi32, #tpu.memory_space<vmem>>
        %dma_wait3A_174 = arith.constant 0 : i32
        %dma_wait3A_175 = arith.constant 0 : i32
        %dma_wait3A_176 = tpu.memref_slice %arg17[%dma_wait3A_174, %dma_wait3A_175] : memref<5120x128xf32, #tpu.memory_space<vmem_shared>> -> memref<5120x128xf32, #tpu.memory_space<vmem_shared>>
        tpu.wait_indirect_dma semaphore(%run_scoped3A : memref<!tpu.dma_semaphore, #tpu.memory_space<semaphore_mem>>) src(%arg16 : memref<128x128xf32, #tpu.memory_space<vmem>>) dst(%dma_wait3A_176 : memref<5120x128xf32, #tpu.memory_space<vmem_shared>>)
        tpu.yield
      }) : () -> ()
    }
    %scan3A_95 = arith.constant 10 : i32
    %barrier3A_96 = arith.constant 0 : index
    tpu.barrier barrier_id(%barrier3A_96)
    "tpu.region"() ({
      %run_scoped3A = tpu.sem_alloc : memref<!tpu.dma_semaphore, #tpu.memory_space<semaphore_mem>>
      %dma_start3A_97 = arith.constant 0 : i32
      %dma_start3A_98 = tpu.memref_slice %arg10[%arg0, %mul3A_0, %dma_start3A_97] : memref<2x5120x128xf32, #tpu.memory_space<hbm>> -> memref<1x320x128xf32, #tpu.memory_space<hbm>>
      %dma_start3A_99 = tpu.memref_squeeze %dma_start3A_98 : memref<1x320x128xf32, #tpu.memory_space<hbm>> -> memref<320x128xf32, #tpu.memory_space<hbm>>
      %dma_start3A_100 = arith.constant 0 : i32
      %dma_start3A_101 = tpu.memref_slice %arg17[%mul3A_0, %dma_start3A_100] : memref<5120x128xf32, #tpu.memory_space<vmem_shared>> -> memref<320x128xf32, #tpu.memory_space<vmem_shared>>
      tpu.enqueue_dma source(%dma_start3A_101 : memref<320x128xf32, #tpu.memory_space<vmem_shared>>) target(%dma_start3A_99 : memref<320x128xf32, #tpu.memory_space<hbm>>) target_semaphore(%run_scoped3A : memref<!tpu.dma_semaphore, #tpu.memory_space<semaphore_mem>>)
      %dma_wait3A = arith.constant 0 : i32
      %dma_wait3A_102 = tpu.memref_slice %arg10[%arg0, %mul3A_0, %dma_wait3A] : memref<2x5120x128xf32, #tpu.memory_space<hbm>> -> memref<1x320x128xf32, #tpu.memory_space<hbm>>
      %dma_wait3A_103 = tpu.memref_squeeze %dma_wait3A_102 : memref<1x320x128xf32, #tpu.memory_space<hbm>> -> memref<320x128xf32, #tpu.memory_space<hbm>>
      %dma_wait3A_104 = arith.constant 0 : i32
      %dma_wait3A_105 = tpu.memref_slice %arg17[%mul3A_0, %dma_wait3A_104] : memref<5120x128xf32, #tpu.memory_space<vmem_shared>> -> memref<320x128xf32, #tpu.memory_space<vmem_shared>>
      tpu.wait_dma2 semaphore(%run_scoped3A : memref<!tpu.dma_semaphore, #tpu.memory_space<semaphore_mem>>) src(%dma_wait3A_105 : memref<320x128xf32, #tpu.memory_space<vmem_shared>>) dst(%dma_wait3A_103 : memref<320x128xf32, #tpu.memory_space<hbm>>)
      tpu.yield
    }) : () -> ()
    return
  }
}

module attributes {stable_mosaic.version = 14 : i64} {
  func.func @_tc1_body(%arg0: i32, %arg1: memref<1000x128xf32, #tpu.memory_space<vmem>>, %arg2: memref<128x128xf32, #tpu.memory_space<vmem>>, %arg3: memref<1x128xf32, #tpu.memory_space<vmem>>, %arg4: memref<128x128xf32, #tpu.memory_space<vmem>>, %arg5: memref<128x128xf32, #tpu.memory_space<vmem>>, %arg6: memref<1000x128xf32, #tpu.memory_space<vmem>>, %arg7: memref<1000x128xf32, #tpu.memory_space<vmem>>, %arg8: memref<1000x128xf32, #tpu.memory_space<vmem>>) attributes {dimension_semantics = [#tpu.dimension_semantics<arbitrary>], iteration_bounds = array<i64: 10>, scalar_prefetch = 0 : i64, scratch_operands = 0 : i64, tpu.core_type = #tpu.core_type<tc>, window_params = [{transform_indices = @transform_0, window_bounds = array<i64: 1000, 128>}, {pipeline_mode = #tpu.pipeline_mode<synchronous>, transform_indices = @transform_1, window_bounds = array<i64: 128, 128>}, {pipeline_mode = #tpu.pipeline_mode<synchronous>, transform_indices = @transform_2, window_bounds = array<i64: 1, 128>}, {pipeline_mode = #tpu.pipeline_mode<synchronous>, transform_indices = @transform_3, window_bounds = array<i64: 128, 128>}, {pipeline_mode = #tpu.pipeline_mode<synchronous>, transform_indices = @transform_4, window_bounds = array<i64: 128, 128>}, {transform_indices = @transform_5, window_bounds = array<i64: 1000, 128>}, {transform_indices = @transform_6, window_bounds = array<i64: 1000, 128>}, {transform_indices = @transform_7, window_bounds = array<i64: 1000, 128>}]} {
    %get3A = arith.constant 0 : index
    %get3A_0 = arith.constant 0 : index
    %get3A_1 = vector.load %arg1[%get3A, %get3A_0] : memref<1000x128xf32, #tpu.memory_space<vmem>>, vector<1000x128xf32>
    %get3A_2 = arith.constant 0 : index
    %get3A_3 = arith.constant 0 : index
    %get3A_4 = vector.load %arg2[%get3A_2, %get3A_3] : memref<128x128xf32, #tpu.memory_space<vmem>>, vector<128x128xf32>
    %dot_general3A = arith.constant dense<0.000000e+00> : vector<1000x128xf32>
    %dot_general3A_5 = tpu.matmul %get3A_1, %get3A_4, %dot_general3A {dimension_numbers = #tpu.dot_dimension_numbers<[1], [0], [0], [1], [0, 0, 1, 1], [], []>, transpose_lhs_hint = false} : vector<1000x128xf32>, vector<128x128xf32>, vector<1000x128xf32> -> vector<1000x128xf32>
    %get3A_6 = arith.constant 0 : index
    %get3A_7 = arith.constant 0 : index
    %get3A_8 = vector.load %arg3[%get3A_6, %get3A_7] : memref<1x128xf32, #tpu.memory_space<vmem>>, vector<1x128xf32>
    %add3A = vector.broadcast %get3A_8 : vector<1x128xf32> to vector<1000x128xf32>
    %add3A_9 = arith.addf %dot_general3A_5, %add3A : vector<1000x128xf32>
    %max3A = arith.constant 0.000000e+00 : f32
    %max3A_10 = vector.broadcast %max3A : f32 to vector<1000x128xf32>
    %max3A_11 = arith.maximumf %add3A_9, %max3A_10 : vector<1000x128xf32>
    %swap3A = arith.constant 0 : index
    %swap3A_12 = arith.constant 0 : index
    %swap3A_13 = vector.load %arg6[%swap3A, %swap3A_12] : memref<1000x128xf32, #tpu.memory_space<vmem>>, vector<1000x128xf32>
    tpu.vector_store %arg6[%swap3A, %swap3A_12], %max3A_11 {strides = array<i32>} : memref<1000x128xf32, #tpu.memory_space<vmem>>, vector<1000x128xf32>,
    %iota3A = tpu.iota {dimensions = array<i32: 1>} : vector<1000x128xi32>
    %eq3A = arith.constant 0 : i32
    %eq3A_14 = vector.broadcast %eq3A : i32 to vector<1000x128xi32>
    %eq3A_15 = arith.cmpi eq, %iota3A, %eq3A_14 : vector<1000x128xi32>
    %get3A_16 = arith.constant 0 : index
    %get3A_17 = arith.constant 0 : index
    %get3A_18 = vector.load %arg4[%get3A_16, %get3A_17] : memref<128x128xf32, #tpu.memory_space<vmem>>, vector<128x128xf32>
    %dot_general3A_19 = arith.constant dense<0.000000e+00> : vector<1000x128xf32>
    %dot_general3A_20 = tpu.matmul %get3A_1, %get3A_18, %dot_general3A_19 {dimension_numbers = #tpu.dot_dimension_numbers<[1], [0], [0], [1], [0, 0, 1, 1], [], []>, transpose_lhs_hint = false} : vector<1000x128xf32>, vector<128x128xf32>, vector<1000x128xf32> -> vector<1000x128xf32>
    %jit3A = arith.constant 1.000000e+00 : f32
    %broadcast_in_dim3A = vector.broadcast %jit3A : f32 to vector<1000x128xf32>
    %select_n3A = arith.select %eq3A_15, %broadcast_in_dim3A, %dot_general3A_20 : vector<1000x128xi1>, vector<1000x128xf32>
    %swap3A_21 = arith.constant 0 : index
    %swap3A_22 = arith.constant 0 : index
    %swap3A_23 = vector.load %arg7[%swap3A_21, %swap3A_22] : memref<1000x128xf32, #tpu.memory_space<vmem>>, vector<1000x128xf32>
    tpu.vector_store %arg7[%swap3A_21, %swap3A_22], %select_n3A {strides = array<i32>} : memref<1000x128xf32, #tpu.memory_space<vmem>>, vector<1000x128xf32>,
    %get3A_24 = arith.constant 0 : index
    %get3A_25 = arith.constant 0 : index
    %get3A_26 = vector.load %arg5[%get3A_24, %get3A_25] : memref<128x128xf32, #tpu.memory_space<vmem>>, vector<128x128xf32>
    %dot_general3A_27 = arith.constant dense<0.000000e+00> : vector<1000x128xf32>
    %dot_general3A_28 = tpu.matmul %get3A_1, %get3A_26, %dot_general3A_27 {dimension_numbers = #tpu.dot_dimension_numbers<[1], [0], [0], [1], [0, 0, 1, 1], [], []>, transpose_lhs_hint = false} : vector<1000x128xf32>, vector<128x128xf32>, vector<1000x128xf32> -> vector<1000x128xf32>
    %jit3A_29 = arith.constant 0.000000e+00 : f32
    %broadcast_in_dim3A_30 = vector.broadcast %jit3A_29 : f32 to vector<1000x128xf32>
    %select_n3A_31 = arith.select %eq3A_15, %broadcast_in_dim3A_30, %dot_general3A_28 : vector<1000x128xi1>, vector<1000x128xf32>
    %mul3A = arith.mulf %select_n3A_31, %select_n3A_31 : vector<1000x128xf32>
    %reduce_sum3A = arith.constant dense<0.000000e+00> : vector<1000xf32>
    %reduce_sum3A_32 = vector.multi_reduction <add>, %mul3A, %reduce_sum3A [1] : vector<1000x128xf32> to vector<1000xf32>
    %broadcast_in_dim3A_33 = vector.shape_cast %reduce_sum3A_32 : vector<1000xf32> to vector<1000x1xf32>
    %sqrt3A = math.sqrt %broadcast_in_dim3A_33 : vector<1000x1xf32>
    %div3A = arith.constant 6.28318548 : f32
    %div3A_34 = vector.broadcast %div3A : f32 to vector<1000x1xf32>
    %div3A_35 = arith.divf %sqrt3A, %div3A_34 : vector<1000x1xf32>
    %floor3A = math.floor %div3A_35 : vector<1000x1xf32>
    %mul3A_36 = arith.constant 6.28318548 : f32
    %mul3A_37 = vector.broadcast %mul3A_36 : f32 to vector<1000x1xf32>
    %mul3A_38 = arith.mulf %mul3A_37, %floor3A : vector<1000x1xf32>
    %sub3A = arith.subf %sqrt3A, %mul3A_38 : vector<1000x1xf32>
    %sub3A_39 = arith.constant 6.28318548 : f32
    %sub3A_40 = vector.broadcast %sub3A_39 : f32 to vector<1000x1xf32>
    %sub3A_41 = arith.subf %sub3A_40, %sub3A : vector<1000x1xf32>
    %min3A = arith.minimumf %sub3A, %sub3A_41 : vector<1000x1xf32>
    %jit3A_42 = arith.constant 4.47213592E-4 : f32
    %jit3A_43 = arith.constant 3.14114547 : f32
    %max3A_44 = vector.broadcast %jit3A_42 : f32 to vector<1000x1xf32>
    %max3A_45 = arith.maximumf %max3A_44, %min3A : vector<1000x1xf32>
    %min3A_46 = vector.broadcast %jit3A_43 : f32 to vector<1000x1xf32>
    %min3A_47 = arith.minimumf %min3A_46, %max3A_45 : vector<1000x1xf32>
    %sin3A = math.sin %min3A_47 : vector<1000x1xf32>
    %max3A_48 = arith.constant 9.99999993E-9 : f32
    %max3A_49 = vector.broadcast %max3A_48 : f32 to vector<1000x1xf32>
    %max3A_50 = arith.maximumf %sin3A, %max3A_49 : vector<1000x1xf32>
    %div3A_51 = arith.divf %min3A_47, %max3A_50 : vector<1000x1xf32>
    %max3A_52 = arith.constant 9.99999993E-9 : f32
    %max3A_53 = vector.broadcast %max3A_52 : f32 to vector<1000x1xf32>
    %max3A_54 = arith.maximumf %sqrt3A, %max3A_53 : vector<1000x1xf32>
    %iota3A_55 = tpu.iota {dimensions = array<i32: 1>} : vector<1000x128xi32>
    %eq3A_56 = arith.constant 0 : i32
    %eq3A_57 = vector.broadcast %eq3A_56 : i32 to vector<1000x128xi32>
    %eq3A_58 = arith.cmpi eq, %iota3A_55, %eq3A_57 : vector<1000x128xi32>
    %sin3A_59 = math.sin %max3A_54 : vector<1000x1xf32>
    %div3A_60 = arith.divf %sin3A_59, %max3A_54 : vector<1000x1xf32>
    %mul3A_61 = arith.mulf %div3A_51, %div3A_60 : vector<1000x1xf32>
    %mul3A_62 = vector.broadcast %mul3A_61 : vector<1000x1xf32> to vector<1000x128xf32>
    %mul3A_63 = arith.mulf %mul3A_62, %select_n3A_31 : vector<1000x128xf32>
    %jit3A_64 = arith.constant 0.000000e+00 : f32
    %broadcast_in_dim3A_65 = vector.broadcast %jit3A_64 : f32 to vector<1000x128xf32>
    %select_n3A_66 = arith.select %eq3A_58, %broadcast_in_dim3A_65, %mul3A_63 : vector<1000x128xi1>, vector<1000x128xf32>
    %jit3A_67 = arith.constant 1.000000e+00 : f32
    %broadcast_in_dim3A_68 = vector.broadcast %jit3A_67 : f32 to vector<1000x128xf32>
    %select_n3A_69 = arith.select %eq3A_15, %broadcast_in_dim3A_68, %select_n3A_66 : vector<1000x128xi1>, vector<1000x128xf32>
    %swap3A_70 = arith.constant 0 : index
    %swap3A_71 = arith.constant 0 : index
    %swap3A_72 = vector.load %arg8[%swap3A_70, %swap3A_71] : memref<1000x128xf32, #tpu.memory_space<vmem>>, vector<1000x128xf32>
    tpu.vector_store %arg8[%swap3A_70, %swap3A_71], %select_n3A_69 {strides = array<i32>} : memref<1000x128xf32, #tpu.memory_space<vmem>>, vector<1000x128xf32>,
    return
  }
  func.func @transform_0(%arg0: i32) -> (i32, i32) {
    %c0_i32 = arith.constant 0 : i32
    %c0_i32_0 = arith.constant 0 : i32
    return %arg0, %c0_i32 : i32, i32
  }
  func.func @transform_1(%arg0: i32) -> (i32, i32) {
    %c0_i32 = arith.constant 0 : i32
    %c0_i32_0 = arith.constant 0 : i32
    %c0_i32_1 = arith.constant 0 : i32
    return %c0_i32, %c0_i32_0 : i32, i32
  }
  func.func @transform_2(%arg0: i32) -> (i32, i32) {
    %c0_i32 = arith.constant 0 : i32
    %c0_i32_0 = arith.constant 0 : i32
    %c0_i32_1 = arith.constant 0 : i32
    return %c0_i32, %c0_i32_0 : i32, i32
  }
  func.func @transform_3(%arg0: i32) -> (i32, i32) {
    %c0_i32 = arith.constant 0 : i32
    %c0_i32_0 = arith.constant 0 : i32
    %c0_i32_1 = arith.constant 0 : i32
    return %c0_i32, %c0_i32_0 : i32, i32
  }
  func.func @transform_4(%arg0: i32) -> (i32, i32) {
    %c0_i32 = arith.constant 0 : i32
    %c0_i32_0 = arith.constant 0 : i32
    %c0_i32_1 = arith.constant 0 : i32
    return %c0_i32, %c0_i32_0 : i32, i32
  }
  func.func @transform_5(%arg0: i32) -> (i32, i32) {
    %c0_i32 = arith.constant 0 : i32
    %c0_i32_0 = arith.constant 0 : i32
    return %arg0, %c0_i32 : i32, i32
  }
  func.func @transform_6(%arg0: i32) -> (i32, i32) {
    %c0_i32 = arith.constant 0 : i32
    %c0_i32_0 = arith.constant 0 : i32
    return %arg0, %c0_i32 : i32, i32
  }
  func.func @transform_7(%arg0: i32) -> (i32, i32) {
    %c0_i32 = arith.constant 0 : i32
    %c0_i32_0 = arith.constant 0 : i32
    return %arg0, %c0_i32 : i32, i32
  }
}

module attributes {stable_mosaic.version = 14 : i64} {
  func.func @_tc2_body(%arg0: i32, %arg1: memref<1000x128xf32, #tpu.memory_space<vmem>>, %arg2: memref<1000x128xf32, #tpu.memory_space<vmem>>, %arg3: memref<1x1000x128xf32, #tpu.memory_space<vmem>>, %arg4: memref<1x1000x128xf32, #tpu.memory_space<vmem>>, %arg5: memref<1000x128xf32, #tpu.memory_space<vmem>>, %arg6: memref<1000x128xf32, #tpu.memory_space<vmem>>) attributes {dimension_semantics = [#tpu.dimension_semantics<arbitrary>], iteration_bounds = array<i64: 10>, scalar_prefetch = 0 : i64, scratch_operands = 0 : i64, tpu.core_type = #tpu.core_type<tc>, window_params = [{transform_indices = @transform_0, window_bounds = array<i64: 1000, 128>}, {transform_indices = @transform_1, window_bounds = array<i64: 1000, 128>}, {transform_indices = @transform_2, window_bounds = array<i64: 1, 1000, 128>}, {transform_indices = @transform_3, window_bounds = array<i64: 1, 1000, 128>}, {transform_indices = @transform_4, window_bounds = array<i64: 1000, 128>}, {transform_indices = @transform_5, window_bounds = array<i64: 1000, 128>}]} {
    %get3A = arith.constant 0 : index
    %get3A_0 = arith.constant 0 : index
    %get3A_1 = vector.load %arg1[%get3A, %get3A_0] : memref<1000x128xf32, #tpu.memory_space<vmem>>, vector<1000x128xf32>
    %get3A_2 = arith.constant 0 : index
    %get3A_3 = arith.constant 0 : index
    %get3A_4 = arith.constant 0 : index
    %get3A_5 = vector.load %arg3[%get3A_2, %get3A_3, %get3A_4] : memref<1x1000x128xf32, #tpu.memory_space<vmem>>, vector<1x1000x1xf32>
    %get3A_6 = vector.shape_cast %get3A_5 : vector<1x1000x1xf32> to vector<1000x1xf32>
    %max3A = arith.constant 1.000000e+00 : f32
    %max3A_7 = vector.broadcast %max3A : f32 to vector<1000x1xf32>
    %max3A_8 = arith.maximumf %get3A_6, %max3A_7 : vector<1000x1xf32>
    %get3A_9 = arith.constant 0 : index
    %get3A_10 = arith.constant 0 : index
    %get3A_11 = arith.constant 0 : index
    %get3A_12 = vector.load %arg3[%get3A_9, %get3A_10, %get3A_11] : memref<1x1000x128xf32, #tpu.memory_space<vmem>>, vector<1x1000x128xf32>
    %get3A_13 = vector.shape_cast %get3A_12 : vector<1x1000x128xf32> to vector<1000x128xf32>
    %div3A = vector.broadcast %max3A_8 : vector<1000x1xf32> to vector<1000x128xf32>
    %div3A_14 = arith.divf %get3A_13, %div3A : vector<1000x128xf32>
    %add3A = arith.addf %get3A_1, %div3A_14 : vector<1000x128xf32>
    %swap3A = arith.constant 0 : index
    %swap3A_15 = arith.constant 0 : index
    %swap3A_16 = vector.load %arg5[%swap3A, %swap3A_15] : memref<1000x128xf32, #tpu.memory_space<vmem>>, vector<1000x128xf32>
    tpu.vector_store %arg5[%swap3A, %swap3A_15], %add3A {strides = array<i32>} : memref<1000x128xf32, #tpu.memory_space<vmem>>, vector<1000x128xf32>,
    %get3A_17 = arith.constant 0 : index
    %get3A_18 = arith.constant 0 : index
    %get3A_19 = vector.load %arg2[%get3A_17, %get3A_18] : memref<1000x128xf32, #tpu.memory_space<vmem>>, vector<1000x128xf32>
    %get3A_20 = arith.constant 0 : index
    %get3A_21 = arith.constant 0 : index
    %get3A_22 = arith.constant 0 : index
    %get3A_23 = vector.load %arg4[%get3A_20, %get3A_21, %get3A_22] : memref<1x1000x128xf32, #tpu.memory_space<vmem>>, vector<1x1000x1xf32>
    %get3A_24 = vector.shape_cast %get3A_23 : vector<1x1000x1xf32> to vector<1000x1xf32>
    %max3A_25 = arith.constant 1.000000e+00 : f32
    %max3A_26 = vector.broadcast %max3A_25 : f32 to vector<1000x1xf32>
    %max3A_27 = arith.maximumf %get3A_24, %max3A_26 : vector<1000x1xf32>
    %get3A_28 = arith.constant 0 : index
    %get3A_29 = arith.constant 0 : index
    %get3A_30 = arith.constant 0 : index
    %get3A_31 = vector.load %arg4[%get3A_28, %get3A_29, %get3A_30] : memref<1x1000x128xf32, #tpu.memory_space<vmem>>, vector<1x1000x128xf32>
    %get3A_32 = vector.shape_cast %get3A_31 : vector<1x1000x128xf32> to vector<1000x128xf32>
    %div3A_33 = vector.broadcast %max3A_27 : vector<1000x1xf32> to vector<1000x128xf32>
    %div3A_34 = arith.divf %get3A_32, %div3A_33 : vector<1000x128xf32>
    %add3A_35 = arith.addf %get3A_19, %div3A_34 : vector<1000x128xf32>
    %swap3A_36 = arith.constant 0 : index
    %swap3A_37 = arith.constant 0 : index
    %swap3A_38 = vector.load %arg6[%swap3A_36, %swap3A_37] : memref<1000x128xf32, #tpu.memory_space<vmem>>, vector<1000x128xf32>
    tpu.vector_store %arg6[%swap3A_36, %swap3A_37], %add3A_35 {strides = array<i32>} : memref<1000x128xf32, #tpu.memory_space<vmem>>, vector<1000x128xf32>,
    return
  }
  func.func @transform_0(%arg0: i32) -> (i32, i32) {
    %c0_i32 = arith.constant 0 : i32
    %c0_i32_0 = arith.constant 0 : i32
    return %arg0, %c0_i32 : i32, i32
  }
  func.func @transform_1(%arg0: i32) -> (i32, i32) {
    %c0_i32 = arith.constant 0 : i32
    %c0_i32_0 = arith.constant 0 : i32
    return %arg0, %c0_i32 : i32, i32
  }
  func.func @transform_2(%arg0: i32) -> (i32, i32, i32) {
    %jit3A = arith.constant 5 : i32
    %div3A = arith.divsi %arg0, %jit3A : i32
    %sign3A = arith.constant 0 : i32
    %sign3A_0 = arith.cmpi sgt, %arg0, %sign3A : i32
    %sign3A_1 = arith.extui %sign3A_0 : i1 to i32
    %sign3A_2 = arith.constant 0 : i32
    %sign3A_3 = arith.cmpi slt, %arg0, %sign3A_2 : i32
    %sign3A_4 = arith.extui %sign3A_3 : i1 to i32
    %sign3A_5 = arith.subi %sign3A_1, %sign3A_4 : i32
    %sign3A_6 = arith.constant 0 : i32
    %sign3A_7 = arith.cmpi sgt, %jit3A, %sign3A_6 : i32
    %sign3A_8 = arith.extui %sign3A_7 : i1 to i32
    %sign3A_9 = arith.constant 0 : i32
    %sign3A_10 = arith.cmpi slt, %jit3A, %sign3A_9 : i32
    %sign3A_11 = arith.extui %sign3A_10 : i1 to i32
    %sign3A_12 = arith.subi %sign3A_8, %sign3A_11 : i32
    %ne3A = arith.cmpi ne, %sign3A_5, %sign3A_12 : i32
    %rem3A = arith.remsi %arg0, %jit3A : i32
    %ne3A_13 = arith.constant 0 : i32
    %ne3A_14 = arith.cmpi ne, %rem3A, %ne3A_13 : i32
    %and3A = arith.andi %ne3A, %ne3A_14 : i1
    %sub3A = arith.constant 1 : i32
    %sub3A_15 = arith.subi %div3A, %sub3A : i32
    %select_n3A = arith.select %and3A, %sub3A_15, %div3A : i32
    %jit3A_16 = arith.constant 5 : i32
    %eq3A = arith.constant 0 : i32
    %eq3A_17 = arith.cmpi eq, %jit3A_16, %eq3A : i32
    %jit3A_18 = arith.constant 1 : i32
    %select_n3A_19 = arith.select %eq3A_17, %jit3A_18, %jit3A_16 : i32
    %rem3A_20 = arith.remsi %arg0, %select_n3A_19 : i32
    %ne3A_21 = arith.constant 0 : i32
    %ne3A_22 = arith.cmpi ne, %rem3A_20, %ne3A_21 : i32
    %lt3A = arith.constant 0 : i32
    %lt3A_23 = arith.cmpi slt, %rem3A_20, %lt3A : i32
    %lt3A_24 = arith.constant 0 : i32
    %lt3A_25 = arith.cmpi slt, %select_n3A_19, %lt3A_24 : i32
    %ne3A_26 = arith.xori %lt3A_23, %lt3A_25 : i1
    %and3A_27 = arith.andi %ne3A_26, %ne3A_22 : i1
    %add3A = arith.addi %rem3A_20, %select_n3A_19 : i32
    %select_n3A_28 = arith.select %and3A_27, %add3A, %rem3A_20 : i32
    %c0_i32 = arith.constant 0 : i32
    %c0_i32_29 = arith.constant 0 : i32
    return %select_n3A, %select_n3A_28, %c0_i32 : i32, i32, i32
  }
  func.func @transform_3(%arg0: i32) -> (i32, i32, i32) {
    %jit3A = arith.constant 5 : i32
    %div3A = arith.divsi %arg0, %jit3A : i32
    %sign3A = arith.constant 0 : i32
    %sign3A_0 = arith.cmpi sgt, %arg0, %sign3A : i32
    %sign3A_1 = arith.extui %sign3A_0 : i1 to i32
    %sign3A_2 = arith.constant 0 : i32
    %sign3A_3 = arith.cmpi slt, %arg0, %sign3A_2 : i32
    %sign3A_4 = arith.extui %sign3A_3 : i1 to i32
    %sign3A_5 = arith.subi %sign3A_1, %sign3A_4 : i32
    %sign3A_6 = arith.constant 0 : i32
    %sign3A_7 = arith.cmpi sgt, %jit3A, %sign3A_6 : i32
    %sign3A_8 = arith.extui %sign3A_7 : i1 to i32
    %sign3A_9 = arith.constant 0 : i32
    %sign3A_10 = arith.cmpi slt, %jit3A, %sign3A_9 : i32
    %sign3A_11 = arith.extui %sign3A_10 : i1 to i32
    %sign3A_12 = arith.subi %sign3A_8, %sign3A_11 : i32
    %ne3A = arith.cmpi ne, %sign3A_5, %sign3A_12 : i32
    %rem3A = arith.remsi %arg0, %jit3A : i32
    %ne3A_13 = arith.constant 0 : i32
    %ne3A_14 = arith.cmpi ne, %rem3A, %ne3A_13 : i32
    %and3A = arith.andi %ne3A, %ne3A_14 : i1
    %sub3A = arith.constant 1 : i32
    %sub3A_15 = arith.subi %div3A, %sub3A : i32
    %select_n3A = arith.select %and3A, %sub3A_15, %div3A : i32
    %jit3A_16 = arith.constant 5 : i32
    %eq3A = arith.constant 0 : i32
    %eq3A_17 = arith.cmpi eq, %jit3A_16, %eq3A : i32
    %jit3A_18 = arith.constant 1 : i32
    %select_n3A_19 = arith.select %eq3A_17, %jit3A_18, %jit3A_16 : i32
    %rem3A_20 = arith.remsi %arg0, %select_n3A_19 : i32
    %ne3A_21 = arith.constant 0 : i32
    %ne3A_22 = arith.cmpi ne, %rem3A_20, %ne3A_21 : i32
    %lt3A = arith.constant 0 : i32
    %lt3A_23 = arith.cmpi slt, %rem3A_20, %lt3A : i32
    %lt3A_24 = arith.constant 0 : i32
    %lt3A_25 = arith.cmpi slt, %select_n3A_19, %lt3A_24 : i32
    %ne3A_26 = arith.xori %lt3A_23, %lt3A_25 : i1
    %and3A_27 = arith.andi %ne3A_26, %ne3A_22 : i1
    %add3A = arith.addi %rem3A_20, %select_n3A_19 : i32
    %select_n3A_28 = arith.select %and3A_27, %add3A, %rem3A_20 : i32
    %c0_i32 = arith.constant 0 : i32
    %c0_i32_29 = arith.constant 0 : i32
    return %select_n3A, %select_n3A_28, %c0_i32 : i32, i32, i32
  }
  func.func @transform_4(%arg0: i32) -> (i32, i32) {
    %c0_i32 = arith.constant 0 : i32
    %c0_i32_0 = arith.constant 0 : i32
    return %arg0, %c0_i32 : i32, i32
  }
  func.func @transform_5(%arg0: i32) -> (i32, i32) {
    %c0_i32 = arith.constant 0 : i32
    %c0_i32_0 = arith.constant 0 : i32
    return %arg0, %c0_i32 : i32, i32
  }
}

module attributes {stable_mosaic.version = 14 : i64} {
  func.func @_tc3_body(%arg0: i32, %arg1: memref<1000x128xf32, #tpu.memory_space<vmem>>, %arg2: memref<1000x128xf32, #tpu.memory_space<vmem>>, %arg3: memref<1x1000x128xf32, #tpu.memory_space<vmem>>, %arg4: memref<1x1000x128xf32, #tpu.memory_space<vmem>>, %arg5: memref<1x1000x128xf32, #tpu.memory_space<vmem>>, %arg6: memref<1x1000x128xf32, #tpu.memory_space<vmem>>, %arg7: memref<128x128xf32, #tpu.memory_space<vmem>>, %arg8: memref<128x128xf32, #tpu.memory_space<vmem>>, %arg9: memref<128x128xf32, #tpu.memory_space<vmem>>, %arg10: memref<128x128xf32, #tpu.memory_space<vmem>>, %arg11: memref<1000x128xf32, #tpu.memory_space<vmem>>, %arg12: memref<1000x128xf32, #tpu.memory_space<vmem>>) attributes {dimension_semantics = [#tpu.dimension_semantics<arbitrary>], iteration_bounds = array<i64: 10>, scalar_prefetch = 0 : i64, scratch_operands = 0 : i64, tpu.core_type = #tpu.core_type<tc>, window_params = [{transform_indices = @transform_0, window_bounds = array<i64: 1000, 128>}, {transform_indices = @transform_1, window_bounds = array<i64: 1000, 128>}, {transform_indices = @transform_2, window_bounds = array<i64: 1, 1000, 128>}, {transform_indices = @transform_3, window_bounds = array<i64: 1, 1000, 128>}, {transform_indices = @transform_4, window_bounds = array<i64: 1, 1000, 128>}, {transform_indices = @transform_5, window_bounds = array<i64: 1, 1000, 128>}, {pipeline_mode = #tpu.pipeline_mode<synchronous>, transform_indices = @transform_6, window_bounds = array<i64: 128, 128>}, {pipeline_mode = #tpu.pipeline_mode<synchronous>, transform_indices = @transform_7, window_bounds = array<i64: 128, 128>}, {pipeline_mode = #tpu.pipeline_mode<synchronous>, transform_indices = @transform_8, window_bounds = array<i64: 128, 128>}, {pipeline_mode = #tpu.pipeline_mode<synchronous>, transform_indices = @transform_9, window_bounds = array<i64: 128, 128>}, {transform_indices = @transform_10, window_bounds = array<i64: 1000, 128>}, {transform_indices = @transform_11, window_bounds = array<i64: 1000, 128>}]} {
    %iota3A = tpu.iota {dimensions = array<i32: 1>} : vector<1000x128xi32>
    %eq3A = arith.constant 0 : i32
    %eq3A_0 = vector.broadcast %eq3A : i32 to vector<1000x128xi32>
    %eq3A_1 = arith.cmpi eq, %iota3A, %eq3A_0 : vector<1000x128xi32>
    %get3A = arith.constant 0 : index
    %get3A_2 = arith.constant 0 : index
    %get3A_3 = vector.load %arg1[%get3A, %get3A_2] : memref<1000x128xf32, #tpu.memory_space<vmem>>, vector<1000x128xf32>
    %get3A_4 = arith.constant 0 : index
    %get3A_5 = arith.constant 0 : index
    %get3A_6 = arith.constant 0 : index
    %get3A_7 = vector.load %arg4[%get3A_4, %get3A_5, %get3A_6] : memref<1x1000x128xf32, #tpu.memory_space<vmem>>, vector<1x1000x1xf32>
    %get3A_8 = vector.shape_cast %get3A_7 : vector<1x1000x1xf32> to vector<1000x1xf32>
    %max3A = arith.constant 1.000000e+00 : f32
    %max3A_9 = vector.broadcast %max3A : f32 to vector<1000x1xf32>
    %max3A_10 = arith.maximumf %get3A_8, %max3A_9 : vector<1000x1xf32>
    %get3A_11 = arith.constant 0 : index
    %get3A_12 = arith.constant 0 : index
    %get3A_13 = arith.constant 0 : index
    %get3A_14 = vector.load %arg3[%get3A_11, %get3A_12, %get3A_13] : memref<1x1000x128xf32, #tpu.memory_space<vmem>>, vector<1x1000x128xf32>
    %get3A_15 = vector.shape_cast %get3A_14 : vector<1x1000x128xf32> to vector<1000x128xf32>
    %div3A = vector.broadcast %max3A_10 : vector<1000x1xf32> to vector<1000x128xf32>
    %div3A_16 = arith.divf %get3A_15, %div3A : vector<1000x128xf32>
    %add3A = arith.addf %get3A_3, %div3A_16 : vector<1000x128xf32>
    %jit3A = arith.constant 0.000000e+00 : f32
    %broadcast_in_dim3A = vector.broadcast %jit3A : f32 to vector<1000x128xf32>
    %select_n3A = arith.select %eq3A_1, %broadcast_in_dim3A, %add3A : vector<1000x128xi1>, vector<1000x128xf32>
    %get3A_17 = arith.constant 0 : index
    %get3A_18 = arith.constant 0 : index
    %get3A_19 = vector.load %arg7[%get3A_17, %get3A_18] : memref<128x128xf32, #tpu.memory_space<vmem>>, vector<128x128xf32>
    %dot_general3A = arith.constant dense<0.000000e+00> : vector<1000x128xf32>
    %dot_general3A_20 = tpu.matmul %select_n3A, %get3A_19, %dot_general3A {dimension_numbers = #tpu.dot_dimension_numbers<[1], [0], [0], [1], [0, 0, 1, 1], [], []>, transpose_lhs_hint = false} : vector<1000x128xf32>, vector<128x128xf32>, vector<1000x128xf32> -> vector<1000x128xf32>
    %jit3A_21 = arith.constant 0.000000e+00 : f32
    %broadcast_in_dim3A_22 = vector.broadcast %jit3A_21 : f32 to vector<1000x128xf32>
    %select_n3A_23 = arith.select %eq3A_1, %broadcast_in_dim3A_22, %dot_general3A_20 : vector<1000x128xi1>, vector<1000x128xf32>
    %get3A_24 = arith.constant 0 : index
    %get3A_25 = arith.constant 0 : index
    %get3A_26 = vector.load %arg8[%get3A_24, %get3A_25] : memref<128x128xf32, #tpu.memory_space<vmem>>, vector<128x128xf32>
    %dot_general3A_27 = arith.constant dense<0.000000e+00> : vector<1000x128xf32>
    %dot_general3A_28 = tpu.matmul %select_n3A_23, %get3A_26, %dot_general3A_27 {dimension_numbers = #tpu.dot_dimension_numbers<[1], [0], [0], [1], [0, 0, 1, 1], [], []>, transpose_lhs_hint = false} : vector<1000x128xf32>, vector<128x128xf32>, vector<1000x128xf32> -> vector<1000x128xf32>
    %jit3A_29 = arith.constant 0.000000e+00 : f32
    %broadcast_in_dim3A_30 = vector.broadcast %jit3A_29 : f32 to vector<1000x128xf32>
    %select_n3A_31 = arith.select %eq3A_1, %broadcast_in_dim3A_30, %dot_general3A_28 : vector<1000x128xi1>, vector<1000x128xf32>
    %mul3A = arith.mulf %select_n3A_31, %select_n3A_31 : vector<1000x128xf32>
    %reduce_sum3A = arith.constant dense<0.000000e+00> : vector<1000xf32>
    %reduce_sum3A_32 = vector.multi_reduction <add>, %mul3A, %reduce_sum3A [1] : vector<1000x128xf32> to vector<1000xf32>
    %broadcast_in_dim3A_33 = vector.shape_cast %reduce_sum3A_32 : vector<1000xf32> to vector<1000x1xf32>
    %sqrt3A = math.sqrt %broadcast_in_dim3A_33 : vector<1000x1xf32>
    %max3A_34 = arith.constant 9.99999993E-9 : f32
    %max3A_35 = vector.broadcast %max3A_34 : f32 to vector<1000x1xf32>
    %max3A_36 = arith.maximumf %sqrt3A, %max3A_35 : vector<1000x1xf32>
    %exp3A = math.exp %sqrt3A : vector<1000x1xf32>
    %neg3A = arith.constant 0.000000e+00 : f32
    %neg3A_37 = vector.broadcast %neg3A : f32 to vector<1000x1xf32>
    %neg3A_38 = arith.subf %neg3A_37, %sqrt3A : vector<1000x1xf32>
    %exp3A_39 = math.exp %neg3A_38 : vector<1000x1xf32>
    %add3A_40 = arith.addf %exp3A, %exp3A_39 : vector<1000x1xf32>
    %mul3A_41 = arith.constant 5.000000e-01 : f32
    %mul3A_42 = vector.broadcast %mul3A_41 : f32 to vector<1000x1xf32>
    %mul3A_43 = arith.mulf %mul3A_42, %add3A_40 : vector<1000x1xf32>
    %exp3A_44 = math.exp %max3A_36 : vector<1000x1xf32>
    %neg3A_45 = arith.constant 0.000000e+00 : f32
    %neg3A_46 = vector.broadcast %neg3A_45 : f32 to vector<1000x1xf32>
    %neg3A_47 = arith.subf %neg3A_46, %max3A_36 : vector<1000x1xf32>
    %exp3A_48 = math.exp %neg3A_47 : vector<1000x1xf32>
    %sub3A = arith.subf %exp3A_44, %exp3A_48 : vector<1000x1xf32>
    %mul3A_49 = arith.constant 5.000000e-01 : f32
    %mul3A_50 = vector.broadcast %mul3A_49 : f32 to vector<1000x1xf32>
    %mul3A_51 = arith.mulf %mul3A_50, %sub3A : vector<1000x1xf32>
    %iota3A_52 = tpu.iota {dimensions = array<i32: 1>} : vector<1000x128xi32>
    %eq3A_53 = arith.constant 0 : i32
    %eq3A_54 = vector.broadcast %eq3A_53 : i32 to vector<1000x128xi32>
    %eq3A_55 = arith.cmpi eq, %iota3A_52, %eq3A_54 : vector<1000x128xi32>
    %div3A_56 = arith.divf %mul3A_51, %max3A_36 : vector<1000x1xf32>
    %mul3A_57 = vector.broadcast %div3A_56 : vector<1000x1xf32> to vector<1000x128xf32>
    %mul3A_58 = arith.mulf %mul3A_57, %select_n3A_31 : vector<1000x128xf32>
    %broadcast_in_dim3A_59 = vector.shape_cast %mul3A_43 : vector<1000x1xf32> to vector<1000x1xf32>
    %broadcast_in_dim3A_60 = vector.broadcast %broadcast_in_dim3A_59 : vector<1000x1xf32> to vector<1000x128xf32>
    %select_n3A_61 = arith.select %eq3A_55, %broadcast_in_dim3A_60, %mul3A_58 : vector<1000x128xi1>, vector<1000x128xf32>
    %swap3A = arith.constant 0 : index
    %swap3A_62 = arith.constant 0 : index
    %swap3A_63 = vector.load %arg11[%swap3A, %swap3A_62] : memref<1000x128xf32, #tpu.memory_space<vmem>>, vector<1000x128xf32>
    tpu.vector_store %arg11[%swap3A, %swap3A_62], %select_n3A_61 {strides = array<i32>} : memref<1000x128xf32, #tpu.memory_space<vmem>>, vector<1000x128xf32>,
    %get3A_64 = arith.constant 0 : index
    %get3A_65 = arith.constant 0 : index
    %get3A_66 = vector.load %arg2[%get3A_64, %get3A_65] : memref<1000x128xf32, #tpu.memory_space<vmem>>, vector<1000x128xf32>
    %get3A_67 = arith.constant 0 : index
    %get3A_68 = arith.constant 0 : index
    %get3A_69 = arith.constant 0 : index
    %get3A_70 = vector.load %arg6[%get3A_67, %get3A_68, %get3A_69] : memref<1x1000x128xf32, #tpu.memory_space<vmem>>, vector<1x1000x1xf32>
    %get3A_71 = vector.shape_cast %get3A_70 : vector<1x1000x1xf32> to vector<1000x1xf32>
    %max3A_72 = arith.constant 1.000000e+00 : f32
    %max3A_73 = vector.broadcast %max3A_72 : f32 to vector<1000x1xf32>
    %max3A_74 = arith.maximumf %get3A_71, %max3A_73 : vector<1000x1xf32>
    %get3A_75 = arith.constant 0 : index
    %get3A_76 = arith.constant 0 : index
    %get3A_77 = arith.constant 0 : index
    %get3A_78 = vector.load %arg5[%get3A_75, %get3A_76, %get3A_77] : memref<1x1000x128xf32, #tpu.memory_space<vmem>>, vector<1x1000x128xf32>
    %get3A_79 = vector.shape_cast %get3A_78 : vector<1x1000x128xf32> to vector<1000x128xf32>
    %div3A_80 = vector.broadcast %max3A_74 : vector<1000x1xf32> to vector<1000x128xf32>
    %div3A_81 = arith.divf %get3A_79, %div3A_80 : vector<1000x128xf32>
    %add3A_82 = arith.addf %get3A_66, %div3A_81 : vector<1000x128xf32>
    %jit3A_83 = arith.constant 0.000000e+00 : f32
    %broadcast_in_dim3A_84 = vector.broadcast %jit3A_83 : f32 to vector<1000x128xf32>
    %select_n3A_85 = arith.select %eq3A_1, %broadcast_in_dim3A_84, %add3A_82 : vector<1000x128xi1>, vector<1000x128xf32>
    %get3A_86 = arith.constant 0 : index
    %get3A_87 = arith.constant 0 : index
    %get3A_88 = vector.load %arg9[%get3A_86, %get3A_87] : memref<128x128xf32, #tpu.memory_space<vmem>>, vector<128x128xf32>
    %dot_general3A_89 = arith.constant dense<0.000000e+00> : vector<1000x128xf32>
    %dot_general3A_90 = tpu.matmul %select_n3A_85, %get3A_88, %dot_general3A_89 {dimension_numbers = #tpu.dot_dimension_numbers<[1], [0], [0], [1], [0, 0, 1, 1], [], []>, transpose_lhs_hint = false} : vector<1000x128xf32>, vector<128x128xf32>, vector<1000x128xf32> -> vector<1000x128xf32>
    %jit3A_91 = arith.constant 0.000000e+00 : f32
    %broadcast_in_dim3A_92 = vector.broadcast %jit3A_91 : f32 to vector<1000x128xf32>
    %select_n3A_93 = arith.select %eq3A_1, %broadcast_in_dim3A_92, %dot_general3A_90 : vector<1000x128xi1>, vector<1000x128xf32>
    %get3A_94 = arith.constant 0 : index
    %get3A_95 = arith.constant 0 : index
    %get3A_96 = vector.load %arg10[%get3A_94, %get3A_95] : memref<128x128xf32, #tpu.memory_space<vmem>>, vector<128x128xf32>
    %dot_general3A_97 = arith.constant dense<0.000000e+00> : vector<1000x128xf32>
    %dot_general3A_98 = tpu.matmul %select_n3A_93, %get3A_96, %dot_general3A_97 {dimension_numbers = #tpu.dot_dimension_numbers<[1], [0], [0], [1], [0, 0, 1, 1], [], []>, transpose_lhs_hint = false} : vector<1000x128xf32>, vector<128x128xf32>, vector<1000x128xf32> -> vector<1000x128xf32>
    %jit3A_99 = arith.constant 0.000000e+00 : f32
    %broadcast_in_dim3A_100 = vector.broadcast %jit3A_99 : f32 to vector<1000x128xf32>
    %select_n3A_101 = arith.select %eq3A_1, %broadcast_in_dim3A_100, %dot_general3A_98 : vector<1000x128xi1>, vector<1000x128xf32>
    %mul3A_102 = arith.mulf %select_n3A_101, %select_n3A_101 : vector<1000x128xf32>
    %reduce_sum3A_103 = arith.constant dense<0.000000e+00> : vector<1000xf32>
    %reduce_sum3A_104 = vector.multi_reduction <add>, %mul3A_102, %reduce_sum3A_103 [1] : vector<1000x128xf32> to vector<1000xf32>
    %broadcast_in_dim3A_105 = vector.shape_cast %reduce_sum3A_104 : vector<1000xf32> to vector<1000x1xf32>
    %sqrt3A_106 = math.sqrt %broadcast_in_dim3A_105 : vector<1000x1xf32>
    %max3A_107 = arith.constant 9.99999993E-9 : f32
    %max3A_108 = vector.broadcast %max3A_107 : f32 to vector<1000x1xf32>
    %max3A_109 = arith.maximumf %sqrt3A_106, %max3A_108 : vector<1000x1xf32>
    %iota3A_110 = tpu.iota {dimensions = array<i32: 1>} : vector<1000x128xi32>
    %eq3A_111 = arith.constant 0 : i32
    %eq3A_112 = vector.broadcast %eq3A_111 : i32 to vector<1000x128xi32>
    %eq3A_113 = arith.cmpi eq, %iota3A_110, %eq3A_112 : vector<1000x128xi32>
    %cos3A = math.cos %sqrt3A_106 : vector<1000x1xf32>
    %sin3A = math.sin %max3A_109 : vector<1000x1xf32>
    %div3A_114 = arith.divf %sin3A, %max3A_109 : vector<1000x1xf32>
    %mul3A_115 = vector.broadcast %div3A_114 : vector<1000x1xf32> to vector<1000x128xf32>
    %mul3A_116 = arith.mulf %mul3A_115, %select_n3A_101 : vector<1000x128xf32>
    %broadcast_in_dim3A_117 = vector.shape_cast %cos3A : vector<1000x1xf32> to vector<1000x1xf32>
    %broadcast_in_dim3A_118 = vector.broadcast %broadcast_in_dim3A_117 : vector<1000x1xf32> to vector<1000x128xf32>
    %select_n3A_119 = arith.select %eq3A_113, %broadcast_in_dim3A_118, %mul3A_116 : vector<1000x128xi1>, vector<1000x128xf32>
    %swap3A_120 = arith.constant 0 : index
    %swap3A_121 = arith.constant 0 : index
    %swap3A_122 = vector.load %arg12[%swap3A_120, %swap3A_121] : memref<1000x128xf32, #tpu.memory_space<vmem>>, vector<1000x128xf32>
    tpu.vector_store %arg12[%swap3A_120, %swap3A_121], %select_n3A_119 {strides = array<i32>} : memref<1000x128xf32, #tpu.memory_space<vmem>>, vector<1000x128xf32>,
    return
  }
  func.func @transform_0(%arg0: i32) -> (i32, i32) {
    %c0_i32 = arith.constant 0 : i32
    %c0_i32_0 = arith.constant 0 : i32
    return %arg0, %c0_i32 : i32, i32
  }
  func.func @transform_1(%arg0: i32) -> (i32, i32) {
    %c0_i32 = arith.constant 0 : i32
    %c0_i32_0 = arith.constant 0 : i32
    return %arg0, %c0_i32 : i32, i32
  }
  func.func @transform_2(%arg0: i32) -> (i32, i32, i32) {
    %jit3A = arith.constant 5 : i32
    %div3A = arith.divsi %arg0, %jit3A : i32
    %sign3A = arith.constant 0 : i32
    %sign3A_0 = arith.cmpi sgt, %arg0, %sign3A : i32
    %sign3A_1 = arith.extui %sign3A_0 : i1 to i32
    %sign3A_2 = arith.constant 0 : i32
    %sign3A_3 = arith.cmpi slt, %arg0, %sign3A_2 : i32
    %sign3A_4 = arith.extui %sign3A_3 : i1 to i32
    %sign3A_5 = arith.subi %sign3A_1, %sign3A_4 : i32
    %sign3A_6 = arith.constant 0 : i32
    %sign3A_7 = arith.cmpi sgt, %jit3A, %sign3A_6 : i32
    %sign3A_8 = arith.extui %sign3A_7 : i1 to i32
    %sign3A_9 = arith.constant 0 : i32
    %sign3A_10 = arith.cmpi slt, %jit3A, %sign3A_9 : i32
    %sign3A_11 = arith.extui %sign3A_10 : i1 to i32
    %sign3A_12 = arith.subi %sign3A_8, %sign3A_11 : i32
    %ne3A = arith.cmpi ne, %sign3A_5, %sign3A_12 : i32
    %rem3A = arith.remsi %arg0, %jit3A : i32
    %ne3A_13 = arith.constant 0 : i32
    %ne3A_14 = arith.cmpi ne, %rem3A, %ne3A_13 : i32
    %and3A = arith.andi %ne3A, %ne3A_14 : i1
    %sub3A = arith.constant 1 : i32
    %sub3A_15 = arith.subi %div3A, %sub3A : i32
    %select_n3A = arith.select %and3A, %sub3A_15, %div3A : i32
    %jit3A_16 = arith.constant 5 : i32
    %eq3A = arith.constant 0 : i32
    %eq3A_17 = arith.cmpi eq, %jit3A_16, %eq3A : i32
    %jit3A_18 = arith.constant 1 : i32
    %select_n3A_19 = arith.select %eq3A_17, %jit3A_18, %jit3A_16 : i32
    %rem3A_20 = arith.remsi %arg0, %select_n3A_19 : i32
    %ne3A_21 = arith.constant 0 : i32
    %ne3A_22 = arith.cmpi ne, %rem3A_20, %ne3A_21 : i32
    %lt3A = arith.constant 0 : i32
    %lt3A_23 = arith.cmpi slt, %rem3A_20, %lt3A : i32
    %lt3A_24 = arith.constant 0 : i32
    %lt3A_25 = arith.cmpi slt, %select_n3A_19, %lt3A_24 : i32
    %ne3A_26 = arith.xori %lt3A_23, %lt3A_25 : i1
    %and3A_27 = arith.andi %ne3A_26, %ne3A_22 : i1
    %add3A = arith.addi %rem3A_20, %select_n3A_19 : i32
    %select_n3A_28 = arith.select %and3A_27, %add3A, %rem3A_20 : i32
    %c0_i32 = arith.constant 0 : i32
    %c0_i32_29 = arith.constant 0 : i32
    return %select_n3A, %select_n3A_28, %c0_i32 : i32, i32, i32
  }
  func.func @transform_3(%arg0: i32) -> (i32, i32, i32) {
    %jit3A = arith.constant 5 : i32
    %div3A = arith.divsi %arg0, %jit3A : i32
    %sign3A = arith.constant 0 : i32
    %sign3A_0 = arith.cmpi sgt, %arg0, %sign3A : i32
    %sign3A_1 = arith.extui %sign3A_0 : i1 to i32
    %sign3A_2 = arith.constant 0 : i32
    %sign3A_3 = arith.cmpi slt, %arg0, %sign3A_2 : i32
    %sign3A_4 = arith.extui %sign3A_3 : i1 to i32
    %sign3A_5 = arith.subi %sign3A_1, %sign3A_4 : i32
    %sign3A_6 = arith.constant 0 : i32
    %sign3A_7 = arith.cmpi sgt, %jit3A, %sign3A_6 : i32
    %sign3A_8 = arith.extui %sign3A_7 : i1 to i32
    %sign3A_9 = arith.constant 0 : i32
    %sign3A_10 = arith.cmpi slt, %jit3A, %sign3A_9 : i32
    %sign3A_11 = arith.extui %sign3A_10 : i1 to i32
    %sign3A_12 = arith.subi %sign3A_8, %sign3A_11 : i32
    %ne3A = arith.cmpi ne, %sign3A_5, %sign3A_12 : i32
    %rem3A = arith.remsi %arg0, %jit3A : i32
    %ne3A_13 = arith.constant 0 : i32
    %ne3A_14 = arith.cmpi ne, %rem3A, %ne3A_13 : i32
    %and3A = arith.andi %ne3A, %ne3A_14 : i1
    %sub3A = arith.constant 1 : i32
    %sub3A_15 = arith.subi %div3A, %sub3A : i32
    %select_n3A = arith.select %and3A, %sub3A_15, %div3A : i32
    %jit3A_16 = arith.constant 5 : i32
    %eq3A = arith.constant 0 : i32
    %eq3A_17 = arith.cmpi eq, %jit3A_16, %eq3A : i32
    %jit3A_18 = arith.constant 1 : i32
    %select_n3A_19 = arith.select %eq3A_17, %jit3A_18, %jit3A_16 : i32
    %rem3A_20 = arith.remsi %arg0, %select_n3A_19 : i32
    %ne3A_21 = arith.constant 0 : i32
    %ne3A_22 = arith.cmpi ne, %rem3A_20, %ne3A_21 : i32
    %lt3A = arith.constant 0 : i32
    %lt3A_23 = arith.cmpi slt, %rem3A_20, %lt3A : i32
    %lt3A_24 = arith.constant 0 : i32
    %lt3A_25 = arith.cmpi slt, %select_n3A_19, %lt3A_24 : i32
    %ne3A_26 = arith.xori %lt3A_23, %lt3A_25 : i1
    %and3A_27 = arith.andi %ne3A_26, %ne3A_22 : i1
    %add3A = arith.addi %rem3A_20, %select_n3A_19 : i32
    %select_n3A_28 = arith.select %and3A_27, %add3A, %rem3A_20 : i32
    %c0_i32 = arith.constant 0 : i32
    %c0_i32_29 = arith.constant 0 : i32
    return %select_n3A, %select_n3A_28, %c0_i32 : i32, i32, i32
  }
  func.func @transform_4(%arg0: i32) -> (i32, i32, i32) {
    %jit3A = arith.constant 5 : i32
    %div3A = arith.divsi %arg0, %jit3A : i32
    %sign3A = arith.constant 0 : i32
    %sign3A_0 = arith.cmpi sgt, %arg0, %sign3A : i32
    %sign3A_1 = arith.extui %sign3A_0 : i1 to i32
    %sign3A_2 = arith.constant 0 : i32
    %sign3A_3 = arith.cmpi slt, %arg0, %sign3A_2 : i32
    %sign3A_4 = arith.extui %sign3A_3 : i1 to i32
    %sign3A_5 = arith.subi %sign3A_1, %sign3A_4 : i32
    %sign3A_6 = arith.constant 0 : i32
    %sign3A_7 = arith.cmpi sgt, %jit3A, %sign3A_6 : i32
    %sign3A_8 = arith.extui %sign3A_7 : i1 to i32
    %sign3A_9 = arith.constant 0 : i32
    %sign3A_10 = arith.cmpi slt, %jit3A, %sign3A_9 : i32
    %sign3A_11 = arith.extui %sign3A_10 : i1 to i32
    %sign3A_12 = arith.subi %sign3A_8, %sign3A_11 : i32
    %ne3A = arith.cmpi ne, %sign3A_5, %sign3A_12 : i32
    %rem3A = arith.remsi %arg0, %jit3A : i32
    %ne3A_13 = arith.constant 0 : i32
    %ne3A_14 = arith.cmpi ne, %rem3A, %ne3A_13 : i32
    %and3A = arith.andi %ne3A, %ne3A_14 : i1
    %sub3A = arith.constant 1 : i32
    %sub3A_15 = arith.subi %div3A, %sub3A : i32
    %select_n3A = arith.select %and3A, %sub3A_15, %div3A : i32
    %jit3A_16 = arith.constant 5 : i32
    %eq3A = arith.constant 0 : i32
    %eq3A_17 = arith.cmpi eq, %jit3A_16, %eq3A : i32
    %jit3A_18 = arith.constant 1 : i32
    %select_n3A_19 = arith.select %eq3A_17, %jit3A_18, %jit3A_16 : i32
    %rem3A_20 = arith.remsi %arg0, %select_n3A_19 : i32
    %ne3A_21 = arith.constant 0 : i32
    %ne3A_22 = arith.cmpi ne, %rem3A_20, %ne3A_21 : i32
    %lt3A = arith.constant 0 : i32
    %lt3A_23 = arith.cmpi slt, %rem3A_20, %lt3A : i32
    %lt3A_24 = arith.constant 0 : i32
    %lt3A_25 = arith.cmpi slt, %select_n3A_19, %lt3A_24 : i32
    %ne3A_26 = arith.xori %lt3A_23, %lt3A_25 : i1
    %and3A_27 = arith.andi %ne3A_26, %ne3A_22 : i1
    %add3A = arith.addi %rem3A_20, %select_n3A_19 : i32
    %select_n3A_28 = arith.select %and3A_27, %add3A, %rem3A_20 : i32
    %c0_i32 = arith.constant 0 : i32
    %c0_i32_29 = arith.constant 0 : i32
    return %select_n3A, %select_n3A_28, %c0_i32 : i32, i32, i32
  }
  func.func @transform_5(%arg0: i32) -> (i32, i32, i32) {
    %jit3A = arith.constant 5 : i32
    %div3A = arith.divsi %arg0, %jit3A : i32
    %sign3A = arith.constant 0 : i32
    %sign3A_0 = arith.cmpi sgt, %arg0, %sign3A : i32
    %sign3A_1 = arith.extui %sign3A_0 : i1 to i32
    %sign3A_2 = arith.constant 0 : i32
    %sign3A_3 = arith.cmpi slt, %arg0, %sign3A_2 : i32
    %sign3A_4 = arith.extui %sign3A_3 : i1 to i32
    %sign3A_5 = arith.subi %sign3A_1, %sign3A_4 : i32
    %sign3A_6 = arith.constant 0 : i32
    %sign3A_7 = arith.cmpi sgt, %jit3A, %sign3A_6 : i32
    %sign3A_8 = arith.extui %sign3A_7 : i1 to i32
    %sign3A_9 = arith.constant 0 : i32
    %sign3A_10 = arith.cmpi slt, %jit3A, %sign3A_9 : i32
    %sign3A_11 = arith.extui %sign3A_10 : i1 to i32
    %sign3A_12 = arith.subi %sign3A_8, %sign3A_11 : i32
    %ne3A = arith.cmpi ne, %sign3A_5, %sign3A_12 : i32
    %rem3A = arith.remsi %arg0, %jit3A : i32
    %ne3A_13 = arith.constant 0 : i32
    %ne3A_14 = arith.cmpi ne, %rem3A, %ne3A_13 : i32
    %and3A = arith.andi %ne3A, %ne3A_14 : i1
    %sub3A = arith.constant 1 : i32
    %sub3A_15 = arith.subi %div3A, %sub3A : i32
    %select_n3A = arith.select %and3A, %sub3A_15, %div3A : i32
    %jit3A_16 = arith.constant 5 : i32
    %eq3A = arith.constant 0 : i32
    %eq3A_17 = arith.cmpi eq, %jit3A_16, %eq3A : i32
    %jit3A_18 = arith.constant 1 : i32
    %select_n3A_19 = arith.select %eq3A_17, %jit3A_18, %jit3A_16 : i32
    %rem3A_20 = arith.remsi %arg0, %select_n3A_19 : i32
    %ne3A_21 = arith.constant 0 : i32
    %ne3A_22 = arith.cmpi ne, %rem3A_20, %ne3A_21 : i32
    %lt3A = arith.constant 0 : i32
    %lt3A_23 = arith.cmpi slt, %rem3A_20, %lt3A : i32
    %lt3A_24 = arith.constant 0 : i32
    %lt3A_25 = arith.cmpi slt, %select_n3A_19, %lt3A_24 : i32
    %ne3A_26 = arith.xori %lt3A_23, %lt3A_25 : i1
    %and3A_27 = arith.andi %ne3A_26, %ne3A_22 : i1
    %add3A = arith.addi %rem3A_20, %select_n3A_19 : i32
    %select_n3A_28 = arith.select %and3A_27, %add3A, %rem3A_20 : i32
    %c0_i32 = arith.constant 0 : i32
    %c0_i32_29 = arith.constant 0 : i32
    return %select_n3A, %select_n3A_28, %c0_i32 : i32, i32, i32
  }
  func.func @transform_6(%arg0: i32) -> (i32, i32) {
    %c0_i32 = arith.constant 0 : i32
    %c0_i32_0 = arith.constant 0 : i32
    %c0_i32_1 = arith.constant 0 : i32
    return %c0_i32, %c0_i32_0 : i32, i32
  }
  func.func @transform_7(%arg0: i32) -> (i32, i32) {
    %c0_i32 = arith.constant 0 : i32
    %c0_i32_0 = arith.constant 0 : i32
    %c0_i32_1 = arith.constant 0 : i32
    return %c0_i32, %c0_i32_0 : i32, i32
  }
  func.func @transform_8(%arg0: i32) -> (i32, i32) {
    %c0_i32 = arith.constant 0 : i32
    %c0_i32_0 = arith.constant 0 : i32
    %c0_i32_1 = arith.constant 0 : i32
    return %c0_i32, %c0_i32_0 : i32, i32
  }
  func.func @transform_9(%arg0: i32) -> (i32, i32) {
    %c0_i32 = arith.constant 0 : i32
    %c0_i32_0 = arith.constant 0 : i32
    %c0_i32_1 = arith.constant 0 : i32
    return %c0_i32, %c0_i32_0 : i32, i32
  }
  func.func @transform_10(%arg0: i32) -> (i32, i32) {
    %c0_i32 = arith.constant 0 : i32
    %c0_i32_0 = arith.constant 0 : i32
    return %arg0, %c0_i32 : i32, i32
  }
  func.func @transform_11(%arg0: i32) -> (i32, i32) {
    %c0_i32 = arith.constant 0 : i32
    %c0_i32_0 = arith.constant 0 : i32
    return %arg0, %c0_i32 : i32, i32
  }
}

</mosaic_0001>

<sc_bundles>
// kernel: kernel.10.cloned.1.call-start
scs
__scs_entry_jumppad:
0x0: {  	(pc) =	sbr.rel $0x88, $3  }
0x1: {  	(tag) =	ssettag $0x0;
	lr =	simm.s32 $0x1  }
0x2: {  	[smem:$0x3F96] =	sst lr;
	_ =	strace $0xD0000000  }
0x3: {  	_ = 	snop  }
0x4: {  	_ = 	snop  }
0x5: {  	_ = 	snop  }
0x6: {  	_ = 	snop  }
0x7: {  	_ = 	snop  }
__scs_overlays_trampoline_lowered:
0x8: {  	[smem:$0x3FA5] =	sst s0  }
0x9: {  	[smem:$0x3FA6] =	sst s1  }
0xa: {  	[smem:$0x3FA7] =	sst s2  }
0xb: {  	[smem:$0x3FA8] =	sst s3  }
0xc: {  	[smem:$0x3FA9] =	sst s4  }
0xd: {  	[smem:$0x3FAA] =	sst s5  }
0xe: {  	[smem:$0x3FAB] =	sst s6  }
0xf: {  	[smem:$0x3FAC] =	sst s7  }
0x10: {  	[smem:$0x3FAD] =	sst s8  }
0x11: {  	[smem:$0x3FAE] =	sst s9;
	s0 =	simm.s32 @!p0 $0x0  }
0x12: {  	s1 =	sld [smem:$0x3F94];
	s0 =	simm.s32 @p0 $0x1  }
0x13: {  	[smem:$0x3FAF] =	sst s0;
	s0 =	simm.s32 @!p1 $0x0  }
0x14: {  	s2 =	sld [smem:$0x3F93];
	s0 =	simm.s32 @p1 $0x1  }
0x15: {  	[smem:$0x3FB0] =	sst s0;
	s0 =	simm.s32 @!p2 $0x0  }
0x16: {  	s3 =	sld [smem:$0x3FDB];
	s0 =	simm.s32 @p2 $0x1  }
0x17: {  	s4 =	simm.s32 $0x1BF5;
	[smem:$0x3FB2] =	sst s0  }
0x18: {  	s0 =	sld [smem:$0x3F95];
	_ =	swait.ge [sflag:s4], $0x0  }
0x19: {  	s7 =	sld [smem:$0x3F96]  }
0x1a: {  	s8 =	sadd.s32 $0xFFFFE003, lr  }
0x1b: {  	s9 =	sadd.s32 $0xFFFFFEF7, lr;
	s5 =	simm.s32 $0xFFFFFFFF;
	p2 =	slt.u32 s8, $0xFFFFF086  }
0x1c: {  	p1 =	slt.u32 s9, $0xF7A;
	s5 =	simm.s32 @!p2 $0x0  }
0x1d: {  	s5 =	simm.s32 @p1 $0x1;
	p0 =	seq.s32 s7, s2  }
0x1e: {  	s7 =	smul.u32 @!p0 $0xF7A, s2;
	p2 =	seq.s32 @!p0 s5, $0x0  }
0x1f: {  	s9 =	smul.u32 $0xF7A, s1;
	s8 =	simm.s32 @!p0 $0x1BF5;
	p2 =	por !p2, p0  }
0x20: {  	[sflag:s8] =	ssyncset.s32 @!p0 $0xFFFFF086;
	s6 =	sadd.s32 @!p0 s3, s7;
	s7 =	simm.s32 @!p0 $0x108  }
0x21: {  	s3 =	sadd.s32 s3, s9;
	s6 =	sadd.s32 @!p0 $0x88, s6;
	s7 =	simm.s32 @p2 $0x1082  }
0x22: {  	[simem:s7], [sflag:s8] =	dma.local @!p0 [hbm:s6], $0xF7A  }
0x23: {  	s9 =	sor.u32 $0xD0000000, s2;
	s6 =	simm.s32 $0x108;
	_ =	swait.ge @!p0 [sflag:s8], $0x0  }
0x24: {  	s3 =	sadd.s32 $0x88, s3;
	s6 =	simm.s32 @!p1 $0x1082;
	[sflag:s4] =	ssyncset.s32 $0xFFFFF086  }
0x25: {  	[simem:s6], [sflag:s4] =	dma.local [hbm:s3], $0xF7A  }
0x26: {  	[smem:$0x3F96] =	sst s1;
	(tag) =	ssettag s2;
	_ =	strace s9  }
0x27: {  	s1 =	sld [smem:$0x3FA6]  }
0x28: {  	s2 =	sld [smem:$0x3FA7]  }
0x29: {  	s4 =	sld [smem:$0x3FA9]  }
0x2a: {  	p0 =	seq.s32 s5, $0x0;
	s5 =	sld [smem:$0x3FAA]  }
0x2b: {  	s6 =	sld [smem:$0x3FAB]  }
0x2c: {  	s7 =	sld [smem:$0x3FAC]  }
0x2d: {  	s3 =	simm.s32 $0x108;
	s8 =	sld [smem:$0x3FAD]  }
0x2e: {  	s3 =	simm.s32 @!p0 $0x1082;
	s9 =	sld [smem:$0x3FAE]  }
0x2f: {  	lr =	sadd.s32 s0, s3;
	s0 =	sld [smem:$0x3FA5]  }
0x30: {  	s3 =	sld [smem:$0x3FA8]  }
0x31: {  	[smem:$0x3FB1] =	sst s10  }
0x32: {  	s10 =	sld [smem:$0x3FAF];
	_ =	sdelay $0x3  }
0x33: {  	p0 =	seq.s32 s10, $0x1;
	s10 =	sld [smem:$0x3FB1];
	_ =	sdelay $0x3  }
0x34: {  	[smem:$0x3FB1] =	sst s10  }
0x35: {  	s10 =	sld [smem:$0x3FB0];
	_ =	sdelay $0x3  }
0x36: {  	p1 =	seq.s32 s10, $0x1;
	s10 =	sld [smem:$0x3FB1];
	_ =	sdelay $0x3  }
0x37: {  	[smem:$0x3FB1] =	sst s10  }
0x38: {  	s10 =	sld [smem:$0x3FB2]  }
0x39: {  	_ = 	snop;
	(pc) =	sbr.ind lr, $3  }
0x3a: {  	_ = 	snop  }
0x3b: {  	_ = 	snop  }
0x3c: {  	p2 =	seq.s32 s10, $0x1;
	s10 =	sld [smem:$0x3FB1]  }
0x3d: {  	_ =	shalt  }
0x3e: {  	_ =	shalt  }
0x3f: {  	_ =	shalt  }
0x40: {  	_ =	shalt  }
0x41: {  	_ =	shalt  }
0x42: {  	_ =	shalt  }
0x43: {  	_ =	shalt  }
0x44: {  	_ =	shalt  }
0x45: {  	_ =	shalt  }
0x46: {  	_ =	shalt  }
0x47: {  	_ =	shalt  }
0x48: {  	_ =	shalt  }
0x49: {  	_ =	shalt  }
0x4a: {  	_ =	shalt  }
0x4b: {  	_ =	shalt  }
0x4c: {  	_ =	shalt  }
0x4d: {  	_ =	shalt  }
0x4e: {  	_ =	shalt  }
0x4f: {  	_ =	shalt  }
0x50: {  	_ =	shalt  }
0x51: {  	_ =	shalt  }
0x52: {  	_ =	shalt  }
0x53: {  	_ =	shalt  }
0x54: {  	_ =	shalt  }
0x55: {  	_ =	shalt  }
0x56: {  	_ =	shalt  }
0x57: {  	_ =	shalt  }
0x58: {  	_ =	shalt  }
0x59: {  	_ =	shalt  }
0x5a: {  	_ =	shalt  }
0x5b: {  	_ =	shalt  }
0x5c: {  	_ =	shalt  }
0x5d: {  	_ =	shalt  }
0x5e: {  	_ =	shalt  }
0x5f: {  	_ =	shalt  }
0x60: {  	_ =	shalt  }
0x61: {  	_ =	shalt  }
0x62: {  	_ =	shalt  }
0x63: {  	_ =	shalt  }
0x64: {  	_ =	shalt  }
0x65: {  	_ =	shalt  }
0x66: {  	_ =	shalt  }
0x67: {  	_ =	shalt  }
0x68: {  	_ =	shalt  }
0x69: {  	_ =	shalt  }
0x6a: {  	_ =	shalt  }
0x6b: {  	_ =	shalt  }
0x6c: {  	_ =	shalt  }
0x6d: {  	_ =	shalt  }
0x6e: {  	_ =	shalt  }
0x6f: {  	_ =	shalt  }
0x70: {  	_ =	shalt  }
0x71: {  	_ =	shalt  }
0x72: {  	_ =	shalt  }
0x73: {  	_ =	shalt  }
0x74: {  	_ =	shalt  }
0x75: {  	_ =	shalt  }
0x76: {  	_ =	shalt  }
0x77: {  	_ =	shalt  }
0x78: {  	_ =	shalt  }
0x79: {  	_ =	shalt  }
0x7a: {  	_ =	shalt  }
0x7b: {  	_ =	shalt  }
0x7c: {  	_ =	shalt  }
0x7d: {  	_ =	shalt  }
0x7e: {  	_ =	shalt  }
0x7f: {  	_ =	shalt  }
0x80: {  	_ =	shalt  }
0x81: {  	_ =	shalt  }
0x82: {  	_ =	shalt  }
0x83: {  	_ =	shalt  }
0x84: {  	_ =	shalt  }
0x85: {  	_ =	shalt  }
0x86: {  	_ =	shalt  }
0x87: {  	_ =	shalt  }
.Lfunc_end0:
.L_simem_size_0:
called_computation.1_lowered:
.L_overlay_start_0:
0x88: {  	s2 =	sld [smem:$0x3FD9]  }
0x89: {  	s3 =	sld [smem:$0x3FFE];
	_ =	sdelay $0x1  }
0x8a: {  	s1 =	srdreg.scid  }
0x8b: {  	s0 =	sand.u32 $0x1, s1  }
0x8c: {  	s14 =	sshll.u32 s0, $0xA;
	s2 =	sadd.s32 s3, s2  }
0x8d: {  	s2 =	sadd.s32 s2, s14  }
0x8e: {  	[smem:$0x3FBD] =	sst s2  }
0x8f: {  	_ = 	snop  }
0x90: {  	s2 =	sld [smem:$0x3FD0];
	_ =	sdelay $0x2  }
0x91: {  	s15 =	simm.s32 $0xA;
	s4 =	simm.s32 $0x10  }
0x92: {  	[smem:s4], [sflag:s15] =	dma.local [hbm:s2], $0x1  }
0x93: {  	_ =	swait.eq [sflag:s15], $0x1  }
0x94: {  	[sflag:s15] =	ssyncset.done $0x0  }
0x95: {  	s16 =	sld [smem:$0x11];
	[sflag:s15] =	ssyncadd.s32 $0xFFFFFFFF  }
0x96: {  	s17 =	sld [smem:$0x12];
	(tm) =	ssettm $0x1  }
0x97: {  	s18 =	sld [smem:$0x3FFB];
	_ =	sdelay $0x3  }
0x98: {  	_ =	strace s18  }
0x99: {  	s4 =	sld [smem:$0x3FFC];
	_ =	sdelay $0x3  }
0x9a: {  	_ =	strace s4  }
0x9b: {  	s4 =	sld [smem:$0x3FFD];
	_ =	sdelay $0x3  }
0x9c: {  	_ =	strace s4  }
0x9d: {  	_ =	strace $0x8FFFFFFF  }
0x9e: {  	s19 =	sld [smem:$0x3FDB];
	_ =	sdelay $0x1  }
0x9f: {  	s5 =	simm.s32 $_scs_section_size  }
0xa0: {  	s6 =	simm.s32 $_size__tile_overlayer_lowered;
	s7 =	simm.s32 $_tile_overlayer_lowered  }
0xa1: {  	s22 =	simm.s32 $0x1BFF;
	s21 =	sshll.u32 s7, $0x1;
	s4 =	sadd.s32 s5, s19  }
0xa2: {  	s8 =	simm.s32 $0x0;
	s20 =	sshll.u32 s6, $0x1;
	s6 =	sadd.s32 s21, s4  }
0xa3: {  	[timem:s8], [sflag:s22] =	dma.local [hbm:s6], s20  }
0xa4: {  	_ =	swait.ge [sflag:s22], s20  }
0xa5: {  	s5 =	ssub.s32 $0x0, s20;
	[sflag:s22] =	ssyncset.done $0x0  }
0xa6: {  	[sflag:s22] =	ssyncadd.s32 s5;
	_ =	sdelay $0x1  }
0xa7: {  	s23 =	simm.s32 $0x1B8B  }
0xa8: {  	_ =	swait.ge [sflag:s23], $0x1  }
0xa9: {  	[sflag:s23] =	ssyncset.done $0x0  }
0xaa: {  	s25 =	simm.s32 $0x1B8E;
	s24 =	sld [smem:$0x3FFE];
	[sflag:s23] =	ssyncadd.s32 $0xFFFFFFFF  }
0xab: {  	s26 =	simm.s32 $execute0_lowered;
	[smem:$0x3FD2] =	sst s25  }
0xac: {  	s6 =	sshll.u32 s26, $0x1;
	_ =	strace $0x80000049;
	[dreg:$0x1] =	wrdreg $0xFFFFFFFF  }
0xad: {  	s28 =	simm.s32 $_size_execute0_lowered;
	s4 =	sadd.s32 s4, s6;
	[dreg:$0x0] =	wrdreg $0x0  }
0xae: {  	s6 =	sshll.u32 s28, $0x1;
	[dreg:$0x2] =	wrdreg s4  }
0xaf: {  	[dreg:$0x3] =	wrdreg s6  }
0xb0: {  	[dreg:$0x4] =	wrdreg $0xC0  }
0xb1: {  	_ =	task [dreg:s8], $0x5FFFF  }
0xb2: {  	[dreg:$0x1] =	wrdreg $0xFFFFFFFF  }
0xb3: {  	[dreg:$0x0] =	wrdreg $0x60  }
0xb4: {  	[dreg:$0x2] =	wrdreg s17  }
0xb5: {  	[dreg:$0x3] =	wrdreg s16  }
0xb6: {  	[dreg:$0x4] =	wrdreg s24  }
0xb7: {  	[dreg:$0x5] =	wrdreg $0x128000  }
0xb8: {  	[dreg:$0x6] =	wrdreg $0x9  }
0xb9: {  	_ =	task.clear_ibuf [dreg:s8], $0x7FFFF;
	_ =	strace $0x90000049  }
0xba: {  	s29 =	simm.s32 $0x9;
	_ =	strace $0x8000004B  }
0xbb: {  	_ =	swait.ge [sflag:s29], $0x1  }
0xbc: {  	[sflag:s29] =	ssyncadd.s32 $0xFFFFFFFF  }
0xbd: {  	_ =	strace $0x9000004B  }
0xbe: {  	_ =	sfence  }
0xbf: {  	s30 =	sld [smem:$0x0];
	_ =	sdelay $0x2  }
0xc0: {  	s31 =	sshll.u32 s1, $0xD;
	s1 =	sshrl.u32 s1, $0x2  }
0xc1: {  	s3 =	sand.u32 $0x4000, s31;
	s1 =	sadd.s32 s1, s30  }
0xc2: {  	s0 =	sor.u32 s3, s0;
	s1 =	sshll.u32 s1, $0x11  }
0xc3: {  	s0 =	sor.u32 s1, s0  }
0xc4: {  	s0 =	sadd.s32 $0x8F2B, s0  }
0xc5: {  	[sflag:s0] =	ssyncadd.remote.s32 $0x1  }
0xc6: {  	_ =	sfence.sel $0xFFFF  }
0xc7: {  	[dreg:$0x0] =	wrdreg $0xFFFFFFFF;
	(pc) =	sbr.abs _section_cstart, $3  }
0xc8: {  	[dreg:$0x1] =	wrdreg $0xFFFFFFFF  }
0xc9: {  	_ =	task.clear_ibuf [dreg:s8], $0x2FFFF;
	_ =	strace $0x9FFFFFFF  }
0xca: {  	(tm) =	ssettm $0x7FFFFFFF  }
0xcb: {  	_ =	shalt  }
tec
execute0_lowered:
.L_overlay_start_1:
0x0: {  	(tag) =	ssettag $0x1  }
0x1: {  	s1 =	rddreg [dreg:$0x0]  }
0x2: {  	s3 =	rddreg [dreg:$0x1]  }
0x3: {  	s0 =	rddreg [dreg:$0x2]  }
0x4: {  	s4 =	rddreg [dreg:$0x3]  }
0x5: {  	s13 =	stileid.u32;
	s2 =	srdreg.scid;
	s5 =	simm.s32 $0x0  }
0x6: {  	s28 =	simm.s32 $0x1;
	s30 =	simm.s32 $0xA800;
	s31 =	simm.s32 $0x2  }
0x7: {  	s29 =	simm.s32 $0x4;
	s6 =	smul.u32 $0x5000, s13;
	s2 =	sand.u32 $0x1, s2  }
0x8: {  	[smem:$0x7FF] =	sst s5;
	s8 =	sshll.u32 s13, $0x7;
	s9 =	smul.u32 $0xA000, s13  }
0x9: {  	s17 =	sshll.u32 s13, $0x6;
	s7 =	smul.u32 $0x50000, s2;
	_ =	strace $0x8000004A  }
0xa: {  	s10 =	smul.u32 $0xA0000, s2;
	s11 =	sadd.s32 s8, s0;
	s14 =	ssub.s32 $0x2, s2  }
0xb: {  	s2 =	sshll.u32 s2, $0xB;
	s8 =	sshrl.u32 s9, $0x3;
	s15 =	sshrl.u32 s14, $0x1  }
0xc: {  	s2 =	sadd.s32 s2, s11;
	s18 =	sadd.s32 $0x5200, s11;
	s11 =	simm.s32 $0x2680  }
0xd: {  	s7 =	sadd.s32 s6, s7;
	s6 =	sshrl.u32 s6, $0x3;
	s9 =	sadd.s32 s9, s10  }
0xe: {  	s10 =	smul.u32 $0x28000, s13;
	[dreg:$0x6] =	wrdreg s18;
	s2 =	sadd.s32 $0x5A00, s2  }
0xf: {  	s13 =	simm.s32 $0x2780;
	s7 =	sshrl.u32 s7, $0x3;
	s6 =	sadd.s32 s6, s0  }
0x10: {  	[dreg:$0x7] =	wrdreg s2;
	s2 =	simm.s32 $0xE800;
	s12 =	sadd.s32 s7, s0  }
0x11: {  	s7 =	sadd.s32 s8, s0;
	s8 =	sshrl.u32 s9, $0x3;
	s9 =	sshrl.u32 s10, $0x2  }
0x12: {  	s10 =	ssub.s32 s14, s15;
	s20 =	sadd.s32 $0x6A00, s6;
	s22 =	sadd.s32 $0x6C80, s6  }
0x13: {  	s24 =	sadd.s32 $0x6F00, s6;
	s26 =	sadd.s32 $0x7180, s6;
	[dreg:$0x9] =	wrdreg s20  }
0x14: {  	s6 =	simm.s32 $0x1300;
	s14 =	simm.s32 $0x0;
	[dreg:$0xb] =	wrdreg s22  }
0x15: {  	s0 =	sadd.s32 s8, s0;
	s16 =	sadd.s32 s9, s4;
	[dreg:$0xd] =	wrdreg s24  }
0x16: {  	s7 =	sadd.s32 $0x24A00, s7;
	s8 =	sor.u32 $0x1C05, s17;
	[dreg:$0xf] =	wrdreg s26  }
0x17: {  	s21 =	sadd.s32 $0x10A00, s12;
	s23 =	sadd.s32 $0x10C80, s12;
	[dreg:$0x5] =	wrdreg s16  }
0x18: {  	s25 =	sadd.s32 $0x10F00, s12;
	s22 =	simm.s32 $0x5;
	[dreg:$0xa] =	wrdreg s21  }
0x19: {  	s24 =	simm.s32 $0x80;
	s26 =	simm.s32 $0x6800;
	[dreg:$0xc] =	wrdreg s23  }
0x1a: {  	s9 =	simm.s32 $0x2600;
	s19 =	sadd.s32 $0x88A00, s0;
	[dreg:$0xe] =	wrdreg s25  }
0x1b: {  	s20 =	sadd.s32 $0xB0A00, s0;
	s21 =	smax.u32 s10, $0x1;
	s23 =	simm.s32 $0x1400  }
0x1c: {  	s25 =	simm.s32 $0x2800;
	s0 =	simm.s32 $0x3;
	s10 =	simm.s32 $0x1380  }
0x1d: {  	[dreg:$0x8] =	wrdreg s19;
	s19 =	sadd.s32 $0x11180, s12;
	s12 =	simm.s32 $0x2700  }
.LBB2_1:
0x1e: {  	s15 =	rddreg [dreg:$0x5]  }
0x1f: {  	s15 =	sshrl.u32 s15, $0x3  }
0x20: {  	[spmem:s15], [sflag:s8] =	dma.local [hbm:s7], $0x1400  }
0x21: {  	_ =	swait.ge [sflag:s22], $0x1400  }
0x22: {  	[sflag:s22] =	ssyncset.done $0x0  }
0x23: {  	s16 =	rddreg [dreg:$0x6];
	[sflag:s22] =	ssyncadd.s32 $0xFFFFEC00  }
0x24: {  	[tilespmem:s5], [sflag:$0x5] =	stream.linear.gather [hbm4b:s16+s5], $0x400, $0x38;
	[tilespmem:$0x1C800] =	vst v63  }
0x25: {  	_ =	swait.ge [sflag:s22], $0x400  }
0x26: {  	[sflag:s22] =	ssyncset.done $0x0  }
0x27: {  	s18 =	rddreg [dreg:$0x7];
	[sflag:s22] =	ssyncadd.s32 $0xFFFFFC00  }
0x28: {  	[tilespmem:s23], [sflag:$0x5] =	stream.linear.gather [hbm4b:s18+s5], $0x400, $0x38;
	[tilespmem:$0x1C800] =	vst v63  }
0x29: {  	_ =	swait.ge [sflag:s22], $0x400  }
0x2a: {  	[sflag:s22] =	ssyncset.done $0x0  }
0x2b: {  	[sflag:s22] =	ssyncadd.s32 $0xFFFFFC00  }
0x2c: {  	[tilespmem:s25], [sflag:$0x1] =	stream.indirect.gather [hbm4b:s1+s24], $0x80, s5, s24, $0xb8;
	[tilespmem:$0x1C800] =	vst v63  }
0x2d: {  	_ = 	snop  }
0x2e: {  	[tilespmem:s26], [sflag:$0x2] =	stream.indirect.gather [hbm4b:s1+s24], $0x80, s24, s24, $0xb8;
	[tilespmem:$0x1C800] =	vst v63  }
0x2f: {  	[bflag:$0x0] =	sbarrier.arrive $0xFFFF  }
0x30: {  	_ =	swait.ge [sflag:s28], $0x4000  }
0x31: {  	[sflag:s28] =	ssyncset.done $0x0  }
0x32: {  	s17 =	simm.s32 $0x100;
	[sflag:s28] =	ssyncadd.s32 $0xFFFFC000  }
0x33: {  	[tilespmem:s30], [sflag:$0x3] =	stream.indirect.gather [hbm4b:s1+s24], $0x80, s17, s24, $0xb8;
	[tilespmem:$0x1C800] =	vst v63  }
0x34: {  	_ = 	snop  }
0x35: {  	[spmem:s4] =	stream.indirect.scatter.add.f32 [tilespmem:s25], [sflag:$0x5], $0x80, s23, s24, $0xb8;
	[tilespmem:$0x1C800] =	vst v63  }
0x36: {  	_ =	swait.ge [sflag:s22], $0x4000  }
0x37: {  	[sflag:s22] =	ssyncset.done $0x0  }
0x38: {  	[sflag:s22] =	ssyncadd.s32 $0xFFFFC000  }
0x39: {  	_ =	swait.ge [sflag:s31], $0x4000  }
0x3a: {  	[sflag:s31] =	ssyncset.done $0x0  }
0x3b: {  	s18 =	simm.s32 $0x180;
	[sflag:s31] =	ssyncadd.s32 $0xFFFFC000  }
0x3c: {  	[tilespmem:s2], [sflag:$0x4] =	stream.indirect.gather [hbm4b:s1+s24], $0x80, s18, s24, $0xb8;
	[tilespmem:$0x1C800] =	vst v63  }
0x3d: {  	s17 =	simm.s32 $0x1480  }
0x3e: {  	[spmem:s4] =	stream.indirect.scatter.add.f32 [tilespmem:s26], [sflag:$0x5], $0x80, s17, s24, $0xb8;
	[tilespmem:$0x1C800] =	vst v63  }
0x3f: {  	_ =	swait.ge [sflag:s22], $0x4000  }
0x40: {  	[sflag:s22] =	ssyncset.done $0x0  }
0x41: {  	[sflag:s22] =	ssyncadd.s32 $0xFFFFC000  }
0x42: {  	_ =	swait.ge [sflag:s0], $0x4000  }
0x43: {  	[sflag:s0] =	ssyncset.done $0x0  }
0x44: {  	s18 =	simm.s32 $0x200;
	[sflag:s0] =	ssyncadd.s32 $0xFFFFC000  }
0x45: {  	[tilespmem:s25], [sflag:$0x1] =	stream.indirect.gather [hbm4b:s1+s24], $0x80, s18, s24, $0xb8;
	[tilespmem:$0x1C800] =	vst v63  }
0x46: {  	s17 =	simm.s32 $0x1500  }
0x47: {  	[spmem:s4] =	stream.indirect.scatter.add.f32 [tilespmem:s30], [sflag:$0x5], $0x80, s17, s24, $0xb8;
	[tilespmem:$0x1C800] =	vst v63  }
0x48: {  	_ =	swait.ge [sflag:s22], $0x4000  }
0x49: {  	[sflag:s22] =	ssyncset.done $0x0  }
0x4a: {  	[sflag:s22] =	ssyncadd.s32 $0xFFFFC000  }
0x4b: {  	_ =	swait.ge [sflag:s29], $0x4000  }
0x4c: {  	[sflag:s29] =	ssyncset.done $0x0  }
0x4d: {  	s18 =	simm.s32 $0x280;
	[sflag:s29] =	ssyncadd.s32 $0xFFFFC000  }
0x4e: {  	[tilespmem:s26], [sflag:$0x2] =	stream.indirect.gather [hbm4b:s1+s24], $0x80, s18, s24, $0xb8;
	[tilespmem:$0x1C800] =	vst v63  }
0x4f: {  	s17 =	simm.s32 $0x1580  }
0x50: {  	[spmem:s4] =	stream.indirect.scatter.add.f32 [tilespmem:s2], [sflag:$0x5], $0x80, s17, s24, $0xb8;
	[tilespmem:$0x1C800] =	vst v63  }
0x51: {  	_ =	swait.ge [sflag:s22], $0x4000  }
0x52: {  	[sflag:s22] =	ssyncset.done $0x0  }
0x53: {  	[sflag:s22] =	ssyncadd.s32 $0xFFFFC000  }
0x54: {  	_ =	swait.ge [sflag:s28], $0x4000  }
0x55: {  	[sflag:s28] =	ssyncset.done $0x0  }
0x56: {  	s18 =	simm.s32 $0x300;
	[sflag:s28] =	ssyncadd.s32 $0xFFFFC000  }
0x57: {  	[tilespmem:s30], [sflag:$0x3] =	stream.indirect.gather [hbm4b:s1+s24], $0x80, s18, s24, $0xb8;
	[tilespmem:$0x1C800] =	vst v63  }
0x58: {  	s17 =	simm.s32 $0x1600  }
0x59: {  	[spmem:s4] =	stream.indirect.scatter.add.f32 [tilespmem:s25], [sflag:$0x5], $0x80, s17, s24, $0xb8;
	[tilespmem:$0x1C800] =	vst v63  }
0x5a: {  	_ =	swait.ge [sflag:s22], $0x4000  }
0x5b: {  	[sflag:s22] =	ssyncset.done $0x0  }
0x5c: {  	[sflag:s22] =	ssyncadd.s32 $0xFFFFC000  }
0x5d: {  	_ =	swait.ge [sflag:s31], $0x4000  }
0x5e: {  	[sflag:s31] =	ssyncset.done $0x0  }
0x5f: {  	s18 =	simm.s32 $0x380;
	[sflag:s31] =	ssyncadd.s32 $0xFFFFC000  }
0x60: {  	[tilespmem:s2], [sflag:$0x4] =	stream.indirect.gather [hbm4b:s1+s24], $0x80, s18, s24, $0xb8;
	[tilespmem:$0x1C800] =	vst v63  }
0x61: {  	s17 =	simm.s32 $0x1680  }
0x62: {  	[spmem:s4] =	stream.indirect.scatter.add.f32 [tilespmem:s26], [sflag:$0x5], $0x80, s17, s24, $0xb8;
	[tilespmem:$0x1C800] =	vst v63  }
0x63: {  	_ =	swait.ge [sflag:s22], $0x4000  }
0x64: {  	[sflag:s22] =	ssyncset.done $0x0  }
0x65: {  	[sflag:s22] =	ssyncadd.s32 $0xFFFFC000  }
0x66: {  	_ =	swait.ge [sflag:s0], $0x4000  }
0x67: {  	[sflag:s0] =	ssyncset.done $0x0  }
0x68: {  	s18 =	simm.s32 $0x1700;
	[sflag:s0] =	ssyncadd.s32 $0xFFFFC000  }
0x69: {  	[spmem:s4] =	stream.indirect.scatter.add.f32 [tilespmem:s30], [sflag:$0x5], $0x80, s18, s24, $0xb8;
	[tilespmem:$0x1C800] =	vst v63  }
0x6a: {  	_ =	swait.ge [sflag:s22], $0x4000  }
0x6b: {  	[sflag:s22] =	ssyncset.done $0x0  }
0x6c: {  	[sflag:s22] =	ssyncadd.s32 $0xFFFFC000  }
0x6d: {  	_ =	swait.ge [sflag:s29], $0x4000  }
0x6e: {  	[sflag:s29] =	ssyncset.done $0x0  }
0x6f: {  	s17 =	simm.s32 $0x1780;
	[sflag:s29] =	ssyncadd.s32 $0xFFFFC000  }
0x70: {  	[spmem:s4] =	stream.indirect.scatter.add.f32 [tilespmem:s2], [sflag:$0x5], $0x80, s17, s24, $0xb8;
	[tilespmem:$0x1C800] =	vst v63  }
0x71: {  	_ =	swait.ge [sflag:s22], $0x4000  }
0x72: {  	[sflag:s22] =	ssyncset.done $0x0  }
0x73: {  	[sflag:s22] =	ssyncadd.s32 $0xFFFFC000  }
0x74: {  	[bflag:$0x0] =	sbarrier.arrive $0xFFFF  }
0x75: {  	s18 =	rddreg [dreg:$0x8]  }
0x76: {  	[hbm:s18], [sflag:s8] =	dma.local [spmem:s15], $0x1400  }
0x77: {  	_ =	swait.ge [sflag:s22], $0x1400  }
0x78: {  	[sflag:s22] =	ssyncset.done $0x0  }
0x79: {  	[sflag:s22] =	ssyncadd.s32 $0xFFFFEC00  }
0x7a: {  	[spmem:s15], [sflag:s8] =	dma.local [hbm:s7], $0x1400  }
0x7b: {  	_ =	swait.ge [sflag:s22], $0x1400  }
0x7c: {  	[sflag:s22] =	ssyncset.done $0x0  }
0x7d: {  	s17 =	rddreg [dreg:$0x9];
	[sflag:s22] =	ssyncadd.s32 $0xFFFFEC00  }
0x7e: {  	[tilespmem:s5], [sflag:$0x5] =	stream.linear.gather [hbm4b:s17+s5], $0x1400, $0x38;
	[tilespmem:$0x1C800] =	vst v63  }
0x7f: {  	_ =	swait.ge [sflag:s22], $0x1400  }
0x80: {  	[sflag:s22] =	ssyncset.done $0x0  }
0x81: {  	s18 =	rddreg [dreg:$0xa];
	[sflag:s22] =	ssyncadd.s32 $0xFFFFEC00  }
0x82: {  	[tilespmem:s23], [sflag:$0x5] =	stream.linear.gather [hbm4b:s18+s5], $0x1400, $0x38;
	[tilespmem:$0x1C800] =	vst v63  }
0x83: {  	_ =	swait.ge [sflag:s22], $0x1400  }
0x84: {  	[sflag:s22] =	ssyncset.done $0x0  }
0x85: {  	[sflag:s22] =	ssyncadd.s32 $0xFFFFEC00  }
0x86: {  	[tilespmem:s25], [sflag:$0x1] =	stream.indirect.gather [hbm4b:s3+s24], $0x80, s5, s24, $0xb8;
	[tilespmem:$0x1C800] =	vst v63  }
0x87: {  	_ = 	snop  }
0x88: {  	[tilespmem:s26], [sflag:$0x2] =	stream.indirect.gather [hbm4b:s3+s24], $0x80, s24, s24, $0xb8;
	[tilespmem:$0x1C800] =	vst v63  }
0x89: {  	[bflag:$0x0] =	sbarrier.arrive $0xFFFF  }
0x8a: {  	_ =	swait.ge [sflag:s28], $0x4000  }
0x8b: {  	[sflag:s28] =	ssyncset.done $0x0  }
0x8c: {  	s17 =	simm.s32 $0x100;
	[sflag:s28] =	ssyncadd.s32 $0xFFFFC000  }
0x8d: {  	[tilespmem:s30], [sflag:$0x3] =	stream.indirect.gather [hbm4b:s3+s24], $0x80, s17, s24, $0xb8;
	[tilespmem:$0x1C800] =	vst v63  }
0x8e: {  	s18 =	simm.s32 $0x1400  }
0x8f: {  	[spmem:s4] =	stream.indirect.scatter.add.f32 [tilespmem:s25], [sflag:$0x5], $0x80, s18, s24, $0xb8;
	[tilespmem:$0x1C800] =	vst v63  }
0x90: {  	_ =	swait.ge [sflag:s22], $0x4000  }
0x91: {  	[sflag:s22] =	ssyncset.done $0x0  }
0x92: {  	[sflag:s22] =	ssyncadd.s32 $0xFFFFC000  }
0x93: {  	_ =	swait.ge [sflag:s31], $0x4000  }
0x94: {  	[sflag:s31] =	ssyncset.done $0x0  }
0x95: {  	s17 =	simm.s32 $0x180;
	[sflag:s31] =	ssyncadd.s32 $0xFFFFC000  }
0x96: {  	[tilespmem:s2], [sflag:$0x4] =	stream.indirect.gather [hbm4b:s3+s24], $0x80, s17, s24, $0xb8;
	[tilespmem:$0x1C800] =	vst v63  }
0x97: {  	s18 =	simm.s32 $0x1480  }
0x98: {  	[spmem:s4] =	stream.indirect.scatter.add.f32 [tilespmem:s26], [sflag:$0x5], $0x80, s18, s24, $0xb8;
	[tilespmem:$0x1C800] =	vst v63  }
0x99: {  	_ =	swait.ge [sflag:s22], $0x4000  }
0x9a: {  	[sflag:s22] =	ssyncset.done $0x0  }
0x9b: {  	[sflag:s22] =	ssyncadd.s32 $0xFFFFC000  }
0x9c: {  	_ =	swait.ge [sflag:s0], $0x4000  }
0x9d: {  	[sflag:s0] =	ssyncset.done $0x0  }
0x9e: {  	s17 =	simm.s32 $0x200;
	[sflag:s0] =	ssyncadd.s32 $0xFFFFC000  }
0x9f: {  	[tilespmem:s25], [sflag:$0x1] =	stream.indirect.gather [hbm4b:s3+s24], $0x80, s17, s24, $0xb8;
	[tilespmem:$0x1C800] =	vst v63  }
0xa0: {  	s18 =	simm.s32 $0x1500  }
0xa1: {  	[spmem:s4] =	stream.indirect.scatter.add.f32 [tilespmem:s30], [sflag:$0x5], $0x80, s18, s24, $0xb8;
	[tilespmem:$0x1C800] =	vst v63  }
0xa2: {  	_ =	swait.ge [sflag:s22], $0x4000  }
0xa3: {  	[sflag:s22] =	ssyncset.done $0x0  }
0xa4: {  	[sflag:s22] =	ssyncadd.s32 $0xFFFFC000  }
0xa5: {  	_ =	swait.ge [sflag:s29], $0x4000  }
0xa6: {  	[sflag:s29] =	ssyncset.done $0x0  }
0xa7: {  	s17 =	simm.s32 $0x280;
	[sflag:s29] =	ssyncadd.s32 $0xFFFFC000  }
0xa8: {  	[tilespmem:s26], [sflag:$0x2] =	stream.indirect.gather [hbm4b:s3+s24], $0x80, s17, s24, $0xb8;
	[tilespmem:$0x1C800] =	vst v63  }
0xa9: {  	s18 =	simm.s32 $0x1580  }
0xaa: {  	[spmem:s4] =	stream.indirect.scatter.add.f32 [tilespmem:s2], [sflag:$0x5], $0x80, s18, s24, $0xb8;
	[tilespmem:$0x1C800] =	vst v63  }
0xab: {  	_ =	swait.ge [sflag:s22], $0x4000  }
0xac: {  	s16 =	simm.s32 $0x800;
	[sflag:s22] =	ssyncset.done $0x0  }
.LBB2_2:
0xad: {  	p0 =	sne.s32 s16, $0x4000  }
0xae: {  	[sflag:s22] =	ssyncadd.s32 $0xFFFFC000;
	s17 =	smov.u32 s16;
	s16 =	sadd.s32 $0x800, s16  }
0xaf: {  	_ = 	snop  }
0xb0: {  	_ =	swait.ge [sflag:s28], $0x4000  }
0xb1: {  	s17 =	sshra.s32 s17, $0x2;
	[sflag:s28] =	ssyncset.done $0x0  }
0xb2: {  	s18 =	sadd.s32 $0x100, s17;
	[sflag:s28] =	ssyncadd.s32 $0xFFFFC000  }
0xb3: {  	[tilespmem:s30], [sflag:$0x3] =	stream.indirect.gather [hbm4b:s3+s24], $0x80, s18, s24, $0xb8;
	[tilespmem:$0x1C800] =	vst v63  }
0xb4: {  	s18 =	sadd.s32 $0x1400, s17  }
0xb5: {  	[spmem:s4] =	stream.indirect.scatter.add.f32 [tilespmem:s25], [sflag:$0x5], $0x80, s18, s24, $0xb8;
	[tilespmem:$0x1C800] =	vst v63  }
0xb6: {  	_ =	swait.ge [sflag:s22], $0x4000  }
0xb7: {  	[sflag:s22] =	ssyncset.done $0x0  }
0xb8: {  	[sflag:s22] =	ssyncadd.s32 $0xFFFFC000  }
0xb9: {  	_ =	swait.ge [sflag:s31], $0x4000  }
0xba: {  	[sflag:s31] =	ssyncset.done $0x0  }
0xbb: {  	s18 =	sadd.s32 $0x180, s17;
	[sflag:s31] =	ssyncadd.s32 $0xFFFFC000  }
0xbc: {  	[tilespmem:s2], [sflag:$0x4] =	stream.indirect.gather [hbm4b:s3+s24], $0x80, s18, s24, $0xb8;
	[tilespmem:$0x1C800] =	vst v63  }
0xbd: {  	s18 =	sadd.s32 $0x1480, s17  }
0xbe: {  	[spmem:s4] =	stream.indirect.scatter.add.f32 [tilespmem:s26], [sflag:$0x5], $0x80, s18, s24, $0xb8;
	[tilespmem:$0x1C800] =	vst v63  }
0xbf: {  	_ =	swait.ge [sflag:s22], $0x4000  }
0xc0: {  	[sflag:s22] =	ssyncset.done $0x0  }
0xc1: {  	[sflag:s22] =	ssyncadd.s32 $0xFFFFC000  }
0xc2: {  	_ =	swait.ge [sflag:s0], $0x4000  }
0xc3: {  	[sflag:s0] =	ssyncset.done $0x0  }
0xc4: {  	s18 =	sadd.s32 $0x200, s17;
	[sflag:s0] =	ssyncadd.s32 $0xFFFFC000  }
0xc5: {  	[tilespmem:s25], [sflag:$0x1] =	stream.indirect.gather [hbm4b:s3+s24], $0x80, s18, s24, $0xb8;
	[tilespmem:$0x1C800] =	vst v63  }
0xc6: {  	s18 =	sadd.s32 $0x1500, s17  }
0xc7: {  	[spmem:s4] =	stream.indirect.scatter.add.f32 [tilespmem:s30], [sflag:$0x5], $0x80, s18, s24, $0xb8;
	[tilespmem:$0x1C800] =	vst v63  }
0xc8: {  	_ =	swait.ge [sflag:s22], $0x4000  }
0xc9: {  	[sflag:s22] =	ssyncset.done $0x0  }
0xca: {  	[sflag:s22] =	ssyncadd.s32 $0xFFFFC000  }
0xcb: {  	_ =	swait.ge [sflag:s29], $0x4000  }
0xcc: {  	[sflag:s29] =	ssyncset.done $0x0  }
0xcd: {  	s18 =	sadd.s32 $0x280, s17;
	[sflag:s29] =	ssyncadd.s32 $0xFFFFC000  }
0xce: {  	[tilespmem:s26], [sflag:$0x2] =	stream.indirect.gather [hbm4b:s3+s24], $0x80, s18, s24, $0xb8;
	[tilespmem:$0x1C800] =	vst v63  }
.Ltmp0:
0xcf: {  	_ = 	snop;
	(pc) =	sbr.rel @p0 .LBB2_2-.Ltmp0, $4  }
0xd0: {  	s17 =	sadd.s32 $0x1580, s17  }
0xd1: {  	[spmem:s4] =	stream.indirect.scatter.add.f32 [tilespmem:s2], [sflag:$0x5], $0x80, s17, s24, $0xb8;
	[tilespmem:$0x1C800] =	vst v63  }
0xd2: {  	_ =	swait.ge [sflag:s22], $0x4000  }
0xd3: {  	[sflag:s22] =	ssyncset.done $0x0  }
0xd4: {  	[sflag:s22] =	ssyncadd.s32 $0xFFFFC000  }
0xd5: {  	_ =	swait.ge [sflag:s28], $0x4000  }
0xd6: {  	[sflag:s28] =	ssyncset.done $0x0  }
0xd7: {  	[sflag:s28] =	ssyncadd.s32 $0xFFFFC000  }
0xd8: {  	[tilespmem:s30], [sflag:$0x3] =	stream.indirect.gather [hbm4b:s3+s24], $0x80, s6, s24, $0xb8;
	[tilespmem:$0x1C800] =	vst v63  }
0xd9: {  	_ = 	snop  }
0xda: {  	[spmem:s4] =	stream.indirect.scatter.add.f32 [tilespmem:s25], [sflag:$0x5], $0x80, s9, s24, $0xb8;
	[tilespmem:$0x1C800] =	vst v63  }
0xdb: {  	_ =	swait.ge [sflag:s22], $0x4000  }
0xdc: {  	[sflag:s22] =	ssyncset.done $0x0  }
0xdd: {  	[sflag:s22] =	ssyncadd.s32 $0xFFFFC000  }
0xde: {  	_ =	swait.ge [sflag:s31], $0x4000  }
0xdf: {  	[sflag:s31] =	ssyncset.done $0x0  }
0xe0: {  	[sflag:s31] =	ssyncadd.s32 $0xFFFFC000  }
0xe1: {  	[tilespmem:s2], [sflag:$0x4] =	stream.indirect.gather [hbm4b:s3+s24], $0x80, s10, s24, $0xb8;
	[tilespmem:$0x1C800] =	vst v63  }
0xe2: {  	_ = 	snop  }
0xe3: {  	[spmem:s4] =	stream.indirect.scatter.add.f32 [tilespmem:s26], [sflag:$0x5], $0x80, s11, s24, $0xb8;
	[tilespmem:$0x1C800] =	vst v63  }
0xe4: {  	_ =	swait.ge [sflag:s22], $0x4000  }
0xe5: {  	[sflag:s22] =	ssyncset.done $0x0  }
0xe6: {  	[sflag:s22] =	ssyncadd.s32 $0xFFFFC000  }
0xe7: {  	_ =	swait.ge [sflag:s0], $0x4000  }
0xe8: {  	[sflag:s0] =	ssyncset.done $0x0  }
0xe9: {  	[sflag:s0] =	ssyncadd.s32 $0xFFFFC000  }
0xea: {  	[spmem:s4] =	stream.indirect.scatter.add.f32 [tilespmem:s30], [sflag:$0x5], $0x80, s12, s24, $0xb8;
	[tilespmem:$0x1C800] =	vst v63  }
0xeb: {  	_ =	swait.ge [sflag:s22], $0x4000  }
0xec: {  	[sflag:s22] =	ssyncset.done $0x0  }
0xed: {  	[sflag:s22] =	ssyncadd.s32 $0xFFFFC000  }
0xee: {  	_ =	swait.ge [sflag:s29], $0x4000  }
0xef: {  	[sflag:s29] =	ssyncset.done $0x0  }
0xf0: {  	[sflag:s29] =	ssyncadd.s32 $0xFFFFC000  }
0xf1: {  	[spmem:s4] =	stream.indirect.scatter.add.f32 [tilespmem:s2], [sflag:$0x5], $0x80, s13, s24, $0xb8;
	[tilespmem:$0x1C800] =	vst v63  }
0xf2: {  	_ =	swait.ge [sflag:s22], $0x4000  }
0xf3: {  	[sflag:s22] =	ssyncset.done $0x0  }
0xf4: {  	s16 =	simm.s32 $0x0;
	s17 =	rddreg [dreg:$0xb];
	[sflag:s22] =	ssyncadd.s32 $0xFFFFC000  }
0xf5: {  	[tilespmem:s16], [sflag:$0x5] =	stream.linear.gather [hbm4b:s17+s16], $0x1400, $0x38;
	[tilespmem:$0x1C800] =	vst v63  }
0xf6: {  	_ =	swait.ge [sflag:s22], $0x1400  }
0xf7: {  	[sflag:s22] =	ssyncset.done $0x0  }
0xf8: {  	s18 =	rddreg [dreg:$0xc];
	[sflag:s22] =	ssyncadd.s32 $0xFFFFEC00  }
0xf9: {  	[tilespmem:s23], [sflag:$0x5] =	stream.linear.gather [hbm4b:s18+s16], $0x1400, $0x38;
	[tilespmem:$0x1C800] =	vst v63  }
0xfa: {  	_ =	swait.ge [sflag:s22], $0x1400  }
0xfb: {  	[sflag:s22] =	ssyncset.done $0x0  }
0xfc: {  	[sflag:s22] =	ssyncadd.s32 $0xFFFFEC00  }
0xfd: {  	[tilespmem:s25], [sflag:$0x1] =	stream.indirect.gather [hbm4b:s3+s24], $0x80, s16, s24, $0xb8;
	[tilespmem:$0x1C800] =	vst v63  }
0xfe: {  	_ = 	snop  }
0xff: {  	[tilespmem:s26], [sflag:$0x2] =	stream.indirect.gather [hbm4b:s3+s24], $0x80, s24, s24, $0xb8;
	[tilespmem:$0x1C800] =	vst v63  }
0x100: {  	_ =	swait.ge [sflag:s28], $0x4000  }
0x101: {  	[sflag:s28] =	ssyncset.done $0x0  }
0x102: {  	s17 =	simm.s32 $0x100;
	[sflag:s28] =	ssyncadd.s32 $0xFFFFC000  }
0x103: {  	[tilespmem:s30], [sflag:$0x3] =	stream.indirect.gather [hbm4b:s3+s24], $0x80, s17, s24, $0xb8;
	[tilespmem:$0x1C800] =	vst v63  }
0x104: {  	s18 =	simm.s32 $0x1400  }
0x105: {  	[spmem:s4] =	stream.indirect.scatter.add.f32 [tilespmem:s25], [sflag:$0x5], $0x80, s18, s24, $0xb8;
	[tilespmem:$0x1C800] =	vst v63  }
0x106: {  	_ =	swait.ge [sflag:s22], $0x4000  }
0x107: {  	[sflag:s22] =	ssyncset.done $0x0  }
0x108: {  	[sflag:s22] =	ssyncadd.s32 $0xFFFFC000  }
0x109: {  	_ =	swait.ge [sflag:s31], $0x4000  }
0x10a: {  	[sflag:s31] =	ssyncset.done $0x0  }
0x10b: {  	s17 =	simm.s32 $0x180;
	[sflag:s31] =	ssyncadd.s32 $0xFFFFC000  }
0x10c: {  	[tilespmem:s2], [sflag:$0x4] =	stream.indirect.gather [hbm4b:s3+s24], $0x80, s17, s24, $0xb8;
	[tilespmem:$0x1C800] =	vst v63  }
0x10d: {  	s18 =	simm.s32 $0x1480  }
0x10e: {  	[spmem:s4] =	stream.indirect.scatter.add.f32 [tilespmem:s26], [sflag:$0x5], $0x80, s18, s24, $0xb8;
	[tilespmem:$0x1C800] =	vst v63  }
0x10f: {  	_ =	swait.ge [sflag:s22], $0x4000  }
0x110: {  	[sflag:s22] =	ssyncset.done $0x0  }
0x111: {  	[sflag:s22] =	ssyncadd.s32 $0xFFFFC000  }
0x112: {  	_ =	swait.ge [sflag:s0], $0x4000  }
0x113: {  	[sflag:s0] =	ssyncset.done $0x0  }
0x114: {  	s17 =	simm.s32 $0x200;
	[sflag:s0] =	ssyncadd.s32 $0xFFFFC000  }
0x115: {  	[tilespmem:s25], [sflag:$0x1] =	stream.indirect.gather [hbm4b:s3+s24], $0x80, s17, s24, $0xb8;
	[tilespmem:$0x1C800] =	vst v63  }
0x116: {  	s18 =	simm.s32 $0x1500  }
0x117: {  	[spmem:s4] =	stream.indirect.scatter.add.f32 [tilespmem:s30], [sflag:$0x5], $0x80, s18, s24, $0xb8;
	[tilespmem:$0x1C800] =	vst v63  }
0x118: {  	_ =	swait.ge [sflag:s22], $0x4000  }
0x119: {  	[sflag:s22] =	ssyncset.done $0x0  }
0x11a: {  	[sflag:s22] =	ssyncadd.s32 $0xFFFFC000  }
0x11b: {  	_ =	swait.ge [sflag:s29], $0x4000  }
0x11c: {  	[sflag:s29] =	ssyncset.done $0x0  }
0x11d: {  	s17 =	simm.s32 $0x280;
	[sflag:s29] =	ssyncadd.s32 $0xFFFFC000  }
0x11e: {  	[tilespmem:s26], [sflag:$0x2] =	stream.indirect.gather [hbm4b:s3+s24], $0x80, s17, s24, $0xb8;
	[tilespmem:$0x1C800] =	vst v63  }
0x11f: {  	s18 =	simm.s32 $0x1580  }
0x120: {  	[spmem:s4] =	stream.indirect.scatter.add.f32 [tilespmem:s2], [sflag:$0x5], $0x80, s18, s24, $0xb8;
	[tilespmem:$0x1C800] =	vst v63  }
0x121: {  	_ =	swait.ge [sflag:s22], $0x4000  }
0x122: {  	s16 =	simm.s32 $0x800;
	[sflag:s22] =	ssyncset.done $0x0  }
.LBB2_4:
0x123: {  	p0 =	sne.s32 s16, $0x4000  }
0x124: {  	[sflag:s22] =	ssyncadd.s32 $0xFFFFC000;
	s17 =	smov.u32 s16;
	s16 =	sadd.s32 $0x800, s16  }
0x125: {  	_ = 	snop  }
0x126: {  	_ =	swait.ge [sflag:s28], $0x4000  }
0x127: {  	s17 =	sshra.s32 s17, $0x2;
	[sflag:s28] =	ssyncset.done $0x0  }
0x128: {  	s18 =	sadd.s32 $0x100, s17;
	[sflag:s28] =	ssyncadd.s32 $0xFFFFC000  }
0x129: {  	[tilespmem:s30], [sflag:$0x3] =	stream.indirect.gather [hbm4b:s3+s24], $0x80, s18, s24, $0xb8;
	[tilespmem:$0x1C800] =	vst v63  }
0x12a: {  	s18 =	sadd.s32 $0x1400, s17  }
0x12b: {  	[spmem:s4] =	stream.indirect.scatter.add.f32 [tilespmem:s25], [sflag:$0x5], $0x80, s18, s24, $0xb8;
	[tilespmem:$0x1C800] =	vst v63  }
0x12c: {  	_ =	swait.ge [sflag:s22], $0x4000  }
0x12d: {  	[sflag:s22] =	ssyncset.done $0x0  }
0x12e: {  	[sflag:s22] =	ssyncadd.s32 $0xFFFFC000  }
0x12f: {  	_ =	swait.ge [sflag:s31], $0x4000  }
0x130: {  	[sflag:s31] =	ssyncset.done $0x0  }
0x131: {  	s18 =	sadd.s32 $0x180, s17;
	[sflag:s31] =	ssyncadd.s32 $0xFFFFC000  }
0x132: {  	[tilespmem:s2], [sflag:$0x4] =	stream.indirect.gather [hbm4b:s3+s24], $0x80, s18, s24, $0xb8;
	[tilespmem:$0x1C800] =	vst v63  }
0x133: {  	s18 =	sadd.s32 $0x1480, s17  }
0x134: {  	[spmem:s4] =	stream.indirect.scatter.add.f32 [tilespmem:s26], [sflag:$0x5], $0x80, s18, s24, $0xb8;
	[tilespmem:$0x1C800] =	vst v63  }
0x135: {  	_ =	swait.ge [sflag:s22], $0x4000  }
0x136: {  	[sflag:s22] =	ssyncset.done $0x0  }
0x137: {  	[sflag:s22] =	ssyncadd.s32 $0xFFFFC000  }
0x138: {  	_ =	swait.ge [sflag:s0], $0x4000  }
0x139: {  	[sflag:s0] =	ssyncset.done $0x0  }
0x13a: {  	s18 =	sadd.s32 $0x200, s17;
	[sflag:s0] =	ssyncadd.s32 $0xFFFFC000  }
0x13b: {  	[tilespmem:s25], [sflag:$0x1] =	stream.indirect.gather [hbm4b:s3+s24], $0x80, s18, s24, $0xb8;
	[tilespmem:$0x1C800] =	vst v63  }
0x13c: {  	s18 =	sadd.s32 $0x1500, s17  }
0x13d: {  	[spmem:s4] =	stream.indirect.scatter.add.f32 [tilespmem:s30], [sflag:$0x5], $0x80, s18, s24, $0xb8;
	[tilespmem:$0x1C800] =	vst v63  }
0x13e: {  	_ =	swait.ge [sflag:s22], $0x4000  }
0x13f: {  	[sflag:s22] =	ssyncset.done $0x0  }
0x140: {  	[sflag:s22] =	ssyncadd.s32 $0xFFFFC000  }
0x141: {  	_ =	swait.ge [sflag:s29], $0x4000  }
0x142: {  	[sflag:s29] =	ssyncset.done $0x0  }
0x143: {  	s18 =	sadd.s32 $0x280, s17;
	[sflag:s29] =	ssyncadd.s32 $0xFFFFC000  }
0x144: {  	[tilespmem:s26], [sflag:$0x2] =	stream.indirect.gather [hbm4b:s3+s24], $0x80, s18, s24, $0xb8;
	[tilespmem:$0x1C800] =	vst v63  }
.Ltmp1:
0x145: {  	_ = 	snop;
	(pc) =	sbr.rel @p0 .LBB2_4-.Ltmp1, $4  }
0x146: {  	s17 =	sadd.s32 $0x1580, s17  }
0x147: {  	[spmem:s4] =	stream.indirect.scatter.add.f32 [tilespmem:s2], [sflag:$0x5], $0x80, s17, s24, $0xb8;
	[tilespmem:$0x1C800] =	vst v63  }
0x148: {  	_ =	swait.ge [sflag:s22], $0x4000  }
0x149: {  	[sflag:s22] =	ssyncset.done $0x0  }
0x14a: {  	[sflag:s22] =	ssyncadd.s32 $0xFFFFC000  }
0x14b: {  	_ =	swait.ge [sflag:s28], $0x4000  }
0x14c: {  	[sflag:s28] =	ssyncset.done $0x0  }
0x14d: {  	[sflag:s28] =	ssyncadd.s32 $0xFFFFC000  }
0x14e: {  	[tilespmem:s30], [sflag:$0x3] =	stream.indirect.gather [hbm4b:s3+s24], $0x80, s6, s24, $0xb8;
	[tilespmem:$0x1C800] =	vst v63  }
0x14f: {  	_ = 	snop  }
0x150: {  	[spmem:s4] =	stream.indirect.scatter.add.f32 [tilespmem:s25], [sflag:$0x5], $0x80, s9, s24, $0xb8;
	[tilespmem:$0x1C800] =	vst v63  }
0x151: {  	_ =	swait.ge [sflag:s22], $0x4000  }
0x152: {  	[sflag:s22] =	ssyncset.done $0x0  }
0x153: {  	[sflag:s22] =	ssyncadd.s32 $0xFFFFC000  }
0x154: {  	_ =	swait.ge [sflag:s31], $0x4000  }
0x155: {  	[sflag:s31] =	ssyncset.done $0x0  }
0x156: {  	[sflag:s31] =	ssyncadd.s32 $0xFFFFC000  }
0x157: {  	[tilespmem:s2], [sflag:$0x4] =	stream.indirect.gather [hbm4b:s3+s24], $0x80, s10, s24, $0xb8;
	[tilespmem:$0x1C800] =	vst v63  }
0x158: {  	_ = 	snop  }
0x159: {  	[spmem:s4] =	stream.indirect.scatter.add.f32 [tilespmem:s26], [sflag:$0x5], $0x80, s11, s24, $0xb8;
	[tilespmem:$0x1C800] =	vst v63  }
0x15a: {  	_ =	swait.ge [sflag:s22], $0x4000  }
0x15b: {  	[sflag:s22] =	ssyncset.done $0x0  }
0x15c: {  	[sflag:s22] =	ssyncadd.s32 $0xFFFFC000  }
0x15d: {  	_ =	swait.ge [sflag:s0], $0x4000  }
0x15e: {  	[sflag:s0] =	ssyncset.done $0x0  }
0x15f: {  	[sflag:s0] =	ssyncadd.s32 $0xFFFFC000  }
0x160: {  	[spmem:s4] =	stream.indirect.scatter.add.f32 [tilespmem:s30], [sflag:$0x5], $0x80, s12, s24, $0xb8;
	[tilespmem:$0x1C800] =	vst v63  }
0x161: {  	_ =	swait.ge [sflag:s22], $0x4000  }
0x162: {  	[sflag:s22] =	ssyncset.done $0x0  }
0x163: {  	[sflag:s22] =	ssyncadd.s32 $0xFFFFC000  }
0x164: {  	_ =	swait.ge [sflag:s29], $0x4000  }
0x165: {  	[sflag:s29] =	ssyncset.done $0x0  }
0x166: {  	[sflag:s29] =	ssyncadd.s32 $0xFFFFC000  }
0x167: {  	[spmem:s4] =	stream.indirect.scatter.add.f32 [tilespmem:s2], [sflag:$0x5], $0x80, s13, s24, $0xb8;
	[tilespmem:$0x1C800] =	vst v63  }
0x168: {  	_ =	swait.ge [sflag:s22], $0x4000  }
0x169: {  	[sflag:s22] =	ssyncset.done $0x0  }
0x16a: {  	s16 =	simm.s32 $0x0;
	s17 =	rddreg [dreg:$0xd];
	[sflag:s22] =	ssyncadd.s32 $0xFFFFC000  }
0x16b: {  	[tilespmem:s16], [sflag:$0x5] =	stream.linear.gather [hbm4b:s17+s16], $0x1400, $0x38;
	[tilespmem:$0x1C800] =	vst v63  }
0x16c: {  	_ =	swait.ge [sflag:s22], $0x1400  }
0x16d: {  	[sflag:s22] =	ssyncset.done $0x0  }
0x16e: {  	s18 =	rddreg [dreg:$0xe];
	[sflag:s22] =	ssyncadd.s32 $0xFFFFEC00  }
0x16f: {  	[tilespmem:s23], [sflag:$0x5] =	stream.linear.gather [hbm4b:s18+s16], $0x1400, $0x38;
	[tilespmem:$0x1C800] =	vst v63  }
0x170: {  	_ =	swait.ge [sflag:s22], $0x1400  }
0x171: {  	[sflag:s22] =	ssyncset.done $0x0  }
0x172: {  	[sflag:s22] =	ssyncadd.s32 $0xFFFFEC00  }
0x173: {  	[tilespmem:s25], [sflag:$0x1] =	stream.indirect.gather [hbm4b:s3+s24], $0x80, s16, s24, $0xb8;
	[tilespmem:$0x1C800] =	vst v63  }
0x174: {  	_ = 	snop  }
0x175: {  	[tilespmem:s26], [sflag:$0x2] =	stream.indirect.gather [hbm4b:s3+s24], $0x80, s24, s24, $0xb8;
	[tilespmem:$0x1C800] =	vst v63  }
0x176: {  	_ =	swait.ge [sflag:s28], $0x4000  }
0x177: {  	[sflag:s28] =	ssyncset.done $0x0  }
0x178: {  	s17 =	simm.s32 $0x100;
	[sflag:s28] =	ssyncadd.s32 $0xFFFFC000  }
0x179: {  	[tilespmem:s30], [sflag:$0x3] =	stream.indirect.gather [hbm4b:s3+s24], $0x80, s17, s24, $0xb8;
	[tilespmem:$0x1C800] =	vst v63  }
0x17a: {  	s18 =	simm.s32 $0x1400  }
0x17b: {  	[spmem:s4] =	stream.indirect.scatter.add.f32 [tilespmem:s25], [sflag:$0x5], $0x80, s18, s24, $0xb8;
	[tilespmem:$0x1C800] =	vst v63  }
0x17c: {  	_ =	swait.ge [sflag:s22], $0x4000  }
0x17d: {  	[sflag:s22] =	ssyncset.done $0x0  }
0x17e: {  	[sflag:s22] =	ssyncadd.s32 $0xFFFFC000  }
0x17f: {  	_ =	swait.ge [sflag:s31], $0x4000  }
0x180: {  	[sflag:s31] =	ssyncset.done $0x0  }
0x181: {  	s17 =	simm.s32 $0x180;
	[sflag:s31] =	ssyncadd.s32 $0xFFFFC000  }
0x182: {  	[tilespmem:s2], [sflag:$0x4] =	stream.indirect.gather [hbm4b:s3+s24], $0x80, s17, s24, $0xb8;
	[tilespmem:$0x1C800] =	vst v63  }
0x183: {  	s18 =	simm.s32 $0x1480  }
0x184: {  	[spmem:s4] =	stream.indirect.scatter.add.f32 [tilespmem:s26], [sflag:$0x5], $0x80, s18, s24, $0xb8;
	[tilespmem:$0x1C800] =	vst v63  }
0x185: {  	_ =	swait.ge [sflag:s22], $0x4000  }
0x186: {  	[sflag:s22] =	ssyncset.done $0x0  }
0x187: {  	[sflag:s22] =	ssyncadd.s32 $0xFFFFC000  }
0x188: {  	_ =	swait.ge [sflag:s0], $0x4000  }
0x189: {  	[sflag:s0] =	ssyncset.done $0x0  }
0x18a: {  	s17 =	simm.s32 $0x200;
	[sflag:s0] =	ssyncadd.s32 $0xFFFFC000  }
0x18b: {  	[tilespmem:s25], [sflag:$0x1] =	stream.indirect.gather [hbm4b:s3+s24], $0x80, s17, s24, $0xb8;
	[tilespmem:$0x1C800] =	vst v63  }
0x18c: {  	s18 =	simm.s32 $0x1500  }
0x18d: {  	[spmem:s4] =	stream.indirect.scatter.add.f32 [tilespmem:s30], [sflag:$0x5], $0x80, s18, s24, $0xb8;
	[tilespmem:$0x1C800] =	vst v63  }
0x18e: {  	_ =	swait.ge [sflag:s22], $0x4000  }
0x18f: {  	[sflag:s22] =	ssyncset.done $0x0  }
0x190: {  	[sflag:s22] =	ssyncadd.s32 $0xFFFFC000  }
0x191: {  	_ =	swait.ge [sflag:s29], $0x4000  }
0x192: {  	[sflag:s29] =	ssyncset.done $0x0  }
0x193: {  	s17 =	simm.s32 $0x280;
	[sflag:s29] =	ssyncadd.s32 $0xFFFFC000  }
0x194: {  	[tilespmem:s26], [sflag:$0x2] =	stream.indirect.gather [hbm4b:s3+s24], $0x80, s17, s24, $0xb8;
	[tilespmem:$0x1C800] =	vst v63  }
0x195: {  	s18 =	simm.s32 $0x1580  }
0x196: {  	[spmem:s4] =	stream.indirect.scatter.add.f32 [tilespmem:s2], [sflag:$0x5], $0x80, s18, s24, $0xb8;
	[tilespmem:$0x1C800] =	vst v63  }
0x197: {  	_ =	swait.ge [sflag:s22], $0x4000  }
0x198: {  	s16 =	simm.s32 $0x800;
	[sflag:s22] =	ssyncset.done $0x0  }
.LBB2_6:
0x199: {  	p0 =	sne.s32 s16, $0x4000  }
0x19a: {  	[sflag:s22] =	ssyncadd.s32 $0xFFFFC000;
	s17 =	smov.u32 s16;
	s16 =	sadd.s32 $0x800, s16  }
0x19b: {  	_ = 	snop  }
0x19c: {  	_ =	swait.ge [sflag:s28], $0x4000  }
0x19d: {  	s17 =	sshra.s32 s17, $0x2;
	[sflag:s28] =	ssyncset.done $0x0  }
0x19e: {  	s18 =	sadd.s32 $0x100, s17;
	[sflag:s28] =	ssyncadd.s32 $0xFFFFC000  }
0x19f: {  	[tilespmem:s30], [sflag:$0x3] =	stream.indirect.gather [hbm4b:s3+s24], $0x80, s18, s24, $0xb8;
	[tilespmem:$0x1C800] =	vst v63  }
0x1a0: {  	s18 =	sadd.s32 $0x1400, s17  }
0x1a1: {  	[spmem:s4] =	stream.indirect.scatter.add.f32 [tilespmem:s25], [sflag:$0x5], $0x80, s18, s24, $0xb8;
	[tilespmem:$0x1C800] =	vst v63  }
0x1a2: {  	_ =	swait.ge [sflag:s22], $0x4000  }
0x1a3: {  	[sflag:s22] =	ssyncset.done $0x0  }
0x1a4: {  	[sflag:s22] =	ssyncadd.s32 $0xFFFFC000  }
0x1a5: {  	_ =	swait.ge [sflag:s31], $0x4000  }
0x1a6: {  	[sflag:s31] =	ssyncset.done $0x0  }
0x1a7: {  	s18 =	sadd.s32 $0x180, s17;
	[sflag:s31] =	ssyncadd.s32 $0xFFFFC000  }
0x1a8: {  	[tilespmem:s2], [sflag:$0x4] =	stream.indirect.gather [hbm4b:s3+s24], $0x80, s18, s24, $0xb8;
	[tilespmem:$0x1C800] =	vst v63  }
0x1a9: {  	s18 =	sadd.s32 $0x1480, s17  }
0x1aa: {  	[spmem:s4] =	stream.indirect.scatter.add.f32 [tilespmem:s26], [sflag:$0x5], $0x80, s18, s24, $0xb8;
	[tilespmem:$0x1C800] =	vst v63  }
0x1ab: {  	_ =	swait.ge [sflag:s22], $0x4000  }
0x1ac: {  	[sflag:s22] =	ssyncset.done $0x0  }
0x1ad: {  	[sflag:s22] =	ssyncadd.s32 $0xFFFFC000  }
0x1ae: {  	_ =	swait.ge [sflag:s0], $0x4000  }
0x1af: {  	[sflag:s0] =	ssyncset.done $0x0  }
0x1b0: {  	s18 =	sadd.s32 $0x200, s17;
	[sflag:s0] =	ssyncadd.s32 $0xFFFFC000  }
0x1b1: {  	[tilespmem:s25], [sflag:$0x1] =	stream.indirect.gather [hbm4b:s3+s24], $0x80, s18, s24, $0xb8;
	[tilespmem:$0x1C800] =	vst v63  }
0x1b2: {  	s18 =	sadd.s32 $0x1500, s17  }
0x1b3: {  	[spmem:s4] =	stream.indirect.scatter.add.f32 [tilespmem:s30], [sflag:$0x5], $0x80, s18, s24, $0xb8;
	[tilespmem:$0x1C800] =	vst v63  }
0x1b4: {  	_ =	swait.ge [sflag:s22], $0x4000  }
0x1b5: {  	[sflag:s22] =	ssyncset.done $0x0  }
0x1b6: {  	[sflag:s22] =	ssyncadd.s32 $0xFFFFC000  }
0x1b7: {  	_ =	swait.ge [sflag:s29], $0x4000  }
0x1b8: {  	[sflag:s29] =	ssyncset.done $0x0  }
0x1b9: {  	s18 =	sadd.s32 $0x280, s17;
	[sflag:s29] =	ssyncadd.s32 $0xFFFFC000  }
0x1ba: {  	[tilespmem:s26], [sflag:$0x2] =	stream.indirect.gather [hbm4b:s3+s24], $0x80, s18, s24, $0xb8;
	[tilespmem:$0x1C800] =	vst v63  }
.Ltmp2:
0x1bb: {  	_ = 	snop;
	(pc) =	sbr.rel @p0 .LBB2_6-.Ltmp2, $4  }
0x1bc: {  	s17 =	sadd.s32 $0x1580, s17  }
0x1bd: {  	[spmem:s4] =	stream.indirect.scatter.add.f32 [tilespmem:s2], [sflag:$0x5], $0x80, s17, s24, $0xb8;
	[tilespmem:$0x1C800] =	vst v63  }
0x1be: {  	_ =	swait.ge [sflag:s22], $0x4000  }
0x1bf: {  	[sflag:s22] =	ssyncset.done $0x0  }
0x1c0: {  	[sflag:s22] =	ssyncadd.s32 $0xFFFFC000  }
0x1c1: {  	_ =	swait.ge [sflag:s28], $0x4000  }
0x1c2: {  	[sflag:s28] =	ssyncset.done $0x0  }
0x1c3: {  	[sflag:s28] =	ssyncadd.s32 $0xFFFFC000  }
0x1c4: {  	[tilespmem:s30], [sflag:$0x3] =	stream.indirect.gather [hbm4b:s3+s24], $0x80, s6, s24, $0xb8;
	[tilespmem:$0x1C800] =	vst v63  }
0x1c5: {  	_ = 	snop  }
0x1c6: {  	[spmem:s4] =	stream.indirect.scatter.add.f32 [tilespmem:s25], [sflag:$0x5], $0x80, s9, s24, $0xb8;
	[tilespmem:$0x1C800] =	vst v63  }
0x1c7: {  	_ =	swait.ge [sflag:s22], $0x4000  }
0x1c8: {  	[sflag:s22] =	ssyncset.done $0x0  }
0x1c9: {  	[sflag:s22] =	ssyncadd.s32 $0xFFFFC000  }
0x1ca: {  	_ =	swait.ge [sflag:s31], $0x4000  }
0x1cb: {  	[sflag:s31] =	ssyncset.done $0x0  }
0x1cc: {  	[sflag:s31] =	ssyncadd.s32 $0xFFFFC000  }
0x1cd: {  	[tilespmem:s2], [sflag:$0x4] =	stream.indirect.gather [hbm4b:s3+s24], $0x80, s10, s24, $0xb8;
	[tilespmem:$0x1C800] =	vst v63  }
0x1ce: {  	_ = 	snop  }
0x1cf: {  	[spmem:s4] =	stream.indirect.scatter.add.f32 [tilespmem:s26], [sflag:$0x5], $0x80, s11, s24, $0xb8;
	[tilespmem:$0x1C800] =	vst v63  }
0x1d0: {  	_ =	swait.ge [sflag:s22], $0x4000  }
0x1d1: {  	[sflag:s22] =	ssyncset.done $0x0  }
0x1d2: {  	[sflag:s22] =	ssyncadd.s32 $0xFFFFC000  }
0x1d3: {  	_ =	swait.ge [sflag:s0], $0x4000  }
0x1d4: {  	[sflag:s0] =	ssyncset.done $0x0  }
0x1d5: {  	[sflag:s0] =	ssyncadd.s32 $0xFFFFC000  }
0x1d6: {  	[spmem:s4] =	stream.indirect.scatter.add.f32 [tilespmem:s30], [sflag:$0x5], $0x80, s12, s24, $0xb8;
	[tilespmem:$0x1C800] =	vst v63  }
0x1d7: {  	_ =	swait.ge [sflag:s22], $0x4000  }
0x1d8: {  	[sflag:s22] =	ssyncset.done $0x0  }
0x1d9: {  	[sflag:s22] =	ssyncadd.s32 $0xFFFFC000  }
0x1da: {  	_ =	swait.ge [sflag:s29], $0x4000  }
0x1db: {  	[sflag:s29] =	ssyncset.done $0x0  }
0x1dc: {  	[sflag:s29] =	ssyncadd.s32 $0xFFFFC000  }
0x1dd: {  	[spmem:s4] =	stream.indirect.scatter.add.f32 [tilespmem:s2], [sflag:$0x5], $0x80, s13, s24, $0xb8;
	[tilespmem:$0x1C800] =	vst v63  }
0x1de: {  	_ =	swait.ge [sflag:s22], $0x4000  }
0x1df: {  	[sflag:s22] =	ssyncset.done $0x0  }
0x1e0: {  	s16 =	simm.s32 $0x0;
	s17 =	rddreg [dreg:$0xf];
	[sflag:s22] =	ssyncadd.s32 $0xFFFFC000  }
0x1e1: {  	[tilespmem:s16], [sflag:$0x5] =	stream.linear.gather [hbm4b:s17+s16], $0x1400, $0x38;
	[tilespmem:$0x1C800] =	vst v63  }
0x1e2: {  	_ =	swait.ge [sflag:s22], $0x1400  }
0x1e3: {  	[sflag:s22] =	ssyncset.done $0x0  }
0x1e4: {  	[sflag:s22] =	ssyncadd.s32 $0xFFFFEC00  }
0x1e5: {  	[tilespmem:s23], [sflag:$0x5] =	stream.linear.gather [hbm4b:s19+s16], $0x1400, $0x38;
	[tilespmem:$0x1C800] =	vst v63  }
0x1e6: {  	_ =	swait.ge [sflag:s22], $0x1400  }
0x1e7: {  	[sflag:s22] =	ssyncset.done $0x0  }
0x1e8: {  	[sflag:s22] =	ssyncadd.s32 $0xFFFFEC00  }
0x1e9: {  	[tilespmem:s25], [sflag:$0x1] =	stream.indirect.gather [hbm4b:s3+s24], $0x80, s16, s24, $0xb8;
	[tilespmem:$0x1C800] =	vst v63  }
0x1ea: {  	_ = 	snop  }
0x1eb: {  	[tilespmem:s26], [sflag:$0x2] =	stream.indirect.gather [hbm4b:s3+s24], $0x80, s24, s24, $0xb8;
	[tilespmem:$0x1C800] =	vst v63  }
0x1ec: {  	_ =	swait.ge [sflag:s28], $0x4000  }
0x1ed: {  	[sflag:s28] =	ssyncset.done $0x0  }
0x1ee: {  	s17 =	simm.s32 $0x100;
	[sflag:s28] =	ssyncadd.s32 $0xFFFFC000  }
0x1ef: {  	[tilespmem:s30], [sflag:$0x3] =	stream.indirect.gather [hbm4b:s3+s24], $0x80, s17, s24, $0xb8;
	[tilespmem:$0x1C800] =	vst v63  }
0x1f0: {  	s18 =	simm.s32 $0x1400  }
0x1f1: {  	[spmem:s4] =	stream.indirect.scatter.add.f32 [tilespmem:s25], [sflag:$0x5], $0x80, s18, s24, $0xb8;
	[tilespmem:$0x1C800] =	vst v63  }
0x1f2: {  	_ =	swait.ge [sflag:s22], $0x4000  }
0x1f3: {  	[sflag:s22] =	ssyncset.done $0x0  }
0x1f4: {  	[sflag:s22] =	ssyncadd.s32 $0xFFFFC000  }
0x1f5: {  	_ =	swait.ge [sflag:s31], $0x4000  }
0x1f6: {  	[sflag:s31] =	ssyncset.done $0x0  }
0x1f7: {  	s17 =	simm.s32 $0x180;
	[sflag:s31] =	ssyncadd.s32 $0xFFFFC000  }
0x1f8: {  	[tilespmem:s2], [sflag:$0x4] =	stream.indirect.gather [hbm4b:s3+s24], $0x80, s17, s24, $0xb8;
	[tilespmem:$0x1C800] =	vst v63  }
0x1f9: {  	s18 =	simm.s32 $0x1480  }
0x1fa: {  	[spmem:s4] =	stream.indirect.scatter.add.f32 [tilespmem:s26], [sflag:$0x5], $0x80, s18, s24, $0xb8;
	[tilespmem:$0x1C800] =	vst v63  }
0x1fb: {  	_ =	swait.ge [sflag:s22], $0x4000  }
0x1fc: {  	[sflag:s22] =	ssyncset.done $0x0  }
0x1fd: {  	[sflag:s22] =	ssyncadd.s32 $0xFFFFC000  }
0x1fe: {  	_ =	swait.ge [sflag:s0], $0x4000  }
0x1ff: {  	[sflag:s0] =	ssyncset.done $0x0  }
0x200: {  	s17 =	simm.s32 $0x200;
	[sflag:s0] =	ssyncadd.s32 $0xFFFFC000  }
0x201: {  	[tilespmem:s25], [sflag:$0x1] =	stream.indirect.gather [hbm4b:s3+s24], $0x80, s17, s24, $0xb8;
	[tilespmem:$0x1C800] =	vst v63  }
0x202: {  	s18 =	simm.s32 $0x1500  }
0x203: {  	[spmem:s4] =	stream.indirect.scatter.add.f32 [tilespmem:s30], [sflag:$0x5], $0x80, s18, s24, $0xb8;
	[tilespmem:$0x1C800] =	vst v63  }
0x204: {  	_ =	swait.ge [sflag:s22], $0x4000  }
0x205: {  	[sflag:s22] =	ssyncset.done $0x0  }
0x206: {  	[sflag:s22] =	ssyncadd.s32 $0xFFFFC000  }
0x207: {  	_ =	swait.ge [sflag:s29], $0x4000  }
0x208: {  	[sflag:s29] =	ssyncset.done $0x0  }
0x209: {  	s17 =	simm.s32 $0x280;
	[sflag:s29] =	ssyncadd.s32 $0xFFFFC000  }
0x20a: {  	[tilespmem:s26], [sflag:$0x2] =	stream.indirect.gather [hbm4b:s3+s24], $0x80, s17, s24, $0xb8;
	[tilespmem:$0x1C800] =	vst v63  }
0x20b: {  	s18 =	simm.s32 $0x1580  }
0x20c: {  	[spmem:s4] =	stream.indirect.scatter.add.f32 [tilespmem:s2], [sflag:$0x5], $0x80, s18, s24, $0xb8;
	[tilespmem:$0x1C800] =	vst v63  }
0x20d: {  	_ =	swait.ge [sflag:s22], $0x4000  }
0x20e: {  	s16 =	simm.s32 $0x800;
	[sflag:s22] =	ssyncset.done $0x0  }
.LBB2_8:
0x20f: {  	p0 =	sne.s32 s16, $0x4000  }
0x210: {  	[sflag:s22] =	ssyncadd.s32 $0xFFFFC000;
	s17 =	smov.u32 s16;
	s16 =	sadd.s32 $0x800, s16  }
0x211: {  	_ = 	snop  }
0x212: {  	_ =	swait.ge [sflag:s28], $0x4000  }
0x213: {  	s17 =	sshra.s32 s17, $0x2;
	[sflag:s28] =	ssyncset.done $0x0  }
0x214: {  	s18 =	sadd.s32 $0x100, s17;
	[sflag:s28] =	ssyncadd.s32 $0xFFFFC000  }
0x215: {  	[tilespmem:s30], [sflag:$0x3] =	stream.indirect.gather [hbm4b:s3+s24], $0x80, s18, s24, $0xb8;
	[tilespmem:$0x1C800] =	vst v63  }
0x216: {  	s18 =	sadd.s32 $0x1400, s17  }
0x217: {  	[spmem:s4] =	stream.indirect.scatter.add.f32 [tilespmem:s25], [sflag:$0x5], $0x80, s18, s24, $0xb8;
	[tilespmem:$0x1C800] =	vst v63  }
0x218: {  	_ =	swait.ge [sflag:s22], $0x4000  }
0x219: {  	[sflag:s22] =	ssyncset.done $0x0  }
0x21a: {  	[sflag:s22] =	ssyncadd.s32 $0xFFFFC000  }
0x21b: {  	_ =	swait.ge [sflag:s31], $0x4000  }
0x21c: {  	[sflag:s31] =	ssyncset.done $0x0  }
0x21d: {  	s18 =	sadd.s32 $0x180, s17;
	[sflag:s31] =	ssyncadd.s32 $0xFFFFC000  }
0x21e: {  	[tilespmem:s2], [sflag:$0x4] =	stream.indirect.gather [hbm4b:s3+s24], $0x80, s18, s24, $0xb8;
	[tilespmem:$0x1C800] =	vst v63  }
0x21f: {  	s18 =	sadd.s32 $0x1480, s17  }
0x220: {  	[spmem:s4] =	stream.indirect.scatter.add.f32 [tilespmem:s26], [sflag:$0x5], $0x80, s18, s24, $0xb8;
	[tilespmem:$0x1C800] =	vst v63  }
0x221: {  	_ =	swait.ge [sflag:s22], $0x4000  }
0x222: {  	[sflag:s22] =	ssyncset.done $0x0  }
0x223: {  	[sflag:s22] =	ssyncadd.s32 $0xFFFFC000  }
0x224: {  	_ =	swait.ge [sflag:s0], $0x4000  }
0x225: {  	[sflag:s0] =	ssyncset.done $0x0  }
0x226: {  	s18 =	sadd.s32 $0x200, s17;
	[sflag:s0] =	ssyncadd.s32 $0xFFFFC000  }
0x227: {  	[tilespmem:s25], [sflag:$0x1] =	stream.indirect.gather [hbm4b:s3+s24], $0x80, s18, s24, $0xb8;
	[tilespmem:$0x1C800] =	vst v63  }
0x228: {  	s18 =	sadd.s32 $0x1500, s17  }
0x229: {  	[spmem:s4] =	stream.indirect.scatter.add.f32 [tilespmem:s30], [sflag:$0x5], $0x80, s18, s24, $0xb8;
	[tilespmem:$0x1C800] =	vst v63  }
0x22a: {  	_ =	swait.ge [sflag:s22], $0x4000  }
0x22b: {  	[sflag:s22] =	ssyncset.done $0x0  }
0x22c: {  	[sflag:s22] =	ssyncadd.s32 $0xFFFFC000  }
0x22d: {  	_ =	swait.ge [sflag:s29], $0x4000  }
0x22e: {  	[sflag:s29] =	ssyncset.done $0x0  }
0x22f: {  	s18 =	sadd.s32 $0x280, s17;
	[sflag:s29] =	ssyncadd.s32 $0xFFFFC000  }
0x230: {  	[tilespmem:s26], [sflag:$0x2] =	stream.indirect.gather [hbm4b:s3+s24], $0x80, s18, s24, $0xb8;
	[tilespmem:$0x1C800] =	vst v63  }
.Ltmp3:
0x231: {  	_ = 	snop;
	(pc) =	sbr.rel @p0 .LBB2_8-.Ltmp3, $4  }
0x232: {  	s17 =	sadd.s32 $0x1580, s17  }
0x233: {  	[spmem:s4] =	stream.indirect.scatter.add.f32 [tilespmem:s2], [sflag:$0x5], $0x80, s17, s24, $0xb8;
	[tilespmem:$0x1C800] =	vst v63  }
0x234: {  	_ =	swait.ge [sflag:s22], $0x4000  }
0x235: {  	[sflag:s22] =	ssyncset.done $0x0  }
0x236: {  	[sflag:s22] =	ssyncadd.s32 $0xFFFFC000  }
0x237: {  	_ =	swait.ge [sflag:s28], $0x4000  }
0x238: {  	[sflag:s28] =	ssyncset.done $0x0  }
0x239: {  	[sflag:s28] =	ssyncadd.s32 $0xFFFFC000  }
0x23a: {  	[tilespmem:s30], [sflag:$0x3] =	stream.indirect.gather [hbm4b:s3+s24], $0x80, s6, s24, $0xb8;
	[tilespmem:$0x1C800] =	vst v63  }
0x23b: {  	_ = 	snop  }
0x23c: {  	[spmem:s4] =	stream.indirect.scatter.add.f32 [tilespmem:s25], [sflag:$0x5], $0x80, s9, s24, $0xb8;
	[tilespmem:$0x1C800] =	vst v63  }
0x23d: {  	_ =	swait.ge [sflag:s22], $0x4000  }
0x23e: {  	[sflag:s22] =	ssyncset.done $0x0  }
0x23f: {  	[sflag:s22] =	ssyncadd.s32 $0xFFFFC000  }
0x240: {  	_ =	swait.ge [sflag:s31], $0x4000  }
0x241: {  	[sflag:s31] =	ssyncset.done $0x0  }
0x242: {  	[sflag:s31] =	ssyncadd.s32 $0xFFFFC000  }
0x243: {  	[tilespmem:s2], [sflag:$0x4] =	stream.indirect.gather [hbm4b:s3+s24], $0x80, s10, s24, $0xb8;
	[tilespmem:$0x1C800] =	vst v63  }
0x244: {  	_ = 	snop  }
0x245: {  	[spmem:s4] =	stream.indirect.scatter.add.f32 [tilespmem:s26], [sflag:$0x5], $0x80, s11, s24, $0xb8;
	[tilespmem:$0x1C800] =	vst v63  }
0x246: {  	_ =	swait.ge [sflag:s22], $0x4000  }
0x247: {  	[sflag:s22] =	ssyncset.done $0x0  }
0x248: {  	[sflag:s22] =	ssyncadd.s32 $0xFFFFC000  }
0x249: {  	_ =	swait.ge [sflag:s0], $0x4000  }
0x24a: {  	[sflag:s0] =	ssyncset.done $0x0  }
0x24b: {  	[sflag:s0] =	ssyncadd.s32 $0xFFFFC000  }
0x24c: {  	[spmem:s4] =	stream.indirect.scatter.add.f32 [tilespmem:s30], [sflag:$0x5], $0x80, s12, s24, $0xb8;
	[tilespmem:$0x1C800] =	vst v63  }
0x24d: {  	_ =	swait.ge [sflag:s22], $0x4000  }
0x24e: {  	[sflag:s22] =	ssyncset.done $0x0  }
0x24f: {  	[sflag:s22] =	ssyncadd.s32 $0xFFFFC000  }
0x250: {  	_ =	swait.ge [sflag:s29], $0x4000  }
0x251: {  	[sflag:s29] =	ssyncset.done $0x0  }
0x252: {  	[sflag:s29] =	ssyncadd.s32 $0xFFFFC000  }
0x253: {  	[spmem:s4] =	stream.indirect.scatter.add.f32 [tilespmem:s2], [sflag:$0x5], $0x80, s13, s24, $0xb8;
	[tilespmem:$0x1C800] =	vst v63  }
0x254: {  	_ =	swait.ge [sflag:s22], $0x4000  }
0x255: {  	s14 =	sadd.s32 $0x1, s14;
	[sflag:s22] =	ssyncset.done $0x0  }
0x256: {  	p0 =	sne.s32 s14, s21;
	[sflag:s22] =	ssyncadd.s32 $0xFFFFC000  }
.Ltmp4:
0x257: {  	[bflag:$0x0] =	sbarrier.arrive $0xFFFF;
	(pc) =	sbr.rel @p0 .LBB2_1-.Ltmp4, $4  }
0x258: {  	[hbm:s20], [sflag:s8] =	dma.local [spmem:s15], $0x1400  }
0x259: {  	_ =	swait.ge [sflag:s22], $0x1400  }
0x25a: {  	[sflag:s22] =	ssyncset.done $0x0  }
0x25b: {  	[sflag:s22] =	ssyncadd.s32 $0xFFFFEC00  }
0x25c: {  	_ =	sfence.sel $0x180000  }
0x25d: {  	[bflag:$0x0] =	sbarrier.arrive $0xFFFF  }
0x25e: {  	_ =	strace $0x9000004A  }
0x25f: {  	s0 =	stileid.u32;
	[bflag:$0x2] =	sbarrier.arrive $0xFFFF  }
0x260: {  	p0 =	sne.s32 s0, $0x0;
	s0 =	rddreg [dreg:$0x4]  }
0x261: {  	s0 =	sadd.s32 @!p0 $0x100000, s0  }
0x262: {  	[sflag:s0] =	ssyncadd.tile.s32 @!p0 $0x1;
	_ =	shalt  }
.Lfunc_end2:
_tile_overlayer_lowered:
.L_overlay_start_2:
0x263: {  	(tag) =	ssettag $0x2  }
0x264: {  	s0 =	rddreg [dreg:$0x0];
	s2 =	stileid.u32  }
0x265: {  	s1 =	rddreg [dreg:$0x1];
	p0 =	sne.s32 s2, $0x0  }
0x266: {  	s3 =	rddreg [dreg:$0x2];
	[bflag:$0x3] =	sbarrier.arrive $0xFFFF;
	s2 =	simm.s32 @!p0 $0x1C05  }
0x267: {  	[timem:s3], [sflag:s2] =	dma.local @!p0 [hbm:s0], s1  }
0x268: {  	s0 =	simm.s32 @!p0 $0x5  }
0x269: {  	_ =	swait.ge @!p0 [sflag:s0], s1  }
0x26a: {  	s1 =	ssub.s32 @!p0 $0x0, s1;
	[sflag:s0] =	ssyncset.done @!p0 $0x0  }
0x26b: {  	[sflag:s0] =	ssyncadd.s32 @!p0 s1  }
0x26c: {  	[bflag:$0x3] =	sbarrier.arrive $0xFFFF  }
0x26d: {  	_ =	shalt  }

// kernel: kernel.7.cloned.1.call-start
scs
__scs_entry_jumppad:
0x0: {  	(pc) =	sbr.rel $0x88, $3  }
0x1: {  	(tag) =	ssettag $0x0;
	lr =	simm.s32 $0x1  }
0x2: {  	[smem:$0x3F96] =	sst lr;
	_ =	strace $0xD0000000  }
0x3: {  	_ = 	snop  }
0x4: {  	_ = 	snop  }
0x5: {  	_ = 	snop  }
0x6: {  	_ = 	snop  }
0x7: {  	_ = 	snop  }
__scs_overlays_trampoline_lowered:
0x8: {  	[smem:$0x3FA5] =	sst s0  }
0x9: {  	[smem:$0x3FA6] =	sst s1  }
0xa: {  	[smem:$0x3FA7] =	sst s2  }
0xb: {  	[smem:$0x3FA8] =	sst s3  }
0xc: {  	[smem:$0x3FA9] =	sst s4  }
0xd: {  	[smem:$0x3FAA] =	sst s5  }
0xe: {  	[smem:$0x3FAB] =	sst s6  }
0xf: {  	[smem:$0x3FAC] =	sst s7  }
0x10: {  	[smem:$0x3FAD] =	sst s8  }
0x11: {  	[smem:$0x3FAE] =	sst s9;
	s0 =	simm.s32 @!p0 $0x0  }
0x12: {  	s1 =	sld [smem:$0x3F94];
	s0 =	simm.s32 @p0 $0x1  }
0x13: {  	[smem:$0x3FAF] =	sst s0;
	s0 =	simm.s32 @!p1 $0x0  }
0x14: {  	s2 =	sld [smem:$0x3F93];
	s0 =	simm.s32 @p1 $0x1  }
0x15: {  	[smem:$0x3FB0] =	sst s0;
	s0 =	simm.s32 @!p2 $0x0  }
0x16: {  	s3 =	sld [smem:$0x3FDB];
	s0 =	simm.s32 @p2 $0x1  }
0x17: {  	s4 =	simm.s32 $0x1BF5;
	[smem:$0x3FB2] =	sst s0  }
0x18: {  	s0 =	sld [smem:$0x3F95];
	_ =	swait.ge [sflag:s4], $0x0  }
0x19: {  	s7 =	sld [smem:$0x3F96]  }
0x1a: {  	s8 =	sadd.s32 $0xFFFFE003, lr  }
0x1b: {  	s9 =	sadd.s32 $0xFFFFFEF7, lr;
	s5 =	simm.s32 $0xFFFFFFFF;
	p2 =	slt.u32 s8, $0xFFFFF086  }
0x1c: {  	p1 =	slt.u32 s9, $0xF7A;
	s5 =	simm.s32 @!p2 $0x0  }
0x1d: {  	s5 =	simm.s32 @p1 $0x1;
	p0 =	seq.s32 s7, s2  }
0x1e: {  	s7 =	smul.u32 @!p0 $0xF7A, s2;
	p2 =	seq.s32 @!p0 s5, $0x0  }
0x1f: {  	s9 =	smul.u32 $0xF7A, s1;
	s8 =	simm.s32 @!p0 $0x1BF5;
	p2 =	por !p2, p0  }
0x20: {  	[sflag:s8] =	ssyncset.s32 @!p0 $0xFFFFF086;
	s6 =	sadd.s32 @!p0 s3, s7;
	s7 =	simm.s32 @!p0 $0x108  }
0x21: {  	s3 =	sadd.s32 s3, s9;
	s6 =	sadd.s32 @!p0 $0x88, s6;
	s7 =	simm.s32 @p2 $0x1082  }
0x22: {  	[simem:s7], [sflag:s8] =	dma.local @!p0 [hbm:s6], $0xF7A  }
0x23: {  	s9 =	sor.u32 $0xD0000000, s2;
	s6 =	simm.s32 $0x108;
	_ =	swait.ge @!p0 [sflag:s8], $0x0  }
0x24: {  	s3 =	sadd.s32 $0x88, s3;
	s6 =	simm.s32 @!p1 $0x1082;
	[sflag:s4] =	ssyncset.s32 $0xFFFFF086  }
0x25: {  	[simem:s6], [sflag:s4] =	dma.local [hbm:s3], $0xF7A  }
0x26: {  	[smem:$0x3F96] =	sst s1;
	(tag) =	ssettag s2;
	_ =	strace s9  }
0x27: {  	s1 =	sld [smem:$0x3FA6]  }
0x28: {  	s2 =	sld [smem:$0x3FA7]  }
0x29: {  	s4 =	sld [smem:$0x3FA9]  }
0x2a: {  	p0 =	seq.s32 s5, $0x0;
	s5 =	sld [smem:$0x3FAA]  }
0x2b: {  	s6 =	sld [smem:$0x3FAB]  }
0x2c: {  	s7 =	sld [smem:$0x3FAC]  }
0x2d: {  	s3 =	simm.s32 $0x108;
	s8 =	sld [smem:$0x3FAD]  }
0x2e: {  	s3 =	simm.s32 @!p0 $0x1082;
	s9 =	sld [smem:$0x3FAE]  }
0x2f: {  	lr =	sadd.s32 s0, s3;
	s0 =	sld [smem:$0x3FA5]  }
0x30: {  	s3 =	sld [smem:$0x3FA8]  }
0x31: {  	[smem:$0x3FB1] =	sst s10  }
0x32: {  	s10 =	sld [smem:$0x3FAF];
	_ =	sdelay $0x3  }
0x33: {  	p0 =	seq.s32 s10, $0x1;
	s10 =	sld [smem:$0x3FB1];
	_ =	sdelay $0x3  }
0x34: {  	[smem:$0x3FB1] =	sst s10  }
0x35: {  	s10 =	sld [smem:$0x3FB0];
	_ =	sdelay $0x3  }
0x36: {  	p1 =	seq.s32 s10, $0x1;
	s10 =	sld [smem:$0x3FB1];
	_ =	sdelay $0x3  }
0x37: {  	[smem:$0x3FB1] =	sst s10  }
0x38: {  	s10 =	sld [smem:$0x3FB2]  }
0x39: {  	_ = 	snop;
	(pc) =	sbr.ind lr, $3  }
0x3a: {  	_ = 	snop  }
0x3b: {  	_ = 	snop  }
0x3c: {  	p2 =	seq.s32 s10, $0x1;
	s10 =	sld [smem:$0x3FB1]  }
0x3d: {  	_ =	shalt  }
0x3e: {  	_ =	shalt  }
0x3f: {  	_ =	shalt  }
0x40: {  	_ =	shalt  }
0x41: {  	_ =	shalt  }
0x42: {  	_ =	shalt  }
0x43: {  	_ =	shalt  }
0x44: {  	_ =	shalt  }
0x45: {  	_ =	shalt  }
0x46: {  	_ =	shalt  }
0x47: {  	_ =	shalt  }
0x48: {  	_ =	shalt  }
0x49: {  	_ =	shalt  }
0x4a: {  	_ =	shalt  }
0x4b: {  	_ =	shalt  }
0x4c: {  	_ =	shalt  }
0x4d: {  	_ =	shalt  }
0x4e: {  	_ =	shalt  }
0x4f: {  	_ =	shalt  }
0x50: {  	_ =	shalt  }
0x51: {  	_ =	shalt  }
0x52: {  	_ =	shalt  }
0x53: {  	_ =	shalt  }
0x54: {  	_ =	shalt  }
0x55: {  	_ =	shalt  }
0x56: {  	_ =	shalt  }
0x57: {  	_ =	shalt  }
0x58: {  	_ =	shalt  }
0x59: {  	_ =	shalt  }
0x5a: {  	_ =	shalt  }
0x5b: {  	_ =	shalt  }
0x5c: {  	_ =	shalt  }
0x5d: {  	_ =	shalt  }
0x5e: {  	_ =	shalt  }
0x5f: {  	_ =	shalt  }
0x60: {  	_ =	shalt  }
0x61: {  	_ =	shalt  }
0x62: {  	_ =	shalt  }
0x63: {  	_ =	shalt  }
0x64: {  	_ =	shalt  }
0x65: {  	_ =	shalt  }
0x66: {  	_ =	shalt  }
0x67: {  	_ =	shalt  }
0x68: {  	_ =	shalt  }
0x69: {  	_ =	shalt  }
0x6a: {  	_ =	shalt  }
0x6b: {  	_ =	shalt  }
0x6c: {  	_ =	shalt  }
0x6d: {  	_ =	shalt  }
0x6e: {  	_ =	shalt  }
0x6f: {  	_ =	shalt  }
0x70: {  	_ =	shalt  }
0x71: {  	_ =	shalt  }
0x72: {  	_ =	shalt  }
0x73: {  	_ =	shalt  }
0x74: {  	_ =	shalt  }
0x75: {  	_ =	shalt  }
0x76: {  	_ =	shalt  }
0x77: {  	_ =	shalt  }
0x78: {  	_ =	shalt  }
0x79: {  	_ =	shalt  }
0x7a: {  	_ =	shalt  }
0x7b: {  	_ =	shalt  }
0x7c: {  	_ =	shalt  }
0x7d: {  	_ =	shalt  }
0x7e: {  	_ =	shalt  }
0x7f: {  	_ =	shalt  }
0x80: {  	_ =	shalt  }
0x81: {  	_ =	shalt  }
0x82: {  	_ =	shalt  }
0x83: {  	_ =	shalt  }
0x84: {  	_ =	shalt  }
0x85: {  	_ =	shalt  }
0x86: {  	_ =	shalt  }
0x87: {  	_ =	shalt  }
.Lfunc_end0:
.L_simem_size_0:
called_computation_lowered:
.L_overlay_start_0:
0x88: {  	s2 =	sld [smem:$0x3FD9]  }
0x89: {  	s3 =	sld [smem:$0x3FFE];
	_ =	sdelay $0x1  }
0x8a: {  	s1 =	srdreg.scid  }
0x8b: {  	s0 =	sand.u32 $0x1, s1  }
0x8c: {  	s14 =	sshll.u32 s0, $0xA;
	s2 =	sadd.s32 s3, s2  }
0x8d: {  	s2 =	sadd.s32 s2, s14  }
0x8e: {  	[smem:$0x3FBD] =	sst s2  }
0x8f: {  	_ = 	snop  }
0x90: {  	s2 =	sld [smem:$0x3FD0];
	_ =	sdelay $0x2  }
0x91: {  	s15 =	simm.s32 $0xA;
	s4 =	simm.s32 $0x10  }
0x92: {  	[smem:s4], [sflag:s15] =	dma.local [hbm:s2], $0x1  }
0x93: {  	_ =	swait.eq [sflag:s15], $0x1  }
0x94: {  	[sflag:s15] =	ssyncset.done $0x0  }
0x95: {  	s16 =	sld [smem:$0x11];
	[sflag:s15] =	ssyncadd.s32 $0xFFFFFFFF  }
0x96: {  	s17 =	sld [smem:$0x12];
	(tm) =	ssettm $0x1  }
0x97: {  	s18 =	sld [smem:$0x3FFB];
	_ =	sdelay $0x3  }
0x98: {  	_ =	strace s18  }
0x99: {  	s4 =	sld [smem:$0x3FFC];
	_ =	sdelay $0x3  }
0x9a: {  	_ =	strace s4  }
0x9b: {  	s4 =	sld [smem:$0x3FFD];
	_ =	sdelay $0x3  }
0x9c: {  	_ =	strace s4  }
0x9d: {  	_ =	strace $0x8FFFFFFF  }
0x9e: {  	s19 =	sld [smem:$0x3FDB];
	_ =	sdelay $0x1  }
0x9f: {  	s5 =	simm.s32 $_scs_section_size  }
0xa0: {  	s6 =	simm.s32 $_size__tile_overlayer_lowered;
	s7 =	simm.s32 $_tile_overlayer_lowered  }
0xa1: {  	s22 =	simm.s32 $0x1BFF;
	s21 =	sshll.u32 s7, $0x1;
	s4 =	sadd.s32 s5, s19  }
0xa2: {  	s8 =	simm.s32 $0x0;
	s20 =	sshll.u32 s6, $0x1;
	s6 =	sadd.s32 s21, s4  }
0xa3: {  	[timem:s8], [sflag:s22] =	dma.local [hbm:s6], s20  }
0xa4: {  	_ =	swait.ge [sflag:s22], s20  }
0xa5: {  	s5 =	ssub.s32 $0x0, s20;
	[sflag:s22] =	ssyncset.done $0x0  }
0xa6: {  	[sflag:s22] =	ssyncadd.s32 s5;
	_ =	sdelay $0x1  }
0xa7: {  	s23 =	simm.s32 $0x1B8B  }
0xa8: {  	_ =	swait.ge [sflag:s23], $0x1  }
0xa9: {  	[sflag:s23] =	ssyncset.done $0x0  }
0xaa: {  	s25 =	simm.s32 $0x1B8E;
	s24 =	sld [smem:$0x3FFE];
	[sflag:s23] =	ssyncadd.s32 $0xFFFFFFFF  }
0xab: {  	s26 =	simm.s32 $execute0_lowered;
	[smem:$0x3FD2] =	sst s25  }
0xac: {  	s6 =	sshll.u32 s26, $0x1;
	_ =	strace $0x80000046;
	[dreg:$0x1] =	wrdreg $0xFFFFFFFF  }
0xad: {  	s28 =	simm.s32 $_size_execute0_lowered;
	s4 =	sadd.s32 s4, s6;
	[dreg:$0x0] =	wrdreg $0x0  }
0xae: {  	s6 =	sshll.u32 s28, $0x1;
	[dreg:$0x2] =	wrdreg s4  }
0xaf: {  	[dreg:$0x3] =	wrdreg s6  }
0xb0: {  	[dreg:$0x4] =	wrdreg $0xC0  }
0xb1: {  	_ =	task [dreg:s8], $0x5FFFF  }
0xb2: {  	[dreg:$0x1] =	wrdreg $0xFFFFFFFF  }
0xb3: {  	[dreg:$0x0] =	wrdreg $0x60  }
0xb4: {  	[dreg:$0x2] =	wrdreg s17  }
0xb5: {  	[dreg:$0x3] =	wrdreg s16  }
0xb6: {  	[dreg:$0x4] =	wrdreg s24  }
0xb7: {  	[dreg:$0x5] =	wrdreg $0x128000  }
0xb8: {  	[dreg:$0x6] =	wrdreg $0x9  }
0xb9: {  	_ =	task.clear_ibuf [dreg:s8], $0x7FFFF;
	_ =	strace $0x90000046  }
0xba: {  	s29 =	simm.s32 $0x9;
	_ =	strace $0x80000048  }
0xbb: {  	_ =	swait.ge [sflag:s29], $0x1  }
0xbc: {  	[sflag:s29] =	ssyncadd.s32 $0xFFFFFFFF  }
0xbd: {  	_ =	strace $0x90000048  }
0xbe: {  	_ =	sfence  }
0xbf: {  	s30 =	sld [smem:$0x0];
	_ =	sdelay $0x2  }
0xc0: {  	s31 =	sshll.u32 s1, $0xD;
	s1 =	sshrl.u32 s1, $0x2  }
0xc1: {  	s3 =	sand.u32 $0x4000, s31;
	s1 =	sadd.s32 s1, s30  }
0xc2: {  	s0 =	sor.u32 s3, s0;
	s1 =	sshll.u32 s1, $0x11  }
0xc3: {  	s0 =	sor.u32 s1, s0  }
0xc4: {  	s0 =	sadd.s32 $0x8F2B, s0  }
0xc5: {  	[sflag:s0] =	ssyncadd.remote.s32 $0x1  }
0xc6: {  	_ =	sfence.sel $0xFFFF  }
0xc7: {  	[dreg:$0x0] =	wrdreg $0xFFFFFFFF;
	(pc) =	sbr.abs _section_cstart, $3  }
0xc8: {  	[dreg:$0x1] =	wrdreg $0xFFFFFFFF  }
0xc9: {  	_ =	task.clear_ibuf [dreg:s8], $0x2FFFF;
	_ =	strace $0x9FFFFFFF  }
0xca: {  	(tm) =	ssettm $0x7FFFFFFF  }
0xcb: {  	_ =	shalt  }
tec
execute0_lowered:
.L_overlay_start_1:
0x0: {  	(tag) =	ssettag $0x1  }
0x1: {  	s1 =	rddreg [dreg:$0x0]  }
0x2: {  	s3 =	rddreg [dreg:$0x1]  }
0x3: {  	s0 =	rddreg [dreg:$0x2]  }
0x4: {  	s4 =	rddreg [dreg:$0x3]  }
0x5: {  	s13 =	stileid.u32;
	s2 =	srdreg.scid;
	s5 =	simm.s32 $0x0  }
0x6: {  	s28 =	simm.s32 $0x1;
	s30 =	simm.s32 $0xA800;
	s31 =	simm.s32 $0x2  }
0x7: {  	s29 =	simm.s32 $0x4;
	s6 =	smul.u32 $0x5000, s13;
	s2 =	sand.u32 $0x1, s2  }
0x8: {  	[smem:$0x7FF] =	sst s5;
	s8 =	sshll.u32 s13, $0x7;
	s9 =	smul.u32 $0xA000, s13  }
0x9: {  	s17 =	sshll.u32 s13, $0x6;
	s7 =	smul.u32 $0x50000, s2;
	_ =	strace $0x80000047  }
0xa: {  	s10 =	smul.u32 $0xA0000, s2;
	s11 =	sadd.s32 s8, s0;
	s14 =	ssub.s32 $0x2, s2  }
0xb: {  	s2 =	sshll.u32 s2, $0xB;
	s8 =	sshrl.u32 s9, $0x3;
	s15 =	sshrl.u32 s14, $0x1  }
0xc: {  	s2 =	sadd.s32 s2, s11;
	s18 =	sadd.s32 $0x5200, s11;
	s11 =	simm.s32 $0x2680  }
0xd: {  	s7 =	sadd.s32 s6, s7;
	s6 =	sshrl.u32 s6, $0x3;
	s9 =	sadd.s32 s9, s10  }
0xe: {  	s10 =	smul.u32 $0x28000, s13;
	[dreg:$0x6] =	wrdreg s18;
	s2 =	sadd.s32 $0x5A00, s2  }
0xf: {  	s13 =	simm.s32 $0x2780;
	s7 =	sshrl.u32 s7, $0x3;
	s6 =	sadd.s32 s6, s0  }
0x10: {  	[dreg:$0x7] =	wrdreg s2;
	s2 =	simm.s32 $0xE800;
	s12 =	sadd.s32 s7, s0  }
0x11: {  	s7 =	sadd.s32 s8, s0;
	s8 =	sshrl.u32 s9, $0x3;
	s9 =	sshrl.u32 s10, $0x2  }
0x12: {  	s10 =	ssub.s32 s14, s15;
	s20 =	sadd.s32 $0x6A00, s6;
	s22 =	sadd.s32 $0x6C80, s6  }
0x13: {  	s24 =	sadd.s32 $0x6F00, s6;
	s26 =	sadd.s32 $0x7180, s6;
	[dreg:$0x9] =	wrdreg s20  }
0x14: {  	s6 =	simm.s32 $0x1300;
	s14 =	simm.s32 $0x0;
	[dreg:$0xb] =	wrdreg s22  }
0x15: {  	s0 =	sadd.s32 s8, s0;
	s16 =	sadd.s32 s9, s4;
	[dreg:$0xd] =	wrdreg s24  }
0x16: {  	s7 =	sadd.s32 $0x24A00, s7;
	s8 =	sor.u32 $0x1C05, s17;
	[dreg:$0xf] =	wrdreg s26  }
0x17: {  	s21 =	sadd.s32 $0x10A00, s12;
	s23 =	sadd.s32 $0x10C80, s12;
	[dreg:$0x5] =	wrdreg s16  }
0x18: {  	s25 =	sadd.s32 $0x10F00, s12;
	s22 =	simm.s32 $0x5;
	[dreg:$0xa] =	wrdreg s21  }
0x19: {  	s24 =	simm.s32 $0x80;
	s26 =	simm.s32 $0x6800;
	[dreg:$0xc] =	wrdreg s23  }
0x1a: {  	s9 =	simm.s32 $0x2600;
	s19 =	sadd.s32 $0x38A00, s0;
	[dreg:$0xe] =	wrdreg s25  }
0x1b: {  	s20 =	sadd.s32 $0x60A00, s0;
	s21 =	smax.u32 s10, $0x1;
	s23 =	simm.s32 $0x1400  }
0x1c: {  	s25 =	simm.s32 $0x2800;
	s0 =	simm.s32 $0x3;
	s10 =	simm.s32 $0x1380  }
0x1d: {  	[dreg:$0x8] =	wrdreg s19;
	s19 =	sadd.s32 $0x11180, s12;
	s12 =	simm.s32 $0x2700  }
.LBB2_1:
0x1e: {  	s15 =	rddreg [dreg:$0x5]  }
0x1f: {  	s15 =	sshrl.u32 s15, $0x3  }
0x20: {  	[spmem:s15], [sflag:s8] =	dma.local [hbm:s7], $0x1400  }
0x21: {  	_ =	swait.ge [sflag:s22], $0x1400  }
0x22: {  	[sflag:s22] =	ssyncset.done $0x0  }
0x23: {  	s16 =	rddreg [dreg:$0x6];
	[sflag:s22] =	ssyncadd.s32 $0xFFFFEC00  }
0x24: {  	[tilespmem:s5], [sflag:$0x5] =	stream.linear.gather [hbm4b:s16+s5], $0x400, $0x38;
	[tilespmem:$0x1C800] =	vst v63  }
0x25: {  	_ =	swait.ge [sflag:s22], $0x400  }
0x26: {  	[sflag:s22] =	ssyncset.done $0x0  }
0x27: {  	s18 =	rddreg [dreg:$0x7];
	[sflag:s22] =	ssyncadd.s32 $0xFFFFFC00  }
0x28: {  	[tilespmem:s23], [sflag:$0x5] =	stream.linear.gather [hbm4b:s18+s5], $0x400, $0x38;
	[tilespmem:$0x1C800] =	vst v63  }
0x29: {  	_ =	swait.ge [sflag:s22], $0x400  }
0x2a: {  	[sflag:s22] =	ssyncset.done $0x0  }
0x2b: {  	[sflag:s22] =	ssyncadd.s32 $0xFFFFFC00  }
0x2c: {  	[tilespmem:s25], [sflag:$0x1] =	stream.indirect.gather [hbm4b:s1+s24], $0x80, s5, s24, $0xb8;
	[tilespmem:$0x1C800] =	vst v63  }
0x2d: {  	_ = 	snop  }
0x2e: {  	[tilespmem:s26], [sflag:$0x2] =	stream.indirect.gather [hbm4b:s1+s24], $0x80, s24, s24, $0xb8;
	[tilespmem:$0x1C800] =	vst v63  }
0x2f: {  	[bflag:$0x0] =	sbarrier.arrive $0xFFFF  }
0x30: {  	_ =	swait.ge [sflag:s28], $0x4000  }
0x31: {  	[sflag:s28] =	ssyncset.done $0x0  }
0x32: {  	s17 =	simm.s32 $0x100;
	[sflag:s28] =	ssyncadd.s32 $0xFFFFC000  }
0x33: {  	[tilespmem:s30], [sflag:$0x3] =	stream.indirect.gather [hbm4b:s1+s24], $0x80, s17, s24, $0xb8;
	[tilespmem:$0x1C800] =	vst v63  }
0x34: {  	_ = 	snop  }
0x35: {  	[spmem:s4] =	stream.indirect.scatter.add.f32 [tilespmem:s25], [sflag:$0x5], $0x80, s23, s24, $0xb8;
	[tilespmem:$0x1C800] =	vst v63  }
0x36: {  	_ =	swait.ge [sflag:s22], $0x4000  }
0x37: {  	[sflag:s22] =	ssyncset.done $0x0  }
0x38: {  	[sflag:s22] =	ssyncadd.s32 $0xFFFFC000  }
0x39: {  	_ =	swait.ge [sflag:s31], $0x4000  }
0x3a: {  	[sflag:s31] =	ssyncset.done $0x0  }
0x3b: {  	s18 =	simm.s32 $0x180;
	[sflag:s31] =	ssyncadd.s32 $0xFFFFC000  }
0x3c: {  	[tilespmem:s2], [sflag:$0x4] =	stream.indirect.gather [hbm4b:s1+s24], $0x80, s18, s24, $0xb8;
	[tilespmem:$0x1C800] =	vst v63  }
0x3d: {  	s17 =	simm.s32 $0x1480  }
0x3e: {  	[spmem:s4] =	stream.indirect.scatter.add.f32 [tilespmem:s26], [sflag:$0x5], $0x80, s17, s24, $0xb8;
	[tilespmem:$0x1C800] =	vst v63  }
0x3f: {  	_ =	swait.ge [sflag:s22], $0x4000  }
0x40: {  	[sflag:s22] =	ssyncset.done $0x0  }
0x41: {  	[sflag:s22] =	ssyncadd.s32 $0xFFFFC000  }
0x42: {  	_ =	swait.ge [sflag:s0], $0x4000  }
0x43: {  	[sflag:s0] =	ssyncset.done $0x0  }
0x44: {  	s18 =	simm.s32 $0x200;
	[sflag:s0] =	ssyncadd.s32 $0xFFFFC000  }
0x45: {  	[tilespmem:s25], [sflag:$0x1] =	stream.indirect.gather [hbm4b:s1+s24], $0x80, s18, s24, $0xb8;
	[tilespmem:$0x1C800] =	vst v63  }
0x46: {  	s17 =	simm.s32 $0x1500  }
0x47: {  	[spmem:s4] =	stream.indirect.scatter.add.f32 [tilespmem:s30], [sflag:$0x5], $0x80, s17, s24, $0xb8;
	[tilespmem:$0x1C800] =	vst v63  }
0x48: {  	_ =	swait.ge [sflag:s22], $0x4000  }
0x49: {  	[sflag:s22] =	ssyncset.done $0x0  }
0x4a: {  	[sflag:s22] =	ssyncadd.s32 $0xFFFFC000  }
0x4b: {  	_ =	swait.ge [sflag:s29], $0x4000  }
0x4c: {  	[sflag:s29] =	ssyncset.done $0x0  }
0x4d: {  	s18 =	simm.s32 $0x280;
	[sflag:s29] =	ssyncadd.s32 $0xFFFFC000  }
0x4e: {  	[tilespmem:s26], [sflag:$0x2] =	stream.indirect.gather [hbm4b:s1+s24], $0x80, s18, s24, $0xb8;
	[tilespmem:$0x1C800] =	vst v63  }
0x4f: {  	s17 =	simm.s32 $0x1580  }
0x50: {  	[spmem:s4] =	stream.indirect.scatter.add.f32 [tilespmem:s2], [sflag:$0x5], $0x80, s17, s24, $0xb8;
	[tilespmem:$0x1C800] =	vst v63  }
0x51: {  	_ =	swait.ge [sflag:s22], $0x4000  }
0x52: {  	[sflag:s22] =	ssyncset.done $0x0  }
0x53: {  	[sflag:s22] =	ssyncadd.s32 $0xFFFFC000  }
0x54: {  	_ =	swait.ge [sflag:s28], $0x4000  }
0x55: {  	[sflag:s28] =	ssyncset.done $0x0  }
0x56: {  	s18 =	simm.s32 $0x300;
	[sflag:s28] =	ssyncadd.s32 $0xFFFFC000  }
0x57: {  	[tilespmem:s30], [sflag:$0x3] =	stream.indirect.gather [hbm4b:s1+s24], $0x80, s18, s24, $0xb8;
	[tilespmem:$0x1C800] =	vst v63  }
0x58: {  	s17 =	simm.s32 $0x1600  }
0x59: {  	[spmem:s4] =	stream.indirect.scatter.add.f32 [tilespmem:s25], [sflag:$0x5], $0x80, s17, s24, $0xb8;
	[tilespmem:$0x1C800] =	vst v63  }
0x5a: {  	_ =	swait.ge [sflag:s22], $0x4000  }
0x5b: {  	[sflag:s22] =	ssyncset.done $0x0  }
0x5c: {  	[sflag:s22] =	ssyncadd.s32 $0xFFFFC000  }
0x5d: {  	_ =	swait.ge [sflag:s31], $0x4000  }
0x5e: {  	[sflag:s31] =	ssyncset.done $0x0  }
0x5f: {  	s18 =	simm.s32 $0x380;
	[sflag:s31] =	ssyncadd.s32 $0xFFFFC000  }
0x60: {  	[tilespmem:s2], [sflag:$0x4] =	stream.indirect.gather [hbm4b:s1+s24], $0x80, s18, s24, $0xb8;
	[tilespmem:$0x1C800] =	vst v63  }
0x61: {  	s17 =	simm.s32 $0x1680  }
0x62: {  	[spmem:s4] =	stream.indirect.scatter.add.f32 [tilespmem:s26], [sflag:$0x5], $0x80, s17, s24, $0xb8;
	[tilespmem:$0x1C800] =	vst v63  }
0x63: {  	_ =	swait.ge [sflag:s22], $0x4000  }
0x64: {  	[sflag:s22] =	ssyncset.done $0x0  }
0x65: {  	[sflag:s22] =	ssyncadd.s32 $0xFFFFC000  }
0x66: {  	_ =	swait.ge [sflag:s0], $0x4000  }
0x67: {  	[sflag:s0] =	ssyncset.done $0x0  }
0x68: {  	s18 =	simm.s32 $0x1700;
	[sflag:s0] =	ssyncadd.s32 $0xFFFFC000  }
0x69: {  	[spmem:s4] =	stream.indirect.scatter.add.f32 [tilespmem:s30], [sflag:$0x5], $0x80, s18, s24, $0xb8;
	[tilespmem:$0x1C800] =	vst v63  }
0x6a: {  	_ =	swait.ge [sflag:s22], $0x4000  }
0x6b: {  	[sflag:s22] =	ssyncset.done $0x0  }
0x6c: {  	[sflag:s22] =	ssyncadd.s32 $0xFFFFC000  }
0x6d: {  	_ =	swait.ge [sflag:s29], $0x4000  }
0x6e: {  	[sflag:s29] =	ssyncset.done $0x0  }
0x6f: {  	s17 =	simm.s32 $0x1780;
	[sflag:s29] =	ssyncadd.s32 $0xFFFFC000  }
0x70: {  	[spmem:s4] =	stream.indirect.scatter.add.f32 [tilespmem:s2], [sflag:$0x5], $0x80, s17, s24, $0xb8;
	[tilespmem:$0x1C800] =	vst v63  }
0x71: {  	_ =	swait.ge [sflag:s22], $0x4000  }
0x72: {  	[sflag:s22] =	ssyncset.done $0x0  }
0x73: {  	[sflag:s22] =	ssyncadd.s32 $0xFFFFC000  }
0x74: {  	[bflag:$0x0] =	sbarrier.arrive $0xFFFF  }
0x75: {  	s18 =	rddreg [dreg:$0x8]  }
0x76: {  	[hbm:s18], [sflag:s8] =	dma.local [spmem:s15], $0x1400  }
0x77: {  	_ =	swait.ge [sflag:s22], $0x1400  }
0x78: {  	[sflag:s22] =	ssyncset.done $0x0  }
0x79: {  	[sflag:s22] =	ssyncadd.s32 $0xFFFFEC00  }
0x7a: {  	[spmem:s15], [sflag:s8] =	dma.local [hbm:s7], $0x1400  }
0x7b: {  	_ =	swait.ge [sflag:s22], $0x1400  }
0x7c: {  	[sflag:s22] =	ssyncset.done $0x0  }
0x7d: {  	s17 =	rddreg [dreg:$0x9];
	[sflag:s22] =	ssyncadd.s32 $0xFFFFEC00  }
0x7e: {  	[tilespmem:s5], [sflag:$0x5] =	stream.linear.gather [hbm4b:s17+s5], $0x1400, $0x38;
	[tilespmem:$0x1C800] =	vst v63  }
0x7f: {  	_ =	swait.ge [sflag:s22], $0x1400  }
0x80: {  	[sflag:s22] =	ssyncset.done $0x0  }
0x81: {  	s18 =	rddreg [dreg:$0xa];
	[sflag:s22] =	ssyncadd.s32 $0xFFFFEC00  }
0x82: {  	[tilespmem:s23], [sflag:$0x5] =	stream.linear.gather [hbm4b:s18+s5], $0x1400, $0x38;
	[tilespmem:$0x1C800] =	vst v63  }
0x83: {  	_ =	swait.ge [sflag:s22], $0x1400  }
0x84: {  	[sflag:s22] =	ssyncset.done $0x0  }
0x85: {  	[sflag:s22] =	ssyncadd.s32 $0xFFFFEC00  }
0x86: {  	[tilespmem:s25], [sflag:$0x1] =	stream.indirect.gather [hbm4b:s3+s24], $0x80, s5, s24, $0xb8;
	[tilespmem:$0x1C800] =	vst v63  }
0x87: {  	_ = 	snop  }
0x88: {  	[tilespmem:s26], [sflag:$0x2] =	stream.indirect.gather [hbm4b:s3+s24], $0x80, s24, s24, $0xb8;
	[tilespmem:$0x1C800] =	vst v63  }
0x89: {  	[bflag:$0x0] =	sbarrier.arrive $0xFFFF  }
0x8a: {  	_ =	swait.ge [sflag:s28], $0x4000  }
0x8b: {  	[sflag:s28] =	ssyncset.done $0x0  }
0x8c: {  	s17 =	simm.s32 $0x100;
	[sflag:s28] =	ssyncadd.s32 $0xFFFFC000  }
0x8d: {  	[tilespmem:s30], [sflag:$0x3] =	stream.indirect.gather [hbm4b:s3+s24], $0x80, s17, s24, $0xb8;
	[tilespmem:$0x1C800] =	vst v63  }
0x8e: {  	s18 =	simm.s32 $0x1400  }
0x8f: {  	[spmem:s4] =	stream.indirect.scatter.add.f32 [tilespmem:s25], [sflag:$0x5], $0x80, s18, s24, $0xb8;
	[tilespmem:$0x1C800] =	vst v63  }
0x90: {  	_ =	swait.ge [sflag:s22], $0x4000  }
0x91: {  	[sflag:s22] =	ssyncset.done $0x0  }
0x92: {  	[sflag:s22] =	ssyncadd.s32 $0xFFFFC000  }
0x93: {  	_ =	swait.ge [sflag:s31], $0x4000  }
0x94: {  	[sflag:s31] =	ssyncset.done $0x0  }
0x95: {  	s17 =	simm.s32 $0x180;
	[sflag:s31] =	ssyncadd.s32 $0xFFFFC000  }
0x96: {  	[tilespmem:s2], [sflag:$0x4] =	stream.indirect.gather [hbm4b:s3+s24], $0x80, s17, s24, $0xb8;
	[tilespmem:$0x1C800] =	vst v63  }
0x97: {  	s18 =	simm.s32 $0x1480  }
0x98: {  	[spmem:s4] =	stream.indirect.scatter.add.f32 [tilespmem:s26], [sflag:$0x5], $0x80, s18, s24, $0xb8;
	[tilespmem:$0x1C800] =	vst v63  }
0x99: {  	_ =	swait.ge [sflag:s22], $0x4000  }
0x9a: {  	[sflag:s22] =	ssyncset.done $0x0  }
0x9b: {  	[sflag:s22] =	ssyncadd.s32 $0xFFFFC000  }
0x9c: {  	_ =	swait.ge [sflag:s0], $0x4000  }
0x9d: {  	[sflag:s0] =	ssyncset.done $0x0  }
0x9e: {  	s17 =	simm.s32 $0x200;
	[sflag:s0] =	ssyncadd.s32 $0xFFFFC000  }
0x9f: {  	[tilespmem:s25], [sflag:$0x1] =	stream.indirect.gather [hbm4b:s3+s24], $0x80, s17, s24, $0xb8;
	[tilespmem:$0x1C800] =	vst v63  }
0xa0: {  	s18 =	simm.s32 $0x1500  }
0xa1: {  	[spmem:s4] =	stream.indirect.scatter.add.f32 [tilespmem:s30], [sflag:$0x5], $0x80, s18, s24, $0xb8;
	[tilespmem:$0x1C800] =	vst v63  }
0xa2: {  	_ =	swait.ge [sflag:s22], $0x4000  }
0xa3: {  	[sflag:s22] =	ssyncset.done $0x0  }
0xa4: {  	[sflag:s22] =	ssyncadd.s32 $0xFFFFC000  }
0xa5: {  	_ =	swait.ge [sflag:s29], $0x4000  }
0xa6: {  	[sflag:s29] =	ssyncset.done $0x0  }
0xa7: {  	s17 =	simm.s32 $0x280;
	[sflag:s29] =	ssyncadd.s32 $0xFFFFC000  }
0xa8: {  	[tilespmem:s26], [sflag:$0x2] =	stream.indirect.gather [hbm4b:s3+s24], $0x80, s17, s24, $0xb8;
	[tilespmem:$0x1C800] =	vst v63  }
0xa9: {  	s18 =	simm.s32 $0x1580  }
0xaa: {  	[spmem:s4] =	stream.indirect.scatter.add.f32 [tilespmem:s2], [sflag:$0x5], $0x80, s18, s24, $0xb8;
	[tilespmem:$0x1C800] =	vst v63  }
0xab: {  	_ =	swait.ge [sflag:s22], $0x4000  }
0xac: {  	s16 =	simm.s32 $0x800;
	[sflag:s22] =	ssyncset.done $0x0  }
.LBB2_2:
0xad: {  	p0 =	sne.s32 s16, $0x4000  }
0xae: {  	[sflag:s22] =	ssyncadd.s32 $0xFFFFC000;
	s17 =	smov.u32 s16;
	s16 =	sadd.s32 $0x800, s16  }
0xaf: {  	_ = 	snop  }
0xb0: {  	_ =	swait.ge [sflag:s28], $0x4000  }
0xb1: {  	s17 =	sshra.s32 s17, $0x2;
	[sflag:s28] =	ssyncset.done $0x0  }
0xb2: {  	s18 =	sadd.s32 $0x100, s17;
	[sflag:s28] =	ssyncadd.s32 $0xFFFFC000  }
0xb3: {  	[tilespmem:s30], [sflag:$0x3] =	stream.indirect.gather [hbm4b:s3+s24], $0x80, s18, s24, $0xb8;
	[tilespmem:$0x1C800] =	vst v63  }
0xb4: {  	s18 =	sadd.s32 $0x1400, s17  }
0xb5: {  	[spmem:s4] =	stream.indirect.scatter.add.f32 [tilespmem:s25], [sflag:$0x5], $0x80, s18, s24, $0xb8;
	[tilespmem:$0x1C800] =	vst v63  }
0xb6: {  	_ =	swait.ge [sflag:s22], $0x4000  }
0xb7: {  	[sflag:s22] =	ssyncset.done $0x0  }
0xb8: {  	[sflag:s22] =	ssyncadd.s32 $0xFFFFC000  }
0xb9: {  	_ =	swait.ge [sflag:s31], $0x4000  }
0xba: {  	[sflag:s31] =	ssyncset.done $0x0  }
0xbb: {  	s18 =	sadd.s32 $0x180, s17;
	[sflag:s31] =	ssyncadd.s32 $0xFFFFC000  }
0xbc: {  	[tilespmem:s2], [sflag:$0x4] =	stream.indirect.gather [hbm4b:s3+s24], $0x80, s18, s24, $0xb8;
	[tilespmem:$0x1C800] =	vst v63  }
0xbd: {  	s18 =	sadd.s32 $0x1480, s17  }
0xbe: {  	[spmem:s4] =	stream.indirect.scatter.add.f32 [tilespmem:s26], [sflag:$0x5], $0x80, s18, s24, $0xb8;
	[tilespmem:$0x1C800] =	vst v63  }
0xbf: {  	_ =	swait.ge [sflag:s22], $0x4000  }
0xc0: {  	[sflag:s22] =	ssyncset.done $0x0  }
0xc1: {  	[sflag:s22] =	ssyncadd.s32 $0xFFFFC000  }
0xc2: {  	_ =	swait.ge [sflag:s0], $0x4000  }
0xc3: {  	[sflag:s0] =	ssyncset.done $0x0  }
0xc4: {  	s18 =	sadd.s32 $0x200, s17;
	[sflag:s0] =	ssyncadd.s32 $0xFFFFC000  }
0xc5: {  	[tilespmem:s25], [sflag:$0x1] =	stream.indirect.gather [hbm4b:s3+s24], $0x80, s18, s24, $0xb8;
	[tilespmem:$0x1C800] =	vst v63  }
0xc6: {  	s18 =	sadd.s32 $0x1500, s17  }
0xc7: {  	[spmem:s4] =	stream.indirect.scatter.add.f32 [tilespmem:s30], [sflag:$0x5], $0x80, s18, s24, $0xb8;
	[tilespmem:$0x1C800] =	vst v63  }
0xc8: {  	_ =	swait.ge [sflag:s22], $0x4000  }
0xc9: {  	[sflag:s22] =	ssyncset.done $0x0  }
0xca: {  	[sflag:s22] =	ssyncadd.s32 $0xFFFFC000  }
0xcb: {  	_ =	swait.ge [sflag:s29], $0x4000  }
0xcc: {  	[sflag:s29] =	ssyncset.done $0x0  }
0xcd: {  	s18 =	sadd.s32 $0x280, s17;
	[sflag:s29] =	ssyncadd.s32 $0xFFFFC000  }
0xce: {  	[tilespmem:s26], [sflag:$0x2] =	stream.indirect.gather [hbm4b:s3+s24], $0x80, s18, s24, $0xb8;
	[tilespmem:$0x1C800] =	vst v63  }
.Ltmp0:
0xcf: {  	_ = 	snop;
	(pc) =	sbr.rel @p0 .LBB2_2-.Ltmp0, $4  }
0xd0: {  	s17 =	sadd.s32 $0x1580, s17  }
0xd1: {  	[spmem:s4] =	stream.indirect.scatter.add.f32 [tilespmem:s2], [sflag:$0x5], $0x80, s17, s24, $0xb8;
	[tilespmem:$0x1C800] =	vst v63  }
0xd2: {  	_ =	swait.ge [sflag:s22], $0x4000  }
0xd3: {  	[sflag:s22] =	ssyncset.done $0x0  }
0xd4: {  	[sflag:s22] =	ssyncadd.s32 $0xFFFFC000  }
0xd5: {  	_ =	swait.ge [sflag:s28], $0x4000  }
0xd6: {  	[sflag:s28] =	ssyncset.done $0x0  }
0xd7: {  	[sflag:s28] =	ssyncadd.s32 $0xFFFFC000  }
0xd8: {  	[tilespmem:s30], [sflag:$0x3] =	stream.indirect.gather [hbm4b:s3+s24], $0x80, s6, s24, $0xb8;
	[tilespmem:$0x1C800] =	vst v63  }
0xd9: {  	_ = 	snop  }
0xda: {  	[spmem:s4] =	stream.indirect.scatter.add.f32 [tilespmem:s25], [sflag:$0x5], $0x80, s9, s24, $0xb8;
	[tilespmem:$0x1C800] =	vst v63  }
0xdb: {  	_ =	swait.ge [sflag:s22], $0x4000  }
0xdc: {  	[sflag:s22] =	ssyncset.done $0x0  }
0xdd: {  	[sflag:s22] =	ssyncadd.s32 $0xFFFFC000  }
0xde: {  	_ =	swait.ge [sflag:s31], $0x4000  }
0xdf: {  	[sflag:s31] =	ssyncset.done $0x0  }
0xe0: {  	[sflag:s31] =	ssyncadd.s32 $0xFFFFC000  }
0xe1: {  	[tilespmem:s2], [sflag:$0x4] =	stream.indirect.gather [hbm4b:s3+s24], $0x80, s10, s24, $0xb8;
	[tilespmem:$0x1C800] =	vst v63  }
0xe2: {  	_ = 	snop  }
0xe3: {  	[spmem:s4] =	stream.indirect.scatter.add.f32 [tilespmem:s26], [sflag:$0x5], $0x80, s11, s24, $0xb8;
	[tilespmem:$0x1C800] =	vst v63  }
0xe4: {  	_ =	swait.ge [sflag:s22], $0x4000  }
0xe5: {  	[sflag:s22] =	ssyncset.done $0x0  }
0xe6: {  	[sflag:s22] =	ssyncadd.s32 $0xFFFFC000  }
0xe7: {  	_ =	swait.ge [sflag:s0], $0x4000  }
0xe8: {  	[sflag:s0] =	ssyncset.done $0x0  }
0xe9: {  	[sflag:s0] =	ssyncadd.s32 $0xFFFFC000  }
0xea: {  	[spmem:s4] =	stream.indirect.scatter.add.f32 [tilespmem:s30], [sflag:$0x5], $0x80, s12, s24, $0xb8;
	[tilespmem:$0x1C800] =	vst v63  }
0xeb: {  	_ =	swait.ge [sflag:s22], $0x4000  }
0xec: {  	[sflag:s22] =	ssyncset.done $0x0  }
0xed: {  	[sflag:s22] =	ssyncadd.s32 $0xFFFFC000  }
0xee: {  	_ =	swait.ge [sflag:s29], $0x4000  }
0xef: {  	[sflag:s29] =	ssyncset.done $0x0  }
0xf0: {  	[sflag:s29] =	ssyncadd.s32 $0xFFFFC000  }
0xf1: {  	[spmem:s4] =	stream.indirect.scatter.add.f32 [tilespmem:s2], [sflag:$0x5], $0x80, s13, s24, $0xb8;
	[tilespmem:$0x1C800] =	vst v63  }
0xf2: {  	_ =	swait.ge [sflag:s22], $0x4000  }
0xf3: {  	[sflag:s22] =	ssyncset.done $0x0  }
0xf4: {  	s16 =	simm.s32 $0x0;
	s17 =	rddreg [dreg:$0xb];
	[sflag:s22] =	ssyncadd.s32 $0xFFFFC000  }
0xf5: {  	[tilespmem:s16], [sflag:$0x5] =	stream.linear.gather [hbm4b:s17+s16], $0x1400, $0x38;
	[tilespmem:$0x1C800] =	vst v63  }
0xf6: {  	_ =	swait.ge [sflag:s22], $0x1400  }
0xf7: {  	[sflag:s22] =	ssyncset.done $0x0  }
0xf8: {  	s18 =	rddreg [dreg:$0xc];
	[sflag:s22] =	ssyncadd.s32 $0xFFFFEC00  }
0xf9: {  	[tilespmem:s23], [sflag:$0x5] =	stream.linear.gather [hbm4b:s18+s16], $0x1400, $0x38;
	[tilespmem:$0x1C800] =	vst v63  }
0xfa: {  	_ =	swait.ge [sflag:s22], $0x1400  }
0xfb: {  	[sflag:s22] =	ssyncset.done $0x0  }
0xfc: {  	[sflag:s22] =	ssyncadd.s32 $0xFFFFEC00  }
0xfd: {  	[tilespmem:s25], [sflag:$0x1] =	stream.indirect.gather [hbm4b:s3+s24], $0x80, s16, s24, $0xb8;
	[tilespmem:$0x1C800] =	vst v63  }
0xfe: {  	_ = 	snop  }
0xff: {  	[tilespmem:s26], [sflag:$0x2] =	stream.indirect.gather [hbm4b:s3+s24], $0x80, s24, s24, $0xb8;
	[tilespmem:$0x1C800] =	vst v63  }
0x100: {  	_ =	swait.ge [sflag:s28], $0x4000  }
0x101: {  	[sflag:s28] =	ssyncset.done $0x0  }
0x102: {  	s17 =	simm.s32 $0x100;
	[sflag:s28] =	ssyncadd.s32 $0xFFFFC000  }
0x103: {  	[tilespmem:s30], [sflag:$0x3] =	stream.indirect.gather [hbm4b:s3+s24], $0x80, s17, s24, $0xb8;
	[tilespmem:$0x1C800] =	vst v63  }
0x104: {  	s18 =	simm.s32 $0x1400  }
0x105: {  	[spmem:s4] =	stream.indirect.scatter.add.f32 [tilespmem:s25], [sflag:$0x5], $0x80, s18, s24, $0xb8;
	[tilespmem:$0x1C800] =	vst v63  }
0x106: {  	_ =	swait.ge [sflag:s22], $0x4000  }
0x107: {  	[sflag:s22] =	ssyncset.done $0x0  }
0x108: {  	[sflag:s22] =	ssyncadd.s32 $0xFFFFC000  }
0x109: {  	_ =	swait.ge [sflag:s31], $0x4000  }
0x10a: {  	[sflag:s31] =	ssyncset.done $0x0  }
0x10b: {  	s17 =	simm.s32 $0x180;
	[sflag:s31] =	ssyncadd.s32 $0xFFFFC000  }
0x10c: {  	[tilespmem:s2], [sflag:$0x4] =	stream.indirect.gather [hbm4b:s3+s24], $0x80, s17, s24, $0xb8;
	[tilespmem:$0x1C800] =	vst v63  }
0x10d: {  	s18 =	simm.s32 $0x1480  }
0x10e: {  	[spmem:s4] =	stream.indirect.scatter.add.f32 [tilespmem:s26], [sflag:$0x5], $0x80, s18, s24, $0xb8;
	[tilespmem:$0x1C800] =	vst v63  }
0x10f: {  	_ =	swait.ge [sflag:s22], $0x4000  }
0x110: {  	[sflag:s22] =	ssyncset.done $0x0  }
0x111: {  	[sflag:s22] =	ssyncadd.s32 $0xFFFFC000  }
0x112: {  	_ =	swait.ge [sflag:s0], $0x4000  }
0x113: {  	[sflag:s0] =	ssyncset.done $0x0  }
0x114: {  	s17 =	simm.s32 $0x200;
	[sflag:s0] =	ssyncadd.s32 $0xFFFFC000  }
0x115: {  	[tilespmem:s25], [sflag:$0x1] =	stream.indirect.gather [hbm4b:s3+s24], $0x80, s17, s24, $0xb8;
	[tilespmem:$0x1C800] =	vst v63  }
0x116: {  	s18 =	simm.s32 $0x1500  }
0x117: {  	[spmem:s4] =	stream.indirect.scatter.add.f32 [tilespmem:s30], [sflag:$0x5], $0x80, s18, s24, $0xb8;
	[tilespmem:$0x1C800] =	vst v63  }
0x118: {  	_ =	swait.ge [sflag:s22], $0x4000  }
0x119: {  	[sflag:s22] =	ssyncset.done $0x0  }
0x11a: {  	[sflag:s22] =	ssyncadd.s32 $0xFFFFC000  }
0x11b: {  	_ =	swait.ge [sflag:s29], $0x4000  }
0x11c: {  	[sflag:s29] =	ssyncset.done $0x0  }
0x11d: {  	s17 =	simm.s32 $0x280;
	[sflag:s29] =	ssyncadd.s32 $0xFFFFC000  }
0x11e: {  	[tilespmem:s26], [sflag:$0x2] =	stream.indirect.gather [hbm4b:s3+s24], $0x80, s17, s24, $0xb8;
	[tilespmem:$0x1C800] =	vst v63  }
0x11f: {  	s18 =	simm.s32 $0x1580  }
0x120: {  	[spmem:s4] =	stream.indirect.scatter.add.f32 [tilespmem:s2], [sflag:$0x5], $0x80, s18, s24, $0xb8;
	[tilespmem:$0x1C800] =	vst v63  }
0x121: {  	_ =	swait.ge [sflag:s22], $0x4000  }
0x122: {  	s16 =	simm.s32 $0x800;
	[sflag:s22] =	ssyncset.done $0x0  }
.LBB2_4:
0x123: {  	p0 =	sne.s32 s16, $0x4000  }
0x124: {  	[sflag:s22] =	ssyncadd.s32 $0xFFFFC000;
	s17 =	smov.u32 s16;
	s16 =	sadd.s32 $0x800, s16  }
0x125: {  	_ = 	snop  }
0x126: {  	_ =	swait.ge [sflag:s28], $0x4000  }
0x127: {  	s17 =	sshra.s32 s17, $0x2;
	[sflag:s28] =	ssyncset.done $0x0  }
0x128: {  	s18 =	sadd.s32 $0x100, s17;
	[sflag:s28] =	ssyncadd.s32 $0xFFFFC000  }
0x129: {  	[tilespmem:s30], [sflag:$0x3] =	stream.indirect.gather [hbm4b:s3+s24], $0x80, s18, s24, $0xb8;
	[tilespmem:$0x1C800] =	vst v63  }
0x12a: {  	s18 =	sadd.s32 $0x1400, s17  }
0x12b: {  	[spmem:s4] =	stream.indirect.scatter.add.f32 [tilespmem:s25], [sflag:$0x5], $0x80, s18, s24, $0xb8;
	[tilespmem:$0x1C800] =	vst v63  }
0x12c: {  	_ =	swait.ge [sflag:s22], $0x4000  }
0x12d: {  	[sflag:s22] =	ssyncset.done $0x0  }
0x12e: {  	[sflag:s22] =	ssyncadd.s32 $0xFFFFC000  }
0x12f: {  	_ =	swait.ge [sflag:s31], $0x4000  }
0x130: {  	[sflag:s31] =	ssyncset.done $0x0  }
0x131: {  	s18 =	sadd.s32 $0x180, s17;
	[sflag:s31] =	ssyncadd.s32 $0xFFFFC000  }
0x132: {  	[tilespmem:s2], [sflag:$0x4] =	stream.indirect.gather [hbm4b:s3+s24], $0x80, s18, s24, $0xb8;
	[tilespmem:$0x1C800] =	vst v63  }
0x133: {  	s18 =	sadd.s32 $0x1480, s17  }
0x134: {  	[spmem:s4] =	stream.indirect.scatter.add.f32 [tilespmem:s26], [sflag:$0x5], $0x80, s18, s24, $0xb8;
	[tilespmem:$0x1C800] =	vst v63  }
0x135: {  	_ =	swait.ge [sflag:s22], $0x4000  }
0x136: {  	[sflag:s22] =	ssyncset.done $0x0  }
0x137: {  	[sflag:s22] =	ssyncadd.s32 $0xFFFFC000  }
0x138: {  	_ =	swait.ge [sflag:s0], $0x4000  }
0x139: {  	[sflag:s0] =	ssyncset.done $0x0  }
0x13a: {  	s18 =	sadd.s32 $0x200, s17;
	[sflag:s0] =	ssyncadd.s32 $0xFFFFC000  }
0x13b: {  	[tilespmem:s25], [sflag:$0x1] =	stream.indirect.gather [hbm4b:s3+s24], $0x80, s18, s24, $0xb8;
	[tilespmem:$0x1C800] =	vst v63  }
0x13c: {  	s18 =	sadd.s32 $0x1500, s17  }
0x13d: {  	[spmem:s4] =	stream.indirect.scatter.add.f32 [tilespmem:s30], [sflag:$0x5], $0x80, s18, s24, $0xb8;
	[tilespmem:$0x1C800] =	vst v63  }
0x13e: {  	_ =	swait.ge [sflag:s22], $0x4000  }
0x13f: {  	[sflag:s22] =	ssyncset.done $0x0  }
0x140: {  	[sflag:s22] =	ssyncadd.s32 $0xFFFFC000  }
0x141: {  	_ =	swait.ge [sflag:s29], $0x4000  }
0x142: {  	[sflag:s29] =	ssyncset.done $0x0  }
0x143: {  	s18 =	sadd.s32 $0x280, s17;
	[sflag:s29] =	ssyncadd.s32 $0xFFFFC000  }
0x144: {  	[tilespmem:s26], [sflag:$0x2] =	stream.indirect.gather [hbm4b:s3+s24], $0x80, s18, s24, $0xb8;
	[tilespmem:$0x1C800] =	vst v63  }
.Ltmp1:
0x145: {  	_ = 	snop;
	(pc) =	sbr.rel @p0 .LBB2_4-.Ltmp1, $4  }
0x146: {  	s17 =	sadd.s32 $0x1580, s17  }
0x147: {  	[spmem:s4] =	stream.indirect.scatter.add.f32 [tilespmem:s2], [sflag:$0x5], $0x80, s17, s24, $0xb8;
	[tilespmem:$0x1C800] =	vst v63  }
0x148: {  	_ =	swait.ge [sflag:s22], $0x4000  }
0x149: {  	[sflag:s22] =	ssyncset.done $0x0  }
0x14a: {  	[sflag:s22] =	ssyncadd.s32 $0xFFFFC000  }
0x14b: {  	_ =	swait.ge [sflag:s28], $0x4000  }
0x14c: {  	[sflag:s28] =	ssyncset.done $0x0  }
0x14d: {  	[sflag:s28] =	ssyncadd.s32 $0xFFFFC000  }
0x14e: {  	[tilespmem:s30], [sflag:$0x3] =	stream.indirect.gather [hbm4b:s3+s24], $0x80, s6, s24, $0xb8;
	[tilespmem:$0x1C800] =	vst v63  }
0x14f: {  	_ = 	snop  }
0x150: {  	[spmem:s4] =	stream.indirect.scatter.add.f32 [tilespmem:s25], [sflag:$0x5], $0x80, s9, s24, $0xb8;
	[tilespmem:$0x1C800] =	vst v63  }
0x151: {  	_ =	swait.ge [sflag:s22], $0x4000  }
0x152: {  	[sflag:s22] =	ssyncset.done $0x0  }
0x153: {  	[sflag:s22] =	ssyncadd.s32 $0xFFFFC000  }
0x154: {  	_ =	swait.ge [sflag:s31], $0x4000  }
0x155: {  	[sflag:s31] =	ssyncset.done $0x0  }
0x156: {  	[sflag:s31] =	ssyncadd.s32 $0xFFFFC000  }
0x157: {  	[tilespmem:s2], [sflag:$0x4] =	stream.indirect.gather [hbm4b:s3+s24], $0x80, s10, s24, $0xb8;
	[tilespmem:$0x1C800] =	vst v63  }
0x158: {  	_ = 	snop  }
0x159: {  	[spmem:s4] =	stream.indirect.scatter.add.f32 [tilespmem:s26], [sflag:$0x5], $0x80, s11, s24, $0xb8;
	[tilespmem:$0x1C800] =	vst v63  }
0x15a: {  	_ =	swait.ge [sflag:s22], $0x4000  }
0x15b: {  	[sflag:s22] =	ssyncset.done $0x0  }
0x15c: {  	[sflag:s22] =	ssyncadd.s32 $0xFFFFC000  }
0x15d: {  	_ =	swait.ge [sflag:s0], $0x4000  }
0x15e: {  	[sflag:s0] =	ssyncset.done $0x0  }
0x15f: {  	[sflag:s0] =	ssyncadd.s32 $0xFFFFC000  }
0x160: {  	[spmem:s4] =	stream.indirect.scatter.add.f32 [tilespmem:s30], [sflag:$0x5], $0x80, s12, s24, $0xb8;
	[tilespmem:$0x1C800] =	vst v63  }
0x161: {  	_ =	swait.ge [sflag:s22], $0x4000  }
0x162: {  	[sflag:s22] =	ssyncset.done $0x0  }
0x163: {  	[sflag:s22] =	ssyncadd.s32 $0xFFFFC000  }
0x164: {  	_ =	swait.ge [sflag:s29], $0x4000  }
0x165: {  	[sflag:s29] =	ssyncset.done $0x0  }
0x166: {  	[sflag:s29] =	ssyncadd.s32 $0xFFFFC000  }
0x167: {  	[spmem:s4] =	stream.indirect.scatter.add.f32 [tilespmem:s2], [sflag:$0x5], $0x80, s13, s24, $0xb8;
	[tilespmem:$0x1C800] =	vst v63  }
0x168: {  	_ =	swait.ge [sflag:s22], $0x4000  }
0x169: {  	[sflag:s22] =	ssyncset.done $0x0  }
0x16a: {  	s16 =	simm.s32 $0x0;
	s17 =	rddreg [dreg:$0xd];
	[sflag:s22] =	ssyncadd.s32 $0xFFFFC000  }
0x16b: {  	[tilespmem:s16], [sflag:$0x5] =	stream.linear.gather [hbm4b:s17+s16], $0x1400, $0x38;
	[tilespmem:$0x1C800] =	vst v63  }
0x16c: {  	_ =	swait.ge [sflag:s22], $0x1400  }
0x16d: {  	[sflag:s22] =	ssyncset.done $0x0  }
0x16e: {  	s18 =	rddreg [dreg:$0xe];
	[sflag:s22] =	ssyncadd.s32 $0xFFFFEC00  }
0x16f: {  	[tilespmem:s23], [sflag:$0x5] =	stream.linear.gather [hbm4b:s18+s16], $0x1400, $0x38;
	[tilespmem:$0x1C800] =	vst v63  }
0x170: {  	_ =	swait.ge [sflag:s22], $0x1400  }
0x171: {  	[sflag:s22] =	ssyncset.done $0x0  }
0x172: {  	[sflag:s22] =	ssyncadd.s32 $0xFFFFEC00  }
0x173: {  	[tilespmem:s25], [sflag:$0x1] =	stream.indirect.gather [hbm4b:s3+s24], $0x80, s16, s24, $0xb8;
	[tilespmem:$0x1C800] =	vst v63  }
0x174: {  	_ = 	snop  }
0x175: {  	[tilespmem:s26], [sflag:$0x2] =	stream.indirect.gather [hbm4b:s3+s24], $0x80, s24, s24, $0xb8;
	[tilespmem:$0x1C800] =	vst v63  }
0x176: {  	_ =	swait.ge [sflag:s28], $0x4000  }
0x177: {  	[sflag:s28] =	ssyncset.done $0x0  }
0x178: {  	s17 =	simm.s32 $0x100;
	[sflag:s28] =	ssyncadd.s32 $0xFFFFC000  }
0x179: {  	[tilespmem:s30], [sflag:$0x3] =	stream.indirect.gather [hbm4b:s3+s24], $0x80, s17, s24, $0xb8;
	[tilespmem:$0x1C800] =	vst v63  }
0x17a: {  	s18 =	simm.s32 $0x1400  }
0x17b: {  	[spmem:s4] =	stream.indirect.scatter.add.f32 [tilespmem:s25], [sflag:$0x5], $0x80, s18, s24, $0xb8;
	[tilespmem:$0x1C800] =	vst v63  }
0x17c: {  	_ =	swait.ge [sflag:s22], $0x4000  }
0x17d: {  	[sflag:s22] =	ssyncset.done $0x0  }
0x17e: {  	[sflag:s22] =	ssyncadd.s32 $0xFFFFC000  }
0x17f: {  	_ =	swait.ge [sflag:s31], $0x4000  }
0x180: {  	[sflag:s31] =	ssyncset.done $0x0  }
0x181: {  	s17 =	simm.s32 $0x180;
	[sflag:s31] =	ssyncadd.s32 $0xFFFFC000  }
0x182: {  	[tilespmem:s2], [sflag:$0x4] =	stream.indirect.gather [hbm4b:s3+s24], $0x80, s17, s24, $0xb8;
	[tilespmem:$0x1C800] =	vst v63  }
0x183: {  	s18 =	simm.s32 $0x1480  }
0x184: {  	[spmem:s4] =	stream.indirect.scatter.add.f32 [tilespmem:s26], [sflag:$0x5], $0x80, s18, s24, $0xb8;
	[tilespmem:$0x1C800] =	vst v63  }
0x185: {  	_ =	swait.ge [sflag:s22], $0x4000  }
0x186: {  	[sflag:s22] =	ssyncset.done $0x0  }
0x187: {  	[sflag:s22] =	ssyncadd.s32 $0xFFFFC000  }
0x188: {  	_ =	swait.ge [sflag:s0], $0x4000  }
0x189: {  	[sflag:s0] =	ssyncset.done $0x0  }
0x18a: {  	s17 =	simm.s32 $0x200;
	[sflag:s0] =	ssyncadd.s32 $0xFFFFC000  }
0x18b: {  	[tilespmem:s25], [sflag:$0x1] =	stream.indirect.gather [hbm4b:s3+s24], $0x80, s17, s24, $0xb8;
	[tilespmem:$0x1C800] =	vst v63  }
0x18c: {  	s18 =	simm.s32 $0x1500  }
0x18d: {  	[spmem:s4] =	stream.indirect.scatter.add.f32 [tilespmem:s30], [sflag:$0x5], $0x80, s18, s24, $0xb8;
	[tilespmem:$0x1C800] =	vst v63  }
0x18e: {  	_ =	swait.ge [sflag:s22], $0x4000  }
0x18f: {  	[sflag:s22] =	ssyncset.done $0x0  }
0x190: {  	[sflag:s22] =	ssyncadd.s32 $0xFFFFC000  }
0x191: {  	_ =	swait.ge [sflag:s29], $0x4000  }
0x192: {  	[sflag:s29] =	ssyncset.done $0x0  }
0x193: {  	s17 =	simm.s32 $0x280;
	[sflag:s29] =	ssyncadd.s32 $0xFFFFC000  }
0x194: {  	[tilespmem:s26], [sflag:$0x2] =	stream.indirect.gather [hbm4b:s3+s24], $0x80, s17, s24, $0xb8;
	[tilespmem:$0x1C800] =	vst v63  }
0x195: {  	s18 =	simm.s32 $0x1580  }
0x196: {  	[spmem:s4] =	stream.indirect.scatter.add.f32 [tilespmem:s2], [sflag:$0x5], $0x80, s18, s24, $0xb8;
	[tilespmem:$0x1C800] =	vst v63  }
0x197: {  	_ =	swait.ge [sflag:s22], $0x4000  }
0x198: {  	s16 =	simm.s32 $0x800;
	[sflag:s22] =	ssyncset.done $0x0  }
.LBB2_6:
0x199: {  	p0 =	sne.s32 s16, $0x4000  }
0x19a: {  	[sflag:s22] =	ssyncadd.s32 $0xFFFFC000;
	s17 =	smov.u32 s16;
	s16 =	sadd.s32 $0x800, s16  }
0x19b: {  	_ = 	snop  }
0x19c: {  	_ =	swait.ge [sflag:s28], $0x4000  }
0x19d: {  	s17 =	sshra.s32 s17, $0x2;
	[sflag:s28] =	ssyncset.done $0x0  }
0x19e: {  	s18 =	sadd.s32 $0x100, s17;
	[sflag:s28] =	ssyncadd.s32 $0xFFFFC000  }
0x19f: {  	[tilespmem:s30], [sflag:$0x3] =	stream.indirect.gather [hbm4b:s3+s24], $0x80, s18, s24, $0xb8;
	[tilespmem:$0x1C800] =	vst v63  }
0x1a0: {  	s18 =	sadd.s32 $0x1400, s17  }
0x1a1: {  	[spmem:s4] =	stream.indirect.scatter.add.f32 [tilespmem:s25], [sflag:$0x5], $0x80, s18, s24, $0xb8;
	[tilespmem:$0x1C800] =	vst v63  }
0x1a2: {  	_ =	swait.ge [sflag:s22], $0x4000  }
0x1a3: {  	[sflag:s22] =	ssyncset.done $0x0  }
0x1a4: {  	[sflag:s22] =	ssyncadd.s32 $0xFFFFC000  }
0x1a5: {  	_ =	swait.ge [sflag:s31], $0x4000  }
0x1a6: {  	[sflag:s31] =	ssyncset.done $0x0  }
0x1a7: {  	s18 =	sadd.s32 $0x180, s17;
	[sflag:s31] =	ssyncadd.s32 $0xFFFFC000  }
0x1a8: {  	[tilespmem:s2], [sflag:$0x4] =	stream.indirect.gather [hbm4b:s3+s24], $0x80, s18, s24, $0xb8;
	[tilespmem:$0x1C800] =	vst v63  }
0x1a9: {  	s18 =	sadd.s32 $0x1480, s17  }
0x1aa: {  	[spmem:s4] =	stream.indirect.scatter.add.f32 [tilespmem:s26], [sflag:$0x5], $0x80, s18, s24, $0xb8;
	[tilespmem:$0x1C800] =	vst v63  }
0x1ab: {  	_ =	swait.ge [sflag:s22], $0x4000  }
0x1ac: {  	[sflag:s22] =	ssyncset.done $0x0  }
0x1ad: {  	[sflag:s22] =	ssyncadd.s32 $0xFFFFC000  }
0x1ae: {  	_ =	swait.ge [sflag:s0], $0x4000  }
0x1af: {  	[sflag:s0] =	ssyncset.done $0x0  }
0x1b0: {  	s18 =	sadd.s32 $0x200, s17;
	[sflag:s0] =	ssyncadd.s32 $0xFFFFC000  }
0x1b1: {  	[tilespmem:s25], [sflag:$0x1] =	stream.indirect.gather [hbm4b:s3+s24], $0x80, s18, s24, $0xb8;
	[tilespmem:$0x1C800] =	vst v63  }
0x1b2: {  	s18 =	sadd.s32 $0x1500, s17  }
0x1b3: {  	[spmem:s4] =	stream.indirect.scatter.add.f32 [tilespmem:s30], [sflag:$0x5], $0x80, s18, s24, $0xb8;
	[tilespmem:$0x1C800] =	vst v63  }
0x1b4: {  	_ =	swait.ge [sflag:s22], $0x4000  }
0x1b5: {  	[sflag:s22] =	ssyncset.done $0x0  }
0x1b6: {  	[sflag:s22] =	ssyncadd.s32 $0xFFFFC000  }
0x1b7: {  	_ =	swait.ge [sflag:s29], $0x4000  }
0x1b8: {  	[sflag:s29] =	ssyncset.done $0x0  }
0x1b9: {  	s18 =	sadd.s32 $0x280, s17;
	[sflag:s29] =	ssyncadd.s32 $0xFFFFC000  }
0x1ba: {  	[tilespmem:s26], [sflag:$0x2] =	stream.indirect.gather [hbm4b:s3+s24], $0x80, s18, s24, $0xb8;
	[tilespmem:$0x1C800] =	vst v63  }
.Ltmp2:
0x1bb: {  	_ = 	snop;
	(pc) =	sbr.rel @p0 .LBB2_6-.Ltmp2, $4  }
0x1bc: {  	s17 =	sadd.s32 $0x1580, s17  }
0x1bd: {  	[spmem:s4] =	stream.indirect.scatter.add.f32 [tilespmem:s2], [sflag:$0x5], $0x80, s17, s24, $0xb8;
	[tilespmem:$0x1C800] =	vst v63  }
0x1be: {  	_ =	swait.ge [sflag:s22], $0x4000  }
0x1bf: {  	[sflag:s22] =	ssyncset.done $0x0  }
0x1c0: {  	[sflag:s22] =	ssyncadd.s32 $0xFFFFC000  }
0x1c1: {  	_ =	swait.ge [sflag:s28], $0x4000  }
0x1c2: {  	[sflag:s28] =	ssyncset.done $0x0  }
0x1c3: {  	[sflag:s28] =	ssyncadd.s32 $0xFFFFC000  }
0x1c4: {  	[tilespmem:s30], [sflag:$0x3] =	stream.indirect.gather [hbm4b:s3+s24], $0x80, s6, s24, $0xb8;
	[tilespmem:$0x1C800] =	vst v63  }
0x1c5: {  	_ = 	snop  }
0x1c6: {  	[spmem:s4] =	stream.indirect.scatter.add.f32 [tilespmem:s25], [sflag:$0x5], $0x80, s9, s24, $0xb8;
	[tilespmem:$0x1C800] =	vst v63  }
0x1c7: {  	_ =	swait.ge [sflag:s22], $0x4000  }
0x1c8: {  	[sflag:s22] =	ssyncset.done $0x0  }
0x1c9: {  	[sflag:s22] =	ssyncadd.s32 $0xFFFFC000  }
0x1ca: {  	_ =	swait.ge [sflag:s31], $0x4000  }
0x1cb: {  	[sflag:s31] =	ssyncset.done $0x0  }
0x1cc: {  	[sflag:s31] =	ssyncadd.s32 $0xFFFFC000  }
0x1cd: {  	[tilespmem:s2], [sflag:$0x4] =	stream.indirect.gather [hbm4b:s3+s24], $0x80, s10, s24, $0xb8;
	[tilespmem:$0x1C800] =	vst v63  }
0x1ce: {  	_ = 	snop  }
0x1cf: {  	[spmem:s4] =	stream.indirect.scatter.add.f32 [tilespmem:s26], [sflag:$0x5], $0x80, s11, s24, $0xb8;
	[tilespmem:$0x1C800] =	vst v63  }
0x1d0: {  	_ =	swait.ge [sflag:s22], $0x4000  }
0x1d1: {  	[sflag:s22] =	ssyncset.done $0x0  }
0x1d2: {  	[sflag:s22] =	ssyncadd.s32 $0xFFFFC000  }
0x1d3: {  	_ =	swait.ge [sflag:s0], $0x4000  }
0x1d4: {  	[sflag:s0] =	ssyncset.done $0x0  }
0x1d5: {  	[sflag:s0] =	ssyncadd.s32 $0xFFFFC000  }
0x1d6: {  	[spmem:s4] =	stream.indirect.scatter.add.f32 [tilespmem:s30], [sflag:$0x5], $0x80, s12, s24, $0xb8;
	[tilespmem:$0x1C800] =	vst v63  }
0x1d7: {  	_ =	swait.ge [sflag:s22], $0x4000  }
0x1d8: {  	[sflag:s22] =	ssyncset.done $0x0  }
0x1d9: {  	[sflag:s22] =	ssyncadd.s32 $0xFFFFC000  }
0x1da: {  	_ =	swait.ge [sflag:s29], $0x4000  }
0x1db: {  	[sflag:s29] =	ssyncset.done $0x0  }
0x1dc: {  	[sflag:s29] =	ssyncadd.s32 $0xFFFFC000  }
0x1dd: {  	[spmem:s4] =	stream.indirect.scatter.add.f32 [tilespmem:s2], [sflag:$0x5], $0x80, s13, s24, $0xb8;
	[tilespmem:$0x1C800] =	vst v63  }
0x1de: {  	_ =	swait.ge [sflag:s22], $0x4000  }
0x1df: {  	[sflag:s22] =	ssyncset.done $0x0  }
0x1e0: {  	s16 =	simm.s32 $0x0;
	s17 =	rddreg [dreg:$0xf];
	[sflag:s22] =	ssyncadd.s32 $0xFFFFC000  }
0x1e1: {  	[tilespmem:s16], [sflag:$0x5] =	stream.linear.gather [hbm4b:s17+s16], $0x1400, $0x38;
	[tilespmem:$0x1C800] =	vst v63  }
0x1e2: {  	_ =	swait.ge [sflag:s22], $0x1400  }
0x1e3: {  	[sflag:s22] =	ssyncset.done $0x0  }
0x1e4: {  	[sflag:s22] =	ssyncadd.s32 $0xFFFFEC00  }
0x1e5: {  	[tilespmem:s23], [sflag:$0x5] =	stream.linear.gather [hbm4b:s19+s16], $0x1400, $0x38;
	[tilespmem:$0x1C800] =	vst v63  }
0x1e6: {  	_ =	swait.ge [sflag:s22], $0x1400  }
0x1e7: {  	[sflag:s22] =	ssyncset.done $0x0  }
0x1e8: {  	[sflag:s22] =	ssyncadd.s32 $0xFFFFEC00  }
0x1e9: {  	[tilespmem:s25], [sflag:$0x1] =	stream.indirect.gather [hbm4b:s3+s24], $0x80, s16, s24, $0xb8;
	[tilespmem:$0x1C800] =	vst v63  }
0x1ea: {  	_ = 	snop  }
0x1eb: {  	[tilespmem:s26], [sflag:$0x2] =	stream.indirect.gather [hbm4b:s3+s24], $0x80, s24, s24, $0xb8;
	[tilespmem:$0x1C800] =	vst v63  }
0x1ec: {  	_ =	swait.ge [sflag:s28], $0x4000  }
0x1ed: {  	[sflag:s28] =	ssyncset.done $0x0  }
0x1ee: {  	s17 =	simm.s32 $0x100;
	[sflag:s28] =	ssyncadd.s32 $0xFFFFC000  }
0x1ef: {  	[tilespmem:s30], [sflag:$0x3] =	stream.indirect.gather [hbm4b:s3+s24], $0x80, s17, s24, $0xb8;
	[tilespmem:$0x1C800] =	vst v63  }
0x1f0: {  	s18 =	simm.s32 $0x1400  }
0x1f1: {  	[spmem:s4] =	stream.indirect.scatter.add.f32 [tilespmem:s25], [sflag:$0x5], $0x80, s18, s24, $0xb8;
	[tilespmem:$0x1C800] =	vst v63  }
0x1f2: {  	_ =	swait.ge [sflag:s22], $0x4000  }
0x1f3: {  	[sflag:s22] =	ssyncset.done $0x0  }
0x1f4: {  	[sflag:s22] =	ssyncadd.s32 $0xFFFFC000  }
0x1f5: {  	_ =	swait.ge [sflag:s31], $0x4000  }
0x1f6: {  	[sflag:s31] =	ssyncset.done $0x0  }
0x1f7: {  	s17 =	simm.s32 $0x180;
	[sflag:s31] =	ssyncadd.s32 $0xFFFFC000  }
0x1f8: {  	[tilespmem:s2], [sflag:$0x4] =	stream.indirect.gather [hbm4b:s3+s24], $0x80, s17, s24, $0xb8;
	[tilespmem:$0x1C800] =	vst v63  }
0x1f9: {  	s18 =	simm.s32 $0x1480  }
0x1fa: {  	[spmem:s4] =	stream.indirect.scatter.add.f32 [tilespmem:s26], [sflag:$0x5], $0x80, s18, s24, $0xb8;
	[tilespmem:$0x1C800] =	vst v63  }
0x1fb: {  	_ =	swait.ge [sflag:s22], $0x4000  }
0x1fc: {  	[sflag:s22] =	ssyncset.done $0x0  }
0x1fd: {  	[sflag:s22] =	ssyncadd.s32 $0xFFFFC000  }
0x1fe: {  	_ =	swait.ge [sflag:s0], $0x4000  }
0x1ff: {  	[sflag:s0] =	ssyncset.done $0x0  }
0x200: {  	s17 =	simm.s32 $0x200;
	[sflag:s0] =	ssyncadd.s32 $0xFFFFC000  }
0x201: {  	[tilespmem:s25], [sflag:$0x1] =	stream.indirect.gather [hbm4b:s3+s24], $0x80, s17, s24, $0xb8;
	[tilespmem:$0x1C800] =	vst v63  }
0x202: {  	s18 =	simm.s32 $0x1500  }
0x203: {  	[spmem:s4] =	stream.indirect.scatter.add.f32 [tilespmem:s30], [sflag:$0x5], $0x80, s18, s24, $0xb8;
	[tilespmem:$0x1C800] =	vst v63  }
0x204: {  	_ =	swait.ge [sflag:s22], $0x4000  }
0x205: {  	[sflag:s22] =	ssyncset.done $0x0  }
0x206: {  	[sflag:s22] =	ssyncadd.s32 $0xFFFFC000  }
0x207: {  	_ =	swait.ge [sflag:s29], $0x4000  }
0x208: {  	[sflag:s29] =	ssyncset.done $0x0  }
0x209: {  	s17 =	simm.s32 $0x280;
	[sflag:s29] =	ssyncadd.s32 $0xFFFFC000  }
0x20a: {  	[tilespmem:s26], [sflag:$0x2] =	stream.indirect.gather [hbm4b:s3+s24], $0x80, s17, s24, $0xb8;
	[tilespmem:$0x1C800] =	vst v63  }
0x20b: {  	s18 =	simm.s32 $0x1580  }
0x20c: {  	[spmem:s4] =	stream.indirect.scatter.add.f32 [tilespmem:s2], [sflag:$0x5], $0x80, s18, s24, $0xb8;
	[tilespmem:$0x1C800] =	vst v63  }
0x20d: {  	_ =	swait.ge [sflag:s22], $0x4000  }
0x20e: {  	s16 =	simm.s32 $0x800;
	[sflag:s22] =	ssyncset.done $0x0  }
.LBB2_8:
0x20f: {  	p0 =	sne.s32 s16, $0x4000  }
0x210: {  	[sflag:s22] =	ssyncadd.s32 $0xFFFFC000;
	s17 =	smov.u32 s16;
	s16 =	sadd.s32 $0x800, s16  }
0x211: {  	_ = 	snop  }
0x212: {  	_ =	swait.ge [sflag:s28], $0x4000  }
0x213: {  	s17 =	sshra.s32 s17, $0x2;
	[sflag:s28] =	ssyncset.done $0x0  }
0x214: {  	s18 =	sadd.s32 $0x100, s17;
	[sflag:s28] =	ssyncadd.s32 $0xFFFFC000  }
0x215: {  	[tilespmem:s30], [sflag:$0x3] =	stream.indirect.gather [hbm4b:s3+s24], $0x80, s18, s24, $0xb8;
	[tilespmem:$0x1C800] =	vst v63  }
0x216: {  	s18 =	sadd.s32 $0x1400, s17  }
0x217: {  	[spmem:s4] =	stream.indirect.scatter.add.f32 [tilespmem:s25], [sflag:$0x5], $0x80, s18, s24, $0xb8;
	[tilespmem:$0x1C800] =	vst v63  }
0x218: {  	_ =	swait.ge [sflag:s22], $0x4000  }
0x219: {  	[sflag:s22] =	ssyncset.done $0x0  }
0x21a: {  	[sflag:s22] =	ssyncadd.s32 $0xFFFFC000  }
0x21b: {  	_ =	swait.ge [sflag:s31], $0x4000  }
0x21c: {  	[sflag:s31] =	ssyncset.done $0x0  }
0x21d: {  	s18 =	sadd.s32 $0x180, s17;
	[sflag:s31] =	ssyncadd.s32 $0xFFFFC000  }
0x21e: {  	[tilespmem:s2], [sflag:$0x4] =	stream.indirect.gather [hbm4b:s3+s24], $0x80, s18, s24, $0xb8;
	[tilespmem:$0x1C800] =	vst v63  }
0x21f: {  	s18 =	sadd.s32 $0x1480, s17  }
0x220: {  	[spmem:s4] =	stream.indirect.scatter.add.f32 [tilespmem:s26], [sflag:$0x5], $0x80, s18, s24, $0xb8;
	[tilespmem:$0x1C800] =	vst v63  }
0x221: {  	_ =	swait.ge [sflag:s22], $0x4000  }
0x222: {  	[sflag:s22] =	ssyncset.done $0x0  }
0x223: {  	[sflag:s22] =	ssyncadd.s32 $0xFFFFC000  }
0x224: {  	_ =	swait.ge [sflag:s0], $0x4000  }
0x225: {  	[sflag:s0] =	ssyncset.done $0x0  }
0x226: {  	s18 =	sadd.s32 $0x200, s17;
	[sflag:s0] =	ssyncadd.s32 $0xFFFFC000  }
0x227: {  	[tilespmem:s25], [sflag:$0x1] =	stream.indirect.gather [hbm4b:s3+s24], $0x80, s18, s24, $0xb8;
	[tilespmem:$0x1C800] =	vst v63  }
0x228: {  	s18 =	sadd.s32 $0x1500, s17  }
0x229: {  	[spmem:s4] =	stream.indirect.scatter.add.f32 [tilespmem:s30], [sflag:$0x5], $0x80, s18, s24, $0xb8;
	[tilespmem:$0x1C800] =	vst v63  }
0x22a: {  	_ =	swait.ge [sflag:s22], $0x4000  }
0x22b: {  	[sflag:s22] =	ssyncset.done $0x0  }
0x22c: {  	[sflag:s22] =	ssyncadd.s32 $0xFFFFC000  }
0x22d: {  	_ =	swait.ge [sflag:s29], $0x4000  }
0x22e: {  	[sflag:s29] =	ssyncset.done $0x0  }
0x22f: {  	s18 =	sadd.s32 $0x280, s17;
	[sflag:s29] =	ssyncadd.s32 $0xFFFFC000  }
0x230: {  	[tilespmem:s26], [sflag:$0x2] =	stream.indirect.gather [hbm4b:s3+s24], $0x80, s18, s24, $0xb8;
	[tilespmem:$0x1C800] =	vst v63  }
.Ltmp3:
0x231: {  	_ = 	snop;
	(pc) =	sbr.rel @p0 .LBB2_8-.Ltmp3, $4  }
0x232: {  	s17 =	sadd.s32 $0x1580, s17  }
0x233: {  	[spmem:s4] =	stream.indirect.scatter.add.f32 [tilespmem:s2], [sflag:$0x5], $0x80, s17, s24, $0xb8;
	[tilespmem:$0x1C800] =	vst v63  }
0x234: {  	_ =	swait.ge [sflag:s22], $0x4000  }
0x235: {  	[sflag:s22] =	ssyncset.done $0x0  }
0x236: {  	[sflag:s22] =	ssyncadd.s32 $0xFFFFC000  }
0x237: {  	_ =	swait.ge [sflag:s28], $0x4000  }
0x238: {  	[sflag:s28] =	ssyncset.done $0x0  }
0x239: {  	[sflag:s28] =	ssyncadd.s32 $0xFFFFC000  }
0x23a: {  	[tilespmem:s30], [sflag:$0x3] =	stream.indirect.gather [hbm4b:s3+s24], $0x80, s6, s24, $0xb8;
	[tilespmem:$0x1C800] =	vst v63  }
0x23b: {  	_ = 	snop  }
0x23c: {  	[spmem:s4] =	stream.indirect.scatter.add.f32 [tilespmem:s25], [sflag:$0x5], $0x80, s9, s24, $0xb8;
	[tilespmem:$0x1C800] =	vst v63  }
0x23d: {  	_ =	swait.ge [sflag:s22], $0x4000  }
0x23e: {  	[sflag:s22] =	ssyncset.done $0x0  }
0x23f: {  	[sflag:s22] =	ssyncadd.s32 $0xFFFFC000  }
0x240: {  	_ =	swait.ge [sflag:s31], $0x4000  }
0x241: {  	[sflag:s31] =	ssyncset.done $0x0  }
0x242: {  	[sflag:s31] =	ssyncadd.s32 $0xFFFFC000  }
0x243: {  	[tilespmem:s2], [sflag:$0x4] =	stream.indirect.gather [hbm4b:s3+s24], $0x80, s10, s24, $0xb8;
	[tilespmem:$0x1C800] =	vst v63  }
0x244: {  	_ = 	snop  }
0x245: {  	[spmem:s4] =	stream.indirect.scatter.add.f32 [tilespmem:s26], [sflag:$0x5], $0x80, s11, s24, $0xb8;
	[tilespmem:$0x1C800] =	vst v63  }
0x246: {  	_ =	swait.ge [sflag:s22], $0x4000  }
0x247: {  	[sflag:s22] =	ssyncset.done $0x0  }
0x248: {  	[sflag:s22] =	ssyncadd.s32 $0xFFFFC000  }
0x249: {  	_ =	swait.ge [sflag:s0], $0x4000  }
0x24a: {  	[sflag:s0] =	ssyncset.done $0x0  }
0x24b: {  	[sflag:s0] =	ssyncadd.s32 $0xFFFFC000  }
0x24c: {  	[spmem:s4] =	stream.indirect.scatter.add.f32 [tilespmem:s30], [sflag:$0x5], $0x80, s12, s24, $0xb8;
	[tilespmem:$0x1C800] =	vst v63  }
0x24d: {  	_ =	swait.ge [sflag:s22], $0x4000  }
0x24e: {  	[sflag:s22] =	ssyncset.done $0x0  }
0x24f: {  	[sflag:s22] =	ssyncadd.s32 $0xFFFFC000  }
0x250: {  	_ =	swait.ge [sflag:s29], $0x4000  }
0x251: {  	[sflag:s29] =	ssyncset.done $0x0  }
0x252: {  	[sflag:s29] =	ssyncadd.s32 $0xFFFFC000  }
0x253: {  	[spmem:s4] =	stream.indirect.scatter.add.f32 [tilespmem:s2], [sflag:$0x5], $0x80, s13, s24, $0xb8;
	[tilespmem:$0x1C800] =	vst v63  }
0x254: {  	_ =	swait.ge [sflag:s22], $0x4000  }
0x255: {  	s14 =	sadd.s32 $0x1, s14;
	[sflag:s22] =	ssyncset.done $0x0  }
0x256: {  	p0 =	sne.s32 s14, s21;
	[sflag:s22] =	ssyncadd.s32 $0xFFFFC000  }
.Ltmp4:
0x257: {  	[bflag:$0x0] =	sbarrier.arrive $0xFFFF;
	(pc) =	sbr.rel @p0 .LBB2_1-.Ltmp4, $4  }
0x258: {  	[hbm:s20], [sflag:s8] =	dma.local [spmem:s15], $0x1400  }
0x259: {  	_ =	swait.ge [sflag:s22], $0x1400  }
0x25a: {  	[sflag:s22] =	ssyncset.done $0x0  }
0x25b: {  	[sflag:s22] =	ssyncadd.s32 $0xFFFFEC00  }
0x25c: {  	_ =	sfence.sel $0x180000  }
0x25d: {  	[bflag:$0x0] =	sbarrier.arrive $0xFFFF  }
0x25e: {  	_ =	strace $0x90000047  }
0x25f: {  	s0 =	stileid.u32;
	[bflag:$0x2] =	sbarrier.arrive $0xFFFF  }
0x260: {  	p0 =	sne.s32 s0, $0x0;
	s0 =	rddreg [dreg:$0x4]  }
0x261: {  	s0 =	sadd.s32 @!p0 $0x100000, s0  }
0x262: {  	[sflag:s0] =	ssyncadd.tile.s32 @!p0 $0x1;
	_ =	shalt  }
.Lfunc_end2:
_tile_overlayer_lowered:
.L_overlay_start_2:
0x263: {  	(tag) =	ssettag $0x2  }
0x264: {  	s0 =	rddreg [dreg:$0x0];
	s2 =	stileid.u32  }
0x265: {  	s1 =	rddreg [dreg:$0x1];
	p0 =	sne.s32 s2, $0x0  }
0x266: {  	s3 =	rddreg [dreg:$0x2];
	[bflag:$0x3] =	sbarrier.arrive $0xFFFF;
	s2 =	simm.s32 @!p0 $0x1C05  }
0x267: {  	[timem:s3], [sflag:s2] =	dma.local @!p0 [hbm:s0], s1  }
0x268: {  	s0 =	simm.s32 @!p0 $0x5  }
0x269: {  	_ =	swait.ge @!p0 [sflag:s0], s1  }
0x26a: {  	s1 =	ssub.s32 @!p0 $0x0, s1;
	[sflag:s0] =	ssyncset.done @!p0 $0x0  }
0x26b: {  	[sflag:s0] =	ssyncadd.s32 @!p0 s1  }
0x26c: {  	[bflag:$0x3] =	sbarrier.arrive $0xFFFF  }
0x26d: {  	_ =	shalt  }

</sc_bundles>
